<compile_context>
chip_gen: v7x
topology: tpu7x:2x2x1
jax: 0.10.2.dev20260603
libtpu: 0.0.44.dev20260713+nightly
codegen_flags: <defaults>
</compile_context>

<pallas_src>
import functools

import jax
import jax.numpy as jnp
from jax import lax
from jax.experimental import pallas as pl
from jax.experimental.pallas import tpu as pltpu
from jax.experimental.pallas import tpu_sc as plsc

_C, _H, _W = 3, 512, 512
_N = 1048576
_NC, _NS = 2, 16
_NW = _NC * _NS
_PW = _N // _NW
_B = 2048
_NG = _B // 16
_NCHUNK = _PW // _B
_RPW = _H // _NW

_mesh = plsc.VectorSubcoreMesh(
    core_axis_name="c", subcore_axis_name="s",
    num_cores=_NC, num_subcores=_NS)

_params = pltpu.CompilerParams(
    needs_layout_passes=False, use_tc_tiling_on_sc=False)


@functools.partial(
    pl.kernel,
    out_type=jax.ShapeDtypeStruct((_H * _W, 16), jnp.float32),
    mesh=_mesh,
    compiler_params=_params,
    scratch_types=[
        pltpu.VMEM((_C, _RPW + 1, _W), jnp.float32),
        pltpu.VMEM((_W, 16), jnp.float32),
        pltpu.SemaphoreType.DMA,
    ],
)
def _build(img_hbm, quad_hbm, rbuf, qrow, sem):
    wid = lax.axis_index("s") * _NC + lax.axis_index("c")
    y0 = wid * _RPW
    iota = jnp.arange(16, dtype=jnp.int32)
    c_pat = jnp.minimum(iota & 3, 2)
    dy_pat = (iota >> 2) >> 1
    dx_pat = (iota >> 2) & 1

    for c in range(_C):
        pltpu.sync_copy(img_hbm.at[c, pl.ds(y0, _RPW), :],
                        rbuf.at[c, pl.ds(0, _RPW), :])
    y17 = jnp.minimum(y0 + _RPW, _H - 1)
    for c in range(_C):
        pltpu.sync_copy(img_hbm.at[c, pl.ds(y17, 1), :],
                        rbuf.at[c, pl.ds(_RPW, 1), :])

    def row_body(yl, carry):
        y_pat = dy_pat + yl

        def x_body(xg, carry2):
            for u in range(8):
                xx = xg * 8 + u
                v = plsc.load_gather(rbuf, [c_pat, y_pat, dx_pat + xx])
                plsc.store_scatter(qrow, [jnp.full((16,), xx, jnp.int32),
                                          iota], v)
            return carry2

        lax.fori_loop(0, _W // 8, x_body, 0)
        v = plsc.load_gather(rbuf, [c_pat, y_pat,
                                    jnp.full((16,), _W - 1, jnp.int32)])
        plsc.store_scatter(qrow, [jnp.full((16,), _W - 1, jnp.int32), iota], v)
        pltpu.sync_copy(qrow, quad_hbm.at[pl.ds((y0 + yl) * _W, _W)])
        return carry

    lax.fori_loop(0, _RPW, row_body, 0)


@functools.partial(
    pl.kernel,
    out_type=jax.ShapeDtypeStruct((_N, 3), jnp.float32),
    mesh=_mesh,
    compiler_params=_params,
    scratch_types=[
        pltpu.VMEM((_B,), jnp.float32),
        pltpu.VMEM((_B,), jnp.float32),
        pltpu.VMEM((2 * _B,), jnp.int32),
        pltpu.VMEM((8 * _B,), jnp.float32),
        pltpu.VMEM((2 * _B, 16), jnp.float32),
        pltpu.VMEM((_B, 3), jnp.float32),
        pltpu.SemaphoreType.DMA,
    ],
)
def _interp(xs_hbm, ys_hbm, quad_hbm, out_hbm,
            xs_v, ys_v, idx_v, w_v, q_v, out_v, sem):
    wid = lax.axis_index("s") * _NC + lax.axis_index("c")
    base_pt = wid * _PW
    iota = jnp.arange(16, dtype=jnp.int32)
    dpat = []
    cpat = []
    for m in range(3):
        q16 = iota + 16 * m
        dpat.append(q16 // 3)
        cpat.append(q16 % 3)

    def p1(g, par):
        cbase = base_pt + g * _B
        pltpu.sync_copy(xs_hbm.at[pl.ds(cbase, _B)], xs_v)
        pltpu.sync_copy(ys_hbm.at[pl.ds(cbase, _B)], ys_v)
        ib = par * _B
        wb = par * 4 * _B

        def body(i, carry1):
            for u in range(2):
                ii = i * 2 + u
                s0 = ii * 16
                xv = xs_v[pl.ds(s0, 16)]
                yv = ys_v[pl.ds(s0, 16)]
                ix = ((xv * 2.0 - 1.0) + 1.0) * (0.5 * (_W - 1))
                iy = ((yv * 2.0 - 1.0) + 1.0) * (0.5 * (_H - 1))
                ix = jnp.clip(ix, 0.0, float(_W - 1))
                iy = jnp.clip(iy, 0.0, float(_H - 1))
                x0 = ix.astype(jnp.int32)
                y0 = iy.astype(jnp.int32)
                wx = ix - x0.astype(jnp.float32)
                wy = iy - y0.astype(jnp.float32)
                s = s0
                idx_v[pl.ds(ib + s, 16)] = y0 * _W + x0
                wxm = 1.0 - wx
                wym = 1.0 - wy
                w_v[pl.ds(wb + s, 16)] = wxm * wym
                w_v[pl.ds(wb + _B + s, 16)] = wx * wym
                w_v[pl.ds(wb + 2 * _B + s, 16)] = wxm * wy
                w_v[pl.ds(wb + 3 * _B + s, 16)] = wx * wy
            return carry1

        lax.fori_loop(0, _NG // 2, body, 0)
        pltpu.async_copy(quad_hbm.at[idx_v.at[pl.ds(par * _B, _B)]],
                         q_v.at[pl.ds(par * _B, _B)], sem)

    def drain(par):
        pltpu.make_async_copy(quad_hbm.at[idx_v.at[pl.ds(par * _B, _B)]],
                              q_v.at[pl.ds(par * _B, _B)], sem).wait()

    def p2(g, par):
        cbase = base_pt + g * _B
        qb = par * _B
        wb = par * 4 * _B

        def body(i, carry2):
            for u in range(2):
                s = (i * 2 + u) * 16
                for m in range(3):
                    pt = dpat[m] + s
                    acc = None
                    for k in range(4):
                        wk = plsc.load_gather(w_v, [pt + (wb + k * _B)])
                        vk = plsc.load_gather(q_v, [pt + qb, cpat[m] + 4 * k])
                        acc = wk * vk if acc is None else acc + wk * vk
                    plsc.store_scatter(out_v, [pt, cpat[m]], acc)
            return carry2

        lax.fori_loop(0, _NG // 2, body, 0)
        pltpu.sync_copy(out_v, out_hbm.at[pl.ds(cbase, _B)])

    p1(0, 0)

    def pair_body(h, carry):
        g0 = h * 2
        p1(g0 + 1, 1)
        drain(0)
        p2(g0, 0)
        p1(g0 + 2, 0)
        drain(1)
        p2(g0 + 1, 1)
        return carry

    lax.fori_loop(0, _NCHUNK // 2 - 1, pair_body, 0)
    gl = _NCHUNK - 2
    p1(gl + 1, 1)
    drain(0)
    p2(gl, 0)
    drain(1)
    p2(gl + 1, 1)


def kernel(x, img):
    quad = _build(img)
    return _interp(x[:, 0], x[:, 1], quad)

# --- scband reference (transcript-rebuilt; emitter-appended) ---
"""Pipeline reference for scband-image-interpolator-7327214207069 (READ-ONLY COPY).

The authoritative reference and input builder live on the scoring server;
editing this copy changes nothing except your own understanding.
"""

import jax, jax.numpy as jnp
import numpy as np

C, H, W = 3, 512, 512
N = 1048576


def setup_inputs(seed: int = 0) -> dict:
    key = jax.random.key(seed)
    k1, k2 = jax.random.split(key)
    x = jax.random.uniform(k1, (N, 2), dtype=jnp.float32)
    img = jax.random.normal(k2, (C, H, W), dtype=jnp.float32)
    return {"x": x, "img": img}


def _grid_sample_bilinear_border(img, x):
    # img: (C, H, W); x: (N, 2) with coords in [0, 1].
    # torch: X = x * 2 - 1 then grid_sample(align_corners=True, padding_mode='border').
    # grid[..., 0] indexes width (x), grid[..., 1] indexes height (y).
    C_, H_, W_ = img.shape
    Xn = x * 2.0 - 1.0
    ix = (Xn[:, 0] + 1.0) * 0.5 * (W_ - 1)
    iy = (Xn[:, 1] + 1.0) * 0.5 * (H_ - 1)
    # border padding: clamp unnormalized coords into the valid range
    ix = jnp.clip(ix, 0.0, float(W_ - 1))
    iy = jnp.clip(iy, 0.0, float(H_ - 1))
    x0 = jnp.floor(ix)
    y0 = jnp.floor(iy)
    wx = ix - x0
    wy = iy - y0
    x0i = x0.astype(jnp.int32)
    y0i = y0.astype(jnp.int32)
    x1i = jnp.clip(x0i + 1, 0, W_ - 1)
    y1i = jnp.clip(y0i + 1, 0, H_ - 1)
    x0i = jnp.clip(x0i, 0, W_ - 1)
    y0i = jnp.clip(y0i, 0, H_ - 1)
    v00 = img[:, y0i, x0i]
    v01 = img[:, y0i, x1i]
    v10 = img[:, y1i, x0i]
    v11 = img[:, y1i, x1i]
    out = (v00 * (1.0 - wx) * (1.0 - wy)
           + v01 * wx * (1.0 - wy)
           + v10 * (1.0 - wx) * wy
           + v11 * wx * wy)
    return out  # (C, N)


def reference(x, img):
    # eval_point_list: view as (1, sqrtN, sqrtN, 2), grid_sample, then
    # out.view(C, N).transpose(1, 0).squeeze() -> (N, C). Grid sampling is
    # pointwise over the grid, so the intermediate reshape is a no-op math-wise.
    out = _grid_sample_bilinear_border(img, x)
    return out.T  # (N, C)

if __name__ == "__main__":
    import jax
    _d = setup_inputs()
    print(jax.jit(kernel)(*tuple(_d.values())))

</pallas_src>

<mosaic_0001>
#map = affine_map<(d0, d1) -> (0, 0, 0)>
#map1 = affine_map<(d0, d1) -> (0, 0)>
module attributes {stable_mosaic.version = 14 : i64} {
  func.func @_build(%arg0: i32, %arg1: i32, %arg2: memref<3x512x512xf32, #tpu.memory_space<hbm>>, %arg3: memref<262144x16xf32, #tpu.memory_space<hbm>>, %arg4: memref<3x17x512xf32, #tpu.memory_space<vmem>>, %arg5: memref<512x16xf32, #tpu.memory_space<vmem>>, %arg6: memref<!tpu.dma_semaphore, #tpu.memory_space<semaphore_mem>>) attributes {dimension_semantics = [#tpu.dimension_semantics<core_parallel>, #tpu.dimension_semantics<subcore_parallel>], iteration_bounds = array<i64: 2, 16>, scalar_prefetch = 0 : i64, scratch_operands = 3 : i64, tpu.core_type = #tpu.core_type<sc_vector_subcore>, window_params = [{transform_indices = #map}, {transform_indices = #map1}]} {
    %mul3A = arith.constant 2 : i32
    %mul3A_0 = arith.muli %arg1, %mul3A : i32
    %add3A = arith.addi %mul3A_0, %arg0 : i32
    %mul3A_1 = arith.constant 16 : i32
    %mul3A_2 = arith.muli %add3A, %mul3A_1 : i32
    %iota3A = tpu.iota {dimensions = array<i32: 0>} : vector<16xi32>
    %and3A = arith.constant 3 : i32
    %and3A_3 = vector.broadcast %and3A : i32 to vector<16xi32>
    %and3A_4 = arith.andi %iota3A, %and3A_3 : vector<16xi32>
    %min3A = arith.constant 2 : i32
    %min3A_5 = vector.broadcast %min3A : i32 to vector<16xi32>
    %min3A_6 = arith.minsi %and3A_4, %min3A_5 : vector<16xi32>
    %shift_right_arithmetic3A = arith.constant 2 : i32
    %shift_right_arithmetic3A_7 = vector.broadcast %shift_right_arithmetic3A : i32 to vector<16xi32>
    %shift_right_arithmetic3A_8 = arith.shrsi %iota3A, %shift_right_arithmetic3A_7 : vector<16xi32>
    %shift_right_arithmetic3A_9 = arith.constant 1 : i32
    %shift_right_arithmetic3A_10 = vector.broadcast %shift_right_arithmetic3A_9 : i32 to vector<16xi32>
    %shift_right_arithmetic3A_11 = arith.shrsi %shift_right_arithmetic3A_8, %shift_right_arithmetic3A_10 : vector<16xi32>
    %shift_right_arithmetic3A_12 = arith.constant 2 : i32
    %shift_right_arithmetic3A_13 = vector.broadcast %shift_right_arithmetic3A_12 : i32 to vector<16xi32>
    %shift_right_arithmetic3A_14 = arith.shrsi %iota3A, %shift_right_arithmetic3A_13 : vector<16xi32>
    %and3A_15 = arith.constant 1 : i32
    %and3A_16 = vector.broadcast %and3A_15 : i32 to vector<16xi32>
    %and3A_17 = arith.andi %shift_right_arithmetic3A_14, %and3A_16 : vector<16xi32>
    %run_scoped3A = arith.constant 0 : i32
    %run_scoped3A_18 = arith.constant 0 : i32
    "tpu.region"() ({
      %run_scoped3A_38 = tpu.sem_alloc : memref<!tpu.dma_semaphore, #tpu.memory_space<semaphore_mem>>
      %dma_start3A = arith.constant 0 : i32
      %dma_start3A_39 = arith.constant 0 : i32
      %dma_start3A_40 = tpu.memref_slice %arg4[%run_scoped3A_18, %dma_start3A, %dma_start3A_39] : memref<3x17x512xf32, #tpu.memory_space<vmem>> -> memref<1x16x512xf32, #tpu.memory_space<vmem>>
      %dma_start3A_41 = tpu.memref_squeeze %dma_start3A_40 : memref<1x16x512xf32, #tpu.memory_space<vmem>> -> memref<16x512xf32, #tpu.memory_space<vmem>>
      %dma_start3A_42 = arith.constant 0 : i32
      %dma_start3A_43 = tpu.memref_slice %arg2[%run_scoped3A, %mul3A_2, %dma_start3A_42] : memref<3x512x512xf32, #tpu.memory_space<hbm>> -> memref<1x16x512xf32, #tpu.memory_space<hbm>>
      %dma_start3A_44 = tpu.memref_squeeze %dma_start3A_43 : memref<1x16x512xf32, #tpu.memory_space<hbm>> -> memref<16x512xf32, #tpu.memory_space<hbm>>
      %dma_start3A_45 = arith.constant 0 : i32
      %dma_start3A_46 = arith.constant 0 : i32
      %dma_start3A_47 = tpu.memref_slice %arg4[%run_scoped3A_18, %dma_start3A_45, %dma_start3A_46] : memref<3x17x512xf32, #tpu.memory_space<vmem>> -> memref<1x16x512xf32, #tpu.memory_space<vmem>>
      %dma_start3A_48 = tpu.memref_squeeze %dma_start3A_47 : memref<1x16x512xf32, #tpu.memory_space<vmem>> -> memref<16x512xf32, #tpu.memory_space<vmem>>
      %dma_start3A_49 = arith.constant 0 : i32
      %dma_start3A_50 = tpu.memref_slice %arg2[%run_scoped3A, %mul3A_2, %dma_start3A_49] : memref<3x512x512xf32, #tpu.memory_space<hbm>> -> memref<1x16x512xf32, #tpu.memory_space<hbm>>
      %dma_start3A_51 = tpu.memref_squeeze %dma_start3A_50 : memref<1x16x512xf32, #tpu.memory_space<hbm>> -> memref<16x512xf32, #tpu.memory_space<hbm>>
      tpu.enqueue_dma source(%dma_start3A_51 : memref<16x512xf32, #tpu.memory_space<hbm>>) target(%dma_start3A_48 : memref<16x512xf32, #tpu.memory_space<vmem>>) target_semaphore(%run_scoped3A_38 : memref<!tpu.dma_semaphore, #tpu.memory_space<semaphore_mem>>)
      %dma_wait3A = arith.constant 0 : i32
      %dma_wait3A_52 = arith.constant 0 : i32
      %dma_wait3A_53 = tpu.memref_slice %arg4[%run_scoped3A_18, %dma_wait3A, %dma_wait3A_52] : memref<3x17x512xf32, #tpu.memory_space<vmem>> -> memref<1x16x512xf32, #tpu.memory_space<vmem>>
      %dma_wait3A_54 = tpu.memref_squeeze %dma_wait3A_53 : memref<1x16x512xf32, #tpu.memory_space<vmem>> -> memref<16x512xf32, #tpu.memory_space<vmem>>
      %dma_wait3A_55 = arith.constant 0 : i32
      %dma_wait3A_56 = tpu.memref_slice %arg2[%run_scoped3A, %mul3A_2, %dma_wait3A_55] : memref<3x512x512xf32, #tpu.memory_space<hbm>> -> memref<1x16x512xf32, #tpu.memory_space<hbm>>
      %dma_wait3A_57 = tpu.memref_squeeze %dma_wait3A_56 : memref<1x16x512xf32, #tpu.memory_space<hbm>> -> memref<16x512xf32, #tpu.memory_space<hbm>>
      %dma_wait3A_58 = arith.constant 0 : i32
      %dma_wait3A_59 = arith.constant 0 : i32
      %dma_wait3A_60 = tpu.memref_slice %arg4[%run_scoped3A_18, %dma_wait3A_58, %dma_wait3A_59] : memref<3x17x512xf32, #tpu.memory_space<vmem>> -> memref<1x16x512xf32, #tpu.memory_space<vmem>>
      %dma_wait3A_61 = tpu.memref_squeeze %dma_wait3A_60 : memref<1x16x512xf32, #tpu.memory_space<vmem>> -> memref<16x512xf32, #tpu.memory_space<vmem>>
      %dma_wait3A_62 = arith.constant 0 : i32
      %dma_wait3A_63 = tpu.memref_slice %arg2[%run_scoped3A, %mul3A_2, %dma_wait3A_62] : memref<3x512x512xf32, #tpu.memory_space<hbm>> -> memref<1x16x512xf32, #tpu.memory_space<hbm>>
      %dma_wait3A_64 = tpu.memref_squeeze %dma_wait3A_63 : memref<1x16x512xf32, #tpu.memory_space<hbm>> -> memref<16x512xf32, #tpu.memory_space<hbm>>
      tpu.wait_dma2 semaphore(%run_scoped3A_38 : memref<!tpu.dma_semaphore, #tpu.memory_space<semaphore_mem>>) src(%dma_wait3A_64 : memref<16x512xf32, #tpu.memory_space<hbm>>) dst(%dma_wait3A_61 : memref<16x512xf32, #tpu.memory_space<vmem>>)
      tpu.yield
    }) : () -> ()
    %run_scoped3A_19 = arith.constant 1 : i32
    %run_scoped3A_20 = arith.constant 1 : i32
    "tpu.region"() ({
      %run_scoped3A_38 = tpu.sem_alloc : memref<!tpu.dma_semaphore, #tpu.memory_space<semaphore_mem>>
      %dma_start3A = arith.constant 0 : i32
      %dma_start3A_39 = arith.constant 0 : i32
      %dma_start3A_40 = tpu.memref_slice %arg4[%run_scoped3A_20, %dma_start3A, %dma_start3A_39] : memref<3x17x512xf32, #tpu.memory_space<vmem>> -> memref<1x16x512xf32, #tpu.memory_space<vmem>>
      %dma_start3A_41 = tpu.memref_squeeze %dma_start3A_40 : memref<1x16x512xf32, #tpu.memory_space<vmem>> -> memref<16x512xf32, #tpu.memory_space<vmem>>
      %dma_start3A_42 = arith.constant 0 : i32
      %dma_start3A_43 = tpu.memref_slice %arg2[%run_scoped3A_19, %mul3A_2, %dma_start3A_42] : memref<3x512x512xf32, #tpu.memory_space<hbm>> -> memref<1x16x512xf32, #tpu.memory_space<hbm>>
      %dma_start3A_44 = tpu.memref_squeeze %dma_start3A_43 : memref<1x16x512xf32, #tpu.memory_space<hbm>> -> memref<16x512xf32, #tpu.memory_space<hbm>>
      %dma_start3A_45 = arith.constant 0 : i32
      %dma_start3A_46 = arith.constant 0 : i32
      %dma_start3A_47 = tpu.memref_slice %arg4[%run_scoped3A_20, %dma_start3A_45, %dma_start3A_46] : memref<3x17x512xf32, #tpu.memory_space<vmem>> -> memref<1x16x512xf32, #tpu.memory_space<vmem>>
      %dma_start3A_48 = tpu.memref_squeeze %dma_start3A_47 : memref<1x16x512xf32, #tpu.memory_space<vmem>> -> memref<16x512xf32, #tpu.memory_space<vmem>>
      %dma_start3A_49 = arith.constant 0 : i32
      %dma_start3A_50 = tpu.memref_slice %arg2[%run_scoped3A_19, %mul3A_2, %dma_start3A_49] : memref<3x512x512xf32, #tpu.memory_space<hbm>> -> memref<1x16x512xf32, #tpu.memory_space<hbm>>
      %dma_start3A_51 = tpu.memref_squeeze %dma_start3A_50 : memref<1x16x512xf32, #tpu.memory_space<hbm>> -> memref<16x512xf32, #tpu.memory_space<hbm>>
      tpu.enqueue_dma source(%dma_start3A_51 : memref<16x512xf32, #tpu.memory_space<hbm>>) target(%dma_start3A_48 : memref<16x512xf32, #tpu.memory_space<vmem>>) target_semaphore(%run_scoped3A_38 : memref<!tpu.dma_semaphore, #tpu.memory_space<semaphore_mem>>)
      %dma_wait3A = arith.constant 0 : i32
      %dma_wait3A_52 = arith.constant 0 : i32
      %dma_wait3A_53 = tpu.memref_slice %arg4[%run_scoped3A_20, %dma_wait3A, %dma_wait3A_52] : memref<3x17x512xf32, #tpu.memory_space<vmem>> -> memref<1x16x512xf32, #tpu.memory_space<vmem>>
      %dma_wait3A_54 = tpu.memref_squeeze %dma_wait3A_53 : memref<1x16x512xf32, #tpu.memory_space<vmem>> -> memref<16x512xf32, #tpu.memory_space<vmem>>
      %dma_wait3A_55 = arith.constant 0 : i32
      %dma_wait3A_56 = tpu.memref_slice %arg2[%run_scoped3A_19, %mul3A_2, %dma_wait3A_55] : memref<3x512x512xf32, #tpu.memory_space<hbm>> -> memref<1x16x512xf32, #tpu.memory_space<hbm>>
      %dma_wait3A_57 = tpu.memref_squeeze %dma_wait3A_56 : memref<1x16x512xf32, #tpu.memory_space<hbm>> -> memref<16x512xf32, #tpu.memory_space<hbm>>
      %dma_wait3A_58 = arith.constant 0 : i32
      %dma_wait3A_59 = arith.constant 0 : i32
      %dma_wait3A_60 = tpu.memref_slice %arg4[%run_scoped3A_20, %dma_wait3A_58, %dma_wait3A_59] : memref<3x17x512xf32, #tpu.memory_space<vmem>> -> memref<1x16x512xf32, #tpu.memory_space<vmem>>
      %dma_wait3A_61 = tpu.memref_squeeze %dma_wait3A_60 : memref<1x16x512xf32, #tpu.memory_space<vmem>> -> memref<16x512xf32, #tpu.memory_space<vmem>>
      %dma_wait3A_62 = arith.constant 0 : i32
      %dma_wait3A_63 = tpu.memref_slice %arg2[%run_scoped3A_19, %mul3A_2, %dma_wait3A_62] : memref<3x512x512xf32, #tpu.memory_space<hbm>> -> memref<1x16x512xf32, #tpu.memory_space<hbm>>
      %dma_wait3A_64 = tpu.memref_squeeze %dma_wait3A_63 : memref<1x16x512xf32, #tpu.memory_space<hbm>> -> memref<16x512xf32, #tpu.memory_space<hbm>>
      tpu.wait_dma2 semaphore(%run_scoped3A_38 : memref<!tpu.dma_semaphore, #tpu.memory_space<semaphore_mem>>) src(%dma_wait3A_64 : memref<16x512xf32, #tpu.memory_space<hbm>>) dst(%dma_wait3A_61 : memref<16x512xf32, #tpu.memory_space<vmem>>)
      tpu.yield
    }) : () -> ()
    %run_scoped3A_21 = arith.constant 2 : i32
    %run_scoped3A_22 = arith.constant 2 : i32
    "tpu.region"() ({
      %run_scoped3A_38 = tpu.sem_alloc : memref<!tpu.dma_semaphore, #tpu.memory_space<semaphore_mem>>
      %dma_start3A = arith.constant 0 : i32
      %dma_start3A_39 = arith.constant 0 : i32
      %dma_start3A_40 = tpu.memref_slice %arg4[%run_scoped3A_22, %dma_start3A, %dma_start3A_39] : memref<3x17x512xf32, #tpu.memory_space<vmem>> -> memref<1x16x512xf32, #tpu.memory_space<vmem>>
      %dma_start3A_41 = tpu.memref_squeeze %dma_start3A_40 : memref<1x16x512xf32, #tpu.memory_space<vmem>> -> memref<16x512xf32, #tpu.memory_space<vmem>>
      %dma_start3A_42 = arith.constant 0 : i32
      %dma_start3A_43 = tpu.memref_slice %arg2[%run_scoped3A_21, %mul3A_2, %dma_start3A_42] : memref<3x512x512xf32, #tpu.memory_space<hbm>> -> memref<1x16x512xf32, #tpu.memory_space<hbm>>
      %dma_start3A_44 = tpu.memref_squeeze %dma_start3A_43 : memref<1x16x512xf32, #tpu.memory_space<hbm>> -> memref<16x512xf32, #tpu.memory_space<hbm>>
      %dma_start3A_45 = arith.constant 0 : i32
      %dma_start3A_46 = arith.constant 0 : i32
      %dma_start3A_47 = tpu.memref_slice %arg4[%run_scoped3A_22, %dma_start3A_45, %dma_start3A_46] : memref<3x17x512xf32, #tpu.memory_space<vmem>> -> memref<1x16x512xf32, #tpu.memory_space<vmem>>
      %dma_start3A_48 = tpu.memref_squeeze %dma_start3A_47 : memref<1x16x512xf32, #tpu.memory_space<vmem>> -> memref<16x512xf32, #tpu.memory_space<vmem>>
      %dma_start3A_49 = arith.constant 0 : i32
      %dma_start3A_50 = tpu.memref_slice %arg2[%run_scoped3A_21, %mul3A_2, %dma_start3A_49] : memref<3x512x512xf32, #tpu.memory_space<hbm>> -> memref<1x16x512xf32, #tpu.memory_space<hbm>>
      %dma_start3A_51 = tpu.memref_squeeze %dma_start3A_50 : memref<1x16x512xf32, #tpu.memory_space<hbm>> -> memref<16x512xf32, #tpu.memory_space<hbm>>
      tpu.enqueue_dma source(%dma_start3A_51 : memref<16x512xf32, #tpu.memory_space<hbm>>) target(%dma_start3A_48 : memref<16x512xf32, #tpu.memory_space<vmem>>) target_semaphore(%run_scoped3A_38 : memref<!tpu.dma_semaphore, #tpu.memory_space<semaphore_mem>>)
      %dma_wait3A = arith.constant 0 : i32
      %dma_wait3A_52 = arith.constant 0 : i32
      %dma_wait3A_53 = tpu.memref_slice %arg4[%run_scoped3A_22, %dma_wait3A, %dma_wait3A_52] : memref<3x17x512xf32, #tpu.memory_space<vmem>> -> memref<1x16x512xf32, #tpu.memory_space<vmem>>
      %dma_wait3A_54 = tpu.memref_squeeze %dma_wait3A_53 : memref<1x16x512xf32, #tpu.memory_space<vmem>> -> memref<16x512xf32, #tpu.memory_space<vmem>>
      %dma_wait3A_55 = arith.constant 0 : i32
      %dma_wait3A_56 = tpu.memref_slice %arg2[%run_scoped3A_21, %mul3A_2, %dma_wait3A_55] : memref<3x512x512xf32, #tpu.memory_space<hbm>> -> memref<1x16x512xf32, #tpu.memory_space<hbm>>
      %dma_wait3A_57 = tpu.memref_squeeze %dma_wait3A_56 : memref<1x16x512xf32, #tpu.memory_space<hbm>> -> memref<16x512xf32, #tpu.memory_space<hbm>>
      %dma_wait3A_58 = arith.constant 0 : i32
      %dma_wait3A_59 = arith.constant 0 : i32
      %dma_wait3A_60 = tpu.memref_slice %arg4[%run_scoped3A_22, %dma_wait3A_58, %dma_wait3A_59] : memref<3x17x512xf32, #tpu.memory_space<vmem>> -> memref<1x16x512xf32, #tpu.memory_space<vmem>>
      %dma_wait3A_61 = tpu.memref_squeeze %dma_wait3A_60 : memref<1x16x512xf32, #tpu.memory_space<vmem>> -> memref<16x512xf32, #tpu.memory_space<vmem>>
      %dma_wait3A_62 = arith.constant 0 : i32
      %dma_wait3A_63 = tpu.memref_slice %arg2[%run_scoped3A_21, %mul3A_2, %dma_wait3A_62] : memref<3x512x512xf32, #tpu.memory_space<hbm>> -> memref<1x16x512xf32, #tpu.memory_space<hbm>>
      %dma_wait3A_64 = tpu.memref_squeeze %dma_wait3A_63 : memref<1x16x512xf32, #tpu.memory_space<hbm>> -> memref<16x512xf32, #tpu.memory_space<hbm>>
      tpu.wait_dma2 semaphore(%run_scoped3A_38 : memref<!tpu.dma_semaphore, #tpu.memory_space<semaphore_mem>>) src(%dma_wait3A_64 : memref<16x512xf32, #tpu.memory_space<hbm>>) dst(%dma_wait3A_61 : memref<16x512xf32, #tpu.memory_space<vmem>>)
      tpu.yield
    }) : () -> ()
    %add3A_23 = arith.constant 16 : i32
    %add3A_24 = arith.addi %mul3A_2, %add3A_23 : i32
    %min3A_25 = arith.constant 511 : i32
    %min3A_26 = arith.minsi %add3A_24, %min3A_25 : i32
    %run_scoped3A_27 = arith.constant 0 : i32
    %run_scoped3A_28 = arith.constant 0 : i32
    "tpu.region"() ({
      %run_scoped3A_38 = tpu.sem_alloc : memref<!tpu.dma_semaphore, #tpu.memory_space<semaphore_mem>>
      %dma_start3A = arith.constant 16 : i32
      %dma_start3A_39 = arith.constant 0 : i32
      %dma_start3A_40 = tpu.memref_slice %arg4[%run_scoped3A_28, %dma_start3A, %dma_start3A_39] : memref<3x17x512xf32, #tpu.memory_space<vmem>> -> memref<1x1x512xf32, #tpu.memory_space<vmem>>
      %dma_start3A_41 = tpu.memref_squeeze %dma_start3A_40 : memref<1x1x512xf32, #tpu.memory_space<vmem>> -> memref<1x512xf32, #tpu.memory_space<vmem>>
      %dma_start3A_42 = arith.constant 0 : i32
      %dma_start3A_43 = tpu.memref_slice %arg2[%run_scoped3A_27, %min3A_26, %dma_start3A_42] : memref<3x512x512xf32, #tpu.memory_space<hbm>> -> memref<1x1x512xf32, #tpu.memory_space<hbm>>
      %dma_start3A_44 = tpu.memref_squeeze %dma_start3A_43 : memref<1x1x512xf32, #tpu.memory_space<hbm>> -> memref<1x512xf32, #tpu.memory_space<hbm>>
      %dma_start3A_45 = arith.constant 16 : i32
      %dma_start3A_46 = arith.constant 0 : i32
      %dma_start3A_47 = tpu.memref_slice %arg4[%run_scoped3A_28, %dma_start3A_45, %dma_start3A_46] : memref<3x17x512xf32, #tpu.memory_space<vmem>> -> memref<1x1x512xf32, #tpu.memory_space<vmem>>
      %dma_start3A_48 = tpu.memref_squeeze %dma_start3A_47 : memref<1x1x512xf32, #tpu.memory_space<vmem>> -> memref<1x512xf32, #tpu.memory_space<vmem>>
      %dma_start3A_49 = arith.constant 0 : i32
      %dma_start3A_50 = tpu.memref_slice %arg2[%run_scoped3A_27, %min3A_26, %dma_start3A_49] : memref<3x512x512xf32, #tpu.memory_space<hbm>> -> memref<1x1x512xf32, #tpu.memory_space<hbm>>
      %dma_start3A_51 = tpu.memref_squeeze %dma_start3A_50 : memref<1x1x512xf32, #tpu.memory_space<hbm>> -> memref<1x512xf32, #tpu.memory_space<hbm>>
      tpu.enqueue_dma source(%dma_start3A_51 : memref<1x512xf32, #tpu.memory_space<hbm>>) target(%dma_start3A_48 : memref<1x512xf32, #tpu.memory_space<vmem>>) target_semaphore(%run_scoped3A_38 : memref<!tpu.dma_semaphore, #tpu.memory_space<semaphore_mem>>)
      %dma_wait3A = arith.constant 16 : i32
      %dma_wait3A_52 = arith.constant 0 : i32
      %dma_wait3A_53 = tpu.memref_slice %arg4[%run_scoped3A_28, %dma_wait3A, %dma_wait3A_52] : memref<3x17x512xf32, #tpu.memory_space<vmem>> -> memref<1x1x512xf32, #tpu.memory_space<vmem>>
      %dma_wait3A_54 = tpu.memref_squeeze %dma_wait3A_53 : memref<1x1x512xf32, #tpu.memory_space<vmem>> -> memref<1x512xf32, #tpu.memory_space<vmem>>
      %dma_wait3A_55 = arith.constant 0 : i32
      %dma_wait3A_56 = tpu.memref_slice %arg2[%run_scoped3A_27, %min3A_26, %dma_wait3A_55] : memref<3x512x512xf32, #tpu.memory_space<hbm>> -> memref<1x1x512xf32, #tpu.memory_space<hbm>>
      %dma_wait3A_57 = tpu.memref_squeeze %dma_wait3A_56 : memref<1x1x512xf32, #tpu.memory_space<hbm>> -> memref<1x512xf32, #tpu.memory_space<hbm>>
      %dma_wait3A_58 = arith.constant 16 : i32
      %dma_wait3A_59 = arith.constant 0 : i32
      %dma_wait3A_60 = tpu.memref_slice %arg4[%run_scoped3A_28, %dma_wait3A_58, %dma_wait3A_59] : memref<3x17x512xf32, #tpu.memory_space<vmem>> -> memref<1x1x512xf32, #tpu.memory_space<vmem>>
      %dma_wait3A_61 = tpu.memref_squeeze %dma_wait3A_60 : memref<1x1x512xf32, #tpu.memory_space<vmem>> -> memref<1x512xf32, #tpu.memory_space<vmem>>
      %dma_wait3A_62 = arith.constant 0 : i32
      %dma_wait3A_63 = tpu.memref_slice %arg2[%run_scoped3A_27, %min3A_26, %dma_wait3A_62] : memref<3x512x512xf32, #tpu.memory_space<hbm>> -> memref<1x1x512xf32, #tpu.memory_space<hbm>>
      %dma_wait3A_64 = tpu.memref_squeeze %dma_wait3A_63 : memref<1x1x512xf32, #tpu.memory_space<hbm>> -> memref<1x512xf32, #tpu.memory_space<hbm>>
      tpu.wait_dma2 semaphore(%run_scoped3A_38 : memref<!tpu.dma_semaphore, #tpu.memory_space<semaphore_mem>>) src(%dma_wait3A_64 : memref<1x512xf32, #tpu.memory_space<hbm>>) dst(%dma_wait3A_61 : memref<1x512xf32, #tpu.memory_space<vmem>>)
      tpu.yield
    }) : () -> ()
    %run_scoped3A_29 = arith.constant 1 : i32
    %run_scoped3A_30 = arith.constant 1 : i32
    "tpu.region"() ({
      %run_scoped3A_38 = tpu.sem_alloc : memref<!tpu.dma_semaphore, #tpu.memory_space<semaphore_mem>>
      %dma_start3A = arith.constant 16 : i32
      %dma_start3A_39 = arith.constant 0 : i32
      %dma_start3A_40 = tpu.memref_slice %arg4[%run_scoped3A_30, %dma_start3A, %dma_start3A_39] : memref<3x17x512xf32, #tpu.memory_space<vmem>> -> memref<1x1x512xf32, #tpu.memory_space<vmem>>
      %dma_start3A_41 = tpu.memref_squeeze %dma_start3A_40 : memref<1x1x512xf32, #tpu.memory_space<vmem>> -> memref<1x512xf32, #tpu.memory_space<vmem>>
      %dma_start3A_42 = arith.constant 0 : i32
      %dma_start3A_43 = tpu.memref_slice %arg2[%run_scoped3A_29, %min3A_26, %dma_start3A_42] : memref<3x512x512xf32, #tpu.memory_space<hbm>> -> memref<1x1x512xf32, #tpu.memory_space<hbm>>
      %dma_start3A_44 = tpu.memref_squeeze %dma_start3A_43 : memref<1x1x512xf32, #tpu.memory_space<hbm>> -> memref<1x512xf32, #tpu.memory_space<hbm>>
      %dma_start3A_45 = arith.constant 16 : i32
      %dma_start3A_46 = arith.constant 0 : i32
      %dma_start3A_47 = tpu.memref_slice %arg4[%run_scoped3A_30, %dma_start3A_45, %dma_start3A_46] : memref<3x17x512xf32, #tpu.memory_space<vmem>> -> memref<1x1x512xf32, #tpu.memory_space<vmem>>
      %dma_start3A_48 = tpu.memref_squeeze %dma_start3A_47 : memref<1x1x512xf32, #tpu.memory_space<vmem>> -> memref<1x512xf32, #tpu.memory_space<vmem>>
      %dma_start3A_49 = arith.constant 0 : i32
      %dma_start3A_50 = tpu.memref_slice %arg2[%run_scoped3A_29, %min3A_26, %dma_start3A_49] : memref<3x512x512xf32, #tpu.memory_space<hbm>> -> memref<1x1x512xf32, #tpu.memory_space<hbm>>
      %dma_start3A_51 = tpu.memref_squeeze %dma_start3A_50 : memref<1x1x512xf32, #tpu.memory_space<hbm>> -> memref<1x512xf32, #tpu.memory_space<hbm>>
      tpu.enqueue_dma source(%dma_start3A_51 : memref<1x512xf32, #tpu.memory_space<hbm>>) target(%dma_start3A_48 : memref<1x512xf32, #tpu.memory_space<vmem>>) target_semaphore(%run_scoped3A_38 : memref<!tpu.dma_semaphore, #tpu.memory_space<semaphore_mem>>)
      %dma_wait3A = arith.constant 16 : i32
      %dma_wait3A_52 = arith.constant 0 : i32
      %dma_wait3A_53 = tpu.memref_slice %arg4[%run_scoped3A_30, %dma_wait3A, %dma_wait3A_52] : memref<3x17x512xf32, #tpu.memory_space<vmem>> -> memref<1x1x512xf32, #tpu.memory_space<vmem>>
      %dma_wait3A_54 = tpu.memref_squeeze %dma_wait3A_53 : memref<1x1x512xf32, #tpu.memory_space<vmem>> -> memref<1x512xf32, #tpu.memory_space<vmem>>
      %dma_wait3A_55 = arith.constant 0 : i32
      %dma_wait3A_56 = tpu.memref_slice %arg2[%run_scoped3A_29, %min3A_26, %dma_wait3A_55] : memref<3x512x512xf32, #tpu.memory_space<hbm>> -> memref<1x1x512xf32, #tpu.memory_space<hbm>>
      %dma_wait3A_57 = tpu.memref_squeeze %dma_wait3A_56 : memref<1x1x512xf32, #tpu.memory_space<hbm>> -> memref<1x512xf32, #tpu.memory_space<hbm>>
      %dma_wait3A_58 = arith.constant 16 : i32
      %dma_wait3A_59 = arith.constant 0 : i32
      %dma_wait3A_60 = tpu.memref_slice %arg4[%run_scoped3A_30, %dma_wait3A_58, %dma_wait3A_59] : memref<3x17x512xf32, #tpu.memory_space<vmem>> -> memref<1x1x512xf32, #tpu.memory_space<vmem>>
      %dma_wait3A_61 = tpu.memref_squeeze %dma_wait3A_60 : memref<1x1x512xf32, #tpu.memory_space<vmem>> -> memref<1x512xf32, #tpu.memory_space<vmem>>
      %dma_wait3A_62 = arith.constant 0 : i32
      %dma_wait3A_63 = tpu.memref_slice %arg2[%run_scoped3A_29, %min3A_26, %dma_wait3A_62] : memref<3x512x512xf32, #tpu.memory_space<hbm>> -> memref<1x1x512xf32, #tpu.memory_space<hbm>>
      %dma_wait3A_64 = tpu.memref_squeeze %dma_wait3A_63 : memref<1x1x512xf32, #tpu.memory_space<hbm>> -> memref<1x512xf32, #tpu.memory_space<hbm>>
      tpu.wait_dma2 semaphore(%run_scoped3A_38 : memref<!tpu.dma_semaphore, #tpu.memory_space<semaphore_mem>>) src(%dma_wait3A_64 : memref<1x512xf32, #tpu.memory_space<hbm>>) dst(%dma_wait3A_61 : memref<1x512xf32, #tpu.memory_space<vmem>>)
      tpu.yield
    }) : () -> ()
    %run_scoped3A_31 = arith.constant 2 : i32
    %run_scoped3A_32 = arith.constant 2 : i32
    "tpu.region"() ({
      %run_scoped3A_38 = tpu.sem_alloc : memref<!tpu.dma_semaphore, #tpu.memory_space<semaphore_mem>>
      %dma_start3A = arith.constant 16 : i32
      %dma_start3A_39 = arith.constant 0 : i32
      %dma_start3A_40 = tpu.memref_slice %arg4[%run_scoped3A_32, %dma_start3A, %dma_start3A_39] : memref<3x17x512xf32, #tpu.memory_space<vmem>> -> memref<1x1x512xf32, #tpu.memory_space<vmem>>
      %dma_start3A_41 = tpu.memref_squeeze %dma_start3A_40 : memref<1x1x512xf32, #tpu.memory_space<vmem>> -> memref<1x512xf32, #tpu.memory_space<vmem>>
      %dma_start3A_42 = arith.constant 0 : i32
      %dma_start3A_43 = tpu.memref_slice %arg2[%run_scoped3A_31, %min3A_26, %dma_start3A_42] : memref<3x512x512xf32, #tpu.memory_space<hbm>> -> memref<1x1x512xf32, #tpu.memory_space<hbm>>
      %dma_start3A_44 = tpu.memref_squeeze %dma_start3A_43 : memref<1x1x512xf32, #tpu.memory_space<hbm>> -> memref<1x512xf32, #tpu.memory_space<hbm>>
      %dma_start3A_45 = arith.constant 16 : i32
      %dma_start3A_46 = arith.constant 0 : i32
      %dma_start3A_47 = tpu.memref_slice %arg4[%run_scoped3A_32, %dma_start3A_45, %dma_start3A_46] : memref<3x17x512xf32, #tpu.memory_space<vmem>> -> memref<1x1x512xf32, #tpu.memory_space<vmem>>
      %dma_start3A_48 = tpu.memref_squeeze %dma_start3A_47 : memref<1x1x512xf32, #tpu.memory_space<vmem>> -> memref<1x512xf32, #tpu.memory_space<vmem>>
      %dma_start3A_49 = arith.constant 0 : i32
      %dma_start3A_50 = tpu.memref_slice %arg2[%run_scoped3A_31, %min3A_26, %dma_start3A_49] : memref<3x512x512xf32, #tpu.memory_space<hbm>> -> memref<1x1x512xf32, #tpu.memory_space<hbm>>
      %dma_start3A_51 = tpu.memref_squeeze %dma_start3A_50 : memref<1x1x512xf32, #tpu.memory_space<hbm>> -> memref<1x512xf32, #tpu.memory_space<hbm>>
      tpu.enqueue_dma source(%dma_start3A_51 : memref<1x512xf32, #tpu.memory_space<hbm>>) target(%dma_start3A_48 : memref<1x512xf32, #tpu.memory_space<vmem>>) target_semaphore(%run_scoped3A_38 : memref<!tpu.dma_semaphore, #tpu.memory_space<semaphore_mem>>)
      %dma_wait3A = arith.constant 16 : i32
      %dma_wait3A_52 = arith.constant 0 : i32
      %dma_wait3A_53 = tpu.memref_slice %arg4[%run_scoped3A_32, %dma_wait3A, %dma_wait3A_52] : memref<3x17x512xf32, #tpu.memory_space<vmem>> -> memref<1x1x512xf32, #tpu.memory_space<vmem>>
      %dma_wait3A_54 = tpu.memref_squeeze %dma_wait3A_53 : memref<1x1x512xf32, #tpu.memory_space<vmem>> -> memref<1x512xf32, #tpu.memory_space<vmem>>
      %dma_wait3A_55 = arith.constant 0 : i32
      %dma_wait3A_56 = tpu.memref_slice %arg2[%run_scoped3A_31, %min3A_26, %dma_wait3A_55] : memref<3x512x512xf32, #tpu.memory_space<hbm>> -> memref<1x1x512xf32, #tpu.memory_space<hbm>>
      %dma_wait3A_57 = tpu.memref_squeeze %dma_wait3A_56 : memref<1x1x512xf32, #tpu.memory_space<hbm>> -> memref<1x512xf32, #tpu.memory_space<hbm>>
      %dma_wait3A_58 = arith.constant 16 : i32
      %dma_wait3A_59 = arith.constant 0 : i32
      %dma_wait3A_60 = tpu.memref_slice %arg4[%run_scoped3A_32, %dma_wait3A_58, %dma_wait3A_59] : memref<3x17x512xf32, #tpu.memory_space<vmem>> -> memref<1x1x512xf32, #tpu.memory_space<vmem>>
      %dma_wait3A_61 = tpu.memref_squeeze %dma_wait3A_60 : memref<1x1x512xf32, #tpu.memory_space<vmem>> -> memref<1x512xf32, #tpu.memory_space<vmem>>
      %dma_wait3A_62 = arith.constant 0 : i32
      %dma_wait3A_63 = tpu.memref_slice %arg2[%run_scoped3A_31, %min3A_26, %dma_wait3A_62] : memref<3x512x512xf32, #tpu.memory_space<hbm>> -> memref<1x1x512xf32, #tpu.memory_space<hbm>>
      %dma_wait3A_64 = tpu.memref_squeeze %dma_wait3A_63 : memref<1x1x512xf32, #tpu.memory_space<hbm>> -> memref<1x512xf32, #tpu.memory_space<hbm>>
      tpu.wait_dma2 semaphore(%run_scoped3A_38 : memref<!tpu.dma_semaphore, #tpu.memory_space<semaphore_mem>>) src(%dma_wait3A_64 : memref<1x512xf32, #tpu.memory_space<hbm>>) dst(%dma_wait3A_61 : memref<1x512xf32, #tpu.memory_space<vmem>>)
      tpu.yield
    }) : () -> ()
    %scan3A = arith.constant 0 : i32
    %scan3A_33 = arith.constant 0 : i32
    %scan3A_34 = arith.constant 16 : i32
    %scan3A_35 = arith.addi %scan3A_33, %scan3A_34 : i32
    %scan3A_36 = arith.constant 1 : i32
    scf.for %scan3A_38 = %scan3A_33 to %scan3A_35 step %scan3A_36  : i32 {
      %add3A_39 = vector.broadcast %scan3A_38 : i32 to vector<16xi32>
      %add3A_40 = arith.addi %shift_right_arithmetic3A_11, %add3A_39 : vector<16xi32>
      %scan3A_41 = arith.constant 0 : i32
      %scan3A_42 = arith.constant 0 : i32
      %scan3A_43 = arith.constant 64 : i32
      %scan3A_44 = arith.addi %scan3A_42, %scan3A_43 : i32
      %scan3A_45 = arith.constant 1 : i32
      scf.for %scan3A_53 = %scan3A_42 to %scan3A_44 step %scan3A_45  : i32 {
        %mul3A_54 = arith.constant 8 : i32
        %mul3A_55 = arith.muli %scan3A_53, %mul3A_54 : i32
        %add3A_56 = arith.constant 0 : i32
        %add3A_57 = arith.addi %mul3A_55, %add3A_56 : i32
        %add3A_58 = vector.broadcast %add3A_57 : i32 to vector<16xi32>
        %add3A_59 = arith.addi %and3A_17, %add3A_58 : vector<16xi32>
        %gather3A_60 = tpu.vector_load_idx %arg4[%min3A_6, %add3A_40, %add3A_59] : memref<3x17x512xf32, #tpu.memory_space<vmem>>[vector<16xi32>, vector<16xi32>, vector<16xi32>], vector<16xf32>,
        %broadcast_in_dim3A_61 = vector.broadcast %add3A_57 : i32 to vector<16xi32>
        tpu.vector_store_idx %arg5[%broadcast_in_dim3A_61, %iota3A], %gather3A_60 : memref<512x16xf32, #tpu.memory_space<vmem>>[vector<16xi32>, vector<16xi32>], vector<16xf32>,
        %mul3A_62 = arith.constant 8 : i32
        %mul3A_63 = arith.muli %scan3A_53, %mul3A_62 : i32
        %add3A_64 = arith.constant 1 : i32
        %add3A_65 = arith.addi %mul3A_63, %add3A_64 : i32
        %add3A_66 = vector.broadcast %add3A_65 : i32 to vector<16xi32>
        %add3A_67 = arith.addi %and3A_17, %add3A_66 : vector<16xi32>
        %gather3A_68 = tpu.vector_load_idx %arg4[%min3A_6, %add3A_40, %add3A_67] : memref<3x17x512xf32, #tpu.memory_space<vmem>>[vector<16xi32>, vector<16xi32>, vector<16xi32>], vector<16xf32>,
        %broadcast_in_dim3A_69 = vector.broadcast %add3A_65 : i32 to vector<16xi32>
        tpu.vector_store_idx %arg5[%broadcast_in_dim3A_69, %iota3A], %gather3A_68 : memref<512x16xf32, #tpu.memory_space<vmem>>[vector<16xi32>, vector<16xi32>], vector<16xf32>,
        %mul3A_70 = arith.constant 8 : i32
        %mul3A_71 = arith.muli %scan3A_53, %mul3A_70 : i32
        %add3A_72 = arith.constant 2 : i32
        %add3A_73 = arith.addi %mul3A_71, %add3A_72 : i32
        %add3A_74 = vector.broadcast %add3A_73 : i32 to vector<16xi32>
        %add3A_75 = arith.addi %and3A_17, %add3A_74 : vector<16xi32>
        %gather3A_76 = tpu.vector_load_idx %arg4[%min3A_6, %add3A_40, %add3A_75] : memref<3x17x512xf32, #tpu.memory_space<vmem>>[vector<16xi32>, vector<16xi32>, vector<16xi32>], vector<16xf32>,
        %broadcast_in_dim3A_77 = vector.broadcast %add3A_73 : i32 to vector<16xi32>
        tpu.vector_store_idx %arg5[%broadcast_in_dim3A_77, %iota3A], %gather3A_76 : memref<512x16xf32, #tpu.memory_space<vmem>>[vector<16xi32>, vector<16xi32>], vector<16xf32>,
        %mul3A_78 = arith.constant 8 : i32
        %mul3A_79 = arith.muli %scan3A_53, %mul3A_78 : i32
        %add3A_80 = arith.constant 3 : i32
        %add3A_81 = arith.addi %mul3A_79, %add3A_80 : i32
        %add3A_82 = vector.broadcast %add3A_81 : i32 to vector<16xi32>
        %add3A_83 = arith.addi %and3A_17, %add3A_82 : vector<16xi32>
        %gather3A_84 = tpu.vector_load_idx %arg4[%min3A_6, %add3A_40, %add3A_83] : memref<3x17x512xf32, #tpu.memory_space<vmem>>[vector<16xi32>, vector<16xi32>, vector<16xi32>], vector<16xf32>,
        %broadcast_in_dim3A_85 = vector.broadcast %add3A_81 : i32 to vector<16xi32>
        tpu.vector_store_idx %arg5[%broadcast_in_dim3A_85, %iota3A], %gather3A_84 : memref<512x16xf32, #tpu.memory_space<vmem>>[vector<16xi32>, vector<16xi32>], vector<16xf32>,
        %mul3A_86 = arith.constant 8 : i32
        %mul3A_87 = arith.muli %scan3A_53, %mul3A_86 : i32
        %add3A_88 = arith.constant 4 : i32
        %add3A_89 = arith.addi %mul3A_87, %add3A_88 : i32
        %add3A_90 = vector.broadcast %add3A_89 : i32 to vector<16xi32>
        %add3A_91 = arith.addi %and3A_17, %add3A_90 : vector<16xi32>
        %gather3A_92 = tpu.vector_load_idx %arg4[%min3A_6, %add3A_40, %add3A_91] : memref<3x17x512xf32, #tpu.memory_space<vmem>>[vector<16xi32>, vector<16xi32>, vector<16xi32>], vector<16xf32>,
        %broadcast_in_dim3A_93 = vector.broadcast %add3A_89 : i32 to vector<16xi32>
        tpu.vector_store_idx %arg5[%broadcast_in_dim3A_93, %iota3A], %gather3A_92 : memref<512x16xf32, #tpu.memory_space<vmem>>[vector<16xi32>, vector<16xi32>], vector<16xf32>,
        %mul3A_94 = arith.constant 8 : i32
        %mul3A_95 = arith.muli %scan3A_53, %mul3A_94 : i32
        %add3A_96 = arith.constant 5 : i32
        %add3A_97 = arith.addi %mul3A_95, %add3A_96 : i32
        %add3A_98 = vector.broadcast %add3A_97 : i32 to vector<16xi32>
        %add3A_99 = arith.addi %and3A_17, %add3A_98 : vector<16xi32>
        %gather3A_100 = tpu.vector_load_idx %arg4[%min3A_6, %add3A_40, %add3A_99] : memref<3x17x512xf32, #tpu.memory_space<vmem>>[vector<16xi32>, vector<16xi32>, vector<16xi32>], vector<16xf32>,
        %broadcast_in_dim3A_101 = vector.broadcast %add3A_97 : i32 to vector<16xi32>
        tpu.vector_store_idx %arg5[%broadcast_in_dim3A_101, %iota3A], %gather3A_100 : memref<512x16xf32, #tpu.memory_space<vmem>>[vector<16xi32>, vector<16xi32>], vector<16xf32>,
        %mul3A_102 = arith.constant 8 : i32
        %mul3A_103 = arith.muli %scan3A_53, %mul3A_102 : i32
        %add3A_104 = arith.constant 6 : i32
        %add3A_105 = arith.addi %mul3A_103, %add3A_104 : i32
        %add3A_106 = vector.broadcast %add3A_105 : i32 to vector<16xi32>
        %add3A_107 = arith.addi %and3A_17, %add3A_106 : vector<16xi32>
        %gather3A_108 = tpu.vector_load_idx %arg4[%min3A_6, %add3A_40, %add3A_107] : memref<3x17x512xf32, #tpu.memory_space<vmem>>[vector<16xi32>, vector<16xi32>, vector<16xi32>], vector<16xf32>,
        %broadcast_in_dim3A_109 = vector.broadcast %add3A_105 : i32 to vector<16xi32>
        tpu.vector_store_idx %arg5[%broadcast_in_dim3A_109, %iota3A], %gather3A_108 : memref<512x16xf32, #tpu.memory_space<vmem>>[vector<16xi32>, vector<16xi32>], vector<16xf32>,
        %mul3A_110 = arith.constant 8 : i32
        %mul3A_111 = arith.muli %scan3A_53, %mul3A_110 : i32
        %add3A_112 = arith.constant 7 : i32
        %add3A_113 = arith.addi %mul3A_111, %add3A_112 : i32
        %add3A_114 = vector.broadcast %add3A_113 : i32 to vector<16xi32>
        %add3A_115 = arith.addi %and3A_17, %add3A_114 : vector<16xi32>
        %gather3A_116 = tpu.vector_load_idx %arg4[%min3A_6, %add3A_40, %add3A_115] : memref<3x17x512xf32, #tpu.memory_space<vmem>>[vector<16xi32>, vector<16xi32>, vector<16xi32>], vector<16xf32>,
        %broadcast_in_dim3A_117 = vector.broadcast %add3A_113 : i32 to vector<16xi32>
        tpu.vector_store_idx %arg5[%broadcast_in_dim3A_117, %iota3A], %gather3A_116 : memref<512x16xf32, #tpu.memory_space<vmem>>[vector<16xi32>, vector<16xi32>], vector<16xf32>,
      }
      %scan3A_46 = arith.constant 64 : i32
      %broadcast_in_dim3A = arith.constant 511 : i32
      %broadcast_in_dim3A_47 = vector.broadcast %broadcast_in_dim3A : i32 to vector<16xi32>
      %gather3A = tpu.vector_load_idx %arg4[%min3A_6, %add3A_40, %broadcast_in_dim3A_47] : memref<3x17x512xf32, #tpu.memory_space<vmem>>[vector<16xi32>, vector<16xi32>, vector<16xi32>], vector<16xf32>,
      %broadcast_in_dim3A_48 = arith.constant 511 : i32
      %broadcast_in_dim3A_49 = vector.broadcast %broadcast_in_dim3A_48 : i32 to vector<16xi32>
      tpu.vector_store_idx %arg5[%broadcast_in_dim3A_49, %iota3A], %gather3A : memref<512x16xf32, #tpu.memory_space<vmem>>[vector<16xi32>, vector<16xi32>], vector<16xf32>,
      %add3A_50 = arith.addi %mul3A_2, %scan3A_38 : i32
      %mul3A_51 = arith.constant 512 : i32
      %mul3A_52 = arith.muli %add3A_50, %mul3A_51 : i32
      "tpu.region"() ({
        %run_scoped3A_53 = tpu.sem_alloc : memref<!tpu.dma_semaphore, #tpu.memory_space<semaphore_mem>>
        %dma_start3A = arith.constant 0 : i32
        %dma_start3A_54 = tpu.memref_slice %arg3[%mul3A_52, %dma_start3A] : memref<262144x16xf32, #tpu.memory_space<hbm>> -> memref<512x16xf32, #tpu.memory_space<hbm>>
        %dma_start3A_55 = arith.constant 0 : i32
        %dma_start3A_56 = tpu.memref_slice %arg3[%mul3A_52, %dma_start3A_55] : memref<262144x16xf32, #tpu.memory_space<hbm>> -> memref<512x16xf32, #tpu.memory_space<hbm>>
        tpu.enqueue_dma source(%arg5 : memref<512x16xf32, #tpu.memory_space<vmem>>) target(%dma_start3A_56 : memref<512x16xf32, #tpu.memory_space<hbm>>) target_semaphore(%run_scoped3A_53 : memref<!tpu.dma_semaphore, #tpu.memory_space<semaphore_mem>>)
        %dma_wait3A = arith.constant 0 : i32
        %dma_wait3A_57 = tpu.memref_slice %arg3[%mul3A_52, %dma_wait3A] : memref<262144x16xf32, #tpu.memory_space<hbm>> -> memref<512x16xf32, #tpu.memory_space<hbm>>
        %dma_wait3A_58 = arith.constant 0 : i32
        %dma_wait3A_59 = tpu.memref_slice %arg3[%mul3A_52, %dma_wait3A_58] : memref<262144x16xf32, #tpu.memory_space<hbm>> -> memref<512x16xf32, #tpu.memory_space<hbm>>
        tpu.wait_dma2 semaphore(%run_scoped3A_53 : memref<!tpu.dma_semaphore, #tpu.memory_space<semaphore_mem>>) src(%arg5 : memref<512x16xf32, #tpu.memory_space<vmem>>) dst(%dma_wait3A_59 : memref<512x16xf32, #tpu.memory_space<hbm>>)
        tpu.yield
      }) : () -> ()
    }
    %scan3A_37 = arith.constant 16 : i32
    return
  }
}

#map = affine_map<(d0, d1) -> (0)>
#map1 = affine_map<(d0, d1) -> (0, 0)>
module attributes {stable_mosaic.version = 14 : i64} {
  func.func @_interp(%arg0: i32, %arg1: i32, %arg2: memref<1048576xf32, #tpu.memory_space<hbm>>, %arg3: memref<1048576xf32, #tpu.memory_space<hbm>>, %arg4: memref<262144x16xf32, #tpu.memory_space<hbm>>, %arg5: memref<1048576x3xf32, #tpu.memory_space<hbm>>, %arg6: memref<2048xf32, #tpu.memory_space<vmem>>, %arg7: memref<2048xf32, #tpu.memory_space<vmem>>, %arg8: memref<4096xi32, #tpu.memory_space<vmem>>, %arg9: memref<16384xf32, #tpu.memory_space<vmem>>, %arg10: memref<4096x16xf32, #tpu.memory_space<vmem>>, %arg11: memref<2048x3xf32, #tpu.memory_space<vmem>>, %arg12: memref<!tpu.dma_semaphore, #tpu.memory_space<semaphore_mem>>) attributes {dimension_semantics = [#tpu.dimension_semantics<core_parallel>, #tpu.dimension_semantics<subcore_parallel>], iteration_bounds = array<i64: 2, 16>, scalar_prefetch = 0 : i64, scratch_operands = 7 : i64, tpu.core_type = #tpu.core_type<sc_vector_subcore>, window_params = [{transform_indices = #map}, {transform_indices = #map}, {transform_indices = #map1}, {transform_indices = #map1}]} {
    %mul3A = arith.constant 2 : i32
    %mul3A_0 = arith.muli %arg1, %mul3A : i32
    %add3A = arith.addi %mul3A_0, %arg0 : i32
    %mul3A_1 = arith.constant 32768 : i32
    %mul3A_2 = arith.muli %add3A, %mul3A_1 : i32
    %iota3A = tpu.iota {dimensions = array<i32: 0>} : vector<16xi32>
    %add3A_3 = arith.constant 0 : i32
    %add3A_4 = vector.broadcast %add3A_3 : i32 to vector<16xi32>
    %add3A_5 = arith.addi %iota3A, %add3A_4 : vector<16xi32>
    %jit3A = arith.constant 3 : i32
    %div3A = vector.broadcast %jit3A : i32 to vector<16xi32>
    %div3A_6 = arith.divsi %add3A_5, %div3A : vector<16xi32>
    %sign3A = arith.constant 0 : i32
    %sign3A_7 = vector.broadcast %sign3A : i32 to vector<16xi32>
    %sign3A_8 = arith.cmpi sgt, %add3A_5, %sign3A_7 : vector<16xi32>
    %sign3A_9 = arith.extui %sign3A_8 : vector<16xi1> to vector<16xi32>
    %sign3A_10 = arith.constant 0 : i32
    %sign3A_11 = vector.broadcast %sign3A_10 : i32 to vector<16xi32>
    %sign3A_12 = arith.cmpi slt, %add3A_5, %sign3A_11 : vector<16xi32>
    %sign3A_13 = arith.extui %sign3A_12 : vector<16xi1> to vector<16xi32>
    %sign3A_14 = arith.subi %sign3A_9, %sign3A_13 : vector<16xi32>
    %sign3A_15 = arith.constant 0 : i32
    %sign3A_16 = arith.cmpi sgt, %jit3A, %sign3A_15 : i32
    %sign3A_17 = arith.extui %sign3A_16 : i1 to i32
    %sign3A_18 = arith.constant 0 : i32
    %sign3A_19 = arith.cmpi slt, %jit3A, %sign3A_18 : i32
    %sign3A_20 = arith.extui %sign3A_19 : i1 to i32
    %sign3A_21 = arith.subi %sign3A_17, %sign3A_20 : i32
    %ne3A = vector.broadcast %sign3A_21 : i32 to vector<16xi32>
    %ne3A_22 = arith.cmpi ne, %sign3A_14, %ne3A : vector<16xi32>
    %rem3A = vector.broadcast %jit3A : i32 to vector<16xi32>
    %rem3A_23 = arith.remsi %add3A_5, %rem3A : vector<16xi32>
    %ne3A_24 = arith.constant 0 : i32
    %ne3A_25 = vector.broadcast %ne3A_24 : i32 to vector<16xi32>
    %ne3A_26 = arith.cmpi ne, %rem3A_23, %ne3A_25 : vector<16xi32>
    %and3A = arith.andi %ne3A_22, %ne3A_26 : vector<16xi1>
    %sub3A = arith.constant 1 : i32
    %sub3A_27 = vector.broadcast %sub3A : i32 to vector<16xi32>
    %sub3A_28 = arith.subi %div3A_6, %sub3A_27 : vector<16xi32>
    %select_n3A = arith.select %and3A, %sub3A_28, %div3A_6 : vector<16xi1>, vector<16xi32>
    %jit3A_29 = arith.constant 3 : i32
    %eq3A = arith.constant 0 : i32
    %eq3A_30 = arith.cmpi eq, %jit3A_29, %eq3A : i32
    %jit3A_31 = arith.constant 1 : i32
    %select_n3A_32 = arith.select %eq3A_30, %jit3A_31, %jit3A_29 : i32
    %rem3A_33 = vector.broadcast %select_n3A_32 : i32 to vector<16xi32>
    %rem3A_34 = arith.remsi %add3A_5, %rem3A_33 : vector<16xi32>
    %ne3A_35 = arith.constant 0 : i32
    %ne3A_36 = vector.broadcast %ne3A_35 : i32 to vector<16xi32>
    %ne3A_37 = arith.cmpi ne, %rem3A_34, %ne3A_36 : vector<16xi32>
    %lt3A = arith.constant 0 : i32
    %lt3A_38 = vector.broadcast %lt3A : i32 to vector<16xi32>
    %lt3A_39 = arith.cmpi slt, %rem3A_34, %lt3A_38 : vector<16xi32>
    %lt3A_40 = arith.constant 0 : i32
    %lt3A_41 = arith.cmpi slt, %select_n3A_32, %lt3A_40 : i32
    %ne3A_42 = vector.broadcast %lt3A_41 : i1 to vector<16xi1>
    %ne3A_43 = vector.broadcast %ne3A_42 : vector<16xi1> to vector<16xi1>
    %ne3A_44 = arith.xori %lt3A_39, %ne3A_43 : vector<16xi1>
    %and3A_45 = arith.andi %ne3A_44, %ne3A_37 : vector<16xi1>
    %add3A_46 = vector.broadcast %select_n3A_32 : i32 to vector<16xi32>
    %add3A_47 = arith.addi %rem3A_34, %add3A_46 : vector<16xi32>
    %select_n3A_48 = arith.select %and3A_45, %add3A_47, %rem3A_34 : vector<16xi1>, vector<16xi32>
    %add3A_49 = arith.constant 16 : i32
    %add3A_50 = vector.broadcast %add3A_49 : i32 to vector<16xi32>
    %add3A_51 = arith.addi %iota3A, %add3A_50 : vector<16xi32>
    %jit3A_52 = arith.constant 3 : i32
    %div3A_53 = vector.broadcast %jit3A_52 : i32 to vector<16xi32>
    %div3A_54 = arith.divsi %add3A_51, %div3A_53 : vector<16xi32>
    %sign3A_55 = arith.constant 0 : i32
    %sign3A_56 = vector.broadcast %sign3A_55 : i32 to vector<16xi32>
    %sign3A_57 = arith.cmpi sgt, %add3A_51, %sign3A_56 : vector<16xi32>
    %sign3A_58 = arith.extui %sign3A_57 : vector<16xi1> to vector<16xi32>
    %sign3A_59 = arith.constant 0 : i32
    %sign3A_60 = vector.broadcast %sign3A_59 : i32 to vector<16xi32>
    %sign3A_61 = arith.cmpi slt, %add3A_51, %sign3A_60 : vector<16xi32>
    %sign3A_62 = arith.extui %sign3A_61 : vector<16xi1> to vector<16xi32>
    %sign3A_63 = arith.subi %sign3A_58, %sign3A_62 : vector<16xi32>
    %sign3A_64 = arith.constant 0 : i32
    %sign3A_65 = arith.cmpi sgt, %jit3A_52, %sign3A_64 : i32
    %sign3A_66 = arith.extui %sign3A_65 : i1 to i32
    %sign3A_67 = arith.constant 0 : i32
    %sign3A_68 = arith.cmpi slt, %jit3A_52, %sign3A_67 : i32
    %sign3A_69 = arith.extui %sign3A_68 : i1 to i32
    %sign3A_70 = arith.subi %sign3A_66, %sign3A_69 : i32
    %ne3A_71 = vector.broadcast %sign3A_70 : i32 to vector<16xi32>
    %ne3A_72 = arith.cmpi ne, %sign3A_63, %ne3A_71 : vector<16xi32>
    %rem3A_73 = vector.broadcast %jit3A_52 : i32 to vector<16xi32>
    %rem3A_74 = arith.remsi %add3A_51, %rem3A_73 : vector<16xi32>
    %ne3A_75 = arith.constant 0 : i32
    %ne3A_76 = vector.broadcast %ne3A_75 : i32 to vector<16xi32>
    %ne3A_77 = arith.cmpi ne, %rem3A_74, %ne3A_76 : vector<16xi32>
    %and3A_78 = arith.andi %ne3A_72, %ne3A_77 : vector<16xi1>
    %sub3A_79 = arith.constant 1 : i32
    %sub3A_80 = vector.broadcast %sub3A_79 : i32 to vector<16xi32>
    %sub3A_81 = arith.subi %div3A_54, %sub3A_80 : vector<16xi32>
    %select_n3A_82 = arith.select %and3A_78, %sub3A_81, %div3A_54 : vector<16xi1>, vector<16xi32>
    %jit3A_83 = arith.constant 3 : i32
    %eq3A_84 = arith.constant 0 : i32
    %eq3A_85 = arith.cmpi eq, %jit3A_83, %eq3A_84 : i32
    %jit3A_86 = arith.constant 1 : i32
    %select_n3A_87 = arith.select %eq3A_85, %jit3A_86, %jit3A_83 : i32
    %rem3A_88 = vector.broadcast %select_n3A_87 : i32 to vector<16xi32>
    %rem3A_89 = arith.remsi %add3A_51, %rem3A_88 : vector<16xi32>
    %ne3A_90 = arith.constant 0 : i32
    %ne3A_91 = vector.broadcast %ne3A_90 : i32 to vector<16xi32>
    %ne3A_92 = arith.cmpi ne, %rem3A_89, %ne3A_91 : vector<16xi32>
    %lt3A_93 = arith.constant 0 : i32
    %lt3A_94 = vector.broadcast %lt3A_93 : i32 to vector<16xi32>
    %lt3A_95 = arith.cmpi slt, %rem3A_89, %lt3A_94 : vector<16xi32>
    %lt3A_96 = arith.constant 0 : i32
    %lt3A_97 = arith.cmpi slt, %select_n3A_87, %lt3A_96 : i32
    %ne3A_98 = vector.broadcast %lt3A_97 : i1 to vector<16xi1>
    %ne3A_99 = vector.broadcast %ne3A_98 : vector<16xi1> to vector<16xi1>
    %ne3A_100 = arith.xori %lt3A_95, %ne3A_99 : vector<16xi1>
    %and3A_101 = arith.andi %ne3A_100, %ne3A_92 : vector<16xi1>
    %add3A_102 = vector.broadcast %select_n3A_87 : i32 to vector<16xi32>
    %add3A_103 = arith.addi %rem3A_89, %add3A_102 : vector<16xi32>
    %select_n3A_104 = arith.select %and3A_101, %add3A_103, %rem3A_89 : vector<16xi1>, vector<16xi32>
    %add3A_105 = arith.constant 32 : i32
    %add3A_106 = vector.broadcast %add3A_105 : i32 to vector<16xi32>
    %add3A_107 = arith.addi %iota3A, %add3A_106 : vector<16xi32>
    %jit3A_108 = arith.constant 3 : i32
    %div3A_109 = vector.broadcast %jit3A_108 : i32 to vector<16xi32>
    %div3A_110 = arith.divsi %add3A_107, %div3A_109 : vector<16xi32>
    %sign3A_111 = arith.constant 0 : i32
    %sign3A_112 = vector.broadcast %sign3A_111 : i32 to vector<16xi32>
    %sign3A_113 = arith.cmpi sgt, %add3A_107, %sign3A_112 : vector<16xi32>
    %sign3A_114 = arith.extui %sign3A_113 : vector<16xi1> to vector<16xi32>
    %sign3A_115 = arith.constant 0 : i32
    %sign3A_116 = vector.broadcast %sign3A_115 : i32 to vector<16xi32>
    %sign3A_117 = arith.cmpi slt, %add3A_107, %sign3A_116 : vector<16xi32>
    %sign3A_118 = arith.extui %sign3A_117 : vector<16xi1> to vector<16xi32>
    %sign3A_119 = arith.subi %sign3A_114, %sign3A_118 : vector<16xi32>
    %sign3A_120 = arith.constant 0 : i32
    %sign3A_121 = arith.cmpi sgt, %jit3A_108, %sign3A_120 : i32
    %sign3A_122 = arith.extui %sign3A_121 : i1 to i32
    %sign3A_123 = arith.constant 0 : i32
    %sign3A_124 = arith.cmpi slt, %jit3A_108, %sign3A_123 : i32
    %sign3A_125 = arith.extui %sign3A_124 : i1 to i32
    %sign3A_126 = arith.subi %sign3A_122, %sign3A_125 : i32
    %ne3A_127 = vector.broadcast %sign3A_126 : i32 to vector<16xi32>
    %ne3A_128 = arith.cmpi ne, %sign3A_119, %ne3A_127 : vector<16xi32>
    %rem3A_129 = vector.broadcast %jit3A_108 : i32 to vector<16xi32>
    %rem3A_130 = arith.remsi %add3A_107, %rem3A_129 : vector<16xi32>
    %ne3A_131 = arith.constant 0 : i32
    %ne3A_132 = vector.broadcast %ne3A_131 : i32 to vector<16xi32>
    %ne3A_133 = arith.cmpi ne, %rem3A_130, %ne3A_132 : vector<16xi32>
    %and3A_134 = arith.andi %ne3A_128, %ne3A_133 : vector<16xi1>
    %sub3A_135 = arith.constant 1 : i32
    %sub3A_136 = vector.broadcast %sub3A_135 : i32 to vector<16xi32>
    %sub3A_137 = arith.subi %div3A_110, %sub3A_136 : vector<16xi32>
    %select_n3A_138 = arith.select %and3A_134, %sub3A_137, %div3A_110 : vector<16xi1>, vector<16xi32>
    %jit3A_139 = arith.constant 3 : i32
    %eq3A_140 = arith.constant 0 : i32
    %eq3A_141 = arith.cmpi eq, %jit3A_139, %eq3A_140 : i32
    %jit3A_142 = arith.constant 1 : i32
    %select_n3A_143 = arith.select %eq3A_141, %jit3A_142, %jit3A_139 : i32
    %rem3A_144 = vector.broadcast %select_n3A_143 : i32 to vector<16xi32>
    %rem3A_145 = arith.remsi %add3A_107, %rem3A_144 : vector<16xi32>
    %ne3A_146 = arith.constant 0 : i32
    %ne3A_147 = vector.broadcast %ne3A_146 : i32 to vector<16xi32>
    %ne3A_148 = arith.cmpi ne, %rem3A_145, %ne3A_147 : vector<16xi32>
    %lt3A_149 = arith.constant 0 : i32
    %lt3A_150 = vector.broadcast %lt3A_149 : i32 to vector<16xi32>
    %lt3A_151 = arith.cmpi slt, %rem3A_145, %lt3A_150 : vector<16xi32>
    %lt3A_152 = arith.constant 0 : i32
    %lt3A_153 = arith.cmpi slt, %select_n3A_143, %lt3A_152 : i32
    %ne3A_154 = vector.broadcast %lt3A_153 : i1 to vector<16xi1>
    %ne3A_155 = vector.broadcast %ne3A_154 : vector<16xi1> to vector<16xi1>
    %ne3A_156 = arith.xori %lt3A_151, %ne3A_155 : vector<16xi1>
    %and3A_157 = arith.andi %ne3A_156, %ne3A_148 : vector<16xi1>
    %add3A_158 = vector.broadcast %select_n3A_143 : i32 to vector<16xi32>
    %add3A_159 = arith.addi %rem3A_145, %add3A_158 : vector<16xi32>
    %select_n3A_160 = arith.select %and3A_157, %add3A_159, %rem3A_145 : vector<16xi1>, vector<16xi32>
    %add3A_161 = arith.constant 0 : i32
    %add3A_162 = arith.addi %mul3A_2, %add3A_161 : i32
    "tpu.region"() ({
      %run_scoped3A = tpu.sem_alloc : memref<!tpu.dma_semaphore, #tpu.memory_space<semaphore_mem>>
      %dma_start3A_228 = tpu.memref_slice %arg2[%add3A_162] : memref<1048576xf32, #tpu.memory_space<hbm>> -> memref<2048xf32, #tpu.memory_space<hbm>>
      %dma_start3A_229 = tpu.memref_slice %arg2[%add3A_162] : memref<1048576xf32, #tpu.memory_space<hbm>> -> memref<2048xf32, #tpu.memory_space<hbm>>
      tpu.enqueue_dma source(%dma_start3A_229 : memref<2048xf32, #tpu.memory_space<hbm>>) target(%arg6 : memref<2048xf32, #tpu.memory_space<vmem>>) target_semaphore(%run_scoped3A : memref<!tpu.dma_semaphore, #tpu.memory_space<semaphore_mem>>)
      %dma_wait3A_230 = tpu.memref_slice %arg2[%add3A_162] : memref<1048576xf32, #tpu.memory_space<hbm>> -> memref<2048xf32, #tpu.memory_space<hbm>>
      %dma_wait3A_231 = tpu.memref_slice %arg2[%add3A_162] : memref<1048576xf32, #tpu.memory_space<hbm>> -> memref<2048xf32, #tpu.memory_space<hbm>>
      tpu.wait_dma2 semaphore(%run_scoped3A : memref<!tpu.dma_semaphore, #tpu.memory_space<semaphore_mem>>) src(%dma_wait3A_231 : memref<2048xf32, #tpu.memory_space<hbm>>) dst(%arg6 : memref<2048xf32, #tpu.memory_space<vmem>>)
      tpu.yield
    }) : () -> ()
    "tpu.region"() ({
      %run_scoped3A = tpu.sem_alloc : memref<!tpu.dma_semaphore, #tpu.memory_space<semaphore_mem>>
      %dma_start3A_228 = tpu.memref_slice %arg3[%add3A_162] : memref<1048576xf32, #tpu.memory_space<hbm>> -> memref<2048xf32, #tpu.memory_space<hbm>>
      %dma_start3A_229 = tpu.memref_slice %arg3[%add3A_162] : memref<1048576xf32, #tpu.memory_space<hbm>> -> memref<2048xf32, #tpu.memory_space<hbm>>
      tpu.enqueue_dma source(%dma_start3A_229 : memref<2048xf32, #tpu.memory_space<hbm>>) target(%arg7 : memref<2048xf32, #tpu.memory_space<vmem>>) target_semaphore(%run_scoped3A : memref<!tpu.dma_semaphore, #tpu.memory_space<semaphore_mem>>)
      %dma_wait3A_230 = tpu.memref_slice %arg3[%add3A_162] : memref<1048576xf32, #tpu.memory_space<hbm>> -> memref<2048xf32, #tpu.memory_space<hbm>>
      %dma_wait3A_231 = tpu.memref_slice %arg3[%add3A_162] : memref<1048576xf32, #tpu.memory_space<hbm>> -> memref<2048xf32, #tpu.memory_space<hbm>>
      tpu.wait_dma2 semaphore(%run_scoped3A : memref<!tpu.dma_semaphore, #tpu.memory_space<semaphore_mem>>) src(%dma_wait3A_231 : memref<2048xf32, #tpu.memory_space<hbm>>) dst(%arg7 : memref<2048xf32, #tpu.memory_space<vmem>>)
      tpu.yield
    }) : () -> ()
    %scan3A = arith.constant 0 : i32
    %scan3A_163 = arith.constant 0 : i32
    %scan3A_164 = arith.constant 64 : i32
    %scan3A_165 = arith.addi %scan3A_163, %scan3A_164 : i32
    %scan3A_166 = arith.constant 1 : i32
    scf.for %scan3A_228 = %scan3A_163 to %scan3A_165 step %scan3A_166  : i32 {
      %mul3A_229 = arith.constant 2 : i32
      %mul3A_230 = arith.muli %scan3A_228, %mul3A_229 : i32
      %add3A_231 = arith.constant 0 : i32
      %add3A_232 = arith.addi %mul3A_230, %add3A_231 : i32
      %mul3A_233 = arith.constant 16 : i32
      %mul3A_234 = arith.muli %add3A_232, %mul3A_233 : i32
      %get3A = arith.index_cast %mul3A_234 : i32 to index
      %get3A_235 = tpu.vector_load %arg6[%get3A] {strides = array<i32>} : memref<2048xf32, #tpu.memory_space<vmem>>, vector<16xf32>,
      %get3A_236 = arith.index_cast %mul3A_234 : i32 to index
      %get3A_237 = tpu.vector_load %arg7[%get3A_236] {strides = array<i32>} : memref<2048xf32, #tpu.memory_space<vmem>>, vector<16xf32>,
      %mul3A_238 = arith.constant 2.000000e+00 : f32
      %mul3A_239 = vector.broadcast %mul3A_238 : f32 to vector<16xf32>
      %mul3A_240 = arith.mulf %get3A_235, %mul3A_239 : vector<16xf32>
      %sub3A_241 = arith.constant 1.000000e+00 : f32
      %sub3A_242 = vector.broadcast %sub3A_241 : f32 to vector<16xf32>
      %sub3A_243 = arith.subf %mul3A_240, %sub3A_242 : vector<16xf32>
      %add3A_244 = arith.constant 1.000000e+00 : f32
      %add3A_245 = vector.broadcast %add3A_244 : f32 to vector<16xf32>
      %add3A_246 = arith.addf %sub3A_243, %add3A_245 : vector<16xf32>
      %mul3A_247 = arith.constant 2.555000e+02 : f32
      %mul3A_248 = vector.broadcast %mul3A_247 : f32 to vector<16xf32>
      %mul3A_249 = arith.mulf %add3A_246, %mul3A_248 : vector<16xf32>
      %mul3A_250 = arith.constant 2.000000e+00 : f32
      %mul3A_251 = vector.broadcast %mul3A_250 : f32 to vector<16xf32>
      %mul3A_252 = arith.mulf %get3A_237, %mul3A_251 : vector<16xf32>
      %sub3A_253 = arith.constant 1.000000e+00 : f32
      %sub3A_254 = vector.broadcast %sub3A_253 : f32 to vector<16xf32>
      %sub3A_255 = arith.subf %mul3A_252, %sub3A_254 : vector<16xf32>
      %add3A_256 = arith.constant 1.000000e+00 : f32
      %add3A_257 = vector.broadcast %add3A_256 : f32 to vector<16xf32>
      %add3A_258 = arith.addf %sub3A_255, %add3A_257 : vector<16xf32>
      %mul3A_259 = arith.constant 2.555000e+02 : f32
      %mul3A_260 = vector.broadcast %mul3A_259 : f32 to vector<16xf32>
      %mul3A_261 = arith.mulf %add3A_258, %mul3A_260 : vector<16xf32>
      %jit3A_262 = arith.constant 0.000000e+00 : f32
      %jit3A_263 = arith.constant 5.110000e+02 : f32
      %max3A = vector.broadcast %jit3A_262 : f32 to vector<16xf32>
      %max3A_264 = arith.maximumf %max3A, %mul3A_249 : vector<16xf32>
      %min3A = vector.broadcast %jit3A_263 : f32 to vector<16xf32>
      %min3A_265 = arith.minimumf %min3A, %max3A_264 : vector<16xf32>
      %jit3A_266 = arith.constant 0.000000e+00 : f32
      %jit3A_267 = arith.constant 5.110000e+02 : f32
      %max3A_268 = vector.broadcast %jit3A_266 : f32 to vector<16xf32>
      %max3A_269 = arith.maximumf %max3A_268, %mul3A_261 : vector<16xf32>
      %min3A_270 = vector.broadcast %jit3A_267 : f32 to vector<16xf32>
      %min3A_271 = arith.minimumf %min3A_270, %max3A_269 : vector<16xf32>
      %convert_element_type3A = arith.fptosi %min3A_265 : vector<16xf32> to vector<16xi32>
      %convert_element_type3A_272 = arith.fptosi %min3A_271 : vector<16xf32> to vector<16xi32>
      %convert_element_type3A_273 = arith.sitofp %convert_element_type3A : vector<16xi32> to vector<16xf32>
      %sub3A_274 = arith.subf %min3A_265, %convert_element_type3A_273 : vector<16xf32>
      %convert_element_type3A_275 = arith.sitofp %convert_element_type3A_272 : vector<16xi32> to vector<16xf32>
      %sub3A_276 = arith.subf %min3A_271, %convert_element_type3A_275 : vector<16xf32>
      %mul3A_277 = arith.constant 512 : i32
      %mul3A_278 = vector.broadcast %mul3A_277 : i32 to vector<16xi32>
      %mul3A_279 = arith.muli %convert_element_type3A_272, %mul3A_278 : vector<16xi32>
      %add3A_280 = arith.addi %mul3A_279, %convert_element_type3A : vector<16xi32>
      %add3A_281 = arith.constant 0 : i32
      %add3A_282 = arith.addi %add3A_281, %mul3A_234 : i32
      %swap3A = arith.index_cast %add3A_282 : i32 to index
      %swap3A_283 = tpu.vector_load %arg8[%swap3A] {strides = array<i32>} : memref<4096xi32, #tpu.memory_space<vmem>>, vector<16xi32>,
      tpu.vector_store %arg8[%swap3A], %add3A_280 {strides = array<i32>} : memref<4096xi32, #tpu.memory_space<vmem>>, vector<16xi32>,
      %sub3A_284 = arith.constant 1.000000e+00 : f32
      %sub3A_285 = vector.broadcast %sub3A_284 : f32 to vector<16xf32>
      %sub3A_286 = arith.subf %sub3A_285, %sub3A_274 : vector<16xf32>
      %sub3A_287 = arith.constant 1.000000e+00 : f32
      %sub3A_288 = vector.broadcast %sub3A_287 : f32 to vector<16xf32>
      %sub3A_289 = arith.subf %sub3A_288, %sub3A_276 : vector<16xf32>
      %mul3A_290 = arith.mulf %sub3A_286, %sub3A_289 : vector<16xf32>
      %add3A_291 = arith.constant 0 : i32
      %add3A_292 = arith.addi %add3A_291, %mul3A_234 : i32
      %swap3A_293 = arith.index_cast %add3A_292 : i32 to index
      %swap3A_294 = tpu.vector_load %arg9[%swap3A_293] {strides = array<i32>} : memref<16384xf32, #tpu.memory_space<vmem>>, vector<16xf32>,
      tpu.vector_store %arg9[%swap3A_293], %mul3A_290 {strides = array<i32>} : memref<16384xf32, #tpu.memory_space<vmem>>, vector<16xf32>,
      %mul3A_295 = arith.mulf %sub3A_274, %sub3A_289 : vector<16xf32>
      %add3A_296 = arith.constant 2048 : i32
      %add3A_297 = arith.addi %add3A_296, %mul3A_234 : i32
      %swap3A_298 = arith.index_cast %add3A_297 : i32 to index
      %swap3A_299 = tpu.vector_load %arg9[%swap3A_298] {strides = array<i32>} : memref<16384xf32, #tpu.memory_space<vmem>>, vector<16xf32>,
      tpu.vector_store %arg9[%swap3A_298], %mul3A_295 {strides = array<i32>} : memref<16384xf32, #tpu.memory_space<vmem>>, vector<16xf32>,
      %mul3A_300 = arith.mulf %sub3A_286, %sub3A_276 : vector<16xf32>
      %add3A_301 = arith.constant 4096 : i32
      %add3A_302 = arith.addi %add3A_301, %mul3A_234 : i32
      %swap3A_303 = arith.index_cast %add3A_302 : i32 to index
      %swap3A_304 = tpu.vector_load %arg9[%swap3A_303] {strides = array<i32>} : memref<16384xf32, #tpu.memory_space<vmem>>, vector<16xf32>,
      tpu.vector_store %arg9[%swap3A_303], %mul3A_300 {strides = array<i32>} : memref<16384xf32, #tpu.memory_space<vmem>>, vector<16xf32>,
      %mul3A_305 = arith.mulf %sub3A_274, %sub3A_276 : vector<16xf32>
      %add3A_306 = arith.constant 6144 : i32
      %add3A_307 = arith.addi %add3A_306, %mul3A_234 : i32
      %swap3A_308 = arith.index_cast %add3A_307 : i32 to index
      %swap3A_309 = tpu.vector_load %arg9[%swap3A_308] {strides = array<i32>} : memref<16384xf32, #tpu.memory_space<vmem>>, vector<16xf32>,
      tpu.vector_store %arg9[%swap3A_308], %mul3A_305 {strides = array<i32>} : memref<16384xf32, #tpu.memory_space<vmem>>, vector<16xf32>,
      %mul3A_310 = arith.constant 2 : i32
      %mul3A_311 = arith.muli %scan3A_228, %mul3A_310 : i32
      %add3A_312 = arith.constant 1 : i32
      %add3A_313 = arith.addi %mul3A_311, %add3A_312 : i32
      %mul3A_314 = arith.constant 16 : i32
      %mul3A_315 = arith.muli %add3A_313, %mul3A_314 : i32
      %get3A_316 = arith.index_cast %mul3A_315 : i32 to index
      %get3A_317 = tpu.vector_load %arg6[%get3A_316] {strides = array<i32>} : memref<2048xf32, #tpu.memory_space<vmem>>, vector<16xf32>,
      %get3A_318 = arith.index_cast %mul3A_315 : i32 to index
      %get3A_319 = tpu.vector_load %arg7[%get3A_318] {strides = array<i32>} : memref<2048xf32, #tpu.memory_space<vmem>>, vector<16xf32>,
      %mul3A_320 = arith.constant 2.000000e+00 : f32
      %mul3A_321 = vector.broadcast %mul3A_320 : f32 to vector<16xf32>
      %mul3A_322 = arith.mulf %get3A_317, %mul3A_321 : vector<16xf32>
      %sub3A_323 = arith.constant 1.000000e+00 : f32
      %sub3A_324 = vector.broadcast %sub3A_323 : f32 to vector<16xf32>
      %sub3A_325 = arith.subf %mul3A_322, %sub3A_324 : vector<16xf32>
      %add3A_326 = arith.constant 1.000000e+00 : f32
      %add3A_327 = vector.broadcast %add3A_326 : f32 to vector<16xf32>
      %add3A_328 = arith.addf %sub3A_325, %add3A_327 : vector<16xf32>
      %mul3A_329 = arith.constant 2.555000e+02 : f32
      %mul3A_330 = vector.broadcast %mul3A_329 : f32 to vector<16xf32>
      %mul3A_331 = arith.mulf %add3A_328, %mul3A_330 : vector<16xf32>
      %mul3A_332 = arith.constant 2.000000e+00 : f32
      %mul3A_333 = vector.broadcast %mul3A_332 : f32 to vector<16xf32>
      %mul3A_334 = arith.mulf %get3A_319, %mul3A_333 : vector<16xf32>
      %sub3A_335 = arith.constant 1.000000e+00 : f32
      %sub3A_336 = vector.broadcast %sub3A_335 : f32 to vector<16xf32>
      %sub3A_337 = arith.subf %mul3A_334, %sub3A_336 : vector<16xf32>
      %add3A_338 = arith.constant 1.000000e+00 : f32
      %add3A_339 = vector.broadcast %add3A_338 : f32 to vector<16xf32>
      %add3A_340 = arith.addf %sub3A_337, %add3A_339 : vector<16xf32>
      %mul3A_341 = arith.constant 2.555000e+02 : f32
      %mul3A_342 = vector.broadcast %mul3A_341 : f32 to vector<16xf32>
      %mul3A_343 = arith.mulf %add3A_340, %mul3A_342 : vector<16xf32>
      %jit3A_344 = arith.constant 0.000000e+00 : f32
      %jit3A_345 = arith.constant 5.110000e+02 : f32
      %max3A_346 = vector.broadcast %jit3A_344 : f32 to vector<16xf32>
      %max3A_347 = arith.maximumf %max3A_346, %mul3A_331 : vector<16xf32>
      %min3A_348 = vector.broadcast %jit3A_345 : f32 to vector<16xf32>
      %min3A_349 = arith.minimumf %min3A_348, %max3A_347 : vector<16xf32>
      %jit3A_350 = arith.constant 0.000000e+00 : f32
      %jit3A_351 = arith.constant 5.110000e+02 : f32
      %max3A_352 = vector.broadcast %jit3A_350 : f32 to vector<16xf32>
      %max3A_353 = arith.maximumf %max3A_352, %mul3A_343 : vector<16xf32>
      %min3A_354 = vector.broadcast %jit3A_351 : f32 to vector<16xf32>
      %min3A_355 = arith.minimumf %min3A_354, %max3A_353 : vector<16xf32>
      %convert_element_type3A_356 = arith.fptosi %min3A_349 : vector<16xf32> to vector<16xi32>
      %convert_element_type3A_357 = arith.fptosi %min3A_355 : vector<16xf32> to vector<16xi32>
      %convert_element_type3A_358 = arith.sitofp %convert_element_type3A_356 : vector<16xi32> to vector<16xf32>
      %sub3A_359 = arith.subf %min3A_349, %convert_element_type3A_358 : vector<16xf32>
      %convert_element_type3A_360 = arith.sitofp %convert_element_type3A_357 : vector<16xi32> to vector<16xf32>
      %sub3A_361 = arith.subf %min3A_355, %convert_element_type3A_360 : vector<16xf32>
      %mul3A_362 = arith.constant 512 : i32
      %mul3A_363 = vector.broadcast %mul3A_362 : i32 to vector<16xi32>
      %mul3A_364 = arith.muli %convert_element_type3A_357, %mul3A_363 : vector<16xi32>
      %add3A_365 = arith.addi %mul3A_364, %convert_element_type3A_356 : vector<16xi32>
      %add3A_366 = arith.constant 0 : i32
      %add3A_367 = arith.addi %add3A_366, %mul3A_315 : i32
      %swap3A_368 = arith.index_cast %add3A_367 : i32 to index
      %swap3A_369 = tpu.vector_load %arg8[%swap3A_368] {strides = array<i32>} : memref<4096xi32, #tpu.memory_space<vmem>>, vector<16xi32>,
      tpu.vector_store %arg8[%swap3A_368], %add3A_365 {strides = array<i32>} : memref<4096xi32, #tpu.memory_space<vmem>>, vector<16xi32>,
      %sub3A_370 = arith.constant 1.000000e+00 : f32
      %sub3A_371 = vector.broadcast %sub3A_370 : f32 to vector<16xf32>
      %sub3A_372 = arith.subf %sub3A_371, %sub3A_359 : vector<16xf32>
      %sub3A_373 = arith.constant 1.000000e+00 : f32
      %sub3A_374 = vector.broadcast %sub3A_373 : f32 to vector<16xf32>
      %sub3A_375 = arith.subf %sub3A_374, %sub3A_361 : vector<16xf32>
      %mul3A_376 = arith.mulf %sub3A_372, %sub3A_375 : vector<16xf32>
      %add3A_377 = arith.constant 0 : i32
      %add3A_378 = arith.addi %add3A_377, %mul3A_315 : i32
      %swap3A_379 = arith.index_cast %add3A_378 : i32 to index
      %swap3A_380 = tpu.vector_load %arg9[%swap3A_379] {strides = array<i32>} : memref<16384xf32, #tpu.memory_space<vmem>>, vector<16xf32>,
      tpu.vector_store %arg9[%swap3A_379], %mul3A_376 {strides = array<i32>} : memref<16384xf32, #tpu.memory_space<vmem>>, vector<16xf32>,
      %mul3A_381 = arith.mulf %sub3A_359, %sub3A_375 : vector<16xf32>
      %add3A_382 = arith.constant 2048 : i32
      %add3A_383 = arith.addi %add3A_382, %mul3A_315 : i32
      %swap3A_384 = arith.index_cast %add3A_383 : i32 to index
      %swap3A_385 = tpu.vector_load %arg9[%swap3A_384] {strides = array<i32>} : memref<16384xf32, #tpu.memory_space<vmem>>, vector<16xf32>,
      tpu.vector_store %arg9[%swap3A_384], %mul3A_381 {strides = array<i32>} : memref<16384xf32, #tpu.memory_space<vmem>>, vector<16xf32>,
      %mul3A_386 = arith.mulf %sub3A_372, %sub3A_361 : vector<16xf32>
      %add3A_387 = arith.constant 4096 : i32
      %add3A_388 = arith.addi %add3A_387, %mul3A_315 : i32
      %swap3A_389 = arith.index_cast %add3A_388 : i32 to index
      %swap3A_390 = tpu.vector_load %arg9[%swap3A_389] {strides = array<i32>} : memref<16384xf32, #tpu.memory_space<vmem>>, vector<16xf32>,
      tpu.vector_store %arg9[%swap3A_389], %mul3A_386 {strides = array<i32>} : memref<16384xf32, #tpu.memory_space<vmem>>, vector<16xf32>,
      %mul3A_391 = arith.mulf %sub3A_359, %sub3A_361 : vector<16xf32>
      %add3A_392 = arith.constant 6144 : i32
      %add3A_393 = arith.addi %add3A_392, %mul3A_315 : i32
      %swap3A_394 = arith.index_cast %add3A_393 : i32 to index
      %swap3A_395 = tpu.vector_load %arg9[%swap3A_394] {strides = array<i32>} : memref<16384xf32, #tpu.memory_space<vmem>>, vector<16xf32>,
      tpu.vector_store %arg9[%swap3A_394], %mul3A_391 {strides = array<i32>} : memref<16384xf32, #tpu.memory_space<vmem>>, vector<16xf32>,
    }
    %scan3A_167 = arith.constant 64 : i32
    %dma_start3A = arith.constant 0 : i32
    %dma_start3A_168 = arith.constant 0 : i32
    %dma_start3A_169 = tpu.memref_slice %arg10[%dma_start3A, %dma_start3A_168] : memref<4096x16xf32, #tpu.memory_space<vmem>> -> memref<2048x16xf32, #tpu.memory_space<vmem>>
    %dma_start3A_170 = arith.constant 0 : i32
    %dma_start3A_171 = tpu.memref_slice %arg8[%dma_start3A_170] : memref<4096xi32, #tpu.memory_space<vmem>> -> memref<2048xi32, #tpu.memory_space<vmem>>
    %dma_start3A_172 = arith.constant 0 : i32
    %dma_start3A_173 = arith.constant 0 : i32
    %dma_start3A_174 = tpu.memref_slice %arg4[%dma_start3A_172, %dma_start3A_173] : memref<262144x16xf32, #tpu.memory_space<hbm>> -> memref<262144x16xf32, #tpu.memory_space<hbm>>
    tpu.enqueue_indirect_dma source(%dma_start3A_174 : memref<262144x16xf32, #tpu.memory_space<hbm>>) target(%dma_start3A_169 : memref<2048x16xf32, #tpu.memory_space<vmem>>) offsets(%dma_start3A_171 : memref<2048xi32, #tpu.memory_space<vmem>>) semaphore(%arg12 : memref<!tpu.dma_semaphore, #tpu.memory_space<semaphore_mem>>)
    %scan3A_175 = arith.constant 0 : i32
    %scan3A_176 = arith.constant 0 : i32
    %scan3A_177 = arith.constant 7 : i32
    %scan3A_178 = arith.addi %scan3A_176, %scan3A_177 : i32
    %scan3A_179 = arith.constant 1 : i32
    scf.for %scan3A_228 = %scan3A_176 to %scan3A_178 step %scan3A_179  : i32 {
      %mul3A_229 = arith.constant 2 : i32
      %mul3A_230 = arith.muli %scan3A_228, %mul3A_229 : i32
      %add3A_231 = arith.constant 1 : i32
      %add3A_232 = arith.addi %mul3A_230, %add3A_231 : i32
      %mul3A_233 = arith.constant 2048 : i32
      %mul3A_234 = arith.muli %add3A_232, %mul3A_233 : i32
      %add3A_235 = arith.addi %mul3A_2, %mul3A_234 : i32
      "tpu.region"() ({
        %run_scoped3A = tpu.sem_alloc : memref<!tpu.dma_semaphore, #tpu.memory_space<semaphore_mem>>
        %dma_start3A_305 = tpu.memref_slice %arg2[%add3A_235] : memref<1048576xf32, #tpu.memory_space<hbm>> -> memref<2048xf32, #tpu.memory_space<hbm>>
        %dma_start3A_306 = tpu.memref_slice %arg2[%add3A_235] : memref<1048576xf32, #tpu.memory_space<hbm>> -> memref<2048xf32, #tpu.memory_space<hbm>>
        tpu.enqueue_dma source(%dma_start3A_306 : memref<2048xf32, #tpu.memory_space<hbm>>) target(%arg6 : memref<2048xf32, #tpu.memory_space<vmem>>) target_semaphore(%run_scoped3A : memref<!tpu.dma_semaphore, #tpu.memory_space<semaphore_mem>>)
        %dma_wait3A_307 = tpu.memref_slice %arg2[%add3A_235] : memref<1048576xf32, #tpu.memory_space<hbm>> -> memref<2048xf32, #tpu.memory_space<hbm>>
        %dma_wait3A_308 = tpu.memref_slice %arg2[%add3A_235] : memref<1048576xf32, #tpu.memory_space<hbm>> -> memref<2048xf32, #tpu.memory_space<hbm>>
        tpu.wait_dma2 semaphore(%run_scoped3A : memref<!tpu.dma_semaphore, #tpu.memory_space<semaphore_mem>>) src(%dma_wait3A_308 : memref<2048xf32, #tpu.memory_space<hbm>>) dst(%arg6 : memref<2048xf32, #tpu.memory_space<vmem>>)
        tpu.yield
      }) : () -> ()
      "tpu.region"() ({
        %run_scoped3A = tpu.sem_alloc : memref<!tpu.dma_semaphore, #tpu.memory_space<semaphore_mem>>
        %dma_start3A_305 = tpu.memref_slice %arg3[%add3A_235] : memref<1048576xf32, #tpu.memory_space<hbm>> -> memref<2048xf32, #tpu.memory_space<hbm>>
        %dma_start3A_306 = tpu.memref_slice %arg3[%add3A_235] : memref<1048576xf32, #tpu.memory_space<hbm>> -> memref<2048xf32, #tpu.memory_space<hbm>>
        tpu.enqueue_dma source(%dma_start3A_306 : memref<2048xf32, #tpu.memory_space<hbm>>) target(%arg7 : memref<2048xf32, #tpu.memory_space<vmem>>) target_semaphore(%run_scoped3A : memref<!tpu.dma_semaphore, #tpu.memory_space<semaphore_mem>>)
        %dma_wait3A_307 = tpu.memref_slice %arg3[%add3A_235] : memref<1048576xf32, #tpu.memory_space<hbm>> -> memref<2048xf32, #tpu.memory_space<hbm>>
        %dma_wait3A_308 = tpu.memref_slice %arg3[%add3A_235] : memref<1048576xf32, #tpu.memory_space<hbm>> -> memref<2048xf32, #tpu.memory_space<hbm>>
        tpu.wait_dma2 semaphore(%run_scoped3A : memref<!tpu.dma_semaphore, #tpu.memory_space<semaphore_mem>>) src(%dma_wait3A_308 : memref<2048xf32, #tpu.memory_space<hbm>>) dst(%arg7 : memref<2048xf32, #tpu.memory_space<vmem>>)
        tpu.yield
      }) : () -> ()
      %scan3A_236 = arith.constant 0 : i32
      %scan3A_237 = arith.constant 0 : i32
      %scan3A_238 = arith.constant 64 : i32
      %scan3A_239 = arith.addi %scan3A_237, %scan3A_238 : i32
      %scan3A_240 = arith.constant 1 : i32
      scf.for %scan3A_305 = %scan3A_237 to %scan3A_239 step %scan3A_240  : i32 {
        %mul3A_306 = arith.constant 2 : i32
        %mul3A_307 = arith.muli %scan3A_305, %mul3A_306 : i32
        %add3A_308 = arith.constant 0 : i32
        %add3A_309 = arith.addi %mul3A_307, %add3A_308 : i32
        %mul3A_310 = arith.constant 16 : i32
        %mul3A_311 = arith.muli %add3A_309, %mul3A_310 : i32
        %get3A = arith.index_cast %mul3A_311 : i32 to index
        %get3A_312 = tpu.vector_load %arg6[%get3A] {strides = array<i32>} : memref<2048xf32, #tpu.memory_space<vmem>>, vector<16xf32>,
        %get3A_313 = arith.index_cast %mul3A_311 : i32 to index
        %get3A_314 = tpu.vector_load %arg7[%get3A_313] {strides = array<i32>} : memref<2048xf32, #tpu.memory_space<vmem>>, vector<16xf32>,
        %mul3A_315 = arith.constant 2.000000e+00 : f32
        %mul3A_316 = vector.broadcast %mul3A_315 : f32 to vector<16xf32>
        %mul3A_317 = arith.mulf %get3A_312, %mul3A_316 : vector<16xf32>
        %sub3A_318 = arith.constant 1.000000e+00 : f32
        %sub3A_319 = vector.broadcast %sub3A_318 : f32 to vector<16xf32>
        %sub3A_320 = arith.subf %mul3A_317, %sub3A_319 : vector<16xf32>
        %add3A_321 = arith.constant 1.000000e+00 : f32
        %add3A_322 = vector.broadcast %add3A_321 : f32 to vector<16xf32>
        %add3A_323 = arith.addf %sub3A_320, %add3A_322 : vector<16xf32>
        %mul3A_324 = arith.constant 2.555000e+02 : f32
        %mul3A_325 = vector.broadcast %mul3A_324 : f32 to vector<16xf32>
        %mul3A_326 = arith.mulf %add3A_323, %mul3A_325 : vector<16xf32>
        %mul3A_327 = arith.constant 2.000000e+00 : f32
        %mul3A_328 = vector.broadcast %mul3A_327 : f32 to vector<16xf32>
        %mul3A_329 = arith.mulf %get3A_314, %mul3A_328 : vector<16xf32>
        %sub3A_330 = arith.constant 1.000000e+00 : f32
        %sub3A_331 = vector.broadcast %sub3A_330 : f32 to vector<16xf32>
        %sub3A_332 = arith.subf %mul3A_329, %sub3A_331 : vector<16xf32>
        %add3A_333 = arith.constant 1.000000e+00 : f32
        %add3A_334 = vector.broadcast %add3A_333 : f32 to vector<16xf32>
        %add3A_335 = arith.addf %sub3A_332, %add3A_334 : vector<16xf32>
        %mul3A_336 = arith.constant 2.555000e+02 : f32
        %mul3A_337 = vector.broadcast %mul3A_336 : f32 to vector<16xf32>
        %mul3A_338 = arith.mulf %add3A_335, %mul3A_337 : vector<16xf32>
        %jit3A_339 = arith.constant 0.000000e+00 : f32
        %jit3A_340 = arith.constant 5.110000e+02 : f32
        %max3A = vector.broadcast %jit3A_339 : f32 to vector<16xf32>
        %max3A_341 = arith.maximumf %max3A, %mul3A_326 : vector<16xf32>
        %min3A = vector.broadcast %jit3A_340 : f32 to vector<16xf32>
        %min3A_342 = arith.minimumf %min3A, %max3A_341 : vector<16xf32>
        %jit3A_343 = arith.constant 0.000000e+00 : f32
        %jit3A_344 = arith.constant 5.110000e+02 : f32
        %max3A_345 = vector.broadcast %jit3A_343 : f32 to vector<16xf32>
        %max3A_346 = arith.maximumf %max3A_345, %mul3A_338 : vector<16xf32>
        %min3A_347 = vector.broadcast %jit3A_344 : f32 to vector<16xf32>
        %min3A_348 = arith.minimumf %min3A_347, %max3A_346 : vector<16xf32>
        %convert_element_type3A = arith.fptosi %min3A_342 : vector<16xf32> to vector<16xi32>
        %convert_element_type3A_349 = arith.fptosi %min3A_348 : vector<16xf32> to vector<16xi32>
        %convert_element_type3A_350 = arith.sitofp %convert_element_type3A : vector<16xi32> to vector<16xf32>
        %sub3A_351 = arith.subf %min3A_342, %convert_element_type3A_350 : vector<16xf32>
        %convert_element_type3A_352 = arith.sitofp %convert_element_type3A_349 : vector<16xi32> to vector<16xf32>
        %sub3A_353 = arith.subf %min3A_348, %convert_element_type3A_352 : vector<16xf32>
        %mul3A_354 = arith.constant 512 : i32
        %mul3A_355 = vector.broadcast %mul3A_354 : i32 to vector<16xi32>
        %mul3A_356 = arith.muli %convert_element_type3A_349, %mul3A_355 : vector<16xi32>
        %add3A_357 = arith.addi %mul3A_356, %convert_element_type3A : vector<16xi32>
        %add3A_358 = arith.constant 2048 : i32
        %add3A_359 = arith.addi %add3A_358, %mul3A_311 : i32
        %swap3A = arith.index_cast %add3A_359 : i32 to index
        %swap3A_360 = tpu.vector_load %arg8[%swap3A] {strides = array<i32>} : memref<4096xi32, #tpu.memory_space<vmem>>, vector<16xi32>,
        tpu.vector_store %arg8[%swap3A], %add3A_357 {strides = array<i32>} : memref<4096xi32, #tpu.memory_space<vmem>>, vector<16xi32>,
        %sub3A_361 = arith.constant 1.000000e+00 : f32
        %sub3A_362 = vector.broadcast %sub3A_361 : f32 to vector<16xf32>
        %sub3A_363 = arith.subf %sub3A_362, %sub3A_351 : vector<16xf32>
        %sub3A_364 = arith.constant 1.000000e+00 : f32
        %sub3A_365 = vector.broadcast %sub3A_364 : f32 to vector<16xf32>
        %sub3A_366 = arith.subf %sub3A_365, %sub3A_353 : vector<16xf32>
        %mul3A_367 = arith.mulf %sub3A_363, %sub3A_366 : vector<16xf32>
        %add3A_368 = arith.constant 8192 : i32
        %add3A_369 = arith.addi %add3A_368, %mul3A_311 : i32
        %swap3A_370 = arith.index_cast %add3A_369 : i32 to index
        %swap3A_371 = tpu.vector_load %arg9[%swap3A_370] {strides = array<i32>} : memref<16384xf32, #tpu.memory_space<vmem>>, vector<16xf32>,
        tpu.vector_store %arg9[%swap3A_370], %mul3A_367 {strides = array<i32>} : memref<16384xf32, #tpu.memory_space<vmem>>, vector<16xf32>,
        %mul3A_372 = arith.mulf %sub3A_351, %sub3A_366 : vector<16xf32>
        %add3A_373 = arith.constant 10240 : i32
        %add3A_374 = arith.addi %add3A_373, %mul3A_311 : i32
        %swap3A_375 = arith.index_cast %add3A_374 : i32 to index
        %swap3A_376 = tpu.vector_load %arg9[%swap3A_375] {strides = array<i32>} : memref<16384xf32, #tpu.memory_space<vmem>>, vector<16xf32>,
        tpu.vector_store %arg9[%swap3A_375], %mul3A_372 {strides = array<i32>} : memref<16384xf32, #tpu.memory_space<vmem>>, vector<16xf32>,
        %mul3A_377 = arith.mulf %sub3A_363, %sub3A_353 : vector<16xf32>
        %add3A_378 = arith.constant 12288 : i32
        %add3A_379 = arith.addi %add3A_378, %mul3A_311 : i32
        %swap3A_380 = arith.index_cast %add3A_379 : i32 to index
        %swap3A_381 = tpu.vector_load %arg9[%swap3A_380] {strides = array<i32>} : memref<16384xf32, #tpu.memory_space<vmem>>, vector<16xf32>,
        tpu.vector_store %arg9[%swap3A_380], %mul3A_377 {strides = array<i32>} : memref<16384xf32, #tpu.memory_space<vmem>>, vector<16xf32>,
        %mul3A_382 = arith.mulf %sub3A_351, %sub3A_353 : vector<16xf32>
        %add3A_383 = arith.constant 14336 : i32
        %add3A_384 = arith.addi %add3A_383, %mul3A_311 : i32
        %swap3A_385 = arith.index_cast %add3A_384 : i32 to index
        %swap3A_386 = tpu.vector_load %arg9[%swap3A_385] {strides = array<i32>} : memref<16384xf32, #tpu.memory_space<vmem>>, vector<16xf32>,
        tpu.vector_store %arg9[%swap3A_385], %mul3A_382 {strides = array<i32>} : memref<16384xf32, #tpu.memory_space<vmem>>, vector<16xf32>,
        %mul3A_387 = arith.constant 2 : i32
        %mul3A_388 = arith.muli %scan3A_305, %mul3A_387 : i32
        %add3A_389 = arith.constant 1 : i32
        %add3A_390 = arith.addi %mul3A_388, %add3A_389 : i32
        %mul3A_391 = arith.constant 16 : i32
        %mul3A_392 = arith.muli %add3A_390, %mul3A_391 : i32
        %get3A_393 = arith.index_cast %mul3A_392 : i32 to index
        %get3A_394 = tpu.vector_load %arg6[%get3A_393] {strides = array<i32>} : memref<2048xf32, #tpu.memory_space<vmem>>, vector<16xf32>,
        %get3A_395 = arith.index_cast %mul3A_392 : i32 to index
        %get3A_396 = tpu.vector_load %arg7[%get3A_395] {strides = array<i32>} : memref<2048xf32, #tpu.memory_space<vmem>>, vector<16xf32>,
        %mul3A_397 = arith.constant 2.000000e+00 : f32
        %mul3A_398 = vector.broadcast %mul3A_397 : f32 to vector<16xf32>
        %mul3A_399 = arith.mulf %get3A_394, %mul3A_398 : vector<16xf32>
        %sub3A_400 = arith.constant 1.000000e+00 : f32
        %sub3A_401 = vector.broadcast %sub3A_400 : f32 to vector<16xf32>
        %sub3A_402 = arith.subf %mul3A_399, %sub3A_401 : vector<16xf32>
        %add3A_403 = arith.constant 1.000000e+00 : f32
        %add3A_404 = vector.broadcast %add3A_403 : f32 to vector<16xf32>
        %add3A_405 = arith.addf %sub3A_402, %add3A_404 : vector<16xf32>
        %mul3A_406 = arith.constant 2.555000e+02 : f32
        %mul3A_407 = vector.broadcast %mul3A_406 : f32 to vector<16xf32>
        %mul3A_408 = arith.mulf %add3A_405, %mul3A_407 : vector<16xf32>
        %mul3A_409 = arith.constant 2.000000e+00 : f32
        %mul3A_410 = vector.broadcast %mul3A_409 : f32 to vector<16xf32>
        %mul3A_411 = arith.mulf %get3A_396, %mul3A_410 : vector<16xf32>
        %sub3A_412 = arith.constant 1.000000e+00 : f32
        %sub3A_413 = vector.broadcast %sub3A_412 : f32 to vector<16xf32>
        %sub3A_414 = arith.subf %mul3A_411, %sub3A_413 : vector<16xf32>
        %add3A_415 = arith.constant 1.000000e+00 : f32
        %add3A_416 = vector.broadcast %add3A_415 : f32 to vector<16xf32>
        %add3A_417 = arith.addf %sub3A_414, %add3A_416 : vector<16xf32>
        %mul3A_418 = arith.constant 2.555000e+02 : f32
        %mul3A_419 = vector.broadcast %mul3A_418 : f32 to vector<16xf32>
        %mul3A_420 = arith.mulf %add3A_417, %mul3A_419 : vector<16xf32>
        %jit3A_421 = arith.constant 0.000000e+00 : f32
        %jit3A_422 = arith.constant 5.110000e+02 : f32
        %max3A_423 = vector.broadcast %jit3A_421 : f32 to vector<16xf32>
        %max3A_424 = arith.maximumf %max3A_423, %mul3A_408 : vector<16xf32>
        %min3A_425 = vector.broadcast %jit3A_422 : f32 to vector<16xf32>
        %min3A_426 = arith.minimumf %min3A_425, %max3A_424 : vector<16xf32>
        %jit3A_427 = arith.constant 0.000000e+00 : f32
        %jit3A_428 = arith.constant 5.110000e+02 : f32
        %max3A_429 = vector.broadcast %jit3A_427 : f32 to vector<16xf32>
        %max3A_430 = arith.maximumf %max3A_429, %mul3A_420 : vector<16xf32>
        %min3A_431 = vector.broadcast %jit3A_428 : f32 to vector<16xf32>
        %min3A_432 = arith.minimumf %min3A_431, %max3A_430 : vector<16xf32>
        %convert_element_type3A_433 = arith.fptosi %min3A_426 : vector<16xf32> to vector<16xi32>
        %convert_element_type3A_434 = arith.fptosi %min3A_432 : vector<16xf32> to vector<16xi32>
        %convert_element_type3A_435 = arith.sitofp %convert_element_type3A_433 : vector<16xi32> to vector<16xf32>
        %sub3A_436 = arith.subf %min3A_426, %convert_element_type3A_435 : vector<16xf32>
        %convert_element_type3A_437 = arith.sitofp %convert_element_type3A_434 : vector<16xi32> to vector<16xf32>
        %sub3A_438 = arith.subf %min3A_432, %convert_element_type3A_437 : vector<16xf32>
        %mul3A_439 = arith.constant 512 : i32
        %mul3A_440 = vector.broadcast %mul3A_439 : i32 to vector<16xi32>
        %mul3A_441 = arith.muli %convert_element_type3A_434, %mul3A_440 : vector<16xi32>
        %add3A_442 = arith.addi %mul3A_441, %convert_element_type3A_433 : vector<16xi32>
        %add3A_443 = arith.constant 2048 : i32
        %add3A_444 = arith.addi %add3A_443, %mul3A_392 : i32
        %swap3A_445 = arith.index_cast %add3A_444 : i32 to index
        %swap3A_446 = tpu.vector_load %arg8[%swap3A_445] {strides = array<i32>} : memref<4096xi32, #tpu.memory_space<vmem>>, vector<16xi32>,
        tpu.vector_store %arg8[%swap3A_445], %add3A_442 {strides = array<i32>} : memref<4096xi32, #tpu.memory_space<vmem>>, vector<16xi32>,
        %sub3A_447 = arith.constant 1.000000e+00 : f32
        %sub3A_448 = vector.broadcast %sub3A_447 : f32 to vector<16xf32>
        %sub3A_449 = arith.subf %sub3A_448, %sub3A_436 : vector<16xf32>
        %sub3A_450 = arith.constant 1.000000e+00 : f32
        %sub3A_451 = vector.broadcast %sub3A_450 : f32 to vector<16xf32>
        %sub3A_452 = arith.subf %sub3A_451, %sub3A_438 : vector<16xf32>
        %mul3A_453 = arith.mulf %sub3A_449, %sub3A_452 : vector<16xf32>
        %add3A_454 = arith.constant 8192 : i32
        %add3A_455 = arith.addi %add3A_454, %mul3A_392 : i32
        %swap3A_456 = arith.index_cast %add3A_455 : i32 to index
        %swap3A_457 = tpu.vector_load %arg9[%swap3A_456] {strides = array<i32>} : memref<16384xf32, #tpu.memory_space<vmem>>, vector<16xf32>,
        tpu.vector_store %arg9[%swap3A_456], %mul3A_453 {strides = array<i32>} : memref<16384xf32, #tpu.memory_space<vmem>>, vector<16xf32>,
        %mul3A_458 = arith.mulf %sub3A_436, %sub3A_452 : vector<16xf32>
        %add3A_459 = arith.constant 10240 : i32
        %add3A_460 = arith.addi %add3A_459, %mul3A_392 : i32
        %swap3A_461 = arith.index_cast %add3A_460 : i32 to index
        %swap3A_462 = tpu.vector_load %arg9[%swap3A_461] {strides = array<i32>} : memref<16384xf32, #tpu.memory_space<vmem>>, vector<16xf32>,
        tpu.vector_store %arg9[%swap3A_461], %mul3A_458 {strides = array<i32>} : memref<16384xf32, #tpu.memory_space<vmem>>, vector<16xf32>,
        %mul3A_463 = arith.mulf %sub3A_449, %sub3A_438 : vector<16xf32>
        %add3A_464 = arith.constant 12288 : i32
        %add3A_465 = arith.addi %add3A_464, %mul3A_392 : i32
        %swap3A_466 = arith.index_cast %add3A_465 : i32 to index
        %swap3A_467 = tpu.vector_load %arg9[%swap3A_466] {strides = array<i32>} : memref<16384xf32, #tpu.memory_space<vmem>>, vector<16xf32>,
        tpu.vector_store %arg9[%swap3A_466], %mul3A_463 {strides = array<i32>} : memref<16384xf32, #tpu.memory_space<vmem>>, vector<16xf32>,
        %mul3A_468 = arith.mulf %sub3A_436, %sub3A_438 : vector<16xf32>
        %add3A_469 = arith.constant 14336 : i32
        %add3A_470 = arith.addi %add3A_469, %mul3A_392 : i32
        %swap3A_471 = arith.index_cast %add3A_470 : i32 to index
        %swap3A_472 = tpu.vector_load %arg9[%swap3A_471] {strides = array<i32>} : memref<16384xf32, #tpu.memory_space<vmem>>, vector<16xf32>,
        tpu.vector_store %arg9[%swap3A_471], %mul3A_468 {strides = array<i32>} : memref<16384xf32, #tpu.memory_space<vmem>>, vector<16xf32>,
      }
      %scan3A_241 = arith.constant 64 : i32
      %dma_start3A_242 = arith.constant 2048 : i32
      %dma_start3A_243 = arith.constant 0 : i32
      %dma_start3A_244 = tpu.memref_slice %arg10[%dma_start3A_242, %dma_start3A_243] : memref<4096x16xf32, #tpu.memory_space<vmem>> -> memref<2048x16xf32, #tpu.memory_space<vmem>>
      %dma_start3A_245 = arith.constant 2048 : i32
      %dma_start3A_246 = tpu.memref_slice %arg8[%dma_start3A_245] : memref<4096xi32, #tpu.memory_space<vmem>> -> memref<2048xi32, #tpu.memory_space<vmem>>
      %dma_start3A_247 = arith.constant 0 : i32
      %dma_start3A_248 = arith.constant 0 : i32
      %dma_start3A_249 = tpu.memref_slice %arg4[%dma_start3A_247, %dma_start3A_248] : memref<262144x16xf32, #tpu.memory_space<hbm>> -> memref<262144x16xf32, #tpu.memory_space<hbm>>
      tpu.enqueue_indirect_dma source(%dma_start3A_249 : memref<262144x16xf32, #tpu.memory_space<hbm>>) target(%dma_start3A_244 : memref<2048x16xf32, #tpu.memory_space<vmem>>) offsets(%dma_start3A_246 : memref<2048xi32, #tpu.memory_space<vmem>>) semaphore(%arg12 : memref<!tpu.dma_semaphore, #tpu.memory_space<semaphore_mem>>)
      %dma_wait3A_250 = arith.constant 0 : i32
      %dma_wait3A_251 = arith.constant 0 : i32
      %dma_wait3A_252 = tpu.memref_slice %arg10[%dma_wait3A_250, %dma_wait3A_251] : memref<4096x16xf32, #tpu.memory_space<vmem>> -> memref<2048x16xf32, #tpu.memory_space<vmem>>
      %dma_wait3A_253 = arith.constant 0 : i32
      %dma_wait3A_254 = tpu.memref_slice %arg8[%dma_wait3A_253] : memref<4096xi32, #tpu.memory_space<vmem>> -> memref<2048xi32, #tpu.memory_space<vmem>>
      %dma_wait3A_255 = arith.constant 0 : i32
      %dma_wait3A_256 = arith.constant 0 : i32
      %dma_wait3A_257 = tpu.memref_slice %arg4[%dma_wait3A_255, %dma_wait3A_256] : memref<262144x16xf32, #tpu.memory_space<hbm>> -> memref<262144x16xf32, #tpu.memory_space<hbm>>
      tpu.wait_indirect_dma semaphore(%arg12 : memref<!tpu.dma_semaphore, #tpu.memory_space<semaphore_mem>>) src(%dma_wait3A_257 : memref<262144x16xf32, #tpu.memory_space<hbm>>) dst(%dma_wait3A_252 : memref<2048x16xf32, #tpu.memory_space<vmem>>)
      %mul3A_258 = arith.constant 2048 : i32
      %mul3A_259 = arith.muli %mul3A_230, %mul3A_258 : i32
      %add3A_260 = arith.addi %mul3A_2, %mul3A_259 : i32
      %scan3A_261 = arith.constant 0 : i32
      %scan3A_262 = arith.constant 0 : i32
      %scan3A_263 = arith.constant 64 : i32
      %scan3A_264 = arith.addi %scan3A_262, %scan3A_263 : i32
      %scan3A_265 = arith.constant 1 : i32
      scf.for %scan3A_305 = %scan3A_262 to %scan3A_264 step %scan3A_265  : i32 {
        %mul3A_306 = arith.constant 2 : i32
        %mul3A_307 = arith.muli %scan3A_305, %mul3A_306 : i32
        %add3A_308 = arith.constant 0 : i32
        %add3A_309 = arith.addi %mul3A_307, %add3A_308 : i32
        %mul3A_310 = arith.constant 16 : i32
        %mul3A_311 = arith.muli %add3A_309, %mul3A_310 : i32
        %add3A_312 = vector.broadcast %mul3A_311 : i32 to vector<16xi32>
        %add3A_313 = arith.addi %select_n3A, %add3A_312 : vector<16xi32>
        %add3A_314 = arith.constant 0 : i32
        %add3A_315 = vector.broadcast %add3A_314 : i32 to vector<16xi32>
        %add3A_316 = arith.addi %add3A_313, %add3A_315 : vector<16xi32>
        %gather3A = tpu.vector_load_idx %arg9[%add3A_316] : memref<16384xf32, #tpu.memory_space<vmem>>[vector<16xi32>], vector<16xf32>,
        %add3A_317 = arith.constant 0 : i32
        %add3A_318 = vector.broadcast %add3A_317 : i32 to vector<16xi32>
        %add3A_319 = arith.addi %add3A_313, %add3A_318 : vector<16xi32>
        %add3A_320 = arith.constant 0 : i32
        %add3A_321 = vector.broadcast %add3A_320 : i32 to vector<16xi32>
        %add3A_322 = arith.addi %select_n3A_48, %add3A_321 : vector<16xi32>
        %gather3A_323 = tpu.vector_load_idx %arg10[%add3A_319, %add3A_322] : memref<4096x16xf32, #tpu.memory_space<vmem>>[vector<16xi32>, vector<16xi32>], vector<16xf32>,
        %mul3A_324 = arith.mulf %gather3A, %gather3A_323 : vector<16xf32>
        %add3A_325 = arith.constant 2048 : i32
        %add3A_326 = vector.broadcast %add3A_325 : i32 to vector<16xi32>
        %add3A_327 = arith.addi %add3A_313, %add3A_326 : vector<16xi32>
        %gather3A_328 = tpu.vector_load_idx %arg9[%add3A_327] : memref<16384xf32, #tpu.memory_space<vmem>>[vector<16xi32>], vector<16xf32>,
        %add3A_329 = arith.constant 0 : i32
        %add3A_330 = vector.broadcast %add3A_329 : i32 to vector<16xi32>
        %add3A_331 = arith.addi %add3A_313, %add3A_330 : vector<16xi32>
        %add3A_332 = arith.constant 4 : i32
        %add3A_333 = vector.broadcast %add3A_332 : i32 to vector<16xi32>
        %add3A_334 = arith.addi %select_n3A_48, %add3A_333 : vector<16xi32>
        %gather3A_335 = tpu.vector_load_idx %arg10[%add3A_331, %add3A_334] : memref<4096x16xf32, #tpu.memory_space<vmem>>[vector<16xi32>, vector<16xi32>], vector<16xf32>,
        %mul3A_336 = arith.mulf %gather3A_328, %gather3A_335 : vector<16xf32>
        %add3A_337 = arith.addf %mul3A_324, %mul3A_336 : vector<16xf32>
        %add3A_338 = arith.constant 4096 : i32
        %add3A_339 = vector.broadcast %add3A_338 : i32 to vector<16xi32>
        %add3A_340 = arith.addi %add3A_313, %add3A_339 : vector<16xi32>
        %gather3A_341 = tpu.vector_load_idx %arg9[%add3A_340] : memref<16384xf32, #tpu.memory_space<vmem>>[vector<16xi32>], vector<16xf32>,
        %add3A_342 = arith.constant 0 : i32
        %add3A_343 = vector.broadcast %add3A_342 : i32 to vector<16xi32>
        %add3A_344 = arith.addi %add3A_313, %add3A_343 : vector<16xi32>
        %add3A_345 = arith.constant 8 : i32
        %add3A_346 = vector.broadcast %add3A_345 : i32 to vector<16xi32>
        %add3A_347 = arith.addi %select_n3A_48, %add3A_346 : vector<16xi32>
        %gather3A_348 = tpu.vector_load_idx %arg10[%add3A_344, %add3A_347] : memref<4096x16xf32, #tpu.memory_space<vmem>>[vector<16xi32>, vector<16xi32>], vector<16xf32>,
        %mul3A_349 = arith.mulf %gather3A_341, %gather3A_348 : vector<16xf32>
        %add3A_350 = arith.addf %add3A_337, %mul3A_349 : vector<16xf32>
        %add3A_351 = arith.constant 6144 : i32
        %add3A_352 = vector.broadcast %add3A_351 : i32 to vector<16xi32>
        %add3A_353 = arith.addi %add3A_313, %add3A_352 : vector<16xi32>
        %gather3A_354 = tpu.vector_load_idx %arg9[%add3A_353] : memref<16384xf32, #tpu.memory_space<vmem>>[vector<16xi32>], vector<16xf32>,
        %add3A_355 = arith.constant 0 : i32
        %add3A_356 = vector.broadcast %add3A_355 : i32 to vector<16xi32>
        %add3A_357 = arith.addi %add3A_313, %add3A_356 : vector<16xi32>
        %add3A_358 = arith.constant 12 : i32
        %add3A_359 = vector.broadcast %add3A_358 : i32 to vector<16xi32>
        %add3A_360 = arith.addi %select_n3A_48, %add3A_359 : vector<16xi32>
        %gather3A_361 = tpu.vector_load_idx %arg10[%add3A_357, %add3A_360] : memref<4096x16xf32, #tpu.memory_space<vmem>>[vector<16xi32>, vector<16xi32>], vector<16xf32>,
        %mul3A_362 = arith.mulf %gather3A_354, %gather3A_361 : vector<16xf32>
        %add3A_363 = arith.addf %add3A_350, %mul3A_362 : vector<16xf32>
        tpu.vector_store_idx %arg11[%add3A_313, %select_n3A_48], %add3A_363 : memref<2048x3xf32, #tpu.memory_space<vmem>>[vector<16xi32>, vector<16xi32>], vector<16xf32>,
        %add3A_364 = vector.broadcast %mul3A_311 : i32 to vector<16xi32>
        %add3A_365 = arith.addi %select_n3A_82, %add3A_364 : vector<16xi32>
        %add3A_366 = arith.constant 0 : i32
        %add3A_367 = vector.broadcast %add3A_366 : i32 to vector<16xi32>
        %add3A_368 = arith.addi %add3A_365, %add3A_367 : vector<16xi32>
        %gather3A_369 = tpu.vector_load_idx %arg9[%add3A_368] : memref<16384xf32, #tpu.memory_space<vmem>>[vector<16xi32>], vector<16xf32>,
        %add3A_370 = arith.constant 0 : i32
        %add3A_371 = vector.broadcast %add3A_370 : i32 to vector<16xi32>
        %add3A_372 = arith.addi %add3A_365, %add3A_371 : vector<16xi32>
        %add3A_373 = arith.constant 0 : i32
        %add3A_374 = vector.broadcast %add3A_373 : i32 to vector<16xi32>
        %add3A_375 = arith.addi %select_n3A_104, %add3A_374 : vector<16xi32>
        %gather3A_376 = tpu.vector_load_idx %arg10[%add3A_372, %add3A_375] : memref<4096x16xf32, #tpu.memory_space<vmem>>[vector<16xi32>, vector<16xi32>], vector<16xf32>,
        %mul3A_377 = arith.mulf %gather3A_369, %gather3A_376 : vector<16xf32>
        %add3A_378 = arith.constant 2048 : i32
        %add3A_379 = vector.broadcast %add3A_378 : i32 to vector<16xi32>
        %add3A_380 = arith.addi %add3A_365, %add3A_379 : vector<16xi32>
        %gather3A_381 = tpu.vector_load_idx %arg9[%add3A_380] : memref<16384xf32, #tpu.memory_space<vmem>>[vector<16xi32>], vector<16xf32>,
        %add3A_382 = arith.constant 0 : i32
        %add3A_383 = vector.broadcast %add3A_382 : i32 to vector<16xi32>
        %add3A_384 = arith.addi %add3A_365, %add3A_383 : vector<16xi32>
        %add3A_385 = arith.constant 4 : i32
        %add3A_386 = vector.broadcast %add3A_385 : i32 to vector<16xi32>
        %add3A_387 = arith.addi %select_n3A_104, %add3A_386 : vector<16xi32>
        %gather3A_388 = tpu.vector_load_idx %arg10[%add3A_384, %add3A_387] : memref<4096x16xf32, #tpu.memory_space<vmem>>[vector<16xi32>, vector<16xi32>], vector<16xf32>,
        %mul3A_389 = arith.mulf %gather3A_381, %gather3A_388 : vector<16xf32>
        %add3A_390 = arith.addf %mul3A_377, %mul3A_389 : vector<16xf32>
        %add3A_391 = arith.constant 4096 : i32
        %add3A_392 = vector.broadcast %add3A_391 : i32 to vector<16xi32>
        %add3A_393 = arith.addi %add3A_365, %add3A_392 : vector<16xi32>
        %gather3A_394 = tpu.vector_load_idx %arg9[%add3A_393] : memref<16384xf32, #tpu.memory_space<vmem>>[vector<16xi32>], vector<16xf32>,
        %add3A_395 = arith.constant 0 : i32
        %add3A_396 = vector.broadcast %add3A_395 : i32 to vector<16xi32>
        %add3A_397 = arith.addi %add3A_365, %add3A_396 : vector<16xi32>
        %add3A_398 = arith.constant 8 : i32
        %add3A_399 = vector.broadcast %add3A_398 : i32 to vector<16xi32>
        %add3A_400 = arith.addi %select_n3A_104, %add3A_399 : vector<16xi32>
        %gather3A_401 = tpu.vector_load_idx %arg10[%add3A_397, %add3A_400] : memref<4096x16xf32, #tpu.memory_space<vmem>>[vector<16xi32>, vector<16xi32>], vector<16xf32>,
        %mul3A_402 = arith.mulf %gather3A_394, %gather3A_401 : vector<16xf32>
        %add3A_403 = arith.addf %add3A_390, %mul3A_402 : vector<16xf32>
        %add3A_404 = arith.constant 6144 : i32
        %add3A_405 = vector.broadcast %add3A_404 : i32 to vector<16xi32>
        %add3A_406 = arith.addi %add3A_365, %add3A_405 : vector<16xi32>
        %gather3A_407 = tpu.vector_load_idx %arg9[%add3A_406] : memref<16384xf32, #tpu.memory_space<vmem>>[vector<16xi32>], vector<16xf32>,
        %add3A_408 = arith.constant 0 : i32
        %add3A_409 = vector.broadcast %add3A_408 : i32 to vector<16xi32>
        %add3A_410 = arith.addi %add3A_365, %add3A_409 : vector<16xi32>
        %add3A_411 = arith.constant 12 : i32
        %add3A_412 = vector.broadcast %add3A_411 : i32 to vector<16xi32>
        %add3A_413 = arith.addi %select_n3A_104, %add3A_412 : vector<16xi32>
        %gather3A_414 = tpu.vector_load_idx %arg10[%add3A_410, %add3A_413] : memref<4096x16xf32, #tpu.memory_space<vmem>>[vector<16xi32>, vector<16xi32>], vector<16xf32>,
        %mul3A_415 = arith.mulf %gather3A_407, %gather3A_414 : vector<16xf32>
        %add3A_416 = arith.addf %add3A_403, %mul3A_415 : vector<16xf32>
        tpu.vector_store_idx %arg11[%add3A_365, %select_n3A_104], %add3A_416 : memref<2048x3xf32, #tpu.memory_space<vmem>>[vector<16xi32>, vector<16xi32>], vector<16xf32>,
        %add3A_417 = vector.broadcast %mul3A_311 : i32 to vector<16xi32>
        %add3A_418 = arith.addi %select_n3A_138, %add3A_417 : vector<16xi32>
        %add3A_419 = arith.constant 0 : i32
        %add3A_420 = vector.broadcast %add3A_419 : i32 to vector<16xi32>
        %add3A_421 = arith.addi %add3A_418, %add3A_420 : vector<16xi32>
        %gather3A_422 = tpu.vector_load_idx %arg9[%add3A_421] : memref<16384xf32, #tpu.memory_space<vmem>>[vector<16xi32>], vector<16xf32>,
        %add3A_423 = arith.constant 0 : i32
        %add3A_424 = vector.broadcast %add3A_423 : i32 to vector<16xi32>
        %add3A_425 = arith.addi %add3A_418, %add3A_424 : vector<16xi32>
        %add3A_426 = arith.constant 0 : i32
        %add3A_427 = vector.broadcast %add3A_426 : i32 to vector<16xi32>
        %add3A_428 = arith.addi %select_n3A_160, %add3A_427 : vector<16xi32>
        %gather3A_429 = tpu.vector_load_idx %arg10[%add3A_425, %add3A_428] : memref<4096x16xf32, #tpu.memory_space<vmem>>[vector<16xi32>, vector<16xi32>], vector<16xf32>,
        %mul3A_430 = arith.mulf %gather3A_422, %gather3A_429 : vector<16xf32>
        %add3A_431 = arith.constant 2048 : i32
        %add3A_432 = vector.broadcast %add3A_431 : i32 to vector<16xi32>
        %add3A_433 = arith.addi %add3A_418, %add3A_432 : vector<16xi32>
        %gather3A_434 = tpu.vector_load_idx %arg9[%add3A_433] : memref<16384xf32, #tpu.memory_space<vmem>>[vector<16xi32>], vector<16xf32>,
        %add3A_435 = arith.constant 0 : i32
        %add3A_436 = vector.broadcast %add3A_435 : i32 to vector<16xi32>
        %add3A_437 = arith.addi %add3A_418, %add3A_436 : vector<16xi32>
        %add3A_438 = arith.constant 4 : i32
        %add3A_439 = vector.broadcast %add3A_438 : i32 to vector<16xi32>
        %add3A_440 = arith.addi %select_n3A_160, %add3A_439 : vector<16xi32>
        %gather3A_441 = tpu.vector_load_idx %arg10[%add3A_437, %add3A_440] : memref<4096x16xf32, #tpu.memory_space<vmem>>[vector<16xi32>, vector<16xi32>], vector<16xf32>,
        %mul3A_442 = arith.mulf %gather3A_434, %gather3A_441 : vector<16xf32>
        %add3A_443 = arith.addf %mul3A_430, %mul3A_442 : vector<16xf32>
        %add3A_444 = arith.constant 4096 : i32
        %add3A_445 = vector.broadcast %add3A_444 : i32 to vector<16xi32>
        %add3A_446 = arith.addi %add3A_418, %add3A_445 : vector<16xi32>
        %gather3A_447 = tpu.vector_load_idx %arg9[%add3A_446] : memref<16384xf32, #tpu.memory_space<vmem>>[vector<16xi32>], vector<16xf32>,
        %add3A_448 = arith.constant 0 : i32
        %add3A_449 = vector.broadcast %add3A_448 : i32 to vector<16xi32>
        %add3A_450 = arith.addi %add3A_418, %add3A_449 : vector<16xi32>
        %add3A_451 = arith.constant 8 : i32
        %add3A_452 = vector.broadcast %add3A_451 : i32 to vector<16xi32>
        %add3A_453 = arith.addi %select_n3A_160, %add3A_452 : vector<16xi32>
        %gather3A_454 = tpu.vector_load_idx %arg10[%add3A_450, %add3A_453] : memref<4096x16xf32, #tpu.memory_space<vmem>>[vector<16xi32>, vector<16xi32>], vector<16xf32>,
        %mul3A_455 = arith.mulf %gather3A_447, %gather3A_454 : vector<16xf32>
        %add3A_456 = arith.addf %add3A_443, %mul3A_455 : vector<16xf32>
        %add3A_457 = arith.constant 6144 : i32
        %add3A_458 = vector.broadcast %add3A_457 : i32 to vector<16xi32>
        %add3A_459 = arith.addi %add3A_418, %add3A_458 : vector<16xi32>
        %gather3A_460 = tpu.vector_load_idx %arg9[%add3A_459] : memref<16384xf32, #tpu.memory_space<vmem>>[vector<16xi32>], vector<16xf32>,
        %add3A_461 = arith.constant 0 : i32
        %add3A_462 = vector.broadcast %add3A_461 : i32 to vector<16xi32>
        %add3A_463 = arith.addi %add3A_418, %add3A_462 : vector<16xi32>
        %add3A_464 = arith.constant 12 : i32
        %add3A_465 = vector.broadcast %add3A_464 : i32 to vector<16xi32>
        %add3A_466 = arith.addi %select_n3A_160, %add3A_465 : vector<16xi32>
        %gather3A_467 = tpu.vector_load_idx %arg10[%add3A_463, %add3A_466] : memref<4096x16xf32, #tpu.memory_space<vmem>>[vector<16xi32>, vector<16xi32>], vector<16xf32>,
        %mul3A_468 = arith.mulf %gather3A_460, %gather3A_467 : vector<16xf32>
        %add3A_469 = arith.addf %add3A_456, %mul3A_468 : vector<16xf32>
        tpu.vector_store_idx %arg11[%add3A_418, %select_n3A_160], %add3A_469 : memref<2048x3xf32, #tpu.memory_space<vmem>>[vector<16xi32>, vector<16xi32>], vector<16xf32>,
        %mul3A_470 = arith.constant 2 : i32
        %mul3A_471 = arith.muli %scan3A_305, %mul3A_470 : i32
        %add3A_472 = arith.constant 1 : i32
        %add3A_473 = arith.addi %mul3A_471, %add3A_472 : i32
        %mul3A_474 = arith.constant 16 : i32
        %mul3A_475 = arith.muli %add3A_473, %mul3A_474 : i32
        %add3A_476 = vector.broadcast %mul3A_475 : i32 to vector<16xi32>
        %add3A_477 = arith.addi %select_n3A, %add3A_476 : vector<16xi32>
        %add3A_478 = arith.constant 0 : i32
        %add3A_479 = vector.broadcast %add3A_478 : i32 to vector<16xi32>
        %add3A_480 = arith.addi %add3A_477, %add3A_479 : vector<16xi32>
        %gather3A_481 = tpu.vector_load_idx %arg9[%add3A_480] : memref<16384xf32, #tpu.memory_space<vmem>>[vector<16xi32>], vector<16xf32>,
        %add3A_482 = arith.constant 0 : i32
        %add3A_483 = vector.broadcast %add3A_482 : i32 to vector<16xi32>
        %add3A_484 = arith.addi %add3A_477, %add3A_483 : vector<16xi32>
        %add3A_485 = arith.constant 0 : i32
        %add3A_486 = vector.broadcast %add3A_485 : i32 to vector<16xi32>
        %add3A_487 = arith.addi %select_n3A_48, %add3A_486 : vector<16xi32>
        %gather3A_488 = tpu.vector_load_idx %arg10[%add3A_484, %add3A_487] : memref<4096x16xf32, #tpu.memory_space<vmem>>[vector<16xi32>, vector<16xi32>], vector<16xf32>,
        %mul3A_489 = arith.mulf %gather3A_481, %gather3A_488 : vector<16xf32>
        %add3A_490 = arith.constant 2048 : i32
        %add3A_491 = vector.broadcast %add3A_490 : i32 to vector<16xi32>
        %add3A_492 = arith.addi %add3A_477, %add3A_491 : vector<16xi32>
        %gather3A_493 = tpu.vector_load_idx %arg9[%add3A_492] : memref<16384xf32, #tpu.memory_space<vmem>>[vector<16xi32>], vector<16xf32>,
        %add3A_494 = arith.constant 0 : i32
        %add3A_495 = vector.broadcast %add3A_494 : i32 to vector<16xi32>
        %add3A_496 = arith.addi %add3A_477, %add3A_495 : vector<16xi32>
        %add3A_497 = arith.constant 4 : i32
        %add3A_498 = vector.broadcast %add3A_497 : i32 to vector<16xi32>
        %add3A_499 = arith.addi %select_n3A_48, %add3A_498 : vector<16xi32>
        %gather3A_500 = tpu.vector_load_idx %arg10[%add3A_496, %add3A_499] : memref<4096x16xf32, #tpu.memory_space<vmem>>[vector<16xi32>, vector<16xi32>], vector<16xf32>,
        %mul3A_501 = arith.mulf %gather3A_493, %gather3A_500 : vector<16xf32>
        %add3A_502 = arith.addf %mul3A_489, %mul3A_501 : vector<16xf32>
        %add3A_503 = arith.constant 4096 : i32
        %add3A_504 = vector.broadcast %add3A_503 : i32 to vector<16xi32>
        %add3A_505 = arith.addi %add3A_477, %add3A_504 : vector<16xi32>
        %gather3A_506 = tpu.vector_load_idx %arg9[%add3A_505] : memref<16384xf32, #tpu.memory_space<vmem>>[vector<16xi32>], vector<16xf32>,
        %add3A_507 = arith.constant 0 : i32
        %add3A_508 = vector.broadcast %add3A_507 : i32 to vector<16xi32>
        %add3A_509 = arith.addi %add3A_477, %add3A_508 : vector<16xi32>
        %add3A_510 = arith.constant 8 : i32
        %add3A_511 = vector.broadcast %add3A_510 : i32 to vector<16xi32>
        %add3A_512 = arith.addi %select_n3A_48, %add3A_511 : vector<16xi32>
        %gather3A_513 = tpu.vector_load_idx %arg10[%add3A_509, %add3A_512] : memref<4096x16xf32, #tpu.memory_space<vmem>>[vector<16xi32>, vector<16xi32>], vector<16xf32>,
        %mul3A_514 = arith.mulf %gather3A_506, %gather3A_513 : vector<16xf32>
        %add3A_515 = arith.addf %add3A_502, %mul3A_514 : vector<16xf32>
        %add3A_516 = arith.constant 6144 : i32
        %add3A_517 = vector.broadcast %add3A_516 : i32 to vector<16xi32>
        %add3A_518 = arith.addi %add3A_477, %add3A_517 : vector<16xi32>
        %gather3A_519 = tpu.vector_load_idx %arg9[%add3A_518] : memref<16384xf32, #tpu.memory_space<vmem>>[vector<16xi32>], vector<16xf32>,
        %add3A_520 = arith.constant 0 : i32
        %add3A_521 = vector.broadcast %add3A_520 : i32 to vector<16xi32>
        %add3A_522 = arith.addi %add3A_477, %add3A_521 : vector<16xi32>
        %add3A_523 = arith.constant 12 : i32
        %add3A_524 = vector.broadcast %add3A_523 : i32 to vector<16xi32>
        %add3A_525 = arith.addi %select_n3A_48, %add3A_524 : vector<16xi32>
        %gather3A_526 = tpu.vector_load_idx %arg10[%add3A_522, %add3A_525] : memref<4096x16xf32, #tpu.memory_space<vmem>>[vector<16xi32>, vector<16xi32>], vector<16xf32>,
        %mul3A_527 = arith.mulf %gather3A_519, %gather3A_526 : vector<16xf32>
        %add3A_528 = arith.addf %add3A_515, %mul3A_527 : vector<16xf32>
        tpu.vector_store_idx %arg11[%add3A_477, %select_n3A_48], %add3A_528 : memref<2048x3xf32, #tpu.memory_space<vmem>>[vector<16xi32>, vector<16xi32>], vector<16xf32>,
        %add3A_529 = vector.broadcast %mul3A_475 : i32 to vector<16xi32>
        %add3A_530 = arith.addi %select_n3A_82, %add3A_529 : vector<16xi32>
        %add3A_531 = arith.constant 0 : i32
        %add3A_532 = vector.broadcast %add3A_531 : i32 to vector<16xi32>
        %add3A_533 = arith.addi %add3A_530, %add3A_532 : vector<16xi32>
        %gather3A_534 = tpu.vector_load_idx %arg9[%add3A_533] : memref<16384xf32, #tpu.memory_space<vmem>>[vector<16xi32>], vector<16xf32>,
        %add3A_535 = arith.constant 0 : i32
        %add3A_536 = vector.broadcast %add3A_535 : i32 to vector<16xi32>
        %add3A_537 = arith.addi %add3A_530, %add3A_536 : vector<16xi32>
        %add3A_538 = arith.constant 0 : i32
        %add3A_539 = vector.broadcast %add3A_538 : i32 to vector<16xi32>
        %add3A_540 = arith.addi %select_n3A_104, %add3A_539 : vector<16xi32>
        %gather3A_541 = tpu.vector_load_idx %arg10[%add3A_537, %add3A_540] : memref<4096x16xf32, #tpu.memory_space<vmem>>[vector<16xi32>, vector<16xi32>], vector<16xf32>,
        %mul3A_542 = arith.mulf %gather3A_534, %gather3A_541 : vector<16xf32>
        %add3A_543 = arith.constant 2048 : i32
        %add3A_544 = vector.broadcast %add3A_543 : i32 to vector<16xi32>
        %add3A_545 = arith.addi %add3A_530, %add3A_544 : vector<16xi32>
        %gather3A_546 = tpu.vector_load_idx %arg9[%add3A_545] : memref<16384xf32, #tpu.memory_space<vmem>>[vector<16xi32>], vector<16xf32>,
        %add3A_547 = arith.constant 0 : i32
        %add3A_548 = vector.broadcast %add3A_547 : i32 to vector<16xi32>
        %add3A_549 = arith.addi %add3A_530, %add3A_548 : vector<16xi32>
        %add3A_550 = arith.constant 4 : i32
        %add3A_551 = vector.broadcast %add3A_550 : i32 to vector<16xi32>
        %add3A_552 = arith.addi %select_n3A_104, %add3A_551 : vector<16xi32>
        %gather3A_553 = tpu.vector_load_idx %arg10[%add3A_549, %add3A_552] : memref<4096x16xf32, #tpu.memory_space<vmem>>[vector<16xi32>, vector<16xi32>], vector<16xf32>,
        %mul3A_554 = arith.mulf %gather3A_546, %gather3A_553 : vector<16xf32>
        %add3A_555 = arith.addf %mul3A_542, %mul3A_554 : vector<16xf32>
        %add3A_556 = arith.constant 4096 : i32
        %add3A_557 = vector.broadcast %add3A_556 : i32 to vector<16xi32>
        %add3A_558 = arith.addi %add3A_530, %add3A_557 : vector<16xi32>
        %gather3A_559 = tpu.vector_load_idx %arg9[%add3A_558] : memref<16384xf32, #tpu.memory_space<vmem>>[vector<16xi32>], vector<16xf32>,
        %add3A_560 = arith.constant 0 : i32
        %add3A_561 = vector.broadcast %add3A_560 : i32 to vector<16xi32>
        %add3A_562 = arith.addi %add3A_530, %add3A_561 : vector<16xi32>
        %add3A_563 = arith.constant 8 : i32
        %add3A_564 = vector.broadcast %add3A_563 : i32 to vector<16xi32>
        %add3A_565 = arith.addi %select_n3A_104, %add3A_564 : vector<16xi32>
        %gather3A_566 = tpu.vector_load_idx %arg10[%add3A_562, %add3A_565] : memref<4096x16xf32, #tpu.memory_space<vmem>>[vector<16xi32>, vector<16xi32>], vector<16xf32>,
        %mul3A_567 = arith.mulf %gather3A_559, %gather3A_566 : vector<16xf32>
        %add3A_568 = arith.addf %add3A_555, %mul3A_567 : vector<16xf32>
        %add3A_569 = arith.constant 6144 : i32
        %add3A_570 = vector.broadcast %add3A_569 : i32 to vector<16xi32>
        %add3A_571 = arith.addi %add3A_530, %add3A_570 : vector<16xi32>
        %gather3A_572 = tpu.vector_load_idx %arg9[%add3A_571] : memref<16384xf32, #tpu.memory_space<vmem>>[vector<16xi32>], vector<16xf32>,
        %add3A_573 = arith.constant 0 : i32
        %add3A_574 = vector.broadcast %add3A_573 : i32 to vector<16xi32>
        %add3A_575 = arith.addi %add3A_530, %add3A_574 : vector<16xi32>
        %add3A_576 = arith.constant 12 : i32
        %add3A_577 = vector.broadcast %add3A_576 : i32 to vector<16xi32>
        %add3A_578 = arith.addi %select_n3A_104, %add3A_577 : vector<16xi32>
        %gather3A_579 = tpu.vector_load_idx %arg10[%add3A_575, %add3A_578] : memref<4096x16xf32, #tpu.memory_space<vmem>>[vector<16xi32>, vector<16xi32>], vector<16xf32>,
        %mul3A_580 = arith.mulf %gather3A_572, %gather3A_579 : vector<16xf32>
        %add3A_581 = arith.addf %add3A_568, %mul3A_580 : vector<16xf32>
        tpu.vector_store_idx %arg11[%add3A_530, %select_n3A_104], %add3A_581 : memref<2048x3xf32, #tpu.memory_space<vmem>>[vector<16xi32>, vector<16xi32>], vector<16xf32>,
        %add3A_582 = vector.broadcast %mul3A_475 : i32 to vector<16xi32>
        %add3A_583 = arith.addi %select_n3A_138, %add3A_582 : vector<16xi32>
        %add3A_584 = arith.constant 0 : i32
        %add3A_585 = vector.broadcast %add3A_584 : i32 to vector<16xi32>
        %add3A_586 = arith.addi %add3A_583, %add3A_585 : vector<16xi32>
        %gather3A_587 = tpu.vector_load_idx %arg9[%add3A_586] : memref<16384xf32, #tpu.memory_space<vmem>>[vector<16xi32>], vector<16xf32>,
        %add3A_588 = arith.constant 0 : i32
        %add3A_589 = vector.broadcast %add3A_588 : i32 to vector<16xi32>
        %add3A_590 = arith.addi %add3A_583, %add3A_589 : vector<16xi32>
        %add3A_591 = arith.constant 0 : i32
        %add3A_592 = vector.broadcast %add3A_591 : i32 to vector<16xi32>
        %add3A_593 = arith.addi %select_n3A_160, %add3A_592 : vector<16xi32>
        %gather3A_594 = tpu.vector_load_idx %arg10[%add3A_590, %add3A_593] : memref<4096x16xf32, #tpu.memory_space<vmem>>[vector<16xi32>, vector<16xi32>], vector<16xf32>,
        %mul3A_595 = arith.mulf %gather3A_587, %gather3A_594 : vector<16xf32>
        %add3A_596 = arith.constant 2048 : i32
        %add3A_597 = vector.broadcast %add3A_596 : i32 to vector<16xi32>
        %add3A_598 = arith.addi %add3A_583, %add3A_597 : vector<16xi32>
        %gather3A_599 = tpu.vector_load_idx %arg9[%add3A_598] : memref<16384xf32, #tpu.memory_space<vmem>>[vector<16xi32>], vector<16xf32>,
        %add3A_600 = arith.constant 0 : i32
        %add3A_601 = vector.broadcast %add3A_600 : i32 to vector<16xi32>
        %add3A_602 = arith.addi %add3A_583, %add3A_601 : vector<16xi32>
        %add3A_603 = arith.constant 4 : i32
        %add3A_604 = vector.broadcast %add3A_603 : i32 to vector<16xi32>
        %add3A_605 = arith.addi %select_n3A_160, %add3A_604 : vector<16xi32>
        %gather3A_606 = tpu.vector_load_idx %arg10[%add3A_602, %add3A_605] : memref<4096x16xf32, #tpu.memory_space<vmem>>[vector<16xi32>, vector<16xi32>], vector<16xf32>,
        %mul3A_607 = arith.mulf %gather3A_599, %gather3A_606 : vector<16xf32>
        %add3A_608 = arith.addf %mul3A_595, %mul3A_607 : vector<16xf32>
        %add3A_609 = arith.constant 4096 : i32
        %add3A_610 = vector.broadcast %add3A_609 : i32 to vector<16xi32>
        %add3A_611 = arith.addi %add3A_583, %add3A_610 : vector<16xi32>
        %gather3A_612 = tpu.vector_load_idx %arg9[%add3A_611] : memref<16384xf32, #tpu.memory_space<vmem>>[vector<16xi32>], vector<16xf32>,
        %add3A_613 = arith.constant 0 : i32
        %add3A_614 = vector.broadcast %add3A_613 : i32 to vector<16xi32>
        %add3A_615 = arith.addi %add3A_583, %add3A_614 : vector<16xi32>
        %add3A_616 = arith.constant 8 : i32
        %add3A_617 = vector.broadcast %add3A_616 : i32 to vector<16xi32>
        %add3A_618 = arith.addi %select_n3A_160, %add3A_617 : vector<16xi32>
        %gather3A_619 = tpu.vector_load_idx %arg10[%add3A_615, %add3A_618] : memref<4096x16xf32, #tpu.memory_space<vmem>>[vector<16xi32>, vector<16xi32>], vector<16xf32>,
        %mul3A_620 = arith.mulf %gather3A_612, %gather3A_619 : vector<16xf32>
        %add3A_621 = arith.addf %add3A_608, %mul3A_620 : vector<16xf32>
        %add3A_622 = arith.constant 6144 : i32
        %add3A_623 = vector.broadcast %add3A_622 : i32 to vector<16xi32>
        %add3A_624 = arith.addi %add3A_583, %add3A_623 : vector<16xi32>
        %gather3A_625 = tpu.vector_load_idx %arg9[%add3A_624] : memref<16384xf32, #tpu.memory_space<vmem>>[vector<16xi32>], vector<16xf32>,
        %add3A_626 = arith.constant 0 : i32
        %add3A_627 = vector.broadcast %add3A_626 : i32 to vector<16xi32>
        %add3A_628 = arith.addi %add3A_583, %add3A_627 : vector<16xi32>
        %add3A_629 = arith.constant 12 : i32
        %add3A_630 = vector.broadcast %add3A_629 : i32 to vector<16xi32>
        %add3A_631 = arith.addi %select_n3A_160, %add3A_630 : vector<16xi32>
        %gather3A_632 = tpu.vector_load_idx %arg10[%add3A_628, %add3A_631] : memref<4096x16xf32, #tpu.memory_space<vmem>>[vector<16xi32>, vector<16xi32>], vector<16xf32>,
        %mul3A_633 = arith.mulf %gather3A_625, %gather3A_632 : vector<16xf32>
        %add3A_634 = arith.addf %add3A_621, %mul3A_633 : vector<16xf32>
        tpu.vector_store_idx %arg11[%add3A_583, %select_n3A_160], %add3A_634 : memref<2048x3xf32, #tpu.memory_space<vmem>>[vector<16xi32>, vector<16xi32>], vector<16xf32>,
      }
      %scan3A_266 = arith.constant 64 : i32
      "tpu.region"() ({
        %run_scoped3A = tpu.sem_alloc : memref<!tpu.dma_semaphore, #tpu.memory_space<semaphore_mem>>
        %dma_start3A_305 = arith.constant 0 : i32
        %dma_start3A_306 = tpu.memref_slice %arg5[%add3A_260, %dma_start3A_305] : memref<1048576x3xf32, #tpu.memory_space<hbm>> -> memref<2048x3xf32, #tpu.memory_space<hbm>>
        %dma_start3A_307 = arith.constant 0 : i32
        %dma_start3A_308 = tpu.memref_slice %arg5[%add3A_260, %dma_start3A_307] : memref<1048576x3xf32, #tpu.memory_space<hbm>> -> memref<2048x3xf32, #tpu.memory_space<hbm>>
        tpu.enqueue_dma source(%arg11 : memref<2048x3xf32, #tpu.memory_space<vmem>>) target(%dma_start3A_308 : memref<2048x3xf32, #tpu.memory_space<hbm>>) target_semaphore(%run_scoped3A : memref<!tpu.dma_semaphore, #tpu.memory_space<semaphore_mem>>)
        %dma_wait3A_309 = arith.constant 0 : i32
        %dma_wait3A_310 = tpu.memref_slice %arg5[%add3A_260, %dma_wait3A_309] : memref<1048576x3xf32, #tpu.memory_space<hbm>> -> memref<2048x3xf32, #tpu.memory_space<hbm>>
        %dma_wait3A_311 = arith.constant 0 : i32
        %dma_wait3A_312 = tpu.memref_slice %arg5[%add3A_260, %dma_wait3A_311] : memref<1048576x3xf32, #tpu.memory_space<hbm>> -> memref<2048x3xf32, #tpu.memory_space<hbm>>
        tpu.wait_dma2 semaphore(%run_scoped3A : memref<!tpu.dma_semaphore, #tpu.memory_space<semaphore_mem>>) src(%arg11 : memref<2048x3xf32, #tpu.memory_space<vmem>>) dst(%dma_wait3A_312 : memref<2048x3xf32, #tpu.memory_space<hbm>>)
        tpu.yield
      }) : () -> ()
      %add3A_267 = arith.constant 2 : i32
      %add3A_268 = arith.addi %mul3A_230, %add3A_267 : i32
      %mul3A_269 = arith.constant 2048 : i32
      %mul3A_270 = arith.muli %add3A_268, %mul3A_269 : i32
      %add3A_271 = arith.addi %mul3A_2, %mul3A_270 : i32
      "tpu.region"() ({
        %run_scoped3A = tpu.sem_alloc : memref<!tpu.dma_semaphore, #tpu.memory_space<semaphore_mem>>
        %dma_start3A_305 = tpu.memref_slice %arg2[%add3A_271] : memref<1048576xf32, #tpu.memory_space<hbm>> -> memref<2048xf32, #tpu.memory_space<hbm>>
        %dma_start3A_306 = tpu.memref_slice %arg2[%add3A_271] : memref<1048576xf32, #tpu.memory_space<hbm>> -> memref<2048xf32, #tpu.memory_space<hbm>>
        tpu.enqueue_dma source(%dma_start3A_306 : memref<2048xf32, #tpu.memory_space<hbm>>) target(%arg6 : memref<2048xf32, #tpu.memory_space<vmem>>) target_semaphore(%run_scoped3A : memref<!tpu.dma_semaphore, #tpu.memory_space<semaphore_mem>>)
        %dma_wait3A_307 = tpu.memref_slice %arg2[%add3A_271] : memref<1048576xf32, #tpu.memory_space<hbm>> -> memref<2048xf32, #tpu.memory_space<hbm>>
        %dma_wait3A_308 = tpu.memref_slice %arg2[%add3A_271] : memref<1048576xf32, #tpu.memory_space<hbm>> -> memref<2048xf32, #tpu.memory_space<hbm>>
        tpu.wait_dma2 semaphore(%run_scoped3A : memref<!tpu.dma_semaphore, #tpu.memory_space<semaphore_mem>>) src(%dma_wait3A_308 : memref<2048xf32, #tpu.memory_space<hbm>>) dst(%arg6 : memref<2048xf32, #tpu.memory_space<vmem>>)
        tpu.yield
      }) : () -> ()
      "tpu.region"() ({
        %run_scoped3A = tpu.sem_alloc : memref<!tpu.dma_semaphore, #tpu.memory_space<semaphore_mem>>
        %dma_start3A_305 = tpu.memref_slice %arg3[%add3A_271] : memref<1048576xf32, #tpu.memory_space<hbm>> -> memref<2048xf32, #tpu.memory_space<hbm>>
        %dma_start3A_306 = tpu.memref_slice %arg3[%add3A_271] : memref<1048576xf32, #tpu.memory_space<hbm>> -> memref<2048xf32, #tpu.memory_space<hbm>>
        tpu.enqueue_dma source(%dma_start3A_306 : memref<2048xf32, #tpu.memory_space<hbm>>) target(%arg7 : memref<2048xf32, #tpu.memory_space<vmem>>) target_semaphore(%run_scoped3A : memref<!tpu.dma_semaphore, #tpu.memory_space<semaphore_mem>>)
        %dma_wait3A_307 = tpu.memref_slice %arg3[%add3A_271] : memref<1048576xf32, #tpu.memory_space<hbm>> -> memref<2048xf32, #tpu.memory_space<hbm>>
        %dma_wait3A_308 = tpu.memref_slice %arg3[%add3A_271] : memref<1048576xf32, #tpu.memory_space<hbm>> -> memref<2048xf32, #tpu.memory_space<hbm>>
        tpu.wait_dma2 semaphore(%run_scoped3A : memref<!tpu.dma_semaphore, #tpu.memory_space<semaphore_mem>>) src(%dma_wait3A_308 : memref<2048xf32, #tpu.memory_space<hbm>>) dst(%arg7 : memref<2048xf32, #tpu.memory_space<vmem>>)
        tpu.yield
      }) : () -> ()
      %scan3A_272 = arith.constant 0 : i32
      %scan3A_273 = arith.constant 0 : i32
      %scan3A_274 = arith.constant 64 : i32
      %scan3A_275 = arith.addi %scan3A_273, %scan3A_274 : i32
      %scan3A_276 = arith.constant 1 : i32
      scf.for %scan3A_305 = %scan3A_273 to %scan3A_275 step %scan3A_276  : i32 {
        %mul3A_306 = arith.constant 2 : i32
        %mul3A_307 = arith.muli %scan3A_305, %mul3A_306 : i32
        %add3A_308 = arith.constant 0 : i32
        %add3A_309 = arith.addi %mul3A_307, %add3A_308 : i32
        %mul3A_310 = arith.constant 16 : i32
        %mul3A_311 = arith.muli %add3A_309, %mul3A_310 : i32
        %get3A = arith.index_cast %mul3A_311 : i32 to index
        %get3A_312 = tpu.vector_load %arg6[%get3A] {strides = array<i32>} : memref<2048xf32, #tpu.memory_space<vmem>>, vector<16xf32>,
        %get3A_313 = arith.index_cast %mul3A_311 : i32 to index
        %get3A_314 = tpu.vector_load %arg7[%get3A_313] {strides = array<i32>} : memref<2048xf32, #tpu.memory_space<vmem>>, vector<16xf32>,
        %mul3A_315 = arith.constant 2.000000e+00 : f32
        %mul3A_316 = vector.broadcast %mul3A_315 : f32 to vector<16xf32>
        %mul3A_317 = arith.mulf %get3A_312, %mul3A_316 : vector<16xf32>
        %sub3A_318 = arith.constant 1.000000e+00 : f32
        %sub3A_319 = vector.broadcast %sub3A_318 : f32 to vector<16xf32>
        %sub3A_320 = arith.subf %mul3A_317, %sub3A_319 : vector<16xf32>
        %add3A_321 = arith.constant 1.000000e+00 : f32
        %add3A_322 = vector.broadcast %add3A_321 : f32 to vector<16xf32>
        %add3A_323 = arith.addf %sub3A_320, %add3A_322 : vector<16xf32>
        %mul3A_324 = arith.constant 2.555000e+02 : f32
        %mul3A_325 = vector.broadcast %mul3A_324 : f32 to vector<16xf32>
        %mul3A_326 = arith.mulf %add3A_323, %mul3A_325 : vector<16xf32>
        %mul3A_327 = arith.constant 2.000000e+00 : f32
        %mul3A_328 = vector.broadcast %mul3A_327 : f32 to vector<16xf32>
        %mul3A_329 = arith.mulf %get3A_314, %mul3A_328 : vector<16xf32>
        %sub3A_330 = arith.constant 1.000000e+00 : f32
        %sub3A_331 = vector.broadcast %sub3A_330 : f32 to vector<16xf32>
        %sub3A_332 = arith.subf %mul3A_329, %sub3A_331 : vector<16xf32>
        %add3A_333 = arith.constant 1.000000e+00 : f32
        %add3A_334 = vector.broadcast %add3A_333 : f32 to vector<16xf32>
        %add3A_335 = arith.addf %sub3A_332, %add3A_334 : vector<16xf32>
        %mul3A_336 = arith.constant 2.555000e+02 : f32
        %mul3A_337 = vector.broadcast %mul3A_336 : f32 to vector<16xf32>
        %mul3A_338 = arith.mulf %add3A_335, %mul3A_337 : vector<16xf32>
        %jit3A_339 = arith.constant 0.000000e+00 : f32
        %jit3A_340 = arith.constant 5.110000e+02 : f32
        %max3A = vector.broadcast %jit3A_339 : f32 to vector<16xf32>
        %max3A_341 = arith.maximumf %max3A, %mul3A_326 : vector<16xf32>
        %min3A = vector.broadcast %jit3A_340 : f32 to vector<16xf32>
        %min3A_342 = arith.minimumf %min3A, %max3A_341 : vector<16xf32>
        %jit3A_343 = arith.constant 0.000000e+00 : f32
        %jit3A_344 = arith.constant 5.110000e+02 : f32
        %max3A_345 = vector.broadcast %jit3A_343 : f32 to vector<16xf32>
        %max3A_346 = arith.maximumf %max3A_345, %mul3A_338 : vector<16xf32>
        %min3A_347 = vector.broadcast %jit3A_344 : f32 to vector<16xf32>
        %min3A_348 = arith.minimumf %min3A_347, %max3A_346 : vector<16xf32>
        %convert_element_type3A = arith.fptosi %min3A_342 : vector<16xf32> to vector<16xi32>
        %convert_element_type3A_349 = arith.fptosi %min3A_348 : vector<16xf32> to vector<16xi32>
        %convert_element_type3A_350 = arith.sitofp %convert_element_type3A : vector<16xi32> to vector<16xf32>
        %sub3A_351 = arith.subf %min3A_342, %convert_element_type3A_350 : vector<16xf32>
        %convert_element_type3A_352 = arith.sitofp %convert_element_type3A_349 : vector<16xi32> to vector<16xf32>
        %sub3A_353 = arith.subf %min3A_348, %convert_element_type3A_352 : vector<16xf32>
        %mul3A_354 = arith.constant 512 : i32
        %mul3A_355 = vector.broadcast %mul3A_354 : i32 to vector<16xi32>
        %mul3A_356 = arith.muli %convert_element_type3A_349, %mul3A_355 : vector<16xi32>
        %add3A_357 = arith.addi %mul3A_356, %convert_element_type3A : vector<16xi32>
        %add3A_358 = arith.constant 0 : i32
        %add3A_359 = arith.addi %add3A_358, %mul3A_311 : i32
        %swap3A = arith.index_cast %add3A_359 : i32 to index
        %swap3A_360 = tpu.vector_load %arg8[%swap3A] {strides = array<i32>} : memref<4096xi32, #tpu.memory_space<vmem>>, vector<16xi32>,
        tpu.vector_store %arg8[%swap3A], %add3A_357 {strides = array<i32>} : memref<4096xi32, #tpu.memory_space<vmem>>, vector<16xi32>,
        %sub3A_361 = arith.constant 1.000000e+00 : f32
        %sub3A_362 = vector.broadcast %sub3A_361 : f32 to vector<16xf32>
        %sub3A_363 = arith.subf %sub3A_362, %sub3A_351 : vector<16xf32>
        %sub3A_364 = arith.constant 1.000000e+00 : f32
        %sub3A_365 = vector.broadcast %sub3A_364 : f32 to vector<16xf32>
        %sub3A_366 = arith.subf %sub3A_365, %sub3A_353 : vector<16xf32>
        %mul3A_367 = arith.mulf %sub3A_363, %sub3A_366 : vector<16xf32>
        %add3A_368 = arith.constant 0 : i32
        %add3A_369 = arith.addi %add3A_368, %mul3A_311 : i32
        %swap3A_370 = arith.index_cast %add3A_369 : i32 to index
        %swap3A_371 = tpu.vector_load %arg9[%swap3A_370] {strides = array<i32>} : memref<16384xf32, #tpu.memory_space<vmem>>, vector<16xf32>,
        tpu.vector_store %arg9[%swap3A_370], %mul3A_367 {strides = array<i32>} : memref<16384xf32, #tpu.memory_space<vmem>>, vector<16xf32>,
        %mul3A_372 = arith.mulf %sub3A_351, %sub3A_366 : vector<16xf32>
        %add3A_373 = arith.constant 2048 : i32
        %add3A_374 = arith.addi %add3A_373, %mul3A_311 : i32
        %swap3A_375 = arith.index_cast %add3A_374 : i32 to index
        %swap3A_376 = tpu.vector_load %arg9[%swap3A_375] {strides = array<i32>} : memref<16384xf32, #tpu.memory_space<vmem>>, vector<16xf32>,
        tpu.vector_store %arg9[%swap3A_375], %mul3A_372 {strides = array<i32>} : memref<16384xf32, #tpu.memory_space<vmem>>, vector<16xf32>,
        %mul3A_377 = arith.mulf %sub3A_363, %sub3A_353 : vector<16xf32>
        %add3A_378 = arith.constant 4096 : i32
        %add3A_379 = arith.addi %add3A_378, %mul3A_311 : i32
        %swap3A_380 = arith.index_cast %add3A_379 : i32 to index
        %swap3A_381 = tpu.vector_load %arg9[%swap3A_380] {strides = array<i32>} : memref<16384xf32, #tpu.memory_space<vmem>>, vector<16xf32>,
        tpu.vector_store %arg9[%swap3A_380], %mul3A_377 {strides = array<i32>} : memref<16384xf32, #tpu.memory_space<vmem>>, vector<16xf32>,
        %mul3A_382 = arith.mulf %sub3A_351, %sub3A_353 : vector<16xf32>
        %add3A_383 = arith.constant 6144 : i32
        %add3A_384 = arith.addi %add3A_383, %mul3A_311 : i32
        %swap3A_385 = arith.index_cast %add3A_384 : i32 to index
        %swap3A_386 = tpu.vector_load %arg9[%swap3A_385] {strides = array<i32>} : memref<16384xf32, #tpu.memory_space<vmem>>, vector<16xf32>,
        tpu.vector_store %arg9[%swap3A_385], %mul3A_382 {strides = array<i32>} : memref<16384xf32, #tpu.memory_space<vmem>>, vector<16xf32>,
        %mul3A_387 = arith.constant 2 : i32
        %mul3A_388 = arith.muli %scan3A_305, %mul3A_387 : i32
        %add3A_389 = arith.constant 1 : i32
        %add3A_390 = arith.addi %mul3A_388, %add3A_389 : i32
        %mul3A_391 = arith.constant 16 : i32
        %mul3A_392 = arith.muli %add3A_390, %mul3A_391 : i32
        %get3A_393 = arith.index_cast %mul3A_392 : i32 to index
        %get3A_394 = tpu.vector_load %arg6[%get3A_393] {strides = array<i32>} : memref<2048xf32, #tpu.memory_space<vmem>>, vector<16xf32>,
        %get3A_395 = arith.index_cast %mul3A_392 : i32 to index
        %get3A_396 = tpu.vector_load %arg7[%get3A_395] {strides = array<i32>} : memref<2048xf32, #tpu.memory_space<vmem>>, vector<16xf32>,
        %mul3A_397 = arith.constant 2.000000e+00 : f32
        %mul3A_398 = vector.broadcast %mul3A_397 : f32 to vector<16xf32>
        %mul3A_399 = arith.mulf %get3A_394, %mul3A_398 : vector<16xf32>
        %sub3A_400 = arith.constant 1.000000e+00 : f32
        %sub3A_401 = vector.broadcast %sub3A_400 : f32 to vector<16xf32>
        %sub3A_402 = arith.subf %mul3A_399, %sub3A_401 : vector<16xf32>
        %add3A_403 = arith.constant 1.000000e+00 : f32
        %add3A_404 = vector.broadcast %add3A_403 : f32 to vector<16xf32>
        %add3A_405 = arith.addf %sub3A_402, %add3A_404 : vector<16xf32>
        %mul3A_406 = arith.constant 2.555000e+02 : f32
        %mul3A_407 = vector.broadcast %mul3A_406 : f32 to vector<16xf32>
        %mul3A_408 = arith.mulf %add3A_405, %mul3A_407 : vector<16xf32>
        %mul3A_409 = arith.constant 2.000000e+00 : f32
        %mul3A_410 = vector.broadcast %mul3A_409 : f32 to vector<16xf32>
        %mul3A_411 = arith.mulf %get3A_396, %mul3A_410 : vector<16xf32>
        %sub3A_412 = arith.constant 1.000000e+00 : f32
        %sub3A_413 = vector.broadcast %sub3A_412 : f32 to vector<16xf32>
        %sub3A_414 = arith.subf %mul3A_411, %sub3A_413 : vector<16xf32>
        %add3A_415 = arith.constant 1.000000e+00 : f32
        %add3A_416 = vector.broadcast %add3A_415 : f32 to vector<16xf32>
        %add3A_417 = arith.addf %sub3A_414, %add3A_416 : vector<16xf32>
        %mul3A_418 = arith.constant 2.555000e+02 : f32
        %mul3A_419 = vector.broadcast %mul3A_418 : f32 to vector<16xf32>
        %mul3A_420 = arith.mulf %add3A_417, %mul3A_419 : vector<16xf32>
        %jit3A_421 = arith.constant 0.000000e+00 : f32
        %jit3A_422 = arith.constant 5.110000e+02 : f32
        %max3A_423 = vector.broadcast %jit3A_421 : f32 to vector<16xf32>
        %max3A_424 = arith.maximumf %max3A_423, %mul3A_408 : vector<16xf32>
        %min3A_425 = vector.broadcast %jit3A_422 : f32 to vector<16xf32>
        %min3A_426 = arith.minimumf %min3A_425, %max3A_424 : vector<16xf32>
        %jit3A_427 = arith.constant 0.000000e+00 : f32
        %jit3A_428 = arith.constant 5.110000e+02 : f32
        %max3A_429 = vector.broadcast %jit3A_427 : f32 to vector<16xf32>
        %max3A_430 = arith.maximumf %max3A_429, %mul3A_420 : vector<16xf32>
        %min3A_431 = vector.broadcast %jit3A_428 : f32 to vector<16xf32>
        %min3A_432 = arith.minimumf %min3A_431, %max3A_430 : vector<16xf32>
        %convert_element_type3A_433 = arith.fptosi %min3A_426 : vector<16xf32> to vector<16xi32>
        %convert_element_type3A_434 = arith.fptosi %min3A_432 : vector<16xf32> to vector<16xi32>
        %convert_element_type3A_435 = arith.sitofp %convert_element_type3A_433 : vector<16xi32> to vector<16xf32>
        %sub3A_436 = arith.subf %min3A_426, %convert_element_type3A_435 : vector<16xf32>
        %convert_element_type3A_437 = arith.sitofp %convert_element_type3A_434 : vector<16xi32> to vector<16xf32>
        %sub3A_438 = arith.subf %min3A_432, %convert_element_type3A_437 : vector<16xf32>
        %mul3A_439 = arith.constant 512 : i32
        %mul3A_440 = vector.broadcast %mul3A_439 : i32 to vector<16xi32>
        %mul3A_441 = arith.muli %convert_element_type3A_434, %mul3A_440 : vector<16xi32>
        %add3A_442 = arith.addi %mul3A_441, %convert_element_type3A_433 : vector<16xi32>
        %add3A_443 = arith.constant 0 : i32
        %add3A_444 = arith.addi %add3A_443, %mul3A_392 : i32
        %swap3A_445 = arith.index_cast %add3A_444 : i32 to index
        %swap3A_446 = tpu.vector_load %arg8[%swap3A_445] {strides = array<i32>} : memref<4096xi32, #tpu.memory_space<vmem>>, vector<16xi32>,
        tpu.vector_store %arg8[%swap3A_445], %add3A_442 {strides = array<i32>} : memref<4096xi32, #tpu.memory_space<vmem>>, vector<16xi32>,
        %sub3A_447 = arith.constant 1.000000e+00 : f32
        %sub3A_448 = vector.broadcast %sub3A_447 : f32 to vector<16xf32>
        %sub3A_449 = arith.subf %sub3A_448, %sub3A_436 : vector<16xf32>
        %sub3A_450 = arith.constant 1.000000e+00 : f32
        %sub3A_451 = vector.broadcast %sub3A_450 : f32 to vector<16xf32>
        %sub3A_452 = arith.subf %sub3A_451, %sub3A_438 : vector<16xf32>
        %mul3A_453 = arith.mulf %sub3A_449, %sub3A_452 : vector<16xf32>
        %add3A_454 = arith.constant 0 : i32
        %add3A_455 = arith.addi %add3A_454, %mul3A_392 : i32
        %swap3A_456 = arith.index_cast %add3A_455 : i32 to index
        %swap3A_457 = tpu.vector_load %arg9[%swap3A_456] {strides = array<i32>} : memref<16384xf32, #tpu.memory_space<vmem>>, vector<16xf32>,
        tpu.vector_store %arg9[%swap3A_456], %mul3A_453 {strides = array<i32>} : memref<16384xf32, #tpu.memory_space<vmem>>, vector<16xf32>,
        %mul3A_458 = arith.mulf %sub3A_436, %sub3A_452 : vector<16xf32>
        %add3A_459 = arith.constant 2048 : i32
        %add3A_460 = arith.addi %add3A_459, %mul3A_392 : i32
        %swap3A_461 = arith.index_cast %add3A_460 : i32 to index
        %swap3A_462 = tpu.vector_load %arg9[%swap3A_461] {strides = array<i32>} : memref<16384xf32, #tpu.memory_space<vmem>>, vector<16xf32>,
        tpu.vector_store %arg9[%swap3A_461], %mul3A_458 {strides = array<i32>} : memref<16384xf32, #tpu.memory_space<vmem>>, vector<16xf32>,
        %mul3A_463 = arith.mulf %sub3A_449, %sub3A_438 : vector<16xf32>
        %add3A_464 = arith.constant 4096 : i32
        %add3A_465 = arith.addi %add3A_464, %mul3A_392 : i32
        %swap3A_466 = arith.index_cast %add3A_465 : i32 to index
        %swap3A_467 = tpu.vector_load %arg9[%swap3A_466] {strides = array<i32>} : memref<16384xf32, #tpu.memory_space<vmem>>, vector<16xf32>,
        tpu.vector_store %arg9[%swap3A_466], %mul3A_463 {strides = array<i32>} : memref<16384xf32, #tpu.memory_space<vmem>>, vector<16xf32>,
        %mul3A_468 = arith.mulf %sub3A_436, %sub3A_438 : vector<16xf32>
        %add3A_469 = arith.constant 6144 : i32
        %add3A_470 = arith.addi %add3A_469, %mul3A_392 : i32
        %swap3A_471 = arith.index_cast %add3A_470 : i32 to index
        %swap3A_472 = tpu.vector_load %arg9[%swap3A_471] {strides = array<i32>} : memref<16384xf32, #tpu.memory_space<vmem>>, vector<16xf32>,
        tpu.vector_store %arg9[%swap3A_471], %mul3A_468 {strides = array<i32>} : memref<16384xf32, #tpu.memory_space<vmem>>, vector<16xf32>,
      }
      %scan3A_277 = arith.constant 64 : i32
      %dma_start3A_278 = arith.constant 0 : i32
      %dma_start3A_279 = arith.constant 0 : i32
      %dma_start3A_280 = tpu.memref_slice %arg10[%dma_start3A_278, %dma_start3A_279] : memref<4096x16xf32, #tpu.memory_space<vmem>> -> memref<2048x16xf32, #tpu.memory_space<vmem>>
      %dma_start3A_281 = arith.constant 0 : i32
      %dma_start3A_282 = tpu.memref_slice %arg8[%dma_start3A_281] : memref<4096xi32, #tpu.memory_space<vmem>> -> memref<2048xi32, #tpu.memory_space<vmem>>
      %dma_start3A_283 = arith.constant 0 : i32
      %dma_start3A_284 = arith.constant 0 : i32
      %dma_start3A_285 = tpu.memref_slice %arg4[%dma_start3A_283, %dma_start3A_284] : memref<262144x16xf32, #tpu.memory_space<hbm>> -> memref<262144x16xf32, #tpu.memory_space<hbm>>
      tpu.enqueue_indirect_dma source(%dma_start3A_285 : memref<262144x16xf32, #tpu.memory_space<hbm>>) target(%dma_start3A_280 : memref<2048x16xf32, #tpu.memory_space<vmem>>) offsets(%dma_start3A_282 : memref<2048xi32, #tpu.memory_space<vmem>>) semaphore(%arg12 : memref<!tpu.dma_semaphore, #tpu.memory_space<semaphore_mem>>)
      %dma_wait3A_286 = arith.constant 2048 : i32
      %dma_wait3A_287 = arith.constant 0 : i32
      %dma_wait3A_288 = tpu.memref_slice %arg10[%dma_wait3A_286, %dma_wait3A_287] : memref<4096x16xf32, #tpu.memory_space<vmem>> -> memref<2048x16xf32, #tpu.memory_space<vmem>>
      %dma_wait3A_289 = arith.constant 2048 : i32
      %dma_wait3A_290 = tpu.memref_slice %arg8[%dma_wait3A_289] : memref<4096xi32, #tpu.memory_space<vmem>> -> memref<2048xi32, #tpu.memory_space<vmem>>
      %dma_wait3A_291 = arith.constant 0 : i32
      %dma_wait3A_292 = arith.constant 0 : i32
      %dma_wait3A_293 = tpu.memref_slice %arg4[%dma_wait3A_291, %dma_wait3A_292] : memref<262144x16xf32, #tpu.memory_space<hbm>> -> memref<262144x16xf32, #tpu.memory_space<hbm>>
      tpu.wait_indirect_dma semaphore(%arg12 : memref<!tpu.dma_semaphore, #tpu.memory_space<semaphore_mem>>) src(%dma_wait3A_293 : memref<262144x16xf32, #tpu.memory_space<hbm>>) dst(%dma_wait3A_288 : memref<2048x16xf32, #tpu.memory_space<vmem>>)
      %add3A_294 = arith.constant 1 : i32
      %add3A_295 = arith.addi %mul3A_230, %add3A_294 : i32
      %mul3A_296 = arith.constant 2048 : i32
      %mul3A_297 = arith.muli %add3A_295, %mul3A_296 : i32
      %add3A_298 = arith.addi %mul3A_2, %mul3A_297 : i32
      %scan3A_299 = arith.constant 0 : i32
      %scan3A_300 = arith.constant 0 : i32
      %scan3A_301 = arith.constant 64 : i32
      %scan3A_302 = arith.addi %scan3A_300, %scan3A_301 : i32
      %scan3A_303 = arith.constant 1 : i32
      scf.for %scan3A_305 = %scan3A_300 to %scan3A_302 step %scan3A_303  : i32 {
        %mul3A_306 = arith.constant 2 : i32
        %mul3A_307 = arith.muli %scan3A_305, %mul3A_306 : i32
        %add3A_308 = arith.constant 0 : i32
        %add3A_309 = arith.addi %mul3A_307, %add3A_308 : i32
        %mul3A_310 = arith.constant 16 : i32
        %mul3A_311 = arith.muli %add3A_309, %mul3A_310 : i32
        %add3A_312 = vector.broadcast %mul3A_311 : i32 to vector<16xi32>
        %add3A_313 = arith.addi %select_n3A, %add3A_312 : vector<16xi32>
        %add3A_314 = arith.constant 8192 : i32
        %add3A_315 = vector.broadcast %add3A_314 : i32 to vector<16xi32>
        %add3A_316 = arith.addi %add3A_313, %add3A_315 : vector<16xi32>
        %gather3A = tpu.vector_load_idx %arg9[%add3A_316] : memref<16384xf32, #tpu.memory_space<vmem>>[vector<16xi32>], vector<16xf32>,
        %add3A_317 = arith.constant 2048 : i32
        %add3A_318 = vector.broadcast %add3A_317 : i32 to vector<16xi32>
        %add3A_319 = arith.addi %add3A_313, %add3A_318 : vector<16xi32>
        %add3A_320 = arith.constant 0 : i32
        %add3A_321 = vector.broadcast %add3A_320 : i32 to vector<16xi32>
        %add3A_322 = arith.addi %select_n3A_48, %add3A_321 : vector<16xi32>
        %gather3A_323 = tpu.vector_load_idx %arg10[%add3A_319, %add3A_322] : memref<4096x16xf32, #tpu.memory_space<vmem>>[vector<16xi32>, vector<16xi32>], vector<16xf32>,
        %mul3A_324 = arith.mulf %gather3A, %gather3A_323 : vector<16xf32>
        %add3A_325 = arith.constant 10240 : i32
        %add3A_326 = vector.broadcast %add3A_325 : i32 to vector<16xi32>
        %add3A_327 = arith.addi %add3A_313, %add3A_326 : vector<16xi32>
        %gather3A_328 = tpu.vector_load_idx %arg9[%add3A_327] : memref<16384xf32, #tpu.memory_space<vmem>>[vector<16xi32>], vector<16xf32>,
        %add3A_329 = arith.constant 2048 : i32
        %add3A_330 = vector.broadcast %add3A_329 : i32 to vector<16xi32>
        %add3A_331 = arith.addi %add3A_313, %add3A_330 : vector<16xi32>
        %add3A_332 = arith.constant 4 : i32
        %add3A_333 = vector.broadcast %add3A_332 : i32 to vector<16xi32>
        %add3A_334 = arith.addi %select_n3A_48, %add3A_333 : vector<16xi32>
        %gather3A_335 = tpu.vector_load_idx %arg10[%add3A_331, %add3A_334] : memref<4096x16xf32, #tpu.memory_space<vmem>>[vector<16xi32>, vector<16xi32>], vector<16xf32>,
        %mul3A_336 = arith.mulf %gather3A_328, %gather3A_335 : vector<16xf32>
        %add3A_337 = arith.addf %mul3A_324, %mul3A_336 : vector<16xf32>
        %add3A_338 = arith.constant 12288 : i32
        %add3A_339 = vector.broadcast %add3A_338 : i32 to vector<16xi32>
        %add3A_340 = arith.addi %add3A_313, %add3A_339 : vector<16xi32>
        %gather3A_341 = tpu.vector_load_idx %arg9[%add3A_340] : memref<16384xf32, #tpu.memory_space<vmem>>[vector<16xi32>], vector<16xf32>,
        %add3A_342 = arith.constant 2048 : i32
        %add3A_343 = vector.broadcast %add3A_342 : i32 to vector<16xi32>
        %add3A_344 = arith.addi %add3A_313, %add3A_343 : vector<16xi32>
        %add3A_345 = arith.constant 8 : i32
        %add3A_346 = vector.broadcast %add3A_345 : i32 to vector<16xi32>
        %add3A_347 = arith.addi %select_n3A_48, %add3A_346 : vector<16xi32>
        %gather3A_348 = tpu.vector_load_idx %arg10[%add3A_344, %add3A_347] : memref<4096x16xf32, #tpu.memory_space<vmem>>[vector<16xi32>, vector<16xi32>], vector<16xf32>,
        %mul3A_349 = arith.mulf %gather3A_341, %gather3A_348 : vector<16xf32>
        %add3A_350 = arith.addf %add3A_337, %mul3A_349 : vector<16xf32>
        %add3A_351 = arith.constant 14336 : i32
        %add3A_352 = vector.broadcast %add3A_351 : i32 to vector<16xi32>
        %add3A_353 = arith.addi %add3A_313, %add3A_352 : vector<16xi32>
        %gather3A_354 = tpu.vector_load_idx %arg9[%add3A_353] : memref<16384xf32, #tpu.memory_space<vmem>>[vector<16xi32>], vector<16xf32>,
        %add3A_355 = arith.constant 2048 : i32
        %add3A_356 = vector.broadcast %add3A_355 : i32 to vector<16xi32>
        %add3A_357 = arith.addi %add3A_313, %add3A_356 : vector<16xi32>
        %add3A_358 = arith.constant 12 : i32
        %add3A_359 = vector.broadcast %add3A_358 : i32 to vector<16xi32>
        %add3A_360 = arith.addi %select_n3A_48, %add3A_359 : vector<16xi32>
        %gather3A_361 = tpu.vector_load_idx %arg10[%add3A_357, %add3A_360] : memref<4096x16xf32, #tpu.memory_space<vmem>>[vector<16xi32>, vector<16xi32>], vector<16xf32>,
        %mul3A_362 = arith.mulf %gather3A_354, %gather3A_361 : vector<16xf32>
        %add3A_363 = arith.addf %add3A_350, %mul3A_362 : vector<16xf32>
        tpu.vector_store_idx %arg11[%add3A_313, %select_n3A_48], %add3A_363 : memref<2048x3xf32, #tpu.memory_space<vmem>>[vector<16xi32>, vector<16xi32>], vector<16xf32>,
        %add3A_364 = vector.broadcast %mul3A_311 : i32 to vector<16xi32>
        %add3A_365 = arith.addi %select_n3A_82, %add3A_364 : vector<16xi32>
        %add3A_366 = arith.constant 8192 : i32
        %add3A_367 = vector.broadcast %add3A_366 : i32 to vector<16xi32>
        %add3A_368 = arith.addi %add3A_365, %add3A_367 : vector<16xi32>
        %gather3A_369 = tpu.vector_load_idx %arg9[%add3A_368] : memref<16384xf32, #tpu.memory_space<vmem>>[vector<16xi32>], vector<16xf32>,
        %add3A_370 = arith.constant 2048 : i32
        %add3A_371 = vector.broadcast %add3A_370 : i32 to vector<16xi32>
        %add3A_372 = arith.addi %add3A_365, %add3A_371 : vector<16xi32>
        %add3A_373 = arith.constant 0 : i32
        %add3A_374 = vector.broadcast %add3A_373 : i32 to vector<16xi32>
        %add3A_375 = arith.addi %select_n3A_104, %add3A_374 : vector<16xi32>
        %gather3A_376 = tpu.vector_load_idx %arg10[%add3A_372, %add3A_375] : memref<4096x16xf32, #tpu.memory_space<vmem>>[vector<16xi32>, vector<16xi32>], vector<16xf32>,
        %mul3A_377 = arith.mulf %gather3A_369, %gather3A_376 : vector<16xf32>
        %add3A_378 = arith.constant 10240 : i32
        %add3A_379 = vector.broadcast %add3A_378 : i32 to vector<16xi32>
        %add3A_380 = arith.addi %add3A_365, %add3A_379 : vector<16xi32>
        %gather3A_381 = tpu.vector_load_idx %arg9[%add3A_380] : memref<16384xf32, #tpu.memory_space<vmem>>[vector<16xi32>], vector<16xf32>,
        %add3A_382 = arith.constant 2048 : i32
        %add3A_383 = vector.broadcast %add3A_382 : i32 to vector<16xi32>
        %add3A_384 = arith.addi %add3A_365, %add3A_383 : vector<16xi32>
        %add3A_385 = arith.constant 4 : i32
        %add3A_386 = vector.broadcast %add3A_385 : i32 to vector<16xi32>
        %add3A_387 = arith.addi %select_n3A_104, %add3A_386 : vector<16xi32>
        %gather3A_388 = tpu.vector_load_idx %arg10[%add3A_384, %add3A_387] : memref<4096x16xf32, #tpu.memory_space<vmem>>[vector<16xi32>, vector<16xi32>], vector<16xf32>,
        %mul3A_389 = arith.mulf %gather3A_381, %gather3A_388 : vector<16xf32>
        %add3A_390 = arith.addf %mul3A_377, %mul3A_389 : vector<16xf32>
        %add3A_391 = arith.constant 12288 : i32
        %add3A_392 = vector.broadcast %add3A_391 : i32 to vector<16xi32>
        %add3A_393 = arith.addi %add3A_365, %add3A_392 : vector<16xi32>
        %gather3A_394 = tpu.vector_load_idx %arg9[%add3A_393] : memref<16384xf32, #tpu.memory_space<vmem>>[vector<16xi32>], vector<16xf32>,
        %add3A_395 = arith.constant 2048 : i32
        %add3A_396 = vector.broadcast %add3A_395 : i32 to vector<16xi32>
        %add3A_397 = arith.addi %add3A_365, %add3A_396 : vector<16xi32>
        %add3A_398 = arith.constant 8 : i32
        %add3A_399 = vector.broadcast %add3A_398 : i32 to vector<16xi32>
        %add3A_400 = arith.addi %select_n3A_104, %add3A_399 : vector<16xi32>
        %gather3A_401 = tpu.vector_load_idx %arg10[%add3A_397, %add3A_400] : memref<4096x16xf32, #tpu.memory_space<vmem>>[vector<16xi32>, vector<16xi32>], vector<16xf32>,
        %mul3A_402 = arith.mulf %gather3A_394, %gather3A_401 : vector<16xf32>
        %add3A_403 = arith.addf %add3A_390, %mul3A_402 : vector<16xf32>
        %add3A_404 = arith.constant 14336 : i32
        %add3A_405 = vector.broadcast %add3A_404 : i32 to vector<16xi32>
        %add3A_406 = arith.addi %add3A_365, %add3A_405 : vector<16xi32>
        %gather3A_407 = tpu.vector_load_idx %arg9[%add3A_406] : memref<16384xf32, #tpu.memory_space<vmem>>[vector<16xi32>], vector<16xf32>,
        %add3A_408 = arith.constant 2048 : i32
        %add3A_409 = vector.broadcast %add3A_408 : i32 to vector<16xi32>
        %add3A_410 = arith.addi %add3A_365, %add3A_409 : vector<16xi32>
        %add3A_411 = arith.constant 12 : i32
        %add3A_412 = vector.broadcast %add3A_411 : i32 to vector<16xi32>
        %add3A_413 = arith.addi %select_n3A_104, %add3A_412 : vector<16xi32>
        %gather3A_414 = tpu.vector_load_idx %arg10[%add3A_410, %add3A_413] : memref<4096x16xf32, #tpu.memory_space<vmem>>[vector<16xi32>, vector<16xi32>], vector<16xf32>,
        %mul3A_415 = arith.mulf %gather3A_407, %gather3A_414 : vector<16xf32>
        %add3A_416 = arith.addf %add3A_403, %mul3A_415 : vector<16xf32>
        tpu.vector_store_idx %arg11[%add3A_365, %select_n3A_104], %add3A_416 : memref<2048x3xf32, #tpu.memory_space<vmem>>[vector<16xi32>, vector<16xi32>], vector<16xf32>,
        %add3A_417 = vector.broadcast %mul3A_311 : i32 to vector<16xi32>
        %add3A_418 = arith.addi %select_n3A_138, %add3A_417 : vector<16xi32>
        %add3A_419 = arith.constant 8192 : i32
        %add3A_420 = vector.broadcast %add3A_419 : i32 to vector<16xi32>
        %add3A_421 = arith.addi %add3A_418, %add3A_420 : vector<16xi32>
        %gather3A_422 = tpu.vector_load_idx %arg9[%add3A_421] : memref<16384xf32, #tpu.memory_space<vmem>>[vector<16xi32>], vector<16xf32>,
        %add3A_423 = arith.constant 2048 : i32
        %add3A_424 = vector.broadcast %add3A_423 : i32 to vector<16xi32>
        %add3A_425 = arith.addi %add3A_418, %add3A_424 : vector<16xi32>
        %add3A_426 = arith.constant 0 : i32
        %add3A_427 = vector.broadcast %add3A_426 : i32 to vector<16xi32>
        %add3A_428 = arith.addi %select_n3A_160, %add3A_427 : vector<16xi32>
        %gather3A_429 = tpu.vector_load_idx %arg10[%add3A_425, %add3A_428] : memref<4096x16xf32, #tpu.memory_space<vmem>>[vector<16xi32>, vector<16xi32>], vector<16xf32>,
        %mul3A_430 = arith.mulf %gather3A_422, %gather3A_429 : vector<16xf32>
        %add3A_431 = arith.constant 10240 : i32
        %add3A_432 = vector.broadcast %add3A_431 : i32 to vector<16xi32>
        %add3A_433 = arith.addi %add3A_418, %add3A_432 : vector<16xi32>
        %gather3A_434 = tpu.vector_load_idx %arg9[%add3A_433] : memref<16384xf32, #tpu.memory_space<vmem>>[vector<16xi32>], vector<16xf32>,
        %add3A_435 = arith.constant 2048 : i32
        %add3A_436 = vector.broadcast %add3A_435 : i32 to vector<16xi32>
        %add3A_437 = arith.addi %add3A_418, %add3A_436 : vector<16xi32>
        %add3A_438 = arith.constant 4 : i32
        %add3A_439 = vector.broadcast %add3A_438 : i32 to vector<16xi32>
        %add3A_440 = arith.addi %select_n3A_160, %add3A_439 : vector<16xi32>
        %gather3A_441 = tpu.vector_load_idx %arg10[%add3A_437, %add3A_440] : memref<4096x16xf32, #tpu.memory_space<vmem>>[vector<16xi32>, vector<16xi32>], vector<16xf32>,
        %mul3A_442 = arith.mulf %gather3A_434, %gather3A_441 : vector<16xf32>
        %add3A_443 = arith.addf %mul3A_430, %mul3A_442 : vector<16xf32>
        %add3A_444 = arith.constant 12288 : i32
        %add3A_445 = vector.broadcast %add3A_444 : i32 to vector<16xi32>
        %add3A_446 = arith.addi %add3A_418, %add3A_445 : vector<16xi32>
        %gather3A_447 = tpu.vector_load_idx %arg9[%add3A_446] : memref<16384xf32, #tpu.memory_space<vmem>>[vector<16xi32>], vector<16xf32>,
        %add3A_448 = arith.constant 2048 : i32
        %add3A_449 = vector.broadcast %add3A_448 : i32 to vector<16xi32>
        %add3A_450 = arith.addi %add3A_418, %add3A_449 : vector<16xi32>
        %add3A_451 = arith.constant 8 : i32
        %add3A_452 = vector.broadcast %add3A_451 : i32 to vector<16xi32>
        %add3A_453 = arith.addi %select_n3A_160, %add3A_452 : vector<16xi32>
        %gather3A_454 = tpu.vector_load_idx %arg10[%add3A_450, %add3A_453] : memref<4096x16xf32, #tpu.memory_space<vmem>>[vector<16xi32>, vector<16xi32>], vector<16xf32>,
        %mul3A_455 = arith.mulf %gather3A_447, %gather3A_454 : vector<16xf32>
        %add3A_456 = arith.addf %add3A_443, %mul3A_455 : vector<16xf32>
        %add3A_457 = arith.constant 14336 : i32
        %add3A_458 = vector.broadcast %add3A_457 : i32 to vector<16xi32>
        %add3A_459 = arith.addi %add3A_418, %add3A_458 : vector<16xi32>
        %gather3A_460 = tpu.vector_load_idx %arg9[%add3A_459] : memref<16384xf32, #tpu.memory_space<vmem>>[vector<16xi32>], vector<16xf32>,
        %add3A_461 = arith.constant 2048 : i32
        %add3A_462 = vector.broadcast %add3A_461 : i32 to vector<16xi32>
        %add3A_463 = arith.addi %add3A_418, %add3A_462 : vector<16xi32>
        %add3A_464 = arith.constant 12 : i32
        %add3A_465 = vector.broadcast %add3A_464 : i32 to vector<16xi32>
        %add3A_466 = arith.addi %select_n3A_160, %add3A_465 : vector<16xi32>
        %gather3A_467 = tpu.vector_load_idx %arg10[%add3A_463, %add3A_466] : memref<4096x16xf32, #tpu.memory_space<vmem>>[vector<16xi32>, vector<16xi32>], vector<16xf32>,
        %mul3A_468 = arith.mulf %gather3A_460, %gather3A_467 : vector<16xf32>
        %add3A_469 = arith.addf %add3A_456, %mul3A_468 : vector<16xf32>
        tpu.vector_store_idx %arg11[%add3A_418, %select_n3A_160], %add3A_469 : memref<2048x3xf32, #tpu.memory_space<vmem>>[vector<16xi32>, vector<16xi32>], vector<16xf32>,
        %mul3A_470 = arith.constant 2 : i32
        %mul3A_471 = arith.muli %scan3A_305, %mul3A_470 : i32
        %add3A_472 = arith.constant 1 : i32
        %add3A_473 = arith.addi %mul3A_471, %add3A_472 : i32
        %mul3A_474 = arith.constant 16 : i32
        %mul3A_475 = arith.muli %add3A_473, %mul3A_474 : i32
        %add3A_476 = vector.broadcast %mul3A_475 : i32 to vector<16xi32>
        %add3A_477 = arith.addi %select_n3A, %add3A_476 : vector<16xi32>
        %add3A_478 = arith.constant 8192 : i32
        %add3A_479 = vector.broadcast %add3A_478 : i32 to vector<16xi32>
        %add3A_480 = arith.addi %add3A_477, %add3A_479 : vector<16xi32>
        %gather3A_481 = tpu.vector_load_idx %arg9[%add3A_480] : memref<16384xf32, #tpu.memory_space<vmem>>[vector<16xi32>], vector<16xf32>,
        %add3A_482 = arith.constant 2048 : i32
        %add3A_483 = vector.broadcast %add3A_482 : i32 to vector<16xi32>
        %add3A_484 = arith.addi %add3A_477, %add3A_483 : vector<16xi32>
        %add3A_485 = arith.constant 0 : i32
        %add3A_486 = vector.broadcast %add3A_485 : i32 to vector<16xi32>
        %add3A_487 = arith.addi %select_n3A_48, %add3A_486 : vector<16xi32>
        %gather3A_488 = tpu.vector_load_idx %arg10[%add3A_484, %add3A_487] : memref<4096x16xf32, #tpu.memory_space<vmem>>[vector<16xi32>, vector<16xi32>], vector<16xf32>,
        %mul3A_489 = arith.mulf %gather3A_481, %gather3A_488 : vector<16xf32>
        %add3A_490 = arith.constant 10240 : i32
        %add3A_491 = vector.broadcast %add3A_490 : i32 to vector<16xi32>
        %add3A_492 = arith.addi %add3A_477, %add3A_491 : vector<16xi32>
        %gather3A_493 = tpu.vector_load_idx %arg9[%add3A_492] : memref<16384xf32, #tpu.memory_space<vmem>>[vector<16xi32>], vector<16xf32>,
        %add3A_494 = arith.constant 2048 : i32
        %add3A_495 = vector.broadcast %add3A_494 : i32 to vector<16xi32>
        %add3A_496 = arith.addi %add3A_477, %add3A_495 : vector<16xi32>
        %add3A_497 = arith.constant 4 : i32
        %add3A_498 = vector.broadcast %add3A_497 : i32 to vector<16xi32>
        %add3A_499 = arith.addi %select_n3A_48, %add3A_498 : vector<16xi32>
        %gather3A_500 = tpu.vector_load_idx %arg10[%add3A_496, %add3A_499] : memref<4096x16xf32, #tpu.memory_space<vmem>>[vector<16xi32>, vector<16xi32>], vector<16xf32>,
        %mul3A_501 = arith.mulf %gather3A_493, %gather3A_500 : vector<16xf32>
        %add3A_502 = arith.addf %mul3A_489, %mul3A_501 : vector<16xf32>
        %add3A_503 = arith.constant 12288 : i32
        %add3A_504 = vector.broadcast %add3A_503 : i32 to vector<16xi32>
        %add3A_505 = arith.addi %add3A_477, %add3A_504 : vector<16xi32>
        %gather3A_506 = tpu.vector_load_idx %arg9[%add3A_505] : memref<16384xf32, #tpu.memory_space<vmem>>[vector<16xi32>], vector<16xf32>,
        %add3A_507 = arith.constant 2048 : i32
        %add3A_508 = vector.broadcast %add3A_507 : i32 to vector<16xi32>
        %add3A_509 = arith.addi %add3A_477, %add3A_508 : vector<16xi32>
        %add3A_510 = arith.constant 8 : i32
        %add3A_511 = vector.broadcast %add3A_510 : i32 to vector<16xi32>
        %add3A_512 = arith.addi %select_n3A_48, %add3A_511 : vector<16xi32>
        %gather3A_513 = tpu.vector_load_idx %arg10[%add3A_509, %add3A_512] : memref<4096x16xf32, #tpu.memory_space<vmem>>[vector<16xi32>, vector<16xi32>], vector<16xf32>,
        %mul3A_514 = arith.mulf %gather3A_506, %gather3A_513 : vector<16xf32>
        %add3A_515 = arith.addf %add3A_502, %mul3A_514 : vector<16xf32>
        %add3A_516 = arith.constant 14336 : i32
        %add3A_517 = vector.broadcast %add3A_516 : i32 to vector<16xi32>
        %add3A_518 = arith.addi %add3A_477, %add3A_517 : vector<16xi32>
        %gather3A_519 = tpu.vector_load_idx %arg9[%add3A_518] : memref<16384xf32, #tpu.memory_space<vmem>>[vector<16xi32>], vector<16xf32>,
        %add3A_520 = arith.constant 2048 : i32
        %add3A_521 = vector.broadcast %add3A_520 : i32 to vector<16xi32>
        %add3A_522 = arith.addi %add3A_477, %add3A_521 : vector<16xi32>
        %add3A_523 = arith.constant 12 : i32
        %add3A_524 = vector.broadcast %add3A_523 : i32 to vector<16xi32>
        %add3A_525 = arith.addi %select_n3A_48, %add3A_524 : vector<16xi32>
        %gather3A_526 = tpu.vector_load_idx %arg10[%add3A_522, %add3A_525] : memref<4096x16xf32, #tpu.memory_space<vmem>>[vector<16xi32>, vector<16xi32>], vector<16xf32>,
        %mul3A_527 = arith.mulf %gather3A_519, %gather3A_526 : vector<16xf32>
        %add3A_528 = arith.addf %add3A_515, %mul3A_527 : vector<16xf32>
        tpu.vector_store_idx %arg11[%add3A_477, %select_n3A_48], %add3A_528 : memref<2048x3xf32, #tpu.memory_space<vmem>>[vector<16xi32>, vector<16xi32>], vector<16xf32>,
        %add3A_529 = vector.broadcast %mul3A_475 : i32 to vector<16xi32>
        %add3A_530 = arith.addi %select_n3A_82, %add3A_529 : vector<16xi32>
        %add3A_531 = arith.constant 8192 : i32
        %add3A_532 = vector.broadcast %add3A_531 : i32 to vector<16xi32>
        %add3A_533 = arith.addi %add3A_530, %add3A_532 : vector<16xi32>
        %gather3A_534 = tpu.vector_load_idx %arg9[%add3A_533] : memref<16384xf32, #tpu.memory_space<vmem>>[vector<16xi32>], vector<16xf32>,
        %add3A_535 = arith.constant 2048 : i32
        %add3A_536 = vector.broadcast %add3A_535 : i32 to vector<16xi32>
        %add3A_537 = arith.addi %add3A_530, %add3A_536 : vector<16xi32>
        %add3A_538 = arith.constant 0 : i32
        %add3A_539 = vector.broadcast %add3A_538 : i32 to vector<16xi32>
        %add3A_540 = arith.addi %select_n3A_104, %add3A_539 : vector<16xi32>
        %gather3A_541 = tpu.vector_load_idx %arg10[%add3A_537, %add3A_540] : memref<4096x16xf32, #tpu.memory_space<vmem>>[vector<16xi32>, vector<16xi32>], vector<16xf32>,
        %mul3A_542 = arith.mulf %gather3A_534, %gather3A_541 : vector<16xf32>
        %add3A_543 = arith.constant 10240 : i32
        %add3A_544 = vector.broadcast %add3A_543 : i32 to vector<16xi32>
        %add3A_545 = arith.addi %add3A_530, %add3A_544 : vector<16xi32>
        %gather3A_546 = tpu.vector_load_idx %arg9[%add3A_545] : memref<16384xf32, #tpu.memory_space<vmem>>[vector<16xi32>], vector<16xf32>,
        %add3A_547 = arith.constant 2048 : i32
        %add3A_548 = vector.broadcast %add3A_547 : i32 to vector<16xi32>
        %add3A_549 = arith.addi %add3A_530, %add3A_548 : vector<16xi32>
        %add3A_550 = arith.constant 4 : i32
        %add3A_551 = vector.broadcast %add3A_550 : i32 to vector<16xi32>
        %add3A_552 = arith.addi %select_n3A_104, %add3A_551 : vector<16xi32>
        %gather3A_553 = tpu.vector_load_idx %arg10[%add3A_549, %add3A_552] : memref<4096x16xf32, #tpu.memory_space<vmem>>[vector<16xi32>, vector<16xi32>], vector<16xf32>,
        %mul3A_554 = arith.mulf %gather3A_546, %gather3A_553 : vector<16xf32>
        %add3A_555 = arith.addf %mul3A_542, %mul3A_554 : vector<16xf32>
        %add3A_556 = arith.constant 12288 : i32
        %add3A_557 = vector.broadcast %add3A_556 : i32 to vector<16xi32>
        %add3A_558 = arith.addi %add3A_530, %add3A_557 : vector<16xi32>
        %gather3A_559 = tpu.vector_load_idx %arg9[%add3A_558] : memref<16384xf32, #tpu.memory_space<vmem>>[vector<16xi32>], vector<16xf32>,
        %add3A_560 = arith.constant 2048 : i32
        %add3A_561 = vector.broadcast %add3A_560 : i32 to vector<16xi32>
        %add3A_562 = arith.addi %add3A_530, %add3A_561 : vector<16xi32>
        %add3A_563 = arith.constant 8 : i32
        %add3A_564 = vector.broadcast %add3A_563 : i32 to vector<16xi32>
        %add3A_565 = arith.addi %select_n3A_104, %add3A_564 : vector<16xi32>
        %gather3A_566 = tpu.vector_load_idx %arg10[%add3A_562, %add3A_565] : memref<4096x16xf32, #tpu.memory_space<vmem>>[vector<16xi32>, vector<16xi32>], vector<16xf32>,
        %mul3A_567 = arith.mulf %gather3A_559, %gather3A_566 : vector<16xf32>
        %add3A_568 = arith.addf %add3A_555, %mul3A_567 : vector<16xf32>
        %add3A_569 = arith.constant 14336 : i32
        %add3A_570 = vector.broadcast %add3A_569 : i32 to vector<16xi32>
        %add3A_571 = arith.addi %add3A_530, %add3A_570 : vector<16xi32>
        %gather3A_572 = tpu.vector_load_idx %arg9[%add3A_571] : memref<16384xf32, #tpu.memory_space<vmem>>[vector<16xi32>], vector<16xf32>,
        %add3A_573 = arith.constant 2048 : i32
        %add3A_574 = vector.broadcast %add3A_573 : i32 to vector<16xi32>
        %add3A_575 = arith.addi %add3A_530, %add3A_574 : vector<16xi32>
        %add3A_576 = arith.constant 12 : i32
        %add3A_577 = vector.broadcast %add3A_576 : i32 to vector<16xi32>
        %add3A_578 = arith.addi %select_n3A_104, %add3A_577 : vector<16xi32>
        %gather3A_579 = tpu.vector_load_idx %arg10[%add3A_575, %add3A_578] : memref<4096x16xf32, #tpu.memory_space<vmem>>[vector<16xi32>, vector<16xi32>], vector<16xf32>,
        %mul3A_580 = arith.mulf %gather3A_572, %gather3A_579 : vector<16xf32>
        %add3A_581 = arith.addf %add3A_568, %mul3A_580 : vector<16xf32>
        tpu.vector_store_idx %arg11[%add3A_530, %select_n3A_104], %add3A_581 : memref<2048x3xf32, #tpu.memory_space<vmem>>[vector<16xi32>, vector<16xi32>], vector<16xf32>,
        %add3A_582 = vector.broadcast %mul3A_475 : i32 to vector<16xi32>
        %add3A_583 = arith.addi %select_n3A_138, %add3A_582 : vector<16xi32>
        %add3A_584 = arith.constant 8192 : i32
        %add3A_585 = vector.broadcast %add3A_584 : i32 to vector<16xi32>
        %add3A_586 = arith.addi %add3A_583, %add3A_585 : vector<16xi32>
        %gather3A_587 = tpu.vector_load_idx %arg9[%add3A_586] : memref<16384xf32, #tpu.memory_space<vmem>>[vector<16xi32>], vector<16xf32>,
        %add3A_588 = arith.constant 2048 : i32
        %add3A_589 = vector.broadcast %add3A_588 : i32 to vector<16xi32>
        %add3A_590 = arith.addi %add3A_583, %add3A_589 : vector<16xi32>
        %add3A_591 = arith.constant 0 : i32
        %add3A_592 = vector.broadcast %add3A_591 : i32 to vector<16xi32>
        %add3A_593 = arith.addi %select_n3A_160, %add3A_592 : vector<16xi32>
        %gather3A_594 = tpu.vector_load_idx %arg10[%add3A_590, %add3A_593] : memref<4096x16xf32, #tpu.memory_space<vmem>>[vector<16xi32>, vector<16xi32>], vector<16xf32>,
        %mul3A_595 = arith.mulf %gather3A_587, %gather3A_594 : vector<16xf32>
        %add3A_596 = arith.constant 10240 : i32
        %add3A_597 = vector.broadcast %add3A_596 : i32 to vector<16xi32>
        %add3A_598 = arith.addi %add3A_583, %add3A_597 : vector<16xi32>
        %gather3A_599 = tpu.vector_load_idx %arg9[%add3A_598] : memref<16384xf32, #tpu.memory_space<vmem>>[vector<16xi32>], vector<16xf32>,
        %add3A_600 = arith.constant 2048 : i32
        %add3A_601 = vector.broadcast %add3A_600 : i32 to vector<16xi32>
        %add3A_602 = arith.addi %add3A_583, %add3A_601 : vector<16xi32>
        %add3A_603 = arith.constant 4 : i32
        %add3A_604 = vector.broadcast %add3A_603 : i32 to vector<16xi32>
        %add3A_605 = arith.addi %select_n3A_160, %add3A_604 : vector<16xi32>
        %gather3A_606 = tpu.vector_load_idx %arg10[%add3A_602, %add3A_605] : memref<4096x16xf32, #tpu.memory_space<vmem>>[vector<16xi32>, vector<16xi32>], vector<16xf32>,
        %mul3A_607 = arith.mulf %gather3A_599, %gather3A_606 : vector<16xf32>
        %add3A_608 = arith.addf %mul3A_595, %mul3A_607 : vector<16xf32>
        %add3A_609 = arith.constant 12288 : i32
        %add3A_610 = vector.broadcast %add3A_609 : i32 to vector<16xi32>
        %add3A_611 = arith.addi %add3A_583, %add3A_610 : vector<16xi32>
        %gather3A_612 = tpu.vector_load_idx %arg9[%add3A_611] : memref<16384xf32, #tpu.memory_space<vmem>>[vector<16xi32>], vector<16xf32>,
        %add3A_613 = arith.constant 2048 : i32
        %add3A_614 = vector.broadcast %add3A_613 : i32 to vector<16xi32>
        %add3A_615 = arith.addi %add3A_583, %add3A_614 : vector<16xi32>
        %add3A_616 = arith.constant 8 : i32
        %add3A_617 = vector.broadcast %add3A_616 : i32 to vector<16xi32>
        %add3A_618 = arith.addi %select_n3A_160, %add3A_617 : vector<16xi32>
        %gather3A_619 = tpu.vector_load_idx %arg10[%add3A_615, %add3A_618] : memref<4096x16xf32, #tpu.memory_space<vmem>>[vector<16xi32>, vector<16xi32>], vector<16xf32>,
        %mul3A_620 = arith.mulf %gather3A_612, %gather3A_619 : vector<16xf32>
        %add3A_621 = arith.addf %add3A_608, %mul3A_620 : vector<16xf32>
        %add3A_622 = arith.constant 14336 : i32
        %add3A_623 = vector.broadcast %add3A_622 : i32 to vector<16xi32>
        %add3A_624 = arith.addi %add3A_583, %add3A_623 : vector<16xi32>
        %gather3A_625 = tpu.vector_load_idx %arg9[%add3A_624] : memref<16384xf32, #tpu.memory_space<vmem>>[vector<16xi32>], vector<16xf32>,
        %add3A_626 = arith.constant 2048 : i32
        %add3A_627 = vector.broadcast %add3A_626 : i32 to vector<16xi32>
        %add3A_628 = arith.addi %add3A_583, %add3A_627 : vector<16xi32>
        %add3A_629 = arith.constant 12 : i32
        %add3A_630 = vector.broadcast %add3A_629 : i32 to vector<16xi32>
        %add3A_631 = arith.addi %select_n3A_160, %add3A_630 : vector<16xi32>
        %gather3A_632 = tpu.vector_load_idx %arg10[%add3A_628, %add3A_631] : memref<4096x16xf32, #tpu.memory_space<vmem>>[vector<16xi32>, vector<16xi32>], vector<16xf32>,
        %mul3A_633 = arith.mulf %gather3A_625, %gather3A_632 : vector<16xf32>
        %add3A_634 = arith.addf %add3A_621, %mul3A_633 : vector<16xf32>
        tpu.vector_store_idx %arg11[%add3A_583, %select_n3A_160], %add3A_634 : memref<2048x3xf32, #tpu.memory_space<vmem>>[vector<16xi32>, vector<16xi32>], vector<16xf32>,
      }
      %scan3A_304 = arith.constant 64 : i32
      "tpu.region"() ({
        %run_scoped3A = tpu.sem_alloc : memref<!tpu.dma_semaphore, #tpu.memory_space<semaphore_mem>>
        %dma_start3A_305 = arith.constant 0 : i32
        %dma_start3A_306 = tpu.memref_slice %arg5[%add3A_298, %dma_start3A_305] : memref<1048576x3xf32, #tpu.memory_space<hbm>> -> memref<2048x3xf32, #tpu.memory_space<hbm>>
        %dma_start3A_307 = arith.constant 0 : i32
        %dma_start3A_308 = tpu.memref_slice %arg5[%add3A_298, %dma_start3A_307] : memref<1048576x3xf32, #tpu.memory_space<hbm>> -> memref<2048x3xf32, #tpu.memory_space<hbm>>
        tpu.enqueue_dma source(%arg11 : memref<2048x3xf32, #tpu.memory_space<vmem>>) target(%dma_start3A_308 : memref<2048x3xf32, #tpu.memory_space<hbm>>) target_semaphore(%run_scoped3A : memref<!tpu.dma_semaphore, #tpu.memory_space<semaphore_mem>>)
        %dma_wait3A_309 = arith.constant 0 : i32
        %dma_wait3A_310 = tpu.memref_slice %arg5[%add3A_298, %dma_wait3A_309] : memref<1048576x3xf32, #tpu.memory_space<hbm>> -> memref<2048x3xf32, #tpu.memory_space<hbm>>
        %dma_wait3A_311 = arith.constant 0 : i32
        %dma_wait3A_312 = tpu.memref_slice %arg5[%add3A_298, %dma_wait3A_311] : memref<1048576x3xf32, #tpu.memory_space<hbm>> -> memref<2048x3xf32, #tpu.memory_space<hbm>>
        tpu.wait_dma2 semaphore(%run_scoped3A : memref<!tpu.dma_semaphore, #tpu.memory_space<semaphore_mem>>) src(%arg11 : memref<2048x3xf32, #tpu.memory_space<vmem>>) dst(%dma_wait3A_312 : memref<2048x3xf32, #tpu.memory_space<hbm>>)
        tpu.yield
      }) : () -> ()
    }
    %scan3A_180 = arith.constant 7 : i32
    %add3A_181 = arith.constant 30720 : i32
    %add3A_182 = arith.addi %mul3A_2, %add3A_181 : i32
    "tpu.region"() ({
      %run_scoped3A = tpu.sem_alloc : memref<!tpu.dma_semaphore, #tpu.memory_space<semaphore_mem>>
      %dma_start3A_228 = tpu.memref_slice %arg2[%add3A_182] : memref<1048576xf32, #tpu.memory_space<hbm>> -> memref<2048xf32, #tpu.memory_space<hbm>>
      %dma_start3A_229 = tpu.memref_slice %arg2[%add3A_182] : memref<1048576xf32, #tpu.memory_space<hbm>> -> memref<2048xf32, #tpu.memory_space<hbm>>
      tpu.enqueue_dma source(%dma_start3A_229 : memref<2048xf32, #tpu.memory_space<hbm>>) target(%arg6 : memref<2048xf32, #tpu.memory_space<vmem>>) target_semaphore(%run_scoped3A : memref<!tpu.dma_semaphore, #tpu.memory_space<semaphore_mem>>)
      %dma_wait3A_230 = tpu.memref_slice %arg2[%add3A_182] : memref<1048576xf32, #tpu.memory_space<hbm>> -> memref<2048xf32, #tpu.memory_space<hbm>>
      %dma_wait3A_231 = tpu.memref_slice %arg2[%add3A_182] : memref<1048576xf32, #tpu.memory_space<hbm>> -> memref<2048xf32, #tpu.memory_space<hbm>>
      tpu.wait_dma2 semaphore(%run_scoped3A : memref<!tpu.dma_semaphore, #tpu.memory_space<semaphore_mem>>) src(%dma_wait3A_231 : memref<2048xf32, #tpu.memory_space<hbm>>) dst(%arg6 : memref<2048xf32, #tpu.memory_space<vmem>>)
      tpu.yield
    }) : () -> ()
    "tpu.region"() ({
      %run_scoped3A = tpu.sem_alloc : memref<!tpu.dma_semaphore, #tpu.memory_space<semaphore_mem>>
      %dma_start3A_228 = tpu.memref_slice %arg3[%add3A_182] : memref<1048576xf32, #tpu.memory_space<hbm>> -> memref<2048xf32, #tpu.memory_space<hbm>>
      %dma_start3A_229 = tpu.memref_slice %arg3[%add3A_182] : memref<1048576xf32, #tpu.memory_space<hbm>> -> memref<2048xf32, #tpu.memory_space<hbm>>
      tpu.enqueue_dma source(%dma_start3A_229 : memref<2048xf32, #tpu.memory_space<hbm>>) target(%arg7 : memref<2048xf32, #tpu.memory_space<vmem>>) target_semaphore(%run_scoped3A : memref<!tpu.dma_semaphore, #tpu.memory_space<semaphore_mem>>)
      %dma_wait3A_230 = tpu.memref_slice %arg3[%add3A_182] : memref<1048576xf32, #tpu.memory_space<hbm>> -> memref<2048xf32, #tpu.memory_space<hbm>>
      %dma_wait3A_231 = tpu.memref_slice %arg3[%add3A_182] : memref<1048576xf32, #tpu.memory_space<hbm>> -> memref<2048xf32, #tpu.memory_space<hbm>>
      tpu.wait_dma2 semaphore(%run_scoped3A : memref<!tpu.dma_semaphore, #tpu.memory_space<semaphore_mem>>) src(%dma_wait3A_231 : memref<2048xf32, #tpu.memory_space<hbm>>) dst(%arg7 : memref<2048xf32, #tpu.memory_space<vmem>>)
      tpu.yield
    }) : () -> ()
    %scan3A_183 = arith.constant 0 : i32
    %scan3A_184 = arith.constant 0 : i32
    %scan3A_185 = arith.constant 64 : i32
    %scan3A_186 = arith.addi %scan3A_184, %scan3A_185 : i32
    %scan3A_187 = arith.constant 1 : i32
    scf.for %scan3A_228 = %scan3A_184 to %scan3A_186 step %scan3A_187  : i32 {
      %mul3A_229 = arith.constant 2 : i32
      %mul3A_230 = arith.muli %scan3A_228, %mul3A_229 : i32
      %add3A_231 = arith.constant 0 : i32
      %add3A_232 = arith.addi %mul3A_230, %add3A_231 : i32
      %mul3A_233 = arith.constant 16 : i32
      %mul3A_234 = arith.muli %add3A_232, %mul3A_233 : i32
      %get3A = arith.index_cast %mul3A_234 : i32 to index
      %get3A_235 = tpu.vector_load %arg6[%get3A] {strides = array<i32>} : memref<2048xf32, #tpu.memory_space<vmem>>, vector<16xf32>,
      %get3A_236 = arith.index_cast %mul3A_234 : i32 to index
      %get3A_237 = tpu.vector_load %arg7[%get3A_236] {strides = array<i32>} : memref<2048xf32, #tpu.memory_space<vmem>>, vector<16xf32>,
      %mul3A_238 = arith.constant 2.000000e+00 : f32
      %mul3A_239 = vector.broadcast %mul3A_238 : f32 to vector<16xf32>
      %mul3A_240 = arith.mulf %get3A_235, %mul3A_239 : vector<16xf32>
      %sub3A_241 = arith.constant 1.000000e+00 : f32
      %sub3A_242 = vector.broadcast %sub3A_241 : f32 to vector<16xf32>
      %sub3A_243 = arith.subf %mul3A_240, %sub3A_242 : vector<16xf32>
      %add3A_244 = arith.constant 1.000000e+00 : f32
      %add3A_245 = vector.broadcast %add3A_244 : f32 to vector<16xf32>
      %add3A_246 = arith.addf %sub3A_243, %add3A_245 : vector<16xf32>
      %mul3A_247 = arith.constant 2.555000e+02 : f32
      %mul3A_248 = vector.broadcast %mul3A_247 : f32 to vector<16xf32>
      %mul3A_249 = arith.mulf %add3A_246, %mul3A_248 : vector<16xf32>
      %mul3A_250 = arith.constant 2.000000e+00 : f32
      %mul3A_251 = vector.broadcast %mul3A_250 : f32 to vector<16xf32>
      %mul3A_252 = arith.mulf %get3A_237, %mul3A_251 : vector<16xf32>
      %sub3A_253 = arith.constant 1.000000e+00 : f32
      %sub3A_254 = vector.broadcast %sub3A_253 : f32 to vector<16xf32>
      %sub3A_255 = arith.subf %mul3A_252, %sub3A_254 : vector<16xf32>
      %add3A_256 = arith.constant 1.000000e+00 : f32
      %add3A_257 = vector.broadcast %add3A_256 : f32 to vector<16xf32>
      %add3A_258 = arith.addf %sub3A_255, %add3A_257 : vector<16xf32>
      %mul3A_259 = arith.constant 2.555000e+02 : f32
      %mul3A_260 = vector.broadcast %mul3A_259 : f32 to vector<16xf32>
      %mul3A_261 = arith.mulf %add3A_258, %mul3A_260 : vector<16xf32>
      %jit3A_262 = arith.constant 0.000000e+00 : f32
      %jit3A_263 = arith.constant 5.110000e+02 : f32
      %max3A = vector.broadcast %jit3A_262 : f32 to vector<16xf32>
      %max3A_264 = arith.maximumf %max3A, %mul3A_249 : vector<16xf32>
      %min3A = vector.broadcast %jit3A_263 : f32 to vector<16xf32>
      %min3A_265 = arith.minimumf %min3A, %max3A_264 : vector<16xf32>
      %jit3A_266 = arith.constant 0.000000e+00 : f32
      %jit3A_267 = arith.constant 5.110000e+02 : f32
      %max3A_268 = vector.broadcast %jit3A_266 : f32 to vector<16xf32>
      %max3A_269 = arith.maximumf %max3A_268, %mul3A_261 : vector<16xf32>
      %min3A_270 = vector.broadcast %jit3A_267 : f32 to vector<16xf32>
      %min3A_271 = arith.minimumf %min3A_270, %max3A_269 : vector<16xf32>
      %convert_element_type3A = arith.fptosi %min3A_265 : vector<16xf32> to vector<16xi32>
      %convert_element_type3A_272 = arith.fptosi %min3A_271 : vector<16xf32> to vector<16xi32>
      %convert_element_type3A_273 = arith.sitofp %convert_element_type3A : vector<16xi32> to vector<16xf32>
      %sub3A_274 = arith.subf %min3A_265, %convert_element_type3A_273 : vector<16xf32>
      %convert_element_type3A_275 = arith.sitofp %convert_element_type3A_272 : vector<16xi32> to vector<16xf32>
      %sub3A_276 = arith.subf %min3A_271, %convert_element_type3A_275 : vector<16xf32>
      %mul3A_277 = arith.constant 512 : i32
      %mul3A_278 = vector.broadcast %mul3A_277 : i32 to vector<16xi32>
      %mul3A_279 = arith.muli %convert_element_type3A_272, %mul3A_278 : vector<16xi32>
      %add3A_280 = arith.addi %mul3A_279, %convert_element_type3A : vector<16xi32>
      %add3A_281 = arith.constant 2048 : i32
      %add3A_282 = arith.addi %add3A_281, %mul3A_234 : i32
      %swap3A = arith.index_cast %add3A_282 : i32 to index
      %swap3A_283 = tpu.vector_load %arg8[%swap3A] {strides = array<i32>} : memref<4096xi32, #tpu.memory_space<vmem>>, vector<16xi32>,
      tpu.vector_store %arg8[%swap3A], %add3A_280 {strides = array<i32>} : memref<4096xi32, #tpu.memory_space<vmem>>, vector<16xi32>,
      %sub3A_284 = arith.constant 1.000000e+00 : f32
      %sub3A_285 = vector.broadcast %sub3A_284 : f32 to vector<16xf32>
      %sub3A_286 = arith.subf %sub3A_285, %sub3A_274 : vector<16xf32>
      %sub3A_287 = arith.constant 1.000000e+00 : f32
      %sub3A_288 = vector.broadcast %sub3A_287 : f32 to vector<16xf32>
      %sub3A_289 = arith.subf %sub3A_288, %sub3A_276 : vector<16xf32>
      %mul3A_290 = arith.mulf %sub3A_286, %sub3A_289 : vector<16xf32>
      %add3A_291 = arith.constant 8192 : i32
      %add3A_292 = arith.addi %add3A_291, %mul3A_234 : i32
      %swap3A_293 = arith.index_cast %add3A_292 : i32 to index
      %swap3A_294 = tpu.vector_load %arg9[%swap3A_293] {strides = array<i32>} : memref<16384xf32, #tpu.memory_space<vmem>>, vector<16xf32>,
      tpu.vector_store %arg9[%swap3A_293], %mul3A_290 {strides = array<i32>} : memref<16384xf32, #tpu.memory_space<vmem>>, vector<16xf32>,
      %mul3A_295 = arith.mulf %sub3A_274, %sub3A_289 : vector<16xf32>
      %add3A_296 = arith.constant 10240 : i32
      %add3A_297 = arith.addi %add3A_296, %mul3A_234 : i32
      %swap3A_298 = arith.index_cast %add3A_297 : i32 to index
      %swap3A_299 = tpu.vector_load %arg9[%swap3A_298] {strides = array<i32>} : memref<16384xf32, #tpu.memory_space<vmem>>, vector<16xf32>,
      tpu.vector_store %arg9[%swap3A_298], %mul3A_295 {strides = array<i32>} : memref<16384xf32, #tpu.memory_space<vmem>>, vector<16xf32>,
      %mul3A_300 = arith.mulf %sub3A_286, %sub3A_276 : vector<16xf32>
      %add3A_301 = arith.constant 12288 : i32
      %add3A_302 = arith.addi %add3A_301, %mul3A_234 : i32
      %swap3A_303 = arith.index_cast %add3A_302 : i32 to index
      %swap3A_304 = tpu.vector_load %arg9[%swap3A_303] {strides = array<i32>} : memref<16384xf32, #tpu.memory_space<vmem>>, vector<16xf32>,
      tpu.vector_store %arg9[%swap3A_303], %mul3A_300 {strides = array<i32>} : memref<16384xf32, #tpu.memory_space<vmem>>, vector<16xf32>,
      %mul3A_305 = arith.mulf %sub3A_274, %sub3A_276 : vector<16xf32>
      %add3A_306 = arith.constant 14336 : i32
      %add3A_307 = arith.addi %add3A_306, %mul3A_234 : i32
      %swap3A_308 = arith.index_cast %add3A_307 : i32 to index
      %swap3A_309 = tpu.vector_load %arg9[%swap3A_308] {strides = array<i32>} : memref<16384xf32, #tpu.memory_space<vmem>>, vector<16xf32>,
      tpu.vector_store %arg9[%swap3A_308], %mul3A_305 {strides = array<i32>} : memref<16384xf32, #tpu.memory_space<vmem>>, vector<16xf32>,
      %mul3A_310 = arith.constant 2 : i32
      %mul3A_311 = arith.muli %scan3A_228, %mul3A_310 : i32
      %add3A_312 = arith.constant 1 : i32
      %add3A_313 = arith.addi %mul3A_311, %add3A_312 : i32
      %mul3A_314 = arith.constant 16 : i32
      %mul3A_315 = arith.muli %add3A_313, %mul3A_314 : i32
      %get3A_316 = arith.index_cast %mul3A_315 : i32 to index
      %get3A_317 = tpu.vector_load %arg6[%get3A_316] {strides = array<i32>} : memref<2048xf32, #tpu.memory_space<vmem>>, vector<16xf32>,
      %get3A_318 = arith.index_cast %mul3A_315 : i32 to index
      %get3A_319 = tpu.vector_load %arg7[%get3A_318] {strides = array<i32>} : memref<2048xf32, #tpu.memory_space<vmem>>, vector<16xf32>,
      %mul3A_320 = arith.constant 2.000000e+00 : f32
      %mul3A_321 = vector.broadcast %mul3A_320 : f32 to vector<16xf32>
      %mul3A_322 = arith.mulf %get3A_317, %mul3A_321 : vector<16xf32>
      %sub3A_323 = arith.constant 1.000000e+00 : f32
      %sub3A_324 = vector.broadcast %sub3A_323 : f32 to vector<16xf32>
      %sub3A_325 = arith.subf %mul3A_322, %sub3A_324 : vector<16xf32>
      %add3A_326 = arith.constant 1.000000e+00 : f32
      %add3A_327 = vector.broadcast %add3A_326 : f32 to vector<16xf32>
      %add3A_328 = arith.addf %sub3A_325, %add3A_327 : vector<16xf32>
      %mul3A_329 = arith.constant 2.555000e+02 : f32
      %mul3A_330 = vector.broadcast %mul3A_329 : f32 to vector<16xf32>
      %mul3A_331 = arith.mulf %add3A_328, %mul3A_330 : vector<16xf32>
      %mul3A_332 = arith.constant 2.000000e+00 : f32
      %mul3A_333 = vector.broadcast %mul3A_332 : f32 to vector<16xf32>
      %mul3A_334 = arith.mulf %get3A_319, %mul3A_333 : vector<16xf32>
      %sub3A_335 = arith.constant 1.000000e+00 : f32
      %sub3A_336 = vector.broadcast %sub3A_335 : f32 to vector<16xf32>
      %sub3A_337 = arith.subf %mul3A_334, %sub3A_336 : vector<16xf32>
      %add3A_338 = arith.constant 1.000000e+00 : f32
      %add3A_339 = vector.broadcast %add3A_338 : f32 to vector<16xf32>
      %add3A_340 = arith.addf %sub3A_337, %add3A_339 : vector<16xf32>
      %mul3A_341 = arith.constant 2.555000e+02 : f32
      %mul3A_342 = vector.broadcast %mul3A_341 : f32 to vector<16xf32>
      %mul3A_343 = arith.mulf %add3A_340, %mul3A_342 : vector<16xf32>
      %jit3A_344 = arith.constant 0.000000e+00 : f32
      %jit3A_345 = arith.constant 5.110000e+02 : f32
      %max3A_346 = vector.broadcast %jit3A_344 : f32 to vector<16xf32>
      %max3A_347 = arith.maximumf %max3A_346, %mul3A_331 : vector<16xf32>
      %min3A_348 = vector.broadcast %jit3A_345 : f32 to vector<16xf32>
      %min3A_349 = arith.minimumf %min3A_348, %max3A_347 : vector<16xf32>
      %jit3A_350 = arith.constant 0.000000e+00 : f32
      %jit3A_351 = arith.constant 5.110000e+02 : f32
      %max3A_352 = vector.broadcast %jit3A_350 : f32 to vector<16xf32>
      %max3A_353 = arith.maximumf %max3A_352, %mul3A_343 : vector<16xf32>
      %min3A_354 = vector.broadcast %jit3A_351 : f32 to vector<16xf32>
      %min3A_355 = arith.minimumf %min3A_354, %max3A_353 : vector<16xf32>
      %convert_element_type3A_356 = arith.fptosi %min3A_349 : vector<16xf32> to vector<16xi32>
      %convert_element_type3A_357 = arith.fptosi %min3A_355 : vector<16xf32> to vector<16xi32>
      %convert_element_type3A_358 = arith.sitofp %convert_element_type3A_356 : vector<16xi32> to vector<16xf32>
      %sub3A_359 = arith.subf %min3A_349, %convert_element_type3A_358 : vector<16xf32>
      %convert_element_type3A_360 = arith.sitofp %convert_element_type3A_357 : vector<16xi32> to vector<16xf32>
      %sub3A_361 = arith.subf %min3A_355, %convert_element_type3A_360 : vector<16xf32>
      %mul3A_362 = arith.constant 512 : i32
      %mul3A_363 = vector.broadcast %mul3A_362 : i32 to vector<16xi32>
      %mul3A_364 = arith.muli %convert_element_type3A_357, %mul3A_363 : vector<16xi32>
      %add3A_365 = arith.addi %mul3A_364, %convert_element_type3A_356 : vector<16xi32>
      %add3A_366 = arith.constant 2048 : i32
      %add3A_367 = arith.addi %add3A_366, %mul3A_315 : i32
      %swap3A_368 = arith.index_cast %add3A_367 : i32 to index
      %swap3A_369 = tpu.vector_load %arg8[%swap3A_368] {strides = array<i32>} : memref<4096xi32, #tpu.memory_space<vmem>>, vector<16xi32>,
      tpu.vector_store %arg8[%swap3A_368], %add3A_365 {strides = array<i32>} : memref<4096xi32, #tpu.memory_space<vmem>>, vector<16xi32>,
      %sub3A_370 = arith.constant 1.000000e+00 : f32
      %sub3A_371 = vector.broadcast %sub3A_370 : f32 to vector<16xf32>
      %sub3A_372 = arith.subf %sub3A_371, %sub3A_359 : vector<16xf32>
      %sub3A_373 = arith.constant 1.000000e+00 : f32
      %sub3A_374 = vector.broadcast %sub3A_373 : f32 to vector<16xf32>
      %sub3A_375 = arith.subf %sub3A_374, %sub3A_361 : vector<16xf32>
      %mul3A_376 = arith.mulf %sub3A_372, %sub3A_375 : vector<16xf32>
      %add3A_377 = arith.constant 8192 : i32
      %add3A_378 = arith.addi %add3A_377, %mul3A_315 : i32
      %swap3A_379 = arith.index_cast %add3A_378 : i32 to index
      %swap3A_380 = tpu.vector_load %arg9[%swap3A_379] {strides = array<i32>} : memref<16384xf32, #tpu.memory_space<vmem>>, vector<16xf32>,
      tpu.vector_store %arg9[%swap3A_379], %mul3A_376 {strides = array<i32>} : memref<16384xf32, #tpu.memory_space<vmem>>, vector<16xf32>,
      %mul3A_381 = arith.mulf %sub3A_359, %sub3A_375 : vector<16xf32>
      %add3A_382 = arith.constant 10240 : i32
      %add3A_383 = arith.addi %add3A_382, %mul3A_315 : i32
      %swap3A_384 = arith.index_cast %add3A_383 : i32 to index
      %swap3A_385 = tpu.vector_load %arg9[%swap3A_384] {strides = array<i32>} : memref<16384xf32, #tpu.memory_space<vmem>>, vector<16xf32>,
      tpu.vector_store %arg9[%swap3A_384], %mul3A_381 {strides = array<i32>} : memref<16384xf32, #tpu.memory_space<vmem>>, vector<16xf32>,
      %mul3A_386 = arith.mulf %sub3A_372, %sub3A_361 : vector<16xf32>
      %add3A_387 = arith.constant 12288 : i32
      %add3A_388 = arith.addi %add3A_387, %mul3A_315 : i32
      %swap3A_389 = arith.index_cast %add3A_388 : i32 to index
      %swap3A_390 = tpu.vector_load %arg9[%swap3A_389] {strides = array<i32>} : memref<16384xf32, #tpu.memory_space<vmem>>, vector<16xf32>,
      tpu.vector_store %arg9[%swap3A_389], %mul3A_386 {strides = array<i32>} : memref<16384xf32, #tpu.memory_space<vmem>>, vector<16xf32>,
      %mul3A_391 = arith.mulf %sub3A_359, %sub3A_361 : vector<16xf32>
      %add3A_392 = arith.constant 14336 : i32
      %add3A_393 = arith.addi %add3A_392, %mul3A_315 : i32
      %swap3A_394 = arith.index_cast %add3A_393 : i32 to index
      %swap3A_395 = tpu.vector_load %arg9[%swap3A_394] {strides = array<i32>} : memref<16384xf32, #tpu.memory_space<vmem>>, vector<16xf32>,
      tpu.vector_store %arg9[%swap3A_394], %mul3A_391 {strides = array<i32>} : memref<16384xf32, #tpu.memory_space<vmem>>, vector<16xf32>,
    }
    %scan3A_188 = arith.constant 64 : i32
    %dma_start3A_189 = arith.constant 2048 : i32
    %dma_start3A_190 = arith.constant 0 : i32
    %dma_start3A_191 = tpu.memref_slice %arg10[%dma_start3A_189, %dma_start3A_190] : memref<4096x16xf32, #tpu.memory_space<vmem>> -> memref<2048x16xf32, #tpu.memory_space<vmem>>
    %dma_start3A_192 = arith.constant 2048 : i32
    %dma_start3A_193 = tpu.memref_slice %arg8[%dma_start3A_192] : memref<4096xi32, #tpu.memory_space<vmem>> -> memref<2048xi32, #tpu.memory_space<vmem>>
    %dma_start3A_194 = arith.constant 0 : i32
    %dma_start3A_195 = arith.constant 0 : i32
    %dma_start3A_196 = tpu.memref_slice %arg4[%dma_start3A_194, %dma_start3A_195] : memref<262144x16xf32, #tpu.memory_space<hbm>> -> memref<262144x16xf32, #tpu.memory_space<hbm>>
    tpu.enqueue_indirect_dma source(%dma_start3A_196 : memref<262144x16xf32, #tpu.memory_space<hbm>>) target(%dma_start3A_191 : memref<2048x16xf32, #tpu.memory_space<vmem>>) offsets(%dma_start3A_193 : memref<2048xi32, #tpu.memory_space<vmem>>) semaphore(%arg12 : memref<!tpu.dma_semaphore, #tpu.memory_space<semaphore_mem>>)
    %dma_wait3A = arith.constant 0 : i32
    %dma_wait3A_197 = arith.constant 0 : i32
    %dma_wait3A_198 = tpu.memref_slice %arg10[%dma_wait3A, %dma_wait3A_197] : memref<4096x16xf32, #tpu.memory_space<vmem>> -> memref<2048x16xf32, #tpu.memory_space<vmem>>
    %dma_wait3A_199 = arith.constant 0 : i32
    %dma_wait3A_200 = tpu.memref_slice %arg8[%dma_wait3A_199] : memref<4096xi32, #tpu.memory_space<vmem>> -> memref<2048xi32, #tpu.memory_space<vmem>>
    %dma_wait3A_201 = arith.constant 0 : i32
    %dma_wait3A_202 = arith.constant 0 : i32
    %dma_wait3A_203 = tpu.memref_slice %arg4[%dma_wait3A_201, %dma_wait3A_202] : memref<262144x16xf32, #tpu.memory_space<hbm>> -> memref<262144x16xf32, #tpu.memory_space<hbm>>
    tpu.wait_indirect_dma semaphore(%arg12 : memref<!tpu.dma_semaphore, #tpu.memory_space<semaphore_mem>>) src(%dma_wait3A_203 : memref<262144x16xf32, #tpu.memory_space<hbm>>) dst(%dma_wait3A_198 : memref<2048x16xf32, #tpu.memory_space<vmem>>)
    %add3A_204 = arith.constant 28672 : i32
    %add3A_205 = arith.addi %mul3A_2, %add3A_204 : i32
    %scan3A_206 = arith.constant 0 : i32
    %scan3A_207 = arith.constant 0 : i32
    %scan3A_208 = arith.constant 64 : i32
    %scan3A_209 = arith.addi %scan3A_207, %scan3A_208 : i32
    %scan3A_210 = arith.constant 1 : i32
    scf.for %scan3A_228 = %scan3A_207 to %scan3A_209 step %scan3A_210  : i32 {
      %mul3A_229 = arith.constant 2 : i32
      %mul3A_230 = arith.muli %scan3A_228, %mul3A_229 : i32
      %add3A_231 = arith.constant 0 : i32
      %add3A_232 = arith.addi %mul3A_230, %add3A_231 : i32
      %mul3A_233 = arith.constant 16 : i32
      %mul3A_234 = arith.muli %add3A_232, %mul3A_233 : i32
      %add3A_235 = vector.broadcast %mul3A_234 : i32 to vector<16xi32>
      %add3A_236 = arith.addi %select_n3A, %add3A_235 : vector<16xi32>
      %add3A_237 = arith.constant 0 : i32
      %add3A_238 = vector.broadcast %add3A_237 : i32 to vector<16xi32>
      %add3A_239 = arith.addi %add3A_236, %add3A_238 : vector<16xi32>
      %gather3A = tpu.vector_load_idx %arg9[%add3A_239] : memref<16384xf32, #tpu.memory_space<vmem>>[vector<16xi32>], vector<16xf32>,
      %add3A_240 = arith.constant 0 : i32
      %add3A_241 = vector.broadcast %add3A_240 : i32 to vector<16xi32>
      %add3A_242 = arith.addi %add3A_236, %add3A_241 : vector<16xi32>
      %add3A_243 = arith.constant 0 : i32
      %add3A_244 = vector.broadcast %add3A_243 : i32 to vector<16xi32>
      %add3A_245 = arith.addi %select_n3A_48, %add3A_244 : vector<16xi32>
      %gather3A_246 = tpu.vector_load_idx %arg10[%add3A_242, %add3A_245] : memref<4096x16xf32, #tpu.memory_space<vmem>>[vector<16xi32>, vector<16xi32>], vector<16xf32>,
      %mul3A_247 = arith.mulf %gather3A, %gather3A_246 : vector<16xf32>
      %add3A_248 = arith.constant 2048 : i32
      %add3A_249 = vector.broadcast %add3A_248 : i32 to vector<16xi32>
      %add3A_250 = arith.addi %add3A_236, %add3A_249 : vector<16xi32>
      %gather3A_251 = tpu.vector_load_idx %arg9[%add3A_250] : memref<16384xf32, #tpu.memory_space<vmem>>[vector<16xi32>], vector<16xf32>,
      %add3A_252 = arith.constant 0 : i32
      %add3A_253 = vector.broadcast %add3A_252 : i32 to vector<16xi32>
      %add3A_254 = arith.addi %add3A_236, %add3A_253 : vector<16xi32>
      %add3A_255 = arith.constant 4 : i32
      %add3A_256 = vector.broadcast %add3A_255 : i32 to vector<16xi32>
      %add3A_257 = arith.addi %select_n3A_48, %add3A_256 : vector<16xi32>
      %gather3A_258 = tpu.vector_load_idx %arg10[%add3A_254, %add3A_257] : memref<4096x16xf32, #tpu.memory_space<vmem>>[vector<16xi32>, vector<16xi32>], vector<16xf32>,
      %mul3A_259 = arith.mulf %gather3A_251, %gather3A_258 : vector<16xf32>
      %add3A_260 = arith.addf %mul3A_247, %mul3A_259 : vector<16xf32>
      %add3A_261 = arith.constant 4096 : i32
      %add3A_262 = vector.broadcast %add3A_261 : i32 to vector<16xi32>
      %add3A_263 = arith.addi %add3A_236, %add3A_262 : vector<16xi32>
      %gather3A_264 = tpu.vector_load_idx %arg9[%add3A_263] : memref<16384xf32, #tpu.memory_space<vmem>>[vector<16xi32>], vector<16xf32>,
      %add3A_265 = arith.constant 0 : i32
      %add3A_266 = vector.broadcast %add3A_265 : i32 to vector<16xi32>
      %add3A_267 = arith.addi %add3A_236, %add3A_266 : vector<16xi32>
      %add3A_268 = arith.constant 8 : i32
      %add3A_269 = vector.broadcast %add3A_268 : i32 to vector<16xi32>
      %add3A_270 = arith.addi %select_n3A_48, %add3A_269 : vector<16xi32>
      %gather3A_271 = tpu.vector_load_idx %arg10[%add3A_267, %add3A_270] : memref<4096x16xf32, #tpu.memory_space<vmem>>[vector<16xi32>, vector<16xi32>], vector<16xf32>,
      %mul3A_272 = arith.mulf %gather3A_264, %gather3A_271 : vector<16xf32>
      %add3A_273 = arith.addf %add3A_260, %mul3A_272 : vector<16xf32>
      %add3A_274 = arith.constant 6144 : i32
      %add3A_275 = vector.broadcast %add3A_274 : i32 to vector<16xi32>
      %add3A_276 = arith.addi %add3A_236, %add3A_275 : vector<16xi32>
      %gather3A_277 = tpu.vector_load_idx %arg9[%add3A_276] : memref<16384xf32, #tpu.memory_space<vmem>>[vector<16xi32>], vector<16xf32>,
      %add3A_278 = arith.constant 0 : i32
      %add3A_279 = vector.broadcast %add3A_278 : i32 to vector<16xi32>
      %add3A_280 = arith.addi %add3A_236, %add3A_279 : vector<16xi32>
      %add3A_281 = arith.constant 12 : i32
      %add3A_282 = vector.broadcast %add3A_281 : i32 to vector<16xi32>
      %add3A_283 = arith.addi %select_n3A_48, %add3A_282 : vector<16xi32>
      %gather3A_284 = tpu.vector_load_idx %arg10[%add3A_280, %add3A_283] : memref<4096x16xf32, #tpu.memory_space<vmem>>[vector<16xi32>, vector<16xi32>], vector<16xf32>,
      %mul3A_285 = arith.mulf %gather3A_277, %gather3A_284 : vector<16xf32>
      %add3A_286 = arith.addf %add3A_273, %mul3A_285 : vector<16xf32>
      tpu.vector_store_idx %arg11[%add3A_236, %select_n3A_48], %add3A_286 : memref<2048x3xf32, #tpu.memory_space<vmem>>[vector<16xi32>, vector<16xi32>], vector<16xf32>,
      %add3A_287 = vector.broadcast %mul3A_234 : i32 to vector<16xi32>
      %add3A_288 = arith.addi %select_n3A_82, %add3A_287 : vector<16xi32>
      %add3A_289 = arith.constant 0 : i32
      %add3A_290 = vector.broadcast %add3A_289 : i32 to vector<16xi32>
      %add3A_291 = arith.addi %add3A_288, %add3A_290 : vector<16xi32>
      %gather3A_292 = tpu.vector_load_idx %arg9[%add3A_291] : memref<16384xf32, #tpu.memory_space<vmem>>[vector<16xi32>], vector<16xf32>,
      %add3A_293 = arith.constant 0 : i32
      %add3A_294 = vector.broadcast %add3A_293 : i32 to vector<16xi32>
      %add3A_295 = arith.addi %add3A_288, %add3A_294 : vector<16xi32>
      %add3A_296 = arith.constant 0 : i32
      %add3A_297 = vector.broadcast %add3A_296 : i32 to vector<16xi32>
      %add3A_298 = arith.addi %select_n3A_104, %add3A_297 : vector<16xi32>
      %gather3A_299 = tpu.vector_load_idx %arg10[%add3A_295, %add3A_298] : memref<4096x16xf32, #tpu.memory_space<vmem>>[vector<16xi32>, vector<16xi32>], vector<16xf32>,
      %mul3A_300 = arith.mulf %gather3A_292, %gather3A_299 : vector<16xf32>
      %add3A_301 = arith.constant 2048 : i32
      %add3A_302 = vector.broadcast %add3A_301 : i32 to vector<16xi32>
      %add3A_303 = arith.addi %add3A_288, %add3A_302 : vector<16xi32>
      %gather3A_304 = tpu.vector_load_idx %arg9[%add3A_303] : memref<16384xf32, #tpu.memory_space<vmem>>[vector<16xi32>], vector<16xf32>,
      %add3A_305 = arith.constant 0 : i32
      %add3A_306 = vector.broadcast %add3A_305 : i32 to vector<16xi32>
      %add3A_307 = arith.addi %add3A_288, %add3A_306 : vector<16xi32>
      %add3A_308 = arith.constant 4 : i32
      %add3A_309 = vector.broadcast %add3A_308 : i32 to vector<16xi32>
      %add3A_310 = arith.addi %select_n3A_104, %add3A_309 : vector<16xi32>
      %gather3A_311 = tpu.vector_load_idx %arg10[%add3A_307, %add3A_310] : memref<4096x16xf32, #tpu.memory_space<vmem>>[vector<16xi32>, vector<16xi32>], vector<16xf32>,
      %mul3A_312 = arith.mulf %gather3A_304, %gather3A_311 : vector<16xf32>
      %add3A_313 = arith.addf %mul3A_300, %mul3A_312 : vector<16xf32>
      %add3A_314 = arith.constant 4096 : i32
      %add3A_315 = vector.broadcast %add3A_314 : i32 to vector<16xi32>
      %add3A_316 = arith.addi %add3A_288, %add3A_315 : vector<16xi32>
      %gather3A_317 = tpu.vector_load_idx %arg9[%add3A_316] : memref<16384xf32, #tpu.memory_space<vmem>>[vector<16xi32>], vector<16xf32>,
      %add3A_318 = arith.constant 0 : i32
      %add3A_319 = vector.broadcast %add3A_318 : i32 to vector<16xi32>
      %add3A_320 = arith.addi %add3A_288, %add3A_319 : vector<16xi32>
      %add3A_321 = arith.constant 8 : i32
      %add3A_322 = vector.broadcast %add3A_321 : i32 to vector<16xi32>
      %add3A_323 = arith.addi %select_n3A_104, %add3A_322 : vector<16xi32>
      %gather3A_324 = tpu.vector_load_idx %arg10[%add3A_320, %add3A_323] : memref<4096x16xf32, #tpu.memory_space<vmem>>[vector<16xi32>, vector<16xi32>], vector<16xf32>,
      %mul3A_325 = arith.mulf %gather3A_317, %gather3A_324 : vector<16xf32>
      %add3A_326 = arith.addf %add3A_313, %mul3A_325 : vector<16xf32>
      %add3A_327 = arith.constant 6144 : i32
      %add3A_328 = vector.broadcast %add3A_327 : i32 to vector<16xi32>
      %add3A_329 = arith.addi %add3A_288, %add3A_328 : vector<16xi32>
      %gather3A_330 = tpu.vector_load_idx %arg9[%add3A_329] : memref<16384xf32, #tpu.memory_space<vmem>>[vector<16xi32>], vector<16xf32>,
      %add3A_331 = arith.constant 0 : i32
      %add3A_332 = vector.broadcast %add3A_331 : i32 to vector<16xi32>
      %add3A_333 = arith.addi %add3A_288, %add3A_332 : vector<16xi32>
      %add3A_334 = arith.constant 12 : i32
      %add3A_335 = vector.broadcast %add3A_334 : i32 to vector<16xi32>
      %add3A_336 = arith.addi %select_n3A_104, %add3A_335 : vector<16xi32>
      %gather3A_337 = tpu.vector_load_idx %arg10[%add3A_333, %add3A_336] : memref<4096x16xf32, #tpu.memory_space<vmem>>[vector<16xi32>, vector<16xi32>], vector<16xf32>,
      %mul3A_338 = arith.mulf %gather3A_330, %gather3A_337 : vector<16xf32>
      %add3A_339 = arith.addf %add3A_326, %mul3A_338 : vector<16xf32>
      tpu.vector_store_idx %arg11[%add3A_288, %select_n3A_104], %add3A_339 : memref<2048x3xf32, #tpu.memory_space<vmem>>[vector<16xi32>, vector<16xi32>], vector<16xf32>,
      %add3A_340 = vector.broadcast %mul3A_234 : i32 to vector<16xi32>
      %add3A_341 = arith.addi %select_n3A_138, %add3A_340 : vector<16xi32>
      %add3A_342 = arith.constant 0 : i32
      %add3A_343 = vector.broadcast %add3A_342 : i32 to vector<16xi32>
      %add3A_344 = arith.addi %add3A_341, %add3A_343 : vector<16xi32>
      %gather3A_345 = tpu.vector_load_idx %arg9[%add3A_344] : memref<16384xf32, #tpu.memory_space<vmem>>[vector<16xi32>], vector<16xf32>,
      %add3A_346 = arith.constant 0 : i32
      %add3A_347 = vector.broadcast %add3A_346 : i32 to vector<16xi32>
      %add3A_348 = arith.addi %add3A_341, %add3A_347 : vector<16xi32>
      %add3A_349 = arith.constant 0 : i32
      %add3A_350 = vector.broadcast %add3A_349 : i32 to vector<16xi32>
      %add3A_351 = arith.addi %select_n3A_160, %add3A_350 : vector<16xi32>
      %gather3A_352 = tpu.vector_load_idx %arg10[%add3A_348, %add3A_351] : memref<4096x16xf32, #tpu.memory_space<vmem>>[vector<16xi32>, vector<16xi32>], vector<16xf32>,
      %mul3A_353 = arith.mulf %gather3A_345, %gather3A_352 : vector<16xf32>
      %add3A_354 = arith.constant 2048 : i32
      %add3A_355 = vector.broadcast %add3A_354 : i32 to vector<16xi32>
      %add3A_356 = arith.addi %add3A_341, %add3A_355 : vector<16xi32>
      %gather3A_357 = tpu.vector_load_idx %arg9[%add3A_356] : memref<16384xf32, #tpu.memory_space<vmem>>[vector<16xi32>], vector<16xf32>,
      %add3A_358 = arith.constant 0 : i32
      %add3A_359 = vector.broadcast %add3A_358 : i32 to vector<16xi32>
      %add3A_360 = arith.addi %add3A_341, %add3A_359 : vector<16xi32>
      %add3A_361 = arith.constant 4 : i32
      %add3A_362 = vector.broadcast %add3A_361 : i32 to vector<16xi32>
      %add3A_363 = arith.addi %select_n3A_160, %add3A_362 : vector<16xi32>
      %gather3A_364 = tpu.vector_load_idx %arg10[%add3A_360, %add3A_363] : memref<4096x16xf32, #tpu.memory_space<vmem>>[vector<16xi32>, vector<16xi32>], vector<16xf32>,
      %mul3A_365 = arith.mulf %gather3A_357, %gather3A_364 : vector<16xf32>
      %add3A_366 = arith.addf %mul3A_353, %mul3A_365 : vector<16xf32>
      %add3A_367 = arith.constant 4096 : i32
      %add3A_368 = vector.broadcast %add3A_367 : i32 to vector<16xi32>
      %add3A_369 = arith.addi %add3A_341, %add3A_368 : vector<16xi32>
      %gather3A_370 = tpu.vector_load_idx %arg9[%add3A_369] : memref<16384xf32, #tpu.memory_space<vmem>>[vector<16xi32>], vector<16xf32>,
      %add3A_371 = arith.constant 0 : i32
      %add3A_372 = vector.broadcast %add3A_371 : i32 to vector<16xi32>
      %add3A_373 = arith.addi %add3A_341, %add3A_372 : vector<16xi32>
      %add3A_374 = arith.constant 8 : i32
      %add3A_375 = vector.broadcast %add3A_374 : i32 to vector<16xi32>
      %add3A_376 = arith.addi %select_n3A_160, %add3A_375 : vector<16xi32>
      %gather3A_377 = tpu.vector_load_idx %arg10[%add3A_373, %add3A_376] : memref<4096x16xf32, #tpu.memory_space<vmem>>[vector<16xi32>, vector<16xi32>], vector<16xf32>,
      %mul3A_378 = arith.mulf %gather3A_370, %gather3A_377 : vector<16xf32>
      %add3A_379 = arith.addf %add3A_366, %mul3A_378 : vector<16xf32>
      %add3A_380 = arith.constant 6144 : i32
      %add3A_381 = vector.broadcast %add3A_380 : i32 to vector<16xi32>
      %add3A_382 = arith.addi %add3A_341, %add3A_381 : vector<16xi32>
      %gather3A_383 = tpu.vector_load_idx %arg9[%add3A_382] : memref<16384xf32, #tpu.memory_space<vmem>>[vector<16xi32>], vector<16xf32>,
      %add3A_384 = arith.constant 0 : i32
      %add3A_385 = vector.broadcast %add3A_384 : i32 to vector<16xi32>
      %add3A_386 = arith.addi %add3A_341, %add3A_385 : vector<16xi32>
      %add3A_387 = arith.constant 12 : i32
      %add3A_388 = vector.broadcast %add3A_387 : i32 to vector<16xi32>
      %add3A_389 = arith.addi %select_n3A_160, %add3A_388 : vector<16xi32>
      %gather3A_390 = tpu.vector_load_idx %arg10[%add3A_386, %add3A_389] : memref<4096x16xf32, #tpu.memory_space<vmem>>[vector<16xi32>, vector<16xi32>], vector<16xf32>,
      %mul3A_391 = arith.mulf %gather3A_383, %gather3A_390 : vector<16xf32>
      %add3A_392 = arith.addf %add3A_379, %mul3A_391 : vector<16xf32>
      tpu.vector_store_idx %arg11[%add3A_341, %select_n3A_160], %add3A_392 : memref<2048x3xf32, #tpu.memory_space<vmem>>[vector<16xi32>, vector<16xi32>], vector<16xf32>,
      %mul3A_393 = arith.constant 2 : i32
      %mul3A_394 = arith.muli %scan3A_228, %mul3A_393 : i32
      %add3A_395 = arith.constant 1 : i32
      %add3A_396 = arith.addi %mul3A_394, %add3A_395 : i32
      %mul3A_397 = arith.constant 16 : i32
      %mul3A_398 = arith.muli %add3A_396, %mul3A_397 : i32
      %add3A_399 = vector.broadcast %mul3A_398 : i32 to vector<16xi32>
      %add3A_400 = arith.addi %select_n3A, %add3A_399 : vector<16xi32>
      %add3A_401 = arith.constant 0 : i32
      %add3A_402 = vector.broadcast %add3A_401 : i32 to vector<16xi32>
      %add3A_403 = arith.addi %add3A_400, %add3A_402 : vector<16xi32>
      %gather3A_404 = tpu.vector_load_idx %arg9[%add3A_403] : memref<16384xf32, #tpu.memory_space<vmem>>[vector<16xi32>], vector<16xf32>,
      %add3A_405 = arith.constant 0 : i32
      %add3A_406 = vector.broadcast %add3A_405 : i32 to vector<16xi32>
      %add3A_407 = arith.addi %add3A_400, %add3A_406 : vector<16xi32>
      %add3A_408 = arith.constant 0 : i32
      %add3A_409 = vector.broadcast %add3A_408 : i32 to vector<16xi32>
      %add3A_410 = arith.addi %select_n3A_48, %add3A_409 : vector<16xi32>
      %gather3A_411 = tpu.vector_load_idx %arg10[%add3A_407, %add3A_410] : memref<4096x16xf32, #tpu.memory_space<vmem>>[vector<16xi32>, vector<16xi32>], vector<16xf32>,
      %mul3A_412 = arith.mulf %gather3A_404, %gather3A_411 : vector<16xf32>
      %add3A_413 = arith.constant 2048 : i32
      %add3A_414 = vector.broadcast %add3A_413 : i32 to vector<16xi32>
      %add3A_415 = arith.addi %add3A_400, %add3A_414 : vector<16xi32>
      %gather3A_416 = tpu.vector_load_idx %arg9[%add3A_415] : memref<16384xf32, #tpu.memory_space<vmem>>[vector<16xi32>], vector<16xf32>,
      %add3A_417 = arith.constant 0 : i32
      %add3A_418 = vector.broadcast %add3A_417 : i32 to vector<16xi32>
      %add3A_419 = arith.addi %add3A_400, %add3A_418 : vector<16xi32>
      %add3A_420 = arith.constant 4 : i32
      %add3A_421 = vector.broadcast %add3A_420 : i32 to vector<16xi32>
      %add3A_422 = arith.addi %select_n3A_48, %add3A_421 : vector<16xi32>
      %gather3A_423 = tpu.vector_load_idx %arg10[%add3A_419, %add3A_422] : memref<4096x16xf32, #tpu.memory_space<vmem>>[vector<16xi32>, vector<16xi32>], vector<16xf32>,
      %mul3A_424 = arith.mulf %gather3A_416, %gather3A_423 : vector<16xf32>
      %add3A_425 = arith.addf %mul3A_412, %mul3A_424 : vector<16xf32>
      %add3A_426 = arith.constant 4096 : i32
      %add3A_427 = vector.broadcast %add3A_426 : i32 to vector<16xi32>
      %add3A_428 = arith.addi %add3A_400, %add3A_427 : vector<16xi32>
      %gather3A_429 = tpu.vector_load_idx %arg9[%add3A_428] : memref<16384xf32, #tpu.memory_space<vmem>>[vector<16xi32>], vector<16xf32>,
      %add3A_430 = arith.constant 0 : i32
      %add3A_431 = vector.broadcast %add3A_430 : i32 to vector<16xi32>
      %add3A_432 = arith.addi %add3A_400, %add3A_431 : vector<16xi32>
      %add3A_433 = arith.constant 8 : i32
      %add3A_434 = vector.broadcast %add3A_433 : i32 to vector<16xi32>
      %add3A_435 = arith.addi %select_n3A_48, %add3A_434 : vector<16xi32>
      %gather3A_436 = tpu.vector_load_idx %arg10[%add3A_432, %add3A_435] : memref<4096x16xf32, #tpu.memory_space<vmem>>[vector<16xi32>, vector<16xi32>], vector<16xf32>,
      %mul3A_437 = arith.mulf %gather3A_429, %gather3A_436 : vector<16xf32>
      %add3A_438 = arith.addf %add3A_425, %mul3A_437 : vector<16xf32>
      %add3A_439 = arith.constant 6144 : i32
      %add3A_440 = vector.broadcast %add3A_439 : i32 to vector<16xi32>
      %add3A_441 = arith.addi %add3A_400, %add3A_440 : vector<16xi32>
      %gather3A_442 = tpu.vector_load_idx %arg9[%add3A_441] : memref<16384xf32, #tpu.memory_space<vmem>>[vector<16xi32>], vector<16xf32>,
      %add3A_443 = arith.constant 0 : i32
      %add3A_444 = vector.broadcast %add3A_443 : i32 to vector<16xi32>
      %add3A_445 = arith.addi %add3A_400, %add3A_444 : vector<16xi32>
      %add3A_446 = arith.constant 12 : i32
      %add3A_447 = vector.broadcast %add3A_446 : i32 to vector<16xi32>
      %add3A_448 = arith.addi %select_n3A_48, %add3A_447 : vector<16xi32>
      %gather3A_449 = tpu.vector_load_idx %arg10[%add3A_445, %add3A_448] : memref<4096x16xf32, #tpu.memory_space<vmem>>[vector<16xi32>, vector<16xi32>], vector<16xf32>,
      %mul3A_450 = arith.mulf %gather3A_442, %gather3A_449 : vector<16xf32>
      %add3A_451 = arith.addf %add3A_438, %mul3A_450 : vector<16xf32>
      tpu.vector_store_idx %arg11[%add3A_400, %select_n3A_48], %add3A_451 : memref<2048x3xf32, #tpu.memory_space<vmem>>[vector<16xi32>, vector<16xi32>], vector<16xf32>,
      %add3A_452 = vector.broadcast %mul3A_398 : i32 to vector<16xi32>
      %add3A_453 = arith.addi %select_n3A_82, %add3A_452 : vector<16xi32>
      %add3A_454 = arith.constant 0 : i32
      %add3A_455 = vector.broadcast %add3A_454 : i32 to vector<16xi32>
      %add3A_456 = arith.addi %add3A_453, %add3A_455 : vector<16xi32>
      %gather3A_457 = tpu.vector_load_idx %arg9[%add3A_456] : memref<16384xf32, #tpu.memory_space<vmem>>[vector<16xi32>], vector<16xf32>,
      %add3A_458 = arith.constant 0 : i32
      %add3A_459 = vector.broadcast %add3A_458 : i32 to vector<16xi32>
      %add3A_460 = arith.addi %add3A_453, %add3A_459 : vector<16xi32>
      %add3A_461 = arith.constant 0 : i32
      %add3A_462 = vector.broadcast %add3A_461 : i32 to vector<16xi32>
      %add3A_463 = arith.addi %select_n3A_104, %add3A_462 : vector<16xi32>
      %gather3A_464 = tpu.vector_load_idx %arg10[%add3A_460, %add3A_463] : memref<4096x16xf32, #tpu.memory_space<vmem>>[vector<16xi32>, vector<16xi32>], vector<16xf32>,
      %mul3A_465 = arith.mulf %gather3A_457, %gather3A_464 : vector<16xf32>
      %add3A_466 = arith.constant 2048 : i32
      %add3A_467 = vector.broadcast %add3A_466 : i32 to vector<16xi32>
      %add3A_468 = arith.addi %add3A_453, %add3A_467 : vector<16xi32>
      %gather3A_469 = tpu.vector_load_idx %arg9[%add3A_468] : memref<16384xf32, #tpu.memory_space<vmem>>[vector<16xi32>], vector<16xf32>,
      %add3A_470 = arith.constant 0 : i32
      %add3A_471 = vector.broadcast %add3A_470 : i32 to vector<16xi32>
      %add3A_472 = arith.addi %add3A_453, %add3A_471 : vector<16xi32>
      %add3A_473 = arith.constant 4 : i32
      %add3A_474 = vector.broadcast %add3A_473 : i32 to vector<16xi32>
      %add3A_475 = arith.addi %select_n3A_104, %add3A_474 : vector<16xi32>
      %gather3A_476 = tpu.vector_load_idx %arg10[%add3A_472, %add3A_475] : memref<4096x16xf32, #tpu.memory_space<vmem>>[vector<16xi32>, vector<16xi32>], vector<16xf32>,
      %mul3A_477 = arith.mulf %gather3A_469, %gather3A_476 : vector<16xf32>
      %add3A_478 = arith.addf %mul3A_465, %mul3A_477 : vector<16xf32>
      %add3A_479 = arith.constant 4096 : i32
      %add3A_480 = vector.broadcast %add3A_479 : i32 to vector<16xi32>
      %add3A_481 = arith.addi %add3A_453, %add3A_480 : vector<16xi32>
      %gather3A_482 = tpu.vector_load_idx %arg9[%add3A_481] : memref<16384xf32, #tpu.memory_space<vmem>>[vector<16xi32>], vector<16xf32>,
      %add3A_483 = arith.constant 0 : i32
      %add3A_484 = vector.broadcast %add3A_483 : i32 to vector<16xi32>
      %add3A_485 = arith.addi %add3A_453, %add3A_484 : vector<16xi32>
      %add3A_486 = arith.constant 8 : i32
      %add3A_487 = vector.broadcast %add3A_486 : i32 to vector<16xi32>
      %add3A_488 = arith.addi %select_n3A_104, %add3A_487 : vector<16xi32>
      %gather3A_489 = tpu.vector_load_idx %arg10[%add3A_485, %add3A_488] : memref<4096x16xf32, #tpu.memory_space<vmem>>[vector<16xi32>, vector<16xi32>], vector<16xf32>,
      %mul3A_490 = arith.mulf %gather3A_482, %gather3A_489 : vector<16xf32>
      %add3A_491 = arith.addf %add3A_478, %mul3A_490 : vector<16xf32>
      %add3A_492 = arith.constant 6144 : i32
      %add3A_493 = vector.broadcast %add3A_492 : i32 to vector<16xi32>
      %add3A_494 = arith.addi %add3A_453, %add3A_493 : vector<16xi32>
      %gather3A_495 = tpu.vector_load_idx %arg9[%add3A_494] : memref<16384xf32, #tpu.memory_space<vmem>>[vector<16xi32>], vector<16xf32>,
      %add3A_496 = arith.constant 0 : i32
      %add3A_497 = vector.broadcast %add3A_496 : i32 to vector<16xi32>
      %add3A_498 = arith.addi %add3A_453, %add3A_497 : vector<16xi32>
      %add3A_499 = arith.constant 12 : i32
      %add3A_500 = vector.broadcast %add3A_499 : i32 to vector<16xi32>
      %add3A_501 = arith.addi %select_n3A_104, %add3A_500 : vector<16xi32>
      %gather3A_502 = tpu.vector_load_idx %arg10[%add3A_498, %add3A_501] : memref<4096x16xf32, #tpu.memory_space<vmem>>[vector<16xi32>, vector<16xi32>], vector<16xf32>,
      %mul3A_503 = arith.mulf %gather3A_495, %gather3A_502 : vector<16xf32>
      %add3A_504 = arith.addf %add3A_491, %mul3A_503 : vector<16xf32>
      tpu.vector_store_idx %arg11[%add3A_453, %select_n3A_104], %add3A_504 : memref<2048x3xf32, #tpu.memory_space<vmem>>[vector<16xi32>, vector<16xi32>], vector<16xf32>,
      %add3A_505 = vector.broadcast %mul3A_398 : i32 to vector<16xi32>
      %add3A_506 = arith.addi %select_n3A_138, %add3A_505 : vector<16xi32>
      %add3A_507 = arith.constant 0 : i32
      %add3A_508 = vector.broadcast %add3A_507 : i32 to vector<16xi32>
      %add3A_509 = arith.addi %add3A_506, %add3A_508 : vector<16xi32>
      %gather3A_510 = tpu.vector_load_idx %arg9[%add3A_509] : memref<16384xf32, #tpu.memory_space<vmem>>[vector<16xi32>], vector<16xf32>,
      %add3A_511 = arith.constant 0 : i32
      %add3A_512 = vector.broadcast %add3A_511 : i32 to vector<16xi32>
      %add3A_513 = arith.addi %add3A_506, %add3A_512 : vector<16xi32>
      %add3A_514 = arith.constant 0 : i32
      %add3A_515 = vector.broadcast %add3A_514 : i32 to vector<16xi32>
      %add3A_516 = arith.addi %select_n3A_160, %add3A_515 : vector<16xi32>
      %gather3A_517 = tpu.vector_load_idx %arg10[%add3A_513, %add3A_516] : memref<4096x16xf32, #tpu.memory_space<vmem>>[vector<16xi32>, vector<16xi32>], vector<16xf32>,
      %mul3A_518 = arith.mulf %gather3A_510, %gather3A_517 : vector<16xf32>
      %add3A_519 = arith.constant 2048 : i32
      %add3A_520 = vector.broadcast %add3A_519 : i32 to vector<16xi32>
      %add3A_521 = arith.addi %add3A_506, %add3A_520 : vector<16xi32>
      %gather3A_522 = tpu.vector_load_idx %arg9[%add3A_521] : memref<16384xf32, #tpu.memory_space<vmem>>[vector<16xi32>], vector<16xf32>,
      %add3A_523 = arith.constant 0 : i32
      %add3A_524 = vector.broadcast %add3A_523 : i32 to vector<16xi32>
      %add3A_525 = arith.addi %add3A_506, %add3A_524 : vector<16xi32>
      %add3A_526 = arith.constant 4 : i32
      %add3A_527 = vector.broadcast %add3A_526 : i32 to vector<16xi32>
      %add3A_528 = arith.addi %select_n3A_160, %add3A_527 : vector<16xi32>
      %gather3A_529 = tpu.vector_load_idx %arg10[%add3A_525, %add3A_528] : memref<4096x16xf32, #tpu.memory_space<vmem>>[vector<16xi32>, vector<16xi32>], vector<16xf32>,
      %mul3A_530 = arith.mulf %gather3A_522, %gather3A_529 : vector<16xf32>
      %add3A_531 = arith.addf %mul3A_518, %mul3A_530 : vector<16xf32>
      %add3A_532 = arith.constant 4096 : i32
      %add3A_533 = vector.broadcast %add3A_532 : i32 to vector<16xi32>
      %add3A_534 = arith.addi %add3A_506, %add3A_533 : vector<16xi32>
      %gather3A_535 = tpu.vector_load_idx %arg9[%add3A_534] : memref<16384xf32, #tpu.memory_space<vmem>>[vector<16xi32>], vector<16xf32>,
      %add3A_536 = arith.constant 0 : i32
      %add3A_537 = vector.broadcast %add3A_536 : i32 to vector<16xi32>
      %add3A_538 = arith.addi %add3A_506, %add3A_537 : vector<16xi32>
      %add3A_539 = arith.constant 8 : i32
      %add3A_540 = vector.broadcast %add3A_539 : i32 to vector<16xi32>
      %add3A_541 = arith.addi %select_n3A_160, %add3A_540 : vector<16xi32>
      %gather3A_542 = tpu.vector_load_idx %arg10[%add3A_538, %add3A_541] : memref<4096x16xf32, #tpu.memory_space<vmem>>[vector<16xi32>, vector<16xi32>], vector<16xf32>,
      %mul3A_543 = arith.mulf %gather3A_535, %gather3A_542 : vector<16xf32>
      %add3A_544 = arith.addf %add3A_531, %mul3A_543 : vector<16xf32>
      %add3A_545 = arith.constant 6144 : i32
      %add3A_546 = vector.broadcast %add3A_545 : i32 to vector<16xi32>
      %add3A_547 = arith.addi %add3A_506, %add3A_546 : vector<16xi32>
      %gather3A_548 = tpu.vector_load_idx %arg9[%add3A_547] : memref<16384xf32, #tpu.memory_space<vmem>>[vector<16xi32>], vector<16xf32>,
      %add3A_549 = arith.constant 0 : i32
      %add3A_550 = vector.broadcast %add3A_549 : i32 to vector<16xi32>
      %add3A_551 = arith.addi %add3A_506, %add3A_550 : vector<16xi32>
      %add3A_552 = arith.constant 12 : i32
      %add3A_553 = vector.broadcast %add3A_552 : i32 to vector<16xi32>
      %add3A_554 = arith.addi %select_n3A_160, %add3A_553 : vector<16xi32>
      %gather3A_555 = tpu.vector_load_idx %arg10[%add3A_551, %add3A_554] : memref<4096x16xf32, #tpu.memory_space<vmem>>[vector<16xi32>, vector<16xi32>], vector<16xf32>,
      %mul3A_556 = arith.mulf %gather3A_548, %gather3A_555 : vector<16xf32>
      %add3A_557 = arith.addf %add3A_544, %mul3A_556 : vector<16xf32>
      tpu.vector_store_idx %arg11[%add3A_506, %select_n3A_160], %add3A_557 : memref<2048x3xf32, #tpu.memory_space<vmem>>[vector<16xi32>, vector<16xi32>], vector<16xf32>,
    }
    %scan3A_211 = arith.constant 64 : i32
    "tpu.region"() ({
      %run_scoped3A = tpu.sem_alloc : memref<!tpu.dma_semaphore, #tpu.memory_space<semaphore_mem>>
      %dma_start3A_228 = arith.constant 0 : i32
      %dma_start3A_229 = tpu.memref_slice %arg5[%add3A_205, %dma_start3A_228] : memref<1048576x3xf32, #tpu.memory_space<hbm>> -> memref<2048x3xf32, #tpu.memory_space<hbm>>
      %dma_start3A_230 = arith.constant 0 : i32
      %dma_start3A_231 = tpu.memref_slice %arg5[%add3A_205, %dma_start3A_230] : memref<1048576x3xf32, #tpu.memory_space<hbm>> -> memref<2048x3xf32, #tpu.memory_space<hbm>>
      tpu.enqueue_dma source(%arg11 : memref<2048x3xf32, #tpu.memory_space<vmem>>) target(%dma_start3A_231 : memref<2048x3xf32, #tpu.memory_space<hbm>>) target_semaphore(%run_scoped3A : memref<!tpu.dma_semaphore, #tpu.memory_space<semaphore_mem>>)
      %dma_wait3A_232 = arith.constant 0 : i32
      %dma_wait3A_233 = tpu.memref_slice %arg5[%add3A_205, %dma_wait3A_232] : memref<1048576x3xf32, #tpu.memory_space<hbm>> -> memref<2048x3xf32, #tpu.memory_space<hbm>>
      %dma_wait3A_234 = arith.constant 0 : i32
      %dma_wait3A_235 = tpu.memref_slice %arg5[%add3A_205, %dma_wait3A_234] : memref<1048576x3xf32, #tpu.memory_space<hbm>> -> memref<2048x3xf32, #tpu.memory_space<hbm>>
      tpu.wait_dma2 semaphore(%run_scoped3A : memref<!tpu.dma_semaphore, #tpu.memory_space<semaphore_mem>>) src(%arg11 : memref<2048x3xf32, #tpu.memory_space<vmem>>) dst(%dma_wait3A_235 : memref<2048x3xf32, #tpu.memory_space<hbm>>)
      tpu.yield
    }) : () -> ()
    %dma_wait3A_212 = arith.constant 2048 : i32
    %dma_wait3A_213 = arith.constant 0 : i32
    %dma_wait3A_214 = tpu.memref_slice %arg10[%dma_wait3A_212, %dma_wait3A_213] : memref<4096x16xf32, #tpu.memory_space<vmem>> -> memref<2048x16xf32, #tpu.memory_space<vmem>>
    %dma_wait3A_215 = arith.constant 2048 : i32
    %dma_wait3A_216 = tpu.memref_slice %arg8[%dma_wait3A_215] : memref<4096xi32, #tpu.memory_space<vmem>> -> memref<2048xi32, #tpu.memory_space<vmem>>
    %dma_wait3A_217 = arith.constant 0 : i32
    %dma_wait3A_218 = arith.constant 0 : i32
    %dma_wait3A_219 = tpu.memref_slice %arg4[%dma_wait3A_217, %dma_wait3A_218] : memref<262144x16xf32, #tpu.memory_space<hbm>> -> memref<262144x16xf32, #tpu.memory_space<hbm>>
    tpu.wait_indirect_dma semaphore(%arg12 : memref<!tpu.dma_semaphore, #tpu.memory_space<semaphore_mem>>) src(%dma_wait3A_219 : memref<262144x16xf32, #tpu.memory_space<hbm>>) dst(%dma_wait3A_214 : memref<2048x16xf32, #tpu.memory_space<vmem>>)
    %add3A_220 = arith.constant 30720 : i32
    %add3A_221 = arith.addi %mul3A_2, %add3A_220 : i32
    %scan3A_222 = arith.constant 0 : i32
    %scan3A_223 = arith.constant 0 : i32
    %scan3A_224 = arith.constant 64 : i32
    %scan3A_225 = arith.addi %scan3A_223, %scan3A_224 : i32
    %scan3A_226 = arith.constant 1 : i32
    scf.for %scan3A_228 = %scan3A_223 to %scan3A_225 step %scan3A_226  : i32 {
      %mul3A_229 = arith.constant 2 : i32
      %mul3A_230 = arith.muli %scan3A_228, %mul3A_229 : i32
      %add3A_231 = arith.constant 0 : i32
      %add3A_232 = arith.addi %mul3A_230, %add3A_231 : i32
      %mul3A_233 = arith.constant 16 : i32
      %mul3A_234 = arith.muli %add3A_232, %mul3A_233 : i32
      %add3A_235 = vector.broadcast %mul3A_234 : i32 to vector<16xi32>
      %add3A_236 = arith.addi %select_n3A, %add3A_235 : vector<16xi32>
      %add3A_237 = arith.constant 8192 : i32
      %add3A_238 = vector.broadcast %add3A_237 : i32 to vector<16xi32>
      %add3A_239 = arith.addi %add3A_236, %add3A_238 : vector<16xi32>
      %gather3A = tpu.vector_load_idx %arg9[%add3A_239] : memref<16384xf32, #tpu.memory_space<vmem>>[vector<16xi32>], vector<16xf32>,
      %add3A_240 = arith.constant 2048 : i32
      %add3A_241 = vector.broadcast %add3A_240 : i32 to vector<16xi32>
      %add3A_242 = arith.addi %add3A_236, %add3A_241 : vector<16xi32>
      %add3A_243 = arith.constant 0 : i32
      %add3A_244 = vector.broadcast %add3A_243 : i32 to vector<16xi32>
      %add3A_245 = arith.addi %select_n3A_48, %add3A_244 : vector<16xi32>
      %gather3A_246 = tpu.vector_load_idx %arg10[%add3A_242, %add3A_245] : memref<4096x16xf32, #tpu.memory_space<vmem>>[vector<16xi32>, vector<16xi32>], vector<16xf32>,
      %mul3A_247 = arith.mulf %gather3A, %gather3A_246 : vector<16xf32>
      %add3A_248 = arith.constant 10240 : i32
      %add3A_249 = vector.broadcast %add3A_248 : i32 to vector<16xi32>
      %add3A_250 = arith.addi %add3A_236, %add3A_249 : vector<16xi32>
      %gather3A_251 = tpu.vector_load_idx %arg9[%add3A_250] : memref<16384xf32, #tpu.memory_space<vmem>>[vector<16xi32>], vector<16xf32>,
      %add3A_252 = arith.constant 2048 : i32
      %add3A_253 = vector.broadcast %add3A_252 : i32 to vector<16xi32>
      %add3A_254 = arith.addi %add3A_236, %add3A_253 : vector<16xi32>
      %add3A_255 = arith.constant 4 : i32
      %add3A_256 = vector.broadcast %add3A_255 : i32 to vector<16xi32>
      %add3A_257 = arith.addi %select_n3A_48, %add3A_256 : vector<16xi32>
      %gather3A_258 = tpu.vector_load_idx %arg10[%add3A_254, %add3A_257] : memref<4096x16xf32, #tpu.memory_space<vmem>>[vector<16xi32>, vector<16xi32>], vector<16xf32>,
      %mul3A_259 = arith.mulf %gather3A_251, %gather3A_258 : vector<16xf32>
      %add3A_260 = arith.addf %mul3A_247, %mul3A_259 : vector<16xf32>
      %add3A_261 = arith.constant 12288 : i32
      %add3A_262 = vector.broadcast %add3A_261 : i32 to vector<16xi32>
      %add3A_263 = arith.addi %add3A_236, %add3A_262 : vector<16xi32>
      %gather3A_264 = tpu.vector_load_idx %arg9[%add3A_263] : memref<16384xf32, #tpu.memory_space<vmem>>[vector<16xi32>], vector<16xf32>,
      %add3A_265 = arith.constant 2048 : i32
      %add3A_266 = vector.broadcast %add3A_265 : i32 to vector<16xi32>
      %add3A_267 = arith.addi %add3A_236, %add3A_266 : vector<16xi32>
      %add3A_268 = arith.constant 8 : i32
      %add3A_269 = vector.broadcast %add3A_268 : i32 to vector<16xi32>
      %add3A_270 = arith.addi %select_n3A_48, %add3A_269 : vector<16xi32>
      %gather3A_271 = tpu.vector_load_idx %arg10[%add3A_267, %add3A_270] : memref<4096x16xf32, #tpu.memory_space<vmem>>[vector<16xi32>, vector<16xi32>], vector<16xf32>,
      %mul3A_272 = arith.mulf %gather3A_264, %gather3A_271 : vector<16xf32>
      %add3A_273 = arith.addf %add3A_260, %mul3A_272 : vector<16xf32>
      %add3A_274 = arith.constant 14336 : i32
      %add3A_275 = vector.broadcast %add3A_274 : i32 to vector<16xi32>
      %add3A_276 = arith.addi %add3A_236, %add3A_275 : vector<16xi32>
      %gather3A_277 = tpu.vector_load_idx %arg9[%add3A_276] : memref<16384xf32, #tpu.memory_space<vmem>>[vector<16xi32>], vector<16xf32>,
      %add3A_278 = arith.constant 2048 : i32
      %add3A_279 = vector.broadcast %add3A_278 : i32 to vector<16xi32>
      %add3A_280 = arith.addi %add3A_236, %add3A_279 : vector<16xi32>
      %add3A_281 = arith.constant 12 : i32
      %add3A_282 = vector.broadcast %add3A_281 : i32 to vector<16xi32>
      %add3A_283 = arith.addi %select_n3A_48, %add3A_282 : vector<16xi32>
      %gather3A_284 = tpu.vector_load_idx %arg10[%add3A_280, %add3A_283] : memref<4096x16xf32, #tpu.memory_space<vmem>>[vector<16xi32>, vector<16xi32>], vector<16xf32>,
      %mul3A_285 = arith.mulf %gather3A_277, %gather3A_284 : vector<16xf32>
      %add3A_286 = arith.addf %add3A_273, %mul3A_285 : vector<16xf32>
      tpu.vector_store_idx %arg11[%add3A_236, %select_n3A_48], %add3A_286 : memref<2048x3xf32, #tpu.memory_space<vmem>>[vector<16xi32>, vector<16xi32>], vector<16xf32>,
      %add3A_287 = vector.broadcast %mul3A_234 : i32 to vector<16xi32>
      %add3A_288 = arith.addi %select_n3A_82, %add3A_287 : vector<16xi32>
      %add3A_289 = arith.constant 8192 : i32
      %add3A_290 = vector.broadcast %add3A_289 : i32 to vector<16xi32>
      %add3A_291 = arith.addi %add3A_288, %add3A_290 : vector<16xi32>
      %gather3A_292 = tpu.vector_load_idx %arg9[%add3A_291] : memref<16384xf32, #tpu.memory_space<vmem>>[vector<16xi32>], vector<16xf32>,
      %add3A_293 = arith.constant 2048 : i32
      %add3A_294 = vector.broadcast %add3A_293 : i32 to vector<16xi32>
      %add3A_295 = arith.addi %add3A_288, %add3A_294 : vector<16xi32>
      %add3A_296 = arith.constant 0 : i32
      %add3A_297 = vector.broadcast %add3A_296 : i32 to vector<16xi32>
      %add3A_298 = arith.addi %select_n3A_104, %add3A_297 : vector<16xi32>
      %gather3A_299 = tpu.vector_load_idx %arg10[%add3A_295, %add3A_298] : memref<4096x16xf32, #tpu.memory_space<vmem>>[vector<16xi32>, vector<16xi32>], vector<16xf32>,
      %mul3A_300 = arith.mulf %gather3A_292, %gather3A_299 : vector<16xf32>
      %add3A_301 = arith.constant 10240 : i32
      %add3A_302 = vector.broadcast %add3A_301 : i32 to vector<16xi32>
      %add3A_303 = arith.addi %add3A_288, %add3A_302 : vector<16xi32>
      %gather3A_304 = tpu.vector_load_idx %arg9[%add3A_303] : memref<16384xf32, #tpu.memory_space<vmem>>[vector<16xi32>], vector<16xf32>,
      %add3A_305 = arith.constant 2048 : i32
      %add3A_306 = vector.broadcast %add3A_305 : i32 to vector<16xi32>
      %add3A_307 = arith.addi %add3A_288, %add3A_306 : vector<16xi32>
      %add3A_308 = arith.constant 4 : i32
      %add3A_309 = vector.broadcast %add3A_308 : i32 to vector<16xi32>
      %add3A_310 = arith.addi %select_n3A_104, %add3A_309 : vector<16xi32>
      %gather3A_311 = tpu.vector_load_idx %arg10[%add3A_307, %add3A_310] : memref<4096x16xf32, #tpu.memory_space<vmem>>[vector<16xi32>, vector<16xi32>], vector<16xf32>,
      %mul3A_312 = arith.mulf %gather3A_304, %gather3A_311 : vector<16xf32>
      %add3A_313 = arith.addf %mul3A_300, %mul3A_312 : vector<16xf32>
      %add3A_314 = arith.constant 12288 : i32
      %add3A_315 = vector.broadcast %add3A_314 : i32 to vector<16xi32>
      %add3A_316 = arith.addi %add3A_288, %add3A_315 : vector<16xi32>
      %gather3A_317 = tpu.vector_load_idx %arg9[%add3A_316] : memref<16384xf32, #tpu.memory_space<vmem>>[vector<16xi32>], vector<16xf32>,
      %add3A_318 = arith.constant 2048 : i32
      %add3A_319 = vector.broadcast %add3A_318 : i32 to vector<16xi32>
      %add3A_320 = arith.addi %add3A_288, %add3A_319 : vector<16xi32>
      %add3A_321 = arith.constant 8 : i32
      %add3A_322 = vector.broadcast %add3A_321 : i32 to vector<16xi32>
      %add3A_323 = arith.addi %select_n3A_104, %add3A_322 : vector<16xi32>
      %gather3A_324 = tpu.vector_load_idx %arg10[%add3A_320, %add3A_323] : memref<4096x16xf32, #tpu.memory_space<vmem>>[vector<16xi32>, vector<16xi32>], vector<16xf32>,
      %mul3A_325 = arith.mulf %gather3A_317, %gather3A_324 : vector<16xf32>
      %add3A_326 = arith.addf %add3A_313, %mul3A_325 : vector<16xf32>
      %add3A_327 = arith.constant 14336 : i32
      %add3A_328 = vector.broadcast %add3A_327 : i32 to vector<16xi32>
      %add3A_329 = arith.addi %add3A_288, %add3A_328 : vector<16xi32>
      %gather3A_330 = tpu.vector_load_idx %arg9[%add3A_329] : memref<16384xf32, #tpu.memory_space<vmem>>[vector<16xi32>], vector<16xf32>,
      %add3A_331 = arith.constant 2048 : i32
      %add3A_332 = vector.broadcast %add3A_331 : i32 to vector<16xi32>
      %add3A_333 = arith.addi %add3A_288, %add3A_332 : vector<16xi32>
      %add3A_334 = arith.constant 12 : i32
      %add3A_335 = vector.broadcast %add3A_334 : i32 to vector<16xi32>
      %add3A_336 = arith.addi %select_n3A_104, %add3A_335 : vector<16xi32>
      %gather3A_337 = tpu.vector_load_idx %arg10[%add3A_333, %add3A_336] : memref<4096x16xf32, #tpu.memory_space<vmem>>[vector<16xi32>, vector<16xi32>], vector<16xf32>,
      %mul3A_338 = arith.mulf %gather3A_330, %gather3A_337 : vector<16xf32>
      %add3A_339 = arith.addf %add3A_326, %mul3A_338 : vector<16xf32>
      tpu.vector_store_idx %arg11[%add3A_288, %select_n3A_104], %add3A_339 : memref<2048x3xf32, #tpu.memory_space<vmem>>[vector<16xi32>, vector<16xi32>], vector<16xf32>,
      %add3A_340 = vector.broadcast %mul3A_234 : i32 to vector<16xi32>
      %add3A_341 = arith.addi %select_n3A_138, %add3A_340 : vector<16xi32>
      %add3A_342 = arith.constant 8192 : i32
      %add3A_343 = vector.broadcast %add3A_342 : i32 to vector<16xi32>
      %add3A_344 = arith.addi %add3A_341, %add3A_343 : vector<16xi32>
      %gather3A_345 = tpu.vector_load_idx %arg9[%add3A_344] : memref<16384xf32, #tpu.memory_space<vmem>>[vector<16xi32>], vector<16xf32>,
      %add3A_346 = arith.constant 2048 : i32
      %add3A_347 = vector.broadcast %add3A_346 : i32 to vector<16xi32>
      %add3A_348 = arith.addi %add3A_341, %add3A_347 : vector<16xi32>
      %add3A_349 = arith.constant 0 : i32
      %add3A_350 = vector.broadcast %add3A_349 : i32 to vector<16xi32>
      %add3A_351 = arith.addi %select_n3A_160, %add3A_350 : vector<16xi32>
      %gather3A_352 = tpu.vector_load_idx %arg10[%add3A_348, %add3A_351] : memref<4096x16xf32, #tpu.memory_space<vmem>>[vector<16xi32>, vector<16xi32>], vector<16xf32>,
      %mul3A_353 = arith.mulf %gather3A_345, %gather3A_352 : vector<16xf32>
      %add3A_354 = arith.constant 10240 : i32
      %add3A_355 = vector.broadcast %add3A_354 : i32 to vector<16xi32>
      %add3A_356 = arith.addi %add3A_341, %add3A_355 : vector<16xi32>
      %gather3A_357 = tpu.vector_load_idx %arg9[%add3A_356] : memref<16384xf32, #tpu.memory_space<vmem>>[vector<16xi32>], vector<16xf32>,
      %add3A_358 = arith.constant 2048 : i32
      %add3A_359 = vector.broadcast %add3A_358 : i32 to vector<16xi32>
      %add3A_360 = arith.addi %add3A_341, %add3A_359 : vector<16xi32>
      %add3A_361 = arith.constant 4 : i32
      %add3A_362 = vector.broadcast %add3A_361 : i32 to vector<16xi32>
      %add3A_363 = arith.addi %select_n3A_160, %add3A_362 : vector<16xi32>
      %gather3A_364 = tpu.vector_load_idx %arg10[%add3A_360, %add3A_363] : memref<4096x16xf32, #tpu.memory_space<vmem>>[vector<16xi32>, vector<16xi32>], vector<16xf32>,
      %mul3A_365 = arith.mulf %gather3A_357, %gather3A_364 : vector<16xf32>
      %add3A_366 = arith.addf %mul3A_353, %mul3A_365 : vector<16xf32>
      %add3A_367 = arith.constant 12288 : i32
      %add3A_368 = vector.broadcast %add3A_367 : i32 to vector<16xi32>
      %add3A_369 = arith.addi %add3A_341, %add3A_368 : vector<16xi32>
      %gather3A_370 = tpu.vector_load_idx %arg9[%add3A_369] : memref<16384xf32, #tpu.memory_space<vmem>>[vector<16xi32>], vector<16xf32>,
      %add3A_371 = arith.constant 2048 : i32
      %add3A_372 = vector.broadcast %add3A_371 : i32 to vector<16xi32>
      %add3A_373 = arith.addi %add3A_341, %add3A_372 : vector<16xi32>
      %add3A_374 = arith.constant 8 : i32
      %add3A_375 = vector.broadcast %add3A_374 : i32 to vector<16xi32>
      %add3A_376 = arith.addi %select_n3A_160, %add3A_375 : vector<16xi32>
      %gather3A_377 = tpu.vector_load_idx %arg10[%add3A_373, %add3A_376] : memref<4096x16xf32, #tpu.memory_space<vmem>>[vector<16xi32>, vector<16xi32>], vector<16xf32>,
      %mul3A_378 = arith.mulf %gather3A_370, %gather3A_377 : vector<16xf32>
      %add3A_379 = arith.addf %add3A_366, %mul3A_378 : vector<16xf32>
      %add3A_380 = arith.constant 14336 : i32
      %add3A_381 = vector.broadcast %add3A_380 : i32 to vector<16xi32>
      %add3A_382 = arith.addi %add3A_341, %add3A_381 : vector<16xi32>
      %gather3A_383 = tpu.vector_load_idx %arg9[%add3A_382] : memref<16384xf32, #tpu.memory_space<vmem>>[vector<16xi32>], vector<16xf32>,
      %add3A_384 = arith.constant 2048 : i32
      %add3A_385 = vector.broadcast %add3A_384 : i32 to vector<16xi32>
      %add3A_386 = arith.addi %add3A_341, %add3A_385 : vector<16xi32>
      %add3A_387 = arith.constant 12 : i32
      %add3A_388 = vector.broadcast %add3A_387 : i32 to vector<16xi32>
      %add3A_389 = arith.addi %select_n3A_160, %add3A_388 : vector<16xi32>
      %gather3A_390 = tpu.vector_load_idx %arg10[%add3A_386, %add3A_389] : memref<4096x16xf32, #tpu.memory_space<vmem>>[vector<16xi32>, vector<16xi32>], vector<16xf32>,
      %mul3A_391 = arith.mulf %gather3A_383, %gather3A_390 : vector<16xf32>
      %add3A_392 = arith.addf %add3A_379, %mul3A_391 : vector<16xf32>
      tpu.vector_store_idx %arg11[%add3A_341, %select_n3A_160], %add3A_392 : memref<2048x3xf32, #tpu.memory_space<vmem>>[vector<16xi32>, vector<16xi32>], vector<16xf32>,
      %mul3A_393 = arith.constant 2 : i32
      %mul3A_394 = arith.muli %scan3A_228, %mul3A_393 : i32
      %add3A_395 = arith.constant 1 : i32
      %add3A_396 = arith.addi %mul3A_394, %add3A_395 : i32
      %mul3A_397 = arith.constant 16 : i32
      %mul3A_398 = arith.muli %add3A_396, %mul3A_397 : i32
      %add3A_399 = vector.broadcast %mul3A_398 : i32 to vector<16xi32>
      %add3A_400 = arith.addi %select_n3A, %add3A_399 : vector<16xi32>
      %add3A_401 = arith.constant 8192 : i32
      %add3A_402 = vector.broadcast %add3A_401 : i32 to vector<16xi32>
      %add3A_403 = arith.addi %add3A_400, %add3A_402 : vector<16xi32>
      %gather3A_404 = tpu.vector_load_idx %arg9[%add3A_403] : memref<16384xf32, #tpu.memory_space<vmem>>[vector<16xi32>], vector<16xf32>,
      %add3A_405 = arith.constant 2048 : i32
      %add3A_406 = vector.broadcast %add3A_405 : i32 to vector<16xi32>
      %add3A_407 = arith.addi %add3A_400, %add3A_406 : vector<16xi32>
      %add3A_408 = arith.constant 0 : i32
      %add3A_409 = vector.broadcast %add3A_408 : i32 to vector<16xi32>
      %add3A_410 = arith.addi %select_n3A_48, %add3A_409 : vector<16xi32>
      %gather3A_411 = tpu.vector_load_idx %arg10[%add3A_407, %add3A_410] : memref<4096x16xf32, #tpu.memory_space<vmem>>[vector<16xi32>, vector<16xi32>], vector<16xf32>,
      %mul3A_412 = arith.mulf %gather3A_404, %gather3A_411 : vector<16xf32>
      %add3A_413 = arith.constant 10240 : i32
      %add3A_414 = vector.broadcast %add3A_413 : i32 to vector<16xi32>
      %add3A_415 = arith.addi %add3A_400, %add3A_414 : vector<16xi32>
      %gather3A_416 = tpu.vector_load_idx %arg9[%add3A_415] : memref<16384xf32, #tpu.memory_space<vmem>>[vector<16xi32>], vector<16xf32>,
      %add3A_417 = arith.constant 2048 : i32
      %add3A_418 = vector.broadcast %add3A_417 : i32 to vector<16xi32>
      %add3A_419 = arith.addi %add3A_400, %add3A_418 : vector<16xi32>
      %add3A_420 = arith.constant 4 : i32
      %add3A_421 = vector.broadcast %add3A_420 : i32 to vector<16xi32>
      %add3A_422 = arith.addi %select_n3A_48, %add3A_421 : vector<16xi32>
      %gather3A_423 = tpu.vector_load_idx %arg10[%add3A_419, %add3A_422] : memref<4096x16xf32, #tpu.memory_space<vmem>>[vector<16xi32>, vector<16xi32>], vector<16xf32>,
      %mul3A_424 = arith.mulf %gather3A_416, %gather3A_423 : vector<16xf32>
      %add3A_425 = arith.addf %mul3A_412, %mul3A_424 : vector<16xf32>
      %add3A_426 = arith.constant 12288 : i32
      %add3A_427 = vector.broadcast %add3A_426 : i32 to vector<16xi32>
      %add3A_428 = arith.addi %add3A_400, %add3A_427 : vector<16xi32>
      %gather3A_429 = tpu.vector_load_idx %arg9[%add3A_428] : memref<16384xf32, #tpu.memory_space<vmem>>[vector<16xi32>], vector<16xf32>,
      %add3A_430 = arith.constant 2048 : i32
      %add3A_431 = vector.broadcast %add3A_430 : i32 to vector<16xi32>
      %add3A_432 = arith.addi %add3A_400, %add3A_431 : vector<16xi32>
      %add3A_433 = arith.constant 8 : i32
      %add3A_434 = vector.broadcast %add3A_433 : i32 to vector<16xi32>
      %add3A_435 = arith.addi %select_n3A_48, %add3A_434 : vector<16xi32>
      %gather3A_436 = tpu.vector_load_idx %arg10[%add3A_432, %add3A_435] : memref<4096x16xf32, #tpu.memory_space<vmem>>[vector<16xi32>, vector<16xi32>], vector<16xf32>,
      %mul3A_437 = arith.mulf %gather3A_429, %gather3A_436 : vector<16xf32>
      %add3A_438 = arith.addf %add3A_425, %mul3A_437 : vector<16xf32>
      %add3A_439 = arith.constant 14336 : i32
      %add3A_440 = vector.broadcast %add3A_439 : i32 to vector<16xi32>
      %add3A_441 = arith.addi %add3A_400, %add3A_440 : vector<16xi32>
      %gather3A_442 = tpu.vector_load_idx %arg9[%add3A_441] : memref<16384xf32, #tpu.memory_space<vmem>>[vector<16xi32>], vector<16xf32>,
      %add3A_443 = arith.constant 2048 : i32
      %add3A_444 = vector.broadcast %add3A_443 : i32 to vector<16xi32>
      %add3A_445 = arith.addi %add3A_400, %add3A_444 : vector<16xi32>
      %add3A_446 = arith.constant 12 : i32
      %add3A_447 = vector.broadcast %add3A_446 : i32 to vector<16xi32>
      %add3A_448 = arith.addi %select_n3A_48, %add3A_447 : vector<16xi32>
      %gather3A_449 = tpu.vector_load_idx %arg10[%add3A_445, %add3A_448] : memref<4096x16xf32, #tpu.memory_space<vmem>>[vector<16xi32>, vector<16xi32>], vector<16xf32>,
      %mul3A_450 = arith.mulf %gather3A_442, %gather3A_449 : vector<16xf32>
      %add3A_451 = arith.addf %add3A_438, %mul3A_450 : vector<16xf32>
      tpu.vector_store_idx %arg11[%add3A_400, %select_n3A_48], %add3A_451 : memref<2048x3xf32, #tpu.memory_space<vmem>>[vector<16xi32>, vector<16xi32>], vector<16xf32>,
      %add3A_452 = vector.broadcast %mul3A_398 : i32 to vector<16xi32>
      %add3A_453 = arith.addi %select_n3A_82, %add3A_452 : vector<16xi32>
      %add3A_454 = arith.constant 8192 : i32
      %add3A_455 = vector.broadcast %add3A_454 : i32 to vector<16xi32>
      %add3A_456 = arith.addi %add3A_453, %add3A_455 : vector<16xi32>
      %gather3A_457 = tpu.vector_load_idx %arg9[%add3A_456] : memref<16384xf32, #tpu.memory_space<vmem>>[vector<16xi32>], vector<16xf32>,
      %add3A_458 = arith.constant 2048 : i32
      %add3A_459 = vector.broadcast %add3A_458 : i32 to vector<16xi32>
      %add3A_460 = arith.addi %add3A_453, %add3A_459 : vector<16xi32>
      %add3A_461 = arith.constant 0 : i32
      %add3A_462 = vector.broadcast %add3A_461 : i32 to vector<16xi32>
      %add3A_463 = arith.addi %select_n3A_104, %add3A_462 : vector<16xi32>
      %gather3A_464 = tpu.vector_load_idx %arg10[%add3A_460, %add3A_463] : memref<4096x16xf32, #tpu.memory_space<vmem>>[vector<16xi32>, vector<16xi32>], vector<16xf32>,
      %mul3A_465 = arith.mulf %gather3A_457, %gather3A_464 : vector<16xf32>
      %add3A_466 = arith.constant 10240 : i32
      %add3A_467 = vector.broadcast %add3A_466 : i32 to vector<16xi32>
      %add3A_468 = arith.addi %add3A_453, %add3A_467 : vector<16xi32>
      %gather3A_469 = tpu.vector_load_idx %arg9[%add3A_468] : memref<16384xf32, #tpu.memory_space<vmem>>[vector<16xi32>], vector<16xf32>,
      %add3A_470 = arith.constant 2048 : i32
      %add3A_471 = vector.broadcast %add3A_470 : i32 to vector<16xi32>
      %add3A_472 = arith.addi %add3A_453, %add3A_471 : vector<16xi32>
      %add3A_473 = arith.constant 4 : i32
      %add3A_474 = vector.broadcast %add3A_473 : i32 to vector<16xi32>
      %add3A_475 = arith.addi %select_n3A_104, %add3A_474 : vector<16xi32>
      %gather3A_476 = tpu.vector_load_idx %arg10[%add3A_472, %add3A_475] : memref<4096x16xf32, #tpu.memory_space<vmem>>[vector<16xi32>, vector<16xi32>], vector<16xf32>,
      %mul3A_477 = arith.mulf %gather3A_469, %gather3A_476 : vector<16xf32>
      %add3A_478 = arith.addf %mul3A_465, %mul3A_477 : vector<16xf32>
      %add3A_479 = arith.constant 12288 : i32
      %add3A_480 = vector.broadcast %add3A_479 : i32 to vector<16xi32>
      %add3A_481 = arith.addi %add3A_453, %add3A_480 : vector<16xi32>
      %gather3A_482 = tpu.vector_load_idx %arg9[%add3A_481] : memref<16384xf32, #tpu.memory_space<vmem>>[vector<16xi32>], vector<16xf32>,
      %add3A_483 = arith.constant 2048 : i32
      %add3A_484 = vector.broadcast %add3A_483 : i32 to vector<16xi32>
      %add3A_485 = arith.addi %add3A_453, %add3A_484 : vector<16xi32>
      %add3A_486 = arith.constant 8 : i32
      %add3A_487 = vector.broadcast %add3A_486 : i32 to vector<16xi32>
      %add3A_488 = arith.addi %select_n3A_104, %add3A_487 : vector<16xi32>
      %gather3A_489 = tpu.vector_load_idx %arg10[%add3A_485, %add3A_488] : memref<4096x16xf32, #tpu.memory_space<vmem>>[vector<16xi32>, vector<16xi32>], vector<16xf32>,
      %mul3A_490 = arith.mulf %gather3A_482, %gather3A_489 : vector<16xf32>
      %add3A_491 = arith.addf %add3A_478, %mul3A_490 : vector<16xf32>
      %add3A_492 = arith.constant 14336 : i32
      %add3A_493 = vector.broadcast %add3A_492 : i32 to vector<16xi32>
      %add3A_494 = arith.addi %add3A_453, %add3A_493 : vector<16xi32>
      %gather3A_495 = tpu.vector_load_idx %arg9[%add3A_494] : memref<16384xf32, #tpu.memory_space<vmem>>[vector<16xi32>], vector<16xf32>,
      %add3A_496 = arith.constant 2048 : i32
      %add3A_497 = vector.broadcast %add3A_496 : i32 to vector<16xi32>
      %add3A_498 = arith.addi %add3A_453, %add3A_497 : vector<16xi32>
      %add3A_499 = arith.constant 12 : i32
      %add3A_500 = vector.broadcast %add3A_499 : i32 to vector<16xi32>
      %add3A_501 = arith.addi %select_n3A_104, %add3A_500 : vector<16xi32>
      %gather3A_502 = tpu.vector_load_idx %arg10[%add3A_498, %add3A_501] : memref<4096x16xf32, #tpu.memory_space<vmem>>[vector<16xi32>, vector<16xi32>], vector<16xf32>,
      %mul3A_503 = arith.mulf %gather3A_495, %gather3A_502 : vector<16xf32>
      %add3A_504 = arith.addf %add3A_491, %mul3A_503 : vector<16xf32>
      tpu.vector_store_idx %arg11[%add3A_453, %select_n3A_104], %add3A_504 : memref<2048x3xf32, #tpu.memory_space<vmem>>[vector<16xi32>, vector<16xi32>], vector<16xf32>,
      %add3A_505 = vector.broadcast %mul3A_398 : i32 to vector<16xi32>
      %add3A_506 = arith.addi %select_n3A_138, %add3A_505 : vector<16xi32>
      %add3A_507 = arith.constant 8192 : i32
      %add3A_508 = vector.broadcast %add3A_507 : i32 to vector<16xi32>
      %add3A_509 = arith.addi %add3A_506, %add3A_508 : vector<16xi32>
      %gather3A_510 = tpu.vector_load_idx %arg9[%add3A_509] : memref<16384xf32, #tpu.memory_space<vmem>>[vector<16xi32>], vector<16xf32>,
      %add3A_511 = arith.constant 2048 : i32
      %add3A_512 = vector.broadcast %add3A_511 : i32 to vector<16xi32>
      %add3A_513 = arith.addi %add3A_506, %add3A_512 : vector<16xi32>
      %add3A_514 = arith.constant 0 : i32
      %add3A_515 = vector.broadcast %add3A_514 : i32 to vector<16xi32>
      %add3A_516 = arith.addi %select_n3A_160, %add3A_515 : vector<16xi32>
      %gather3A_517 = tpu.vector_load_idx %arg10[%add3A_513, %add3A_516] : memref<4096x16xf32, #tpu.memory_space<vmem>>[vector<16xi32>, vector<16xi32>], vector<16xf32>,
      %mul3A_518 = arith.mulf %gather3A_510, %gather3A_517 : vector<16xf32>
      %add3A_519 = arith.constant 10240 : i32
      %add3A_520 = vector.broadcast %add3A_519 : i32 to vector<16xi32>
      %add3A_521 = arith.addi %add3A_506, %add3A_520 : vector<16xi32>
      %gather3A_522 = tpu.vector_load_idx %arg9[%add3A_521] : memref<16384xf32, #tpu.memory_space<vmem>>[vector<16xi32>], vector<16xf32>,
      %add3A_523 = arith.constant 2048 : i32
      %add3A_524 = vector.broadcast %add3A_523 : i32 to vector<16xi32>
      %add3A_525 = arith.addi %add3A_506, %add3A_524 : vector<16xi32>
      %add3A_526 = arith.constant 4 : i32
      %add3A_527 = vector.broadcast %add3A_526 : i32 to vector<16xi32>
      %add3A_528 = arith.addi %select_n3A_160, %add3A_527 : vector<16xi32>
      %gather3A_529 = tpu.vector_load_idx %arg10[%add3A_525, %add3A_528] : memref<4096x16xf32, #tpu.memory_space<vmem>>[vector<16xi32>, vector<16xi32>], vector<16xf32>,
      %mul3A_530 = arith.mulf %gather3A_522, %gather3A_529 : vector<16xf32>
      %add3A_531 = arith.addf %mul3A_518, %mul3A_530 : vector<16xf32>
      %add3A_532 = arith.constant 12288 : i32
      %add3A_533 = vector.broadcast %add3A_532 : i32 to vector<16xi32>
      %add3A_534 = arith.addi %add3A_506, %add3A_533 : vector<16xi32>
      %gather3A_535 = tpu.vector_load_idx %arg9[%add3A_534] : memref<16384xf32, #tpu.memory_space<vmem>>[vector<16xi32>], vector<16xf32>,
      %add3A_536 = arith.constant 2048 : i32
      %add3A_537 = vector.broadcast %add3A_536 : i32 to vector<16xi32>
      %add3A_538 = arith.addi %add3A_506, %add3A_537 : vector<16xi32>
      %add3A_539 = arith.constant 8 : i32
      %add3A_540 = vector.broadcast %add3A_539 : i32 to vector<16xi32>
      %add3A_541 = arith.addi %select_n3A_160, %add3A_540 : vector<16xi32>
      %gather3A_542 = tpu.vector_load_idx %arg10[%add3A_538, %add3A_541] : memref<4096x16xf32, #tpu.memory_space<vmem>>[vector<16xi32>, vector<16xi32>], vector<16xf32>,
      %mul3A_543 = arith.mulf %gather3A_535, %gather3A_542 : vector<16xf32>
      %add3A_544 = arith.addf %add3A_531, %mul3A_543 : vector<16xf32>
      %add3A_545 = arith.constant 14336 : i32
      %add3A_546 = vector.broadcast %add3A_545 : i32 to vector<16xi32>
      %add3A_547 = arith.addi %add3A_506, %add3A_546 : vector<16xi32>
      %gather3A_548 = tpu.vector_load_idx %arg9[%add3A_547] : memref<16384xf32, #tpu.memory_space<vmem>>[vector<16xi32>], vector<16xf32>,
      %add3A_549 = arith.constant 2048 : i32
      %add3A_550 = vector.broadcast %add3A_549 : i32 to vector<16xi32>
      %add3A_551 = arith.addi %add3A_506, %add3A_550 : vector<16xi32>
      %add3A_552 = arith.constant 12 : i32
      %add3A_553 = vector.broadcast %add3A_552 : i32 to vector<16xi32>
      %add3A_554 = arith.addi %select_n3A_160, %add3A_553 : vector<16xi32>
      %gather3A_555 = tpu.vector_load_idx %arg10[%add3A_551, %add3A_554] : memref<4096x16xf32, #tpu.memory_space<vmem>>[vector<16xi32>, vector<16xi32>], vector<16xf32>,
      %mul3A_556 = arith.mulf %gather3A_548, %gather3A_555 : vector<16xf32>
      %add3A_557 = arith.addf %add3A_544, %mul3A_556 : vector<16xf32>
      tpu.vector_store_idx %arg11[%add3A_506, %select_n3A_160], %add3A_557 : memref<2048x3xf32, #tpu.memory_space<vmem>>[vector<16xi32>, vector<16xi32>], vector<16xf32>,
    }
    %scan3A_227 = arith.constant 64 : i32
    "tpu.region"() ({
      %run_scoped3A = tpu.sem_alloc : memref<!tpu.dma_semaphore, #tpu.memory_space<semaphore_mem>>
      %dma_start3A_228 = arith.constant 0 : i32
      %dma_start3A_229 = tpu.memref_slice %arg5[%add3A_221, %dma_start3A_228] : memref<1048576x3xf32, #tpu.memory_space<hbm>> -> memref<2048x3xf32, #tpu.memory_space<hbm>>
      %dma_start3A_230 = arith.constant 0 : i32
      %dma_start3A_231 = tpu.memref_slice %arg5[%add3A_221, %dma_start3A_230] : memref<1048576x3xf32, #tpu.memory_space<hbm>> -> memref<2048x3xf32, #tpu.memory_space<hbm>>
      tpu.enqueue_dma source(%arg11 : memref<2048x3xf32, #tpu.memory_space<vmem>>) target(%dma_start3A_231 : memref<2048x3xf32, #tpu.memory_space<hbm>>) target_semaphore(%run_scoped3A : memref<!tpu.dma_semaphore, #tpu.memory_space<semaphore_mem>>)
      %dma_wait3A_232 = arith.constant 0 : i32
      %dma_wait3A_233 = tpu.memref_slice %arg5[%add3A_221, %dma_wait3A_232] : memref<1048576x3xf32, #tpu.memory_space<hbm>> -> memref<2048x3xf32, #tpu.memory_space<hbm>>
      %dma_wait3A_234 = arith.constant 0 : i32
      %dma_wait3A_235 = tpu.memref_slice %arg5[%add3A_221, %dma_wait3A_234] : memref<1048576x3xf32, #tpu.memory_space<hbm>> -> memref<2048x3xf32, #tpu.memory_space<hbm>>
      tpu.wait_dma2 semaphore(%run_scoped3A : memref<!tpu.dma_semaphore, #tpu.memory_space<semaphore_mem>>) src(%arg11 : memref<2048x3xf32, #tpu.memory_space<vmem>>) dst(%dma_wait3A_235 : memref<2048x3xf32, #tpu.memory_space<hbm>>)
      tpu.yield
    }) : () -> ()
    return
  }
}

</mosaic_0001>

<sc_bundles>
// kernel: kernel.4.cloned.1.call-start
scs
__scs_entry_jumppad:
0x0: {  	(pc) =	sbr.rel $0x88, $3  }
0x1: {  	(tag) =	ssettag $0x0;
	lr =	simm.s32 $0x1  }
0x2: {  	[smem:$0x3F9F] =	sst lr;
	_ =	strace $0xD0000000  }
0x3: {  	_ = 	snop  }
0x4: {  	_ = 	snop  }
0x5: {  	_ = 	snop  }
0x6: {  	_ = 	snop  }
0x7: {  	_ = 	snop  }
__scs_overlays_trampoline_lowered:
0x8: {  	[smem:$0x3FAE] =	sst s0  }
0x9: {  	[smem:$0x3FAF] =	sst s1  }
0xa: {  	[smem:$0x3FB0] =	sst s2  }
0xb: {  	[smem:$0x3FB1] =	sst s3  }
0xc: {  	[smem:$0x3FB2] =	sst s4  }
0xd: {  	[smem:$0x3FB3] =	sst s5  }
0xe: {  	[smem:$0x3FB4] =	sst s6  }
0xf: {  	[smem:$0x3FB5] =	sst s7  }
0x10: {  	[smem:$0x3FB6] =	sst s8  }
0x11: {  	[smem:$0x3FB7] =	sst s9;
	s0 =	simm.s32 @!p0 $0x0  }
0x12: {  	s1 =	sld [smem:$0x3F9D];
	s0 =	simm.s32 @p0 $0x1  }
0x13: {  	[smem:$0x3FB8] =	sst s0;
	s0 =	simm.s32 @!p1 $0x0  }
0x14: {  	s2 =	sld [smem:$0x3F9C];
	s0 =	simm.s32 @p1 $0x1  }
0x15: {  	[smem:$0x3FB9] =	sst s0;
	s0 =	simm.s32 @!p2 $0x0  }
0x16: {  	s3 =	sld [smem:$0x3FDB];
	s0 =	simm.s32 @p2 $0x1  }
0x17: {  	s4 =	simm.s32 $0x1BF5;
	[smem:$0x3FBB] =	sst s0  }
0x18: {  	s0 =	sld [smem:$0x3F9E];
	_ =	swait.ge [sflag:s4], $0x0  }
0x19: {  	s7 =	sld [smem:$0x3F9F]  }
0x1a: {  	s8 =	sadd.s32 $0xFFFFE003, lr  }
0x1b: {  	s9 =	sadd.s32 $0xFFFFFEF7, lr;
	s5 =	simm.s32 $0xFFFFFFFF;
	p2 =	slt.u32 s8, $0xFFFFF086  }
0x1c: {  	p1 =	slt.u32 s9, $0xF7A;
	s5 =	simm.s32 @!p2 $0x0  }
0x1d: {  	s5 =	simm.s32 @p1 $0x1;
	p0 =	seq.s32 s7, s2  }
0x1e: {  	s7 =	smul.u32 @!p0 $0xF7A, s2;
	p2 =	seq.s32 @!p0 s5, $0x0  }
0x1f: {  	s9 =	smul.u32 $0xF7A, s1;
	s8 =	simm.s32 @!p0 $0x1BF5;
	p2 =	por !p2, p0  }
0x20: {  	[sflag:s8] =	ssyncset.s32 @!p0 $0xFFFFF086;
	s6 =	sadd.s32 @!p0 s3, s7;
	s7 =	simm.s32 @!p0 $0x108  }
0x21: {  	s3 =	sadd.s32 s3, s9;
	s6 =	sadd.s32 @!p0 $0x88, s6;
	s7 =	simm.s32 @p2 $0x1082  }
0x22: {  	[simem:s7], [sflag:s8] =	dma.local @!p0 [hbm:s6], $0xF7A  }
0x23: {  	s9 =	sor.u32 $0xD0000000, s2;
	s6 =	simm.s32 $0x108;
	_ =	swait.ge @!p0 [sflag:s8], $0x0  }
0x24: {  	s3 =	sadd.s32 $0x88, s3;
	s6 =	simm.s32 @!p1 $0x1082;
	[sflag:s4] =	ssyncset.s32 $0xFFFFF086  }
0x25: {  	[simem:s6], [sflag:s4] =	dma.local [hbm:s3], $0xF7A  }
0x26: {  	[smem:$0x3F9F] =	sst s1;
	(tag) =	ssettag s2;
	_ =	strace s9  }
0x27: {  	s1 =	sld [smem:$0x3FAF]  }
0x28: {  	s2 =	sld [smem:$0x3FB0]  }
0x29: {  	s4 =	sld [smem:$0x3FB2]  }
0x2a: {  	p0 =	seq.s32 s5, $0x0;
	s5 =	sld [smem:$0x3FB3]  }
0x2b: {  	s6 =	sld [smem:$0x3FB4]  }
0x2c: {  	s7 =	sld [smem:$0x3FB5]  }
0x2d: {  	s3 =	simm.s32 $0x108;
	s8 =	sld [smem:$0x3FB6]  }
0x2e: {  	s3 =	simm.s32 @!p0 $0x1082;
	s9 =	sld [smem:$0x3FB7]  }
0x2f: {  	lr =	sadd.s32 s0, s3;
	s0 =	sld [smem:$0x3FAE]  }
0x30: {  	s3 =	sld [smem:$0x3FB1]  }
0x31: {  	[smem:$0x3FBA] =	sst s10  }
0x32: {  	s10 =	sld [smem:$0x3FB8];
	_ =	sdelay $0x3  }
0x33: {  	p0 =	seq.s32 s10, $0x1;
	s10 =	sld [smem:$0x3FBA];
	_ =	sdelay $0x3  }
0x34: {  	[smem:$0x3FBA] =	sst s10  }
0x35: {  	s10 =	sld [smem:$0x3FB9];
	_ =	sdelay $0x3  }
0x36: {  	p1 =	seq.s32 s10, $0x1;
	s10 =	sld [smem:$0x3FBA];
	_ =	sdelay $0x3  }
0x37: {  	[smem:$0x3FBA] =	sst s10  }
0x38: {  	s10 =	sld [smem:$0x3FBB]  }
0x39: {  	_ = 	snop;
	(pc) =	sbr.ind lr, $3  }
0x3a: {  	_ = 	snop  }
0x3b: {  	_ = 	snop  }
0x3c: {  	p2 =	seq.s32 s10, $0x1;
	s10 =	sld [smem:$0x3FBA]  }
0x3d: {  	_ =	shalt  }
0x3e: {  	_ =	shalt  }
0x3f: {  	_ =	shalt  }
0x40: {  	_ =	shalt  }
0x41: {  	_ =	shalt  }
0x42: {  	_ =	shalt  }
0x43: {  	_ =	shalt  }
0x44: {  	_ =	shalt  }
0x45: {  	_ =	shalt  }
0x46: {  	_ =	shalt  }
0x47: {  	_ =	shalt  }
0x48: {  	_ =	shalt  }
0x49: {  	_ =	shalt  }
0x4a: {  	_ =	shalt  }
0x4b: {  	_ =	shalt  }
0x4c: {  	_ =	shalt  }
0x4d: {  	_ =	shalt  }
0x4e: {  	_ =	shalt  }
0x4f: {  	_ =	shalt  }
0x50: {  	_ =	shalt  }
0x51: {  	_ =	shalt  }
0x52: {  	_ =	shalt  }
0x53: {  	_ =	shalt  }
0x54: {  	_ =	shalt  }
0x55: {  	_ =	shalt  }
0x56: {  	_ =	shalt  }
0x57: {  	_ =	shalt  }
0x58: {  	_ =	shalt  }
0x59: {  	_ =	shalt  }
0x5a: {  	_ =	shalt  }
0x5b: {  	_ =	shalt  }
0x5c: {  	_ =	shalt  }
0x5d: {  	_ =	shalt  }
0x5e: {  	_ =	shalt  }
0x5f: {  	_ =	shalt  }
0x60: {  	_ =	shalt  }
0x61: {  	_ =	shalt  }
0x62: {  	_ =	shalt  }
0x63: {  	_ =	shalt  }
0x64: {  	_ =	shalt  }
0x65: {  	_ =	shalt  }
0x66: {  	_ =	shalt  }
0x67: {  	_ =	shalt  }
0x68: {  	_ =	shalt  }
0x69: {  	_ =	shalt  }
0x6a: {  	_ =	shalt  }
0x6b: {  	_ =	shalt  }
0x6c: {  	_ =	shalt  }
0x6d: {  	_ =	shalt  }
0x6e: {  	_ =	shalt  }
0x6f: {  	_ =	shalt  }
0x70: {  	_ =	shalt  }
0x71: {  	_ =	shalt  }
0x72: {  	_ =	shalt  }
0x73: {  	_ =	shalt  }
0x74: {  	_ =	shalt  }
0x75: {  	_ =	shalt  }
0x76: {  	_ =	shalt  }
0x77: {  	_ =	shalt  }
0x78: {  	_ =	shalt  }
0x79: {  	_ =	shalt  }
0x7a: {  	_ =	shalt  }
0x7b: {  	_ =	shalt  }
0x7c: {  	_ =	shalt  }
0x7d: {  	_ =	shalt  }
0x7e: {  	_ =	shalt  }
0x7f: {  	_ =	shalt  }
0x80: {  	_ =	shalt  }
0x81: {  	_ =	shalt  }
0x82: {  	_ =	shalt  }
0x83: {  	_ =	shalt  }
0x84: {  	_ =	shalt  }
0x85: {  	_ =	shalt  }
0x86: {  	_ =	shalt  }
0x87: {  	_ =	shalt  }
.Lfunc_end0:
.L_simem_size_0:
called_computation_lowered:
.L_overlay_start_0:
0x88: {  	s2 =	sld [smem:$0x3FD9]  }
0x89: {  	s3 =	sld [smem:$0x3FFE];
	_ =	sdelay $0x1  }
0x8a: {  	s1 =	srdreg.scid  }
0x8b: {  	s0 =	sand.u32 $0x1, s1  }
0x8c: {  	s17 =	sshll.u32 s0, $0xA;
	s2 =	sadd.s32 s3, s2  }
0x8d: {  	s2 =	sadd.s32 s2, s17  }
0x8e: {  	[smem:$0x3FC6] =	sst s2  }
0x8f: {  	_ = 	snop  }
0x90: {  	s2 =	sld [smem:$0x3FD0];
	(tm) =	ssettm $0x1  }
0x91: {  	s18 =	sld [smem:$0x3FFB];
	_ =	sdelay $0x3  }
0x92: {  	_ =	strace s18  }
0x93: {  	s3 =	sld [smem:$0x3FFC];
	_ =	sdelay $0x3  }
0x94: {  	_ =	strace s3  }
0x95: {  	s3 =	sld [smem:$0x3FFD];
	_ =	sdelay $0x3  }
0x96: {  	_ =	strace s3  }
0x97: {  	_ =	strace $0x8FFFFFFF  }
0x98: {  	s19 =	sld [smem:$0x3FDB];
	_ =	sdelay $0x1  }
0x99: {  	s4 =	simm.s32 $_scs_section_size  }
0x9a: {  	s5 =	simm.s32 $_size__tile_overlayer_lowered;
	s6 =	simm.s32 $_tile_overlayer_lowered  }
0x9b: {  	s22 =	simm.s32 $0x1BFF;
	s21 =	sshll.u32 s6, $0x1;
	s3 =	sadd.s32 s4, s19  }
0x9c: {  	s7 =	simm.s32 $0x0;
	s20 =	sshll.u32 s5, $0x1;
	s5 =	sadd.s32 s21, s3  }
0x9d: {  	[timem:s7], [sflag:s22] =	dma.local [hbm:s5], s20  }
0x9e: {  	_ =	swait.ge [sflag:s22], s20  }
0x9f: {  	s4 =	ssub.s32 $0x0, s20;
	[sflag:s22] =	ssyncset.done $0x0  }
0xa0: {  	[sflag:s22] =	ssyncadd.s32 s4;
	_ =	sdelay $0x1  }
0xa1: {  	s23 =	simm.s32 $0x1B8B  }
0xa2: {  	_ =	swait.ge [sflag:s23], $0x1  }
0xa3: {  	[sflag:s23] =	ssyncset.done $0x0  }
0xa4: {  	s25 =	simm.s32 $0x1B8E;
	s24 =	sld [smem:$0x3FFE];
	[sflag:s23] =	ssyncadd.s32 $0xFFFFFFFF  }
0xa5: {  	s26 =	simm.s32 $execute0_lowered;
	[smem:$0x3FD2] =	sst s25  }
0xa6: {  	s5 =	sshll.u32 s26, $0x1;
	_ =	strace $0x80000046;
	[dreg:$0x1] =	wrdreg $0xFFFFFFFF  }
0xa7: {  	s28 =	simm.s32 $_size_execute0_lowered;
	s3 =	sadd.s32 s3, s5;
	[dreg:$0x0] =	wrdreg $0x0  }
0xa8: {  	s5 =	sshll.u32 s28, $0x1;
	[dreg:$0x2] =	wrdreg s3  }
0xa9: {  	[dreg:$0x3] =	wrdreg s5  }
0xaa: {  	[dreg:$0x4] =	wrdreg $0xC0  }
0xab: {  	_ =	task [dreg:s7], $0x5FFFF  }
0xac: {  	[dreg:$0x1] =	wrdreg $0xFFFFFFFF  }
0xad: {  	[dreg:$0x0] =	wrdreg $0x60  }
0xae: {  	[dreg:$0x2] =	wrdreg s24  }
0xaf: {  	[dreg:$0x3] =	wrdreg s2  }
0xb0: {  	[dreg:$0x4] =	wrdreg $0x9  }
0xb1: {  	_ =	task.clear_ibuf [dreg:s7], $0x5FFFF;
	_ =	strace $0x90000046  }
0xb2: {  	s29 =	simm.s32 $0x9;
	_ =	strace $0x80000048  }
0xb3: {  	_ =	swait.ge [sflag:s29], $0x1  }
0xb4: {  	[sflag:s29] =	ssyncadd.s32 $0xFFFFFFFF  }
0xb5: {  	_ =	strace $0x90000048  }
0xb6: {  	_ =	sfence  }
0xb7: {  	s30 =	sld [smem:$0x0];
	_ =	sdelay $0x2  }
0xb8: {  	s31 =	sshll.u32 s1, $0xD;
	s1 =	sshrl.u32 s1, $0x2  }
0xb9: {  	s3 =	sand.u32 $0x4000, s31;
	s1 =	sadd.s32 s1, s30  }
0xba: {  	s0 =	sor.u32 s3, s0;
	s1 =	sshll.u32 s1, $0x11  }
0xbb: {  	s0 =	sor.u32 s1, s0  }
0xbc: {  	s0 =	sadd.s32 $0x8F2B, s0  }
0xbd: {  	[sflag:s0] =	ssyncadd.remote.s32 $0x1  }
0xbe: {  	_ =	sfence.sel $0xFFFF  }
0xbf: {  	[dreg:$0x0] =	wrdreg $0xFFFFFFFF;
	(pc) =	sbr.abs _section_cstart, $3  }
0xc0: {  	[dreg:$0x1] =	wrdreg $0xFFFFFFFF  }
0xc1: {  	_ =	task.clear_ibuf [dreg:s7], $0x2FFFF;
	_ =	strace $0x9FFFFFFF  }
0xc2: {  	(tm) =	ssettm $0x7FFFFFFF  }
0xc3: {  	_ =	shalt  }
tec
execute0_lowered:
.L_overlay_start_1:
0x0: {  	(tag) =	ssettag $0x1  }
0x1: {  	v0 =	vlaneseq.u32;
	vm7 =	vcmask $0x300;
	v1 =	vimm.s32 $0x4400  }
0x2: {  	vm6 =	vcmask $0x704;
	vm5 =	vcmask $0x1310;
	vm3 =	vcmask $0x1714  }
0x3: {  	vm2 =	vcmask $0x2320;
	vm9 =	vcmask $0xF08;
	vm0 =	vcmask $0x2724  }
0x4: {  	v4 =	vimm.s32 $0x4403;
	vm1 =	vcmask $0x3330;
	vm8 =	vcmask $0x2F28  }
0x5: {  	vm4 =	vcmask $0x3734;
	v5 =	vimm.s32 $0x4405;
	v6 =	vimm.s32 $0x4407  }
0x6: {  	v7 =	vimm.s32 $0x45FF;
	v2 =	vshrl.u32 v0, $0x3;
	v3 =	vsel vm7, $0x0, v1  }
0x7: {  	v4 =	vsel vm7, $0x2, v4;
	v5 =	vsel vm7, $0x4, v5;
	v6 =	vsel vm7, $0x6, v6  }
0x8: {  	v7 =	vsel vm7, $0x1FF, v7;
	v8 =	vshrl.u32 v0, $0x2;
	v1 =	vmul.u32 $0x200, v2  }
0x9: {  	v2 =	vsel vm6, $0x2200, v3;
	v3 =	vimm.s32 $0x4401;
	v4 =	vsel vm6, $0x2202, v4  }
0xa: {  	v5 =	vsel vm6, $0x2204, v5;
	v6 =	vsel vm6, $0x2206, v6;
	v7 =	vsel vm6, $0x23FF, v7  }
0xb: {  	v2 =	vsel vm5, $0x0, v2;
	v3 =	vsel vm7, $0x0, v3;
	v4 =	vsel vm9, $0x4402, v4  }
0xc: {  	v5 =	vsel vm9, $0x4404, v5;
	v6 =	vsel vm9, $0x4406, v6;
	v7 =	vsel vm5, $0x1FF, v7  }
0xd: {  	v2 =	vsel vm3, $0x2200, v2;
	v3 =	vsel vm6, $0x2200, v3;
	v4 =	vsel vm5, $0x3, v4  }
0xe: {  	s4 =	rddreg [dreg:$0x0];
	v5 =	vsel vm5, $0x5, v5;
	v6 =	vsel vm5, $0x7, v6;
	v7 =	vsel vm3, $0x23FF, v7  }
0xf: {  	s1 =	rddreg [dreg:$0x1];
	v2 =	vsel vm2, $0x0, v2;
	v3 =	vsel vm9, $0x4400, v3;
	v4 =	vsel vm3, $0x2203, v4  }
0x10: {  	s0 =	rddreg [dreg:$0x2];
	s2 =	simm.s32 $0x0;
	s5 =	srdreg.scid;
	v5 =	vsel vm3, $0x2205, v5;
	v6 =	vsel vm3, $0x2207, v6;
	v7 =	vsel vm2, $0x1FF, v7  }
0x11: {  	s3 =	stileid.u32;
	s12 =	simm.s32 $0x1;
	s13 =	simm.s32 $0x2200;
	v2 =	vsel vm0, $0x2200, v2;
	v3 =	vsel vm5, $0x1, v3;
	v4 =	vsel vm2, $0x2, v4  }
0x12: {  	s14 =	simm.s32 $0x4400;
	s15 =	simm.s32 $0x2000;
	s16 =	simm.s32 $0x4200;
	v5 =	vsel vm2, $0x4, v5;
	v6 =	vsel vm2, $0x6, v6;
	v7 =	vsel vm0, $0x23FF, v7  }
0x13: {  	s17 =	simm.s32 $0x6400;
	s18 =	simm.s32 $0x6600;
	s19 =	simm.s32 $0x0;
	v3 =	vsel vm3, $0x2201, v3;
	v2 =	vsel vm1, $0x0, v2;
	v4 =	vsel vm0, $0x2202, v4  }
0x14: {  	[smem:$0x7FF] =	sst s2;
	s5 =	sand.u32 $0x1, s5;
	s6 =	sshll.u32 s3, $0x5;
	v5 =	vsel vm0, $0x2204, v5;
	v6 =	vsel vm0, $0x2206, v6;
	v9 =	vsel vm1, $0x1FF, v7  }
0x15: {  	s8 =	sadd.s32 $0x1200, s4;
	s7 =	sshll.u32 s5, $0x4;
	s5 =	ssub.s32 $0x2, s5;
	v7 =	vand.u32 $0x1, v8;
	v3 =	vsel vm2, $0x0, v3;
	v2 =	vsel vm4, $0x2200, v2  }
0x16: {  	_ =	strace $0x80000047;
	s4 =	sor.u32 s7, s6;
	s31 =	sshrl.u32 s5, $0x1;
	v4 =	vsel vm8, $0x4402, v4;
	v5 =	vsel vm8, $0x4404, v5;
	v6 =	vsel vm8, $0x4406, v6  }
0x17: {  	s7 =	sshll.u32 s4, $0x6;
	s9 =	smin.u32 s4, $0x1EF;
	s11 =	ssub.s32 s5, s31;
	v8 =	vsel vm4, $0x23FF, v9;
	v9 =	vor.u32 $0x1FF0, v0;
	v3 =	vsel vm0, $0x2200, v3  }
0x18: {  	s5 =	sadd.s32 s8, s7;
	s9 =	sshll.u32 s9, $0x6;
	s11 =	smax.u32 s11, $0x1;
	v4 =	vsel vm1, $0x3, v4;
	v5 =	vsel vm1, $0x5, v5;
	v3 =	vsel vm8, $0x4400, v3  }
0x19: {  	s6 =	sadd.s32 $0x8000, s5;
	s7 =	sadd.s32 $0x10000, s5;
	s10 =	sadd.s32 s8, s9;
	v6 =	vsel vm1, $0x7, v6;
	v4 =	vsel vm4, $0x2203, v4;
	v3 =	vsel vm1, $0x1, v3  }
0x1a: {  	s8 =	sadd.s32 $0x400, s10;
	s9 =	sadd.s32 $0x8400, s10;
	s10 =	sadd.s32 $0x10400, s10;
	v5 =	vsel vm4, $0x2205, v5;
	v6 =	vsel vm4, $0x2207, v6;
	v3 =	vsel vm4, $0x2201, v3  }
.LBB2_1:
0x1b: {  	[tilespmem:s2], [sflag:$0x1] =	stream.linear.gather [hbm4b:s5+s2], $0x2000, $0x38;
	[tilespmem:$0x8600] =	vst v63  }
0x1c: {  	_ =	swait.ge [sflag:s12], $0x2000  }
0x1d: {  	[sflag:s12] =	ssyncset.done $0x0  }
0x1e: {  	[sflag:s12] =	ssyncadd.s32 $0xFFFFE000  }
0x1f: {  	[tilespmem:s13], [sflag:$0x1] =	stream.linear.gather [hbm4b:s6+s2], $0x2000, $0x38;
	[tilespmem:$0x8600] =	vst v63  }
0x20: {  	_ =	swait.ge [sflag:s12], $0x2000  }
0x21: {  	[sflag:s12] =	ssyncset.done $0x0  }
0x22: {  	[sflag:s12] =	ssyncadd.s32 $0xFFFFE000  }
0x23: {  	[tilespmem:s14], [sflag:$0x1] =	stream.linear.gather [hbm4b:s7+s2], $0x2000, $0x38;
	[tilespmem:$0x8600] =	vst v63  }
0x24: {  	_ =	swait.ge [sflag:s12], $0x2000  }
0x25: {  	[sflag:s12] =	ssyncset.done $0x0  }
0x26: {  	[sflag:s12] =	ssyncadd.s32 $0xFFFFE000  }
0x27: {  	[tilespmem:s15], [sflag:$0x1] =	stream.linear.gather [hbm4b:s8+s2], $0x200, $0x38;
	[tilespmem:$0x8600] =	vst v63  }
0x28: {  	_ =	swait.ge [sflag:s12], $0x200  }
0x29: {  	[sflag:s12] =	ssyncset.done $0x0  }
0x2a: {  	[sflag:s12] =	ssyncadd.s32 $0xFFFFFE00  }
0x2b: {  	[tilespmem:s16], [sflag:$0x1] =	stream.linear.gather [hbm4b:s9+s2], $0x200, $0x38;
	[tilespmem:$0x8600] =	vst v63  }
0x2c: {  	_ =	swait.ge [sflag:s12], $0x200  }
0x2d: {  	[sflag:s12] =	ssyncset.done $0x0  }
0x2e: {  	[sflag:s12] =	ssyncadd.s32 $0xFFFFFE00  }
0x2f: {  	[tilespmem:s17], [sflag:$0x1] =	stream.linear.gather [hbm4b:s10+s2], $0x200, $0x38;
	[tilespmem:$0x8600] =	vst v63  }
0x30: {  	_ =	swait.ge [sflag:s12], $0x200  }
0x31: {  	[sflag:s12] =	ssyncset.done $0x0  }
0x32: {  	s20 =	simm.s32 $0x0;
	[sflag:s12] =	ssyncadd.s32 $0xFFFFFE00  }
.LBB2_2:
0x33: {  	v10 =	vmov s20  }
0x34: {  	v10 =	vshll.u32 v10, $0x9  }
0x35: {  	v10 =	vadd.s32 v1, v10  }
0x36: {  	s21 =	simm.s32 $0x0;
	v11 =	vadd.s32 v3, v10  }
0x37: {  	v12 =	vor.u32 s21, v11;
	_ =	sdelay $0x2  }
0x38: {  	v13 =	vmov s21  }
0x39: {  	v13 =	vshll.u32 v13, $0x4  }
0x3a: {  	s24 =	simm.s32 $0x1;
	v13 =	vor.u32 v0, v13;
	v12 =	vld.idx.msk [tilespmem:v12+s2+$0x0], $0xffff  }
0x3b: {  	v14 =	vadd.s32 s24, v11;
	_ =	sdelay $0x2  }
0x3c: {  	s25 =	simm.s32 $0x2;
	v15 =	vmov s24  }
0x3d: {  	[tilespmem:v13+s18+$0x0] =	vst.idx.msk $0xffff, v12;
	v13 =	vshll.u32 v15, $0x4;
	v15 =	vmov s25  }
0x3e: {  	v12 =	vadd.s32 v4, v10;
	v14 =	vld.idx.msk [tilespmem:v14+s2+$0x0], $0xffff;
	v13 =	vor.u32 v0, v13;
	v16 =	vand.u32 $0x1F8, v15  }
0x3f: {  	v16 =	vor.u32 v16, v12;
	_ =	sdelay $0x3  }
0x40: {  	[tilespmem:v13+s18+$0x0] =	vst.idx.msk $0xffff, v14;
	v13 =	vshll.u32 v15, $0x4  }
0x41: {  	s26 =	simm.s32 $0x3;
	v14 =	vld.idx.msk [tilespmem:v16+s2+$0x0], $0xffff;
	v13 =	vor.u32 v0, v13  }
0x42: {  	v15 =	vadd.s32 s26, v11;
	_ =	sdelay $0x2  }
0x43: {  	s28 =	simm.s32 $0x4;
	v16 =	vmov s26  }
0x44: {  	[tilespmem:v13+s18+$0x0] =	vst.idx.msk $0xffff, v14;
	v14 =	vshll.u32 v16, $0x4;
	v16 =	vmov s28  }
0x45: {  	v13 =	vadd.s32 v5, v10;
	v15 =	vld.idx.msk [tilespmem:v15+s2+$0x0], $0xffff;
	v14 =	vor.u32 v0, v14;
	v17 =	vand.u32 $0x1F8, v16  }
0x46: {  	v17 =	vor.u32 v17, v13;
	_ =	sdelay $0x3  }
0x47: {  	[tilespmem:v14+s18+$0x0] =	vst.idx.msk $0xffff, v15;
	v14 =	vshll.u32 v16, $0x4  }
0x48: {  	s29 =	simm.s32 $0x5;
	v15 =	vld.idx.msk [tilespmem:v17+s2+$0x0], $0xffff;
	v14 =	vor.u32 v0, v14  }
0x49: {  	v16 =	vadd.s32 s29, v11;
	_ =	sdelay $0x2  }
0x4a: {  	s30 =	simm.s32 $0x6;
	v17 =	vmov s29  }
0x4b: {  	[tilespmem:v14+s18+$0x0] =	vst.idx.msk $0xffff, v15;
	v14 =	vshll.u32 v17, $0x4;
	v17 =	vmov s30  }
0x4c: {  	v15 =	vadd.s32 v6, v10;
	v16 =	vld.idx.msk [tilespmem:v16+s2+$0x0], $0xffff;
	v14 =	vor.u32 v0, v14;
	v18 =	vand.u32 $0x1F8, v17  }
0x4d: {  	v18 =	vor.u32 v18, v15;
	_ =	sdelay $0x1  }
0x4e: {  	s31 =	simm.s32 $0x7  }
0x4f: {  	v19 =	vadd.s32 s31, v7  }
0x50: {  	[tilespmem:v14+s18+$0x0] =	vst.idx.msk $0xffff, v16;
	v14 =	vadd.s32 v2, v10;
	v16 =	vshll.u32 v17, $0x4;
	v17 =	vand.u32 $0x3F8, v19  }
0x51: {  	v19 =	vand.u32 $0x7, v19;
	v18 =	vld.idx.msk [tilespmem:v18+s2+$0x0], $0xffff;
	v16 =	vor.u32 v0, v16;
	v17 =	vadd.s32 v14, v17  }
0x52: {  	v17 =	vor.u32 v19, v17;
	_ =	sdelay $0x2  }
0x53: {  	v19 =	vmov s31  }
0x54: {  	[tilespmem:v16+s18+$0x0] =	vst.idx.msk $0xffff, v18;
	v18 =	vshll.u32 v19, $0x4  }
0x55: {  	s23 =	simm.s32 $0x8;
	s22 =	simm.s32 $0x17;
	s21 =	simm.s32 $0xF;
	v16 =	vld.idx.msk [tilespmem:v17+s2+$0x0], $0xffff;
	v17 =	vor.u32 v0, v18  }
.LBB2_3:
0x56: {  	p0 =	sne.s32 s22, $0x1FF;
	v18 =	vor.u32 s23, v11;
	_ =	sdelay $0x3  }
0x57: {  	v19 =	vmov s23;
	[tilespmem:v17+s18+$0x0] =	vst.idx.msk $0xffff, v16  }
0x58: {  	v17 =	vshll.u32 v19, $0x4;
	v16 =	vld.idx.msk [tilespmem:v18+s2+$0x0], $0xffff  }
0x59: {  	s23 =	sadd.s32 $0xFFFFFFFA, s21;
	v17 =	vor.u32 v0, v17  }
0x5a: {  	v18 =	vadd.s32 s23, v11;
	_ =	sdelay $0x3  }
0x5b: {  	[tilespmem:v17+s18+$0x0] =	vst.idx.msk $0xffff, v16;
	v16 =	vmov s23;
	s23 =	sadd.s32 $0xFFFFFFFB, s21  }
0x5c: {  	v17 =	vld.idx.msk [tilespmem:v18+s2+$0x0], $0xffff;
	v16 =	vshll.u32 v16, $0x4;
	v18 =	vmov s23  }
0x5d: {  	v16 =	vor.u32 v0, v16;
	v19 =	vand.u32 $0x1F8, v18  }
0x5e: {  	v19 =	vor.u32 v19, v12;
	_ =	sdelay $0x3  }
0x5f: {  	[tilespmem:v16+s18+$0x0] =	vst.idx.msk $0xffff, v17  }
0x60: {  	v17 =	vshll.u32 v18, $0x4;
	v16 =	vld.idx.msk [tilespmem:v19+s2+$0x0], $0xffff  }
0x61: {  	s23 =	sadd.s32 $0xFFFFFFFC, s21;
	v17 =	vor.u32 v0, v17  }
0x62: {  	v18 =	vadd.s32 s23, v11;
	_ =	sdelay $0x3  }
0x63: {  	[tilespmem:v17+s18+$0x0] =	vst.idx.msk $0xffff, v16;
	v16 =	vmov s23;
	s23 =	sadd.s32 $0xFFFFFFFD, s21  }
0x64: {  	v17 =	vld.idx.msk [tilespmem:v18+s2+$0x0], $0xffff;
	v16 =	vshll.u32 v16, $0x4;
	v18 =	vmov s23  }
0x65: {  	v16 =	vor.u32 v0, v16;
	v19 =	vand.u32 $0x1F8, v18  }
0x66: {  	v19 =	vor.u32 v19, v13;
	_ =	sdelay $0x3  }
0x67: {  	[tilespmem:v16+s18+$0x0] =	vst.idx.msk $0xffff, v17  }
0x68: {  	v17 =	vshll.u32 v18, $0x4;
	v16 =	vld.idx.msk [tilespmem:v19+s2+$0x0], $0xffff  }
0x69: {  	s23 =	sadd.s32 $0xFFFFFFFE, s21;
	v17 =	vor.u32 v0, v17  }
0x6a: {  	v18 =	vadd.s32 s23, v11;
	_ =	sdelay $0x3  }
0x6b: {  	[tilespmem:v17+s18+$0x0] =	vst.idx.msk $0xffff, v16;
	v16 =	vmov s23;
	s23 =	sadd.s32 $0xFFFFFFFF, s21  }
0x6c: {  	v17 =	vld.idx.msk [tilespmem:v18+s2+$0x0], $0xffff;
	v16 =	vshll.u32 v16, $0x4;
	v18 =	vmov s23  }
0x6d: {  	v16 =	vor.u32 v0, v16;
	v19 =	vand.u32 $0x1F8, v18  }
0x6e: {  	v19 =	vor.u32 v19, v15;
	_ =	sdelay $0x3  }
0x6f: {  	[tilespmem:v16+s18+$0x0] =	vst.idx.msk $0xffff, v17;
	v16 =	vadd.s32 s21, v7  }
0x70: {  	v18 =	vshll.u32 v18, $0x4;
	v17 =	vld.idx.msk [tilespmem:v19+s2+$0x0], $0xffff;
	v19 =	vand.u32 $0x3F8, v16  }
0x71: {  	v18 =	vor.u32 v0, v18;
	v16 =	vand.u32 $0x7, v16;
	v19 =	vadd.s32 v14, v19  }
0x72: {  	v16 =	vor.u32 v16, v19;
	_ =	sdelay $0x1  }
.Ltmp0:
0x73: {  	(pc) =	sbr.rel @p0 .LBB2_3-.Ltmp0, $4  }
0x74: {  	_ = 	snop  }
0x75: {  	[tilespmem:v18+s18+$0x0] =	vst.idx.msk $0xffff, v17;
	v17 =	vmov s21;
	s21 =	smov.u32 s22  }
0x76: {  	v16 =	vld.idx.msk [tilespmem:v16+s2+$0x0], $0xffff;
	v17 =	vshll.u32 v17, $0x4  }
0x77: {  	s22 =	sadd.s32 $0x8, s22;
	s23 =	sadd.s32 $0xFFFFFFF9, s21;
	v17 =	vor.u32 v0, v17  }
0x78: {  	v18 =	vor.u32 s23, v11;
	_ =	sdelay $0x2  }
0x79: {  	v19 =	vmov s23  }
0x7a: {  	v42 =	vshll.u32 v19, $0x4;
	[tilespmem:v17+s18+$0x0] =	vst.idx.msk $0xffff, v16  }
0x7b: {  	s22 =	sadd.s32 $0xFFFFFFFA, s21;
	v16 =	vor.u32 v0, v42;
	v17 =	vld.idx.msk [tilespmem:v18+s2+$0x0], $0xffff  }
0x7c: {  	v43 =	vadd.s32 s22, v11;
	_ =	sdelay $0x2  }
0x7d: {  	s25 =	sadd.s32 $0xFFFFFFFB, s21;
	v44 =	vmov s22  }
0x7e: {  	v46 =	vmov s25;
	v45 =	vshll.u32 v44, $0x4;
	[tilespmem:v16+s18+$0x0] =	vst.idx.msk $0xffff, v17  }
0x7f: {  	v47 =	vand.u32 $0x1F8, v46;
	v16 =	vor.u32 v0, v45;
	v18 =	vld.idx.msk [tilespmem:v43+s2+$0x0], $0xffff  }
0x80: {  	v12 =	vor.u32 v47, v12;
	_ =	sdelay $0x3  }
0x81: {  	v48 =	vshll.u32 v46, $0x4;
	[tilespmem:v16+s18+$0x0] =	vst.idx.msk $0xffff, v18  }
0x82: {  	s26 =	sadd.s32 $0xFFFFFFFC, s21;
	v16 =	vor.u32 v0, v48;
	v12 =	vld.idx.msk [tilespmem:v12+s2+$0x0], $0xffff  }
0x83: {  	v49 =	vadd.s32 s26, v11;
	_ =	sdelay $0x2  }
0x84: {  	s28 =	sadd.s32 $0xFFFFFFFD, s21;
	v50 =	vmov s26  }
0x85: {  	v52 =	vmov s28;
	v51 =	vshll.u32 v50, $0x4;
	[tilespmem:v16+s18+$0x0] =	vst.idx.msk $0xffff, v12  }
0x86: {  	v53 =	vand.u32 $0x1F8, v52;
	v12 =	vor.u32 v0, v51;
	v17 =	vld.idx.msk [tilespmem:v49+s2+$0x0], $0xffff  }
0x87: {  	v13 =	vor.u32 v53, v13;
	_ =	sdelay $0x3  }
0x88: {  	v54 =	vshll.u32 v52, $0x4;
	[tilespmem:v12+s18+$0x0] =	vst.idx.msk $0xffff, v17  }
0x89: {  	s29 =	sadd.s32 $0xFFFFFFFE, s21;
	v12 =	vor.u32 v0, v54;
	v13 =	vld.idx.msk [tilespmem:v13+s2+$0x0], $0xffff  }
0x8a: {  	v11 =	vadd.s32 s29, v11;
	_ =	sdelay $0x2  }
0x8b: {  	s30 =	sadd.s32 $0xFFFFFFFF, s21;
	v55 =	vmov s29  }
0x8c: {  	v57 =	vmov s30;
	v56 =	vshll.u32 v55, $0x4;
	[tilespmem:v12+s18+$0x0] =	vst.idx.msk $0xffff, v13  }
0x8d: {  	v58 =	vand.u32 $0x1F8, v57;
	v12 =	vor.u32 v0, v56;
	v11 =	vld.idx.msk [tilespmem:v11+s2+$0x0], $0xffff  }
0x8e: {  	v15 =	vor.u32 v58, v15;
	_ =	sdelay $0x2  }
0x8f: {  	v59 =	vadd.s32 s21, v7  }
0x90: {  	v60 =	vand.u32 $0x3F8, v59;
	[tilespmem:v12+s18+$0x0] =	vst.idx.msk $0xffff, v11;
	v11 =	vshll.u32 v57, $0x4  }
0x91: {  	v62 =	vand.u32 $0x7, v59;
	v12 =	vadd.s32 v14, v60;
	v61 =	vld.idx.msk [tilespmem:v15+s2+$0x0], $0xffff;
	v11 =	vor.u32 v0, v11  }
0x92: {  	v12 =	vor.u32 v62, v12;
	_ =	sdelay $0x2  }
0x93: {  	v63 =	vmov s21  }
0x94: {  	[tilespmem:v11+s18+$0x0] =	vst.idx.msk $0xffff, v61;
	v11 =	vshll.u32 v63, $0x4  }
0x95: {  	v12 =	vld.idx.msk [tilespmem:v12+s2+$0x0], $0xffff;
	v11 =	vor.u32 v0, v11  }
0x96: {  	v10 =	vadd.s32 v8, v10;
	_ =	sdelay $0x3  }
0x97: {  	[tilespmem:v11+s18+$0x0] =	vst.idx.msk $0xffff, v12  }
0x98: {  	v10 =	vld.idx.msk [tilespmem:v10+s2+$0x0], $0xffff;
	_ =	sdelay $0x2  }
0x99: {  	s31 =	sadd.s32 s4, s20;
	s20 =	sadd.s32 $0x1, s20  }
0x9a: {  	s21 =	sshll.u32 s31, $0xA;
	p0 =	sne.s32 s20, $0x10  }
.Ltmp1:
0x9b: {  	s21 =	sadd.s32 s1, s21;
	[tilespmem:v9+s18+$0x0] =	vst.idx.msk $0xffff, v10;
	(pc) =	sbr.rel @p0 .LBB2_2-.Ltmp1, $4  }
0x9c: {  	[hbm4b:s21+s2] =	stream.linear.scatter [tilespmem:s18], [sflag:$0x1], $0x2000, $0x38;
	[tilespmem:$0x8600] =	vst v63  }
0x9d: {  	_ =	swait.ge [sflag:s12], $0x2000  }
0x9e: {  	[sflag:s12] =	ssyncset.done $0x0  }
0x9f: {  	[sflag:s12] =	ssyncadd.s32 $0xFFFFE000  }
0xa0: {  	s19 =	sadd.s32 $0x1, s19  }
0xa1: {  	p0 =	sne.s32 s19, s11  }
.Ltmp2:
0xa2: {  	_ = 	snop;
	(pc) =	sbr.rel @p0 .LBB2_1-.Ltmp2, $1  }
0xa3: {  	_ =	sdelay $0x3  }
0xa4: {  	_ =	sfence.sel $0x180000  }
0xa5: {  	[bflag:$0x0] =	sbarrier.arrive $0xFFFF  }
0xa6: {  	p0 =	sne.s32 s3, $0x0;
	_ =	strace $0x90000047  }
0xa7: {  	s0 =	sadd.s32 @!p0 $0x100000, s0;
	[bflag:$0x2] =	sbarrier.arrive $0xFFFF  }
0xa8: {  	[sflag:s0] =	ssyncadd.tile.s32 @!p0 $0x1;
	_ =	shalt  }
.Lfunc_end2:
_tile_overlayer_lowered:
.L_overlay_start_2:
0xa9: {  	(tag) =	ssettag $0x2  }
0xaa: {  	s0 =	rddreg [dreg:$0x0];
	s2 =	stileid.u32  }
0xab: {  	s1 =	rddreg [dreg:$0x1];
	p0 =	sne.s32 s2, $0x0  }
0xac: {  	s3 =	rddreg [dreg:$0x2];
	[bflag:$0x3] =	sbarrier.arrive $0xFFFF;
	s2 =	simm.s32 @!p0 $0x1C01  }
0xad: {  	[timem:s3], [sflag:s2] =	dma.local @!p0 [hbm:s0], s1  }
0xae: {  	s0 =	simm.s32 @!p0 $0x1  }
0xaf: {  	_ =	swait.ge @!p0 [sflag:s0], s1  }
0xb0: {  	s1 =	ssub.s32 @!p0 $0x0, s1;
	[sflag:s0] =	ssyncset.done @!p0 $0x0  }
0xb1: {  	[sflag:s0] =	ssyncadd.s32 @!p0 s1  }
0xb2: {  	[bflag:$0x3] =	sbarrier.arrive $0xFFFF  }
0xb3: {  	_ =	shalt  }

// kernel: kernel.7.cloned.1.call-start
scs
__scs_entry_jumppad:
0x0: {  	(pc) =	sbr.rel $0x88, $3  }
0x1: {  	(tag) =	ssettag $0x0;
	lr =	simm.s32 $0x1  }
0x2: {  	[smem:$0x3F9F] =	sst lr;
	_ =	strace $0xD0000000  }
0x3: {  	_ = 	snop  }
0x4: {  	_ = 	snop  }
0x5: {  	_ = 	snop  }
0x6: {  	_ = 	snop  }
0x7: {  	_ = 	snop  }
__scs_overlays_trampoline_lowered:
0x8: {  	[smem:$0x3FAE] =	sst s0  }
0x9: {  	[smem:$0x3FAF] =	sst s1  }
0xa: {  	[smem:$0x3FB0] =	sst s2  }
0xb: {  	[smem:$0x3FB1] =	sst s3  }
0xc: {  	[smem:$0x3FB2] =	sst s4  }
0xd: {  	[smem:$0x3FB3] =	sst s5  }
0xe: {  	[smem:$0x3FB4] =	sst s6  }
0xf: {  	[smem:$0x3FB5] =	sst s7  }
0x10: {  	[smem:$0x3FB6] =	sst s8  }
0x11: {  	[smem:$0x3FB7] =	sst s9;
	s0 =	simm.s32 @!p0 $0x0  }
0x12: {  	s1 =	sld [smem:$0x3F9D];
	s0 =	simm.s32 @p0 $0x1  }
0x13: {  	[smem:$0x3FB8] =	sst s0;
	s0 =	simm.s32 @!p1 $0x0  }
0x14: {  	s2 =	sld [smem:$0x3F9C];
	s0 =	simm.s32 @p1 $0x1  }
0x15: {  	[smem:$0x3FB9] =	sst s0;
	s0 =	simm.s32 @!p2 $0x0  }
0x16: {  	s3 =	sld [smem:$0x3FDB];
	s0 =	simm.s32 @p2 $0x1  }
0x17: {  	s4 =	simm.s32 $0x1BF5;
	[smem:$0x3FBB] =	sst s0  }
0x18: {  	s0 =	sld [smem:$0x3F9E];
	_ =	swait.ge [sflag:s4], $0x0  }
0x19: {  	s7 =	sld [smem:$0x3F9F]  }
0x1a: {  	s8 =	sadd.s32 $0xFFFFE003, lr  }
0x1b: {  	s9 =	sadd.s32 $0xFFFFFEF7, lr;
	s5 =	simm.s32 $0xFFFFFFFF;
	p2 =	slt.u32 s8, $0xFFFFF086  }
0x1c: {  	p1 =	slt.u32 s9, $0xF7A;
	s5 =	simm.s32 @!p2 $0x0  }
0x1d: {  	s5 =	simm.s32 @p1 $0x1;
	p0 =	seq.s32 s7, s2  }
0x1e: {  	s7 =	smul.u32 @!p0 $0xF7A, s2;
	p2 =	seq.s32 @!p0 s5, $0x0  }
0x1f: {  	s9 =	smul.u32 $0xF7A, s1;
	s8 =	simm.s32 @!p0 $0x1BF5;
	p2 =	por !p2, p0  }
0x20: {  	[sflag:s8] =	ssyncset.s32 @!p0 $0xFFFFF086;
	s6 =	sadd.s32 @!p0 s3, s7;
	s7 =	simm.s32 @!p0 $0x108  }
0x21: {  	s3 =	sadd.s32 s3, s9;
	s6 =	sadd.s32 @!p0 $0x88, s6;
	s7 =	simm.s32 @p2 $0x1082  }
0x22: {  	[simem:s7], [sflag:s8] =	dma.local @!p0 [hbm:s6], $0xF7A  }
0x23: {  	s9 =	sor.u32 $0xD0000000, s2;
	s6 =	simm.s32 $0x108;
	_ =	swait.ge @!p0 [sflag:s8], $0x0  }
0x24: {  	s3 =	sadd.s32 $0x88, s3;
	s6 =	simm.s32 @!p1 $0x1082;
	[sflag:s4] =	ssyncset.s32 $0xFFFFF086  }
0x25: {  	[simem:s6], [sflag:s4] =	dma.local [hbm:s3], $0xF7A  }
0x26: {  	[smem:$0x3F9F] =	sst s1;
	(tag) =	ssettag s2;
	_ =	strace s9  }
0x27: {  	s1 =	sld [smem:$0x3FAF]  }
0x28: {  	s2 =	sld [smem:$0x3FB0]  }
0x29: {  	s4 =	sld [smem:$0x3FB2]  }
0x2a: {  	p0 =	seq.s32 s5, $0x0;
	s5 =	sld [smem:$0x3FB3]  }
0x2b: {  	s6 =	sld [smem:$0x3FB4]  }
0x2c: {  	s7 =	sld [smem:$0x3FB5]  }
0x2d: {  	s3 =	simm.s32 $0x108;
	s8 =	sld [smem:$0x3FB6]  }
0x2e: {  	s3 =	simm.s32 @!p0 $0x1082;
	s9 =	sld [smem:$0x3FB7]  }
0x2f: {  	lr =	sadd.s32 s0, s3;
	s0 =	sld [smem:$0x3FAE]  }
0x30: {  	s3 =	sld [smem:$0x3FB1]  }
0x31: {  	[smem:$0x3FBA] =	sst s10  }
0x32: {  	s10 =	sld [smem:$0x3FB8];
	_ =	sdelay $0x3  }
0x33: {  	p0 =	seq.s32 s10, $0x1;
	s10 =	sld [smem:$0x3FBA];
	_ =	sdelay $0x3  }
0x34: {  	[smem:$0x3FBA] =	sst s10  }
0x35: {  	s10 =	sld [smem:$0x3FB9];
	_ =	sdelay $0x3  }
0x36: {  	p1 =	seq.s32 s10, $0x1;
	s10 =	sld [smem:$0x3FBA];
	_ =	sdelay $0x3  }
0x37: {  	[smem:$0x3FBA] =	sst s10  }
0x38: {  	s10 =	sld [smem:$0x3FBB]  }
0x39: {  	_ = 	snop;
	(pc) =	sbr.ind lr, $3  }
0x3a: {  	_ = 	snop  }
0x3b: {  	_ = 	snop  }
0x3c: {  	p2 =	seq.s32 s10, $0x1;
	s10 =	sld [smem:$0x3FBA]  }
0x3d: {  	_ =	shalt  }
0x3e: {  	_ =	shalt  }
0x3f: {  	_ =	shalt  }
0x40: {  	_ =	shalt  }
0x41: {  	_ =	shalt  }
0x42: {  	_ =	shalt  }
0x43: {  	_ =	shalt  }
0x44: {  	_ =	shalt  }
0x45: {  	_ =	shalt  }
0x46: {  	_ =	shalt  }
0x47: {  	_ =	shalt  }
0x48: {  	_ =	shalt  }
0x49: {  	_ =	shalt  }
0x4a: {  	_ =	shalt  }
0x4b: {  	_ =	shalt  }
0x4c: {  	_ =	shalt  }
0x4d: {  	_ =	shalt  }
0x4e: {  	_ =	shalt  }
0x4f: {  	_ =	shalt  }
0x50: {  	_ =	shalt  }
0x51: {  	_ =	shalt  }
0x52: {  	_ =	shalt  }
0x53: {  	_ =	shalt  }
0x54: {  	_ =	shalt  }
0x55: {  	_ =	shalt  }
0x56: {  	_ =	shalt  }
0x57: {  	_ =	shalt  }
0x58: {  	_ =	shalt  }
0x59: {  	_ =	shalt  }
0x5a: {  	_ =	shalt  }
0x5b: {  	_ =	shalt  }
0x5c: {  	_ =	shalt  }
0x5d: {  	_ =	shalt  }
0x5e: {  	_ =	shalt  }
0x5f: {  	_ =	shalt  }
0x60: {  	_ =	shalt  }
0x61: {  	_ =	shalt  }
0x62: {  	_ =	shalt  }
0x63: {  	_ =	shalt  }
0x64: {  	_ =	shalt  }
0x65: {  	_ =	shalt  }
0x66: {  	_ =	shalt  }
0x67: {  	_ =	shalt  }
0x68: {  	_ =	shalt  }
0x69: {  	_ =	shalt  }
0x6a: {  	_ =	shalt  }
0x6b: {  	_ =	shalt  }
0x6c: {  	_ =	shalt  }
0x6d: {  	_ =	shalt  }
0x6e: {  	_ =	shalt  }
0x6f: {  	_ =	shalt  }
0x70: {  	_ =	shalt  }
0x71: {  	_ =	shalt  }
0x72: {  	_ =	shalt  }
0x73: {  	_ =	shalt  }
0x74: {  	_ =	shalt  }
0x75: {  	_ =	shalt  }
0x76: {  	_ =	shalt  }
0x77: {  	_ =	shalt  }
0x78: {  	_ =	shalt  }
0x79: {  	_ =	shalt  }
0x7a: {  	_ =	shalt  }
0x7b: {  	_ =	shalt  }
0x7c: {  	_ =	shalt  }
0x7d: {  	_ =	shalt  }
0x7e: {  	_ =	shalt  }
0x7f: {  	_ =	shalt  }
0x80: {  	_ =	shalt  }
0x81: {  	_ =	shalt  }
0x82: {  	_ =	shalt  }
0x83: {  	_ =	shalt  }
0x84: {  	_ =	shalt  }
0x85: {  	_ =	shalt  }
0x86: {  	_ =	shalt  }
0x87: {  	_ =	shalt  }
.Lfunc_end0:
.L_simem_size_0:
called_computation.1_lowered:
.L_overlay_start_0:
0x88: {  	s2 =	sld [smem:$0x3FD9]  }
0x89: {  	s3 =	sld [smem:$0x3FFE];
	_ =	sdelay $0x1  }
0x8a: {  	s1 =	srdreg.scid  }
0x8b: {  	s0 =	sand.u32 $0x1, s1  }
0x8c: {  	s17 =	sshll.u32 s0, $0xA;
	s2 =	sadd.s32 s3, s2  }
0x8d: {  	s2 =	sadd.s32 s2, s17  }
0x8e: {  	[smem:$0x3FC6] =	sst s2  }
0x8f: {  	_ = 	snop  }
0x90: {  	s2 =	sld [smem:$0x3FD0];
	(tm) =	ssettm $0x1  }
0x91: {  	s18 =	sld [smem:$0x3FFB];
	_ =	sdelay $0x3  }
0x92: {  	_ =	strace s18  }
0x93: {  	s3 =	sld [smem:$0x3FFC];
	_ =	sdelay $0x3  }
0x94: {  	_ =	strace s3  }
0x95: {  	s3 =	sld [smem:$0x3FFD];
	_ =	sdelay $0x3  }
0x96: {  	_ =	strace s3  }
0x97: {  	_ =	strace $0x8FFFFFFF  }
0x98: {  	s19 =	sld [smem:$0x3FDB];
	_ =	sdelay $0x1  }
0x99: {  	s4 =	simm.s32 $_scs_section_size  }
0x9a: {  	s5 =	simm.s32 $_size__tile_overlayer_lowered;
	s6 =	simm.s32 $_tile_overlayer_lowered  }
0x9b: {  	s22 =	simm.s32 $0x1BFF;
	s21 =	sshll.u32 s6, $0x1;
	s3 =	sadd.s32 s4, s19  }
0x9c: {  	s7 =	simm.s32 $0x0;
	s20 =	sshll.u32 s5, $0x1;
	s5 =	sadd.s32 s21, s3  }
0x9d: {  	[timem:s7], [sflag:s22] =	dma.local [hbm:s5], s20  }
0x9e: {  	_ =	swait.ge [sflag:s22], s20  }
0x9f: {  	s4 =	ssub.s32 $0x0, s20;
	[sflag:s22] =	ssyncset.done $0x0  }
0xa0: {  	[sflag:s22] =	ssyncadd.s32 s4;
	_ =	sdelay $0x1  }
0xa1: {  	s23 =	simm.s32 $0x1B8B  }
0xa2: {  	_ =	swait.ge [sflag:s23], $0x1  }
0xa3: {  	[sflag:s23] =	ssyncset.done $0x0  }
0xa4: {  	s25 =	simm.s32 $0x1B8E;
	s24 =	sld [smem:$0x3FFE];
	[sflag:s23] =	ssyncadd.s32 $0xFFFFFFFF  }
0xa5: {  	s26 =	simm.s32 $execute0_lowered;
	[smem:$0x3FD2] =	sst s25  }
0xa6: {  	s5 =	sshll.u32 s26, $0x1;
	_ =	strace $0x80000049;
	[dreg:$0x1] =	wrdreg $0xFFFFFFFF  }
0xa7: {  	s28 =	simm.s32 $_size_execute0_lowered;
	s3 =	sadd.s32 s3, s5;
	[dreg:$0x0] =	wrdreg $0x0  }
0xa8: {  	s5 =	sshll.u32 s28, $0x1;
	[dreg:$0x2] =	wrdreg s3  }
0xa9: {  	[dreg:$0x3] =	wrdreg s5  }
0xaa: {  	[dreg:$0x4] =	wrdreg $0xC0  }
0xab: {  	_ =	task [dreg:s7], $0x5FFFF  }
0xac: {  	[dreg:$0x1] =	wrdreg $0xFFFFFFFF  }
0xad: {  	[dreg:$0x0] =	wrdreg $0x60  }
0xae: {  	[dreg:$0x2] =	wrdreg s24  }
0xaf: {  	[dreg:$0x3] =	wrdreg s2  }
0xb0: {  	[dreg:$0x4] =	wrdreg $0x9  }
0xb1: {  	_ =	task.clear_ibuf [dreg:s7], $0x5FFFF;
	_ =	strace $0x90000049  }
0xb2: {  	s29 =	simm.s32 $0x9;
	_ =	strace $0x8000004B  }
0xb3: {  	_ =	swait.ge [sflag:s29], $0x1  }
0xb4: {  	[sflag:s29] =	ssyncadd.s32 $0xFFFFFFFF  }
0xb5: {  	_ =	strace $0x9000004B  }
0xb6: {  	_ =	sfence  }
0xb7: {  	s30 =	sld [smem:$0x0];
	_ =	sdelay $0x2  }
0xb8: {  	s31 =	sshll.u32 s1, $0xD;
	s1 =	sshrl.u32 s1, $0x2  }
0xb9: {  	s3 =	sand.u32 $0x4000, s31;
	s1 =	sadd.s32 s1, s30  }
0xba: {  	s0 =	sor.u32 s3, s0;
	s1 =	sshll.u32 s1, $0x11  }
0xbb: {  	s0 =	sor.u32 s1, s0  }
0xbc: {  	s0 =	sadd.s32 $0x8F2B, s0  }
0xbd: {  	[sflag:s0] =	ssyncadd.remote.s32 $0x1  }
0xbe: {  	_ =	sfence.sel $0xFFFF  }
0xbf: {  	[dreg:$0x0] =	wrdreg $0xFFFFFFFF;
	(pc) =	sbr.abs _section_cstart, $3  }
0xc0: {  	[dreg:$0x1] =	wrdreg $0xFFFFFFFF  }
0xc1: {  	_ =	task.clear_ibuf [dreg:s7], $0x2FFFF;
	_ =	strace $0x9FFFFFFF  }
0xc2: {  	(tm) =	ssettm $0x7FFFFFFF  }
0xc3: {  	_ =	shalt  }
tec
execute0_lowered:
.L_overlay_start_1:
0x0: {  	(tag) =	ssettag $0x1  }
0x1: {  	v0 =	vimm.s32 $0xFEA540;
	vm0 =	vcmask $0x2F00  }
0x2: {  	vm1 =	vcmask $0xB00;
	v1 =	vimm.s32 $0x805;
	vm4 =	vcmask $0x170C  }
0x3: {  	vm3 =	vcmask $0x2318;
	v2 =	vimm.s32 $0x98A98A9A;
	v3 =	vimm.s32 $0xDCEDCEDE  }
0x4: {  	v4 =	vimm.s32 $0x46546540;
	vm2 =	vcmask $0x2F24;
	v5 =	vimm.s32 $0xA98A98A8  }
0x5: {  	v6 =	vimm.s32 $0xEDCEDCEC;
	v10 =	vimm.s32 $0x46546545;
	v11 =	vimm.s32 $0x8A98A989  }
0x6: {  	v12 =	vimm.s32 $0xCEDCEDCD;
	v13 =	vimm.s32 $0x8A98A980;
	v14 =	vimm.s32 $0xCEDCEDC0  }
0x7: {  	v15 =	vimm.s32 $0x77766655;
	v16 =	vimm.s32 $0x1805;
	v18 =	vimm.s32 $0x65465460  }
0x8: {  	v19 =	vimm.s32 $0xA98A98A0;
	v20 =	vimm.s32 $0xEDCEDCE0;
	vm15 =	vcmask $0x3730  }
0x9: {  	v25 =	vimm.s32 $0x10100808;
	v29 =	vimm.s32 $0x200A;
	v30 =	vimm.s32 $0x280A  }
0xa: {  	v31 =	vimm.s32 $0x300A;
	v32 =	vimm.s32 $0x380A;
	v37 =	vimm.s32 $0x92492492  }
0xb: {  	v55 =	vimm.s32 $0x80F;
	v56 =	vimm.s32 $0x100F;
	v57 =	vimm.s32 $0x180F  }
0xc: {  	v58 =	vimm.s32 $0x80F0;
	v61 =	vimm.s32 $0x200F;
	v38 =	vimm.s32 $0x280F  }
0xd: {  	v39 =	vimm.s32 $0x300F;
	v42 =	vimm.s32 $0x380F;
	v62 =	vimm.s32 $0x70706868  }
0xe: {  	v63 =	vimm.s32 $0xFEFEFDFD;
	v0 =	vunpack.c.l.s2.s4 v0;
	v2 =	vunpack.c.l.s4.s8 v2  }
0xf: {  	v3 =	vunpack.c.l.s4.s8 v3;
	v4 =	vunpack.c.l.s4.s8 v4;
	v5 =	vunpack.c.l.s4.s8 v5  }
0x10: {  	v6 =	vunpack.c.l.s4.s8 v6;
	v10 =	vunpack.c.l.s4.s8 v10;
	v11 =	vunpack.c.l.s4.s8 v11  }
0x11: {  	v12 =	vunpack.c.l.s4.s8 v12;
	v13 =	vunpack.c.l.s4.s8 v13;
	v0 =	vunpack.c.l.s4.s8 v0  }
0x12: {  	v14 =	vunpack.c.l.s4.s8 v14;
	v15 =	vunpack.c.l.s4.s8 v15;
	v16 =	vsel vm1, $0x1800, v16  }
0x13: {  	v18 =	vunpack.c.l.s4.s8 v18;
	v19 =	vunpack.c.l.s4.s8 v19;
	v0 =	vunpack.c.0.s8.s32 v0  }
0x14: {  	v20 =	vunpack.c.l.s4.s8 v20;
	v25 =	vunpack.c.0.s8.s32 v25;
	v53 =	vunpack.c.l.s2.s4 v37  }
0x15: {  	v16 =	vsel vm4, $0x1801, v16;
	v2 =	vunpack.c.0.s8.s32 v2;
	v0 =	vand.u32 $0x3, v0  }
0x16: {  	v7 =	vnsel vm0, $0x5, v0;
	v0 =	vsel vm1, $0x800, v1;
	v1 =	vimm.s32 $0x24924924  }
0x17: {  	v3 =	vunpack.c.0.s8.s32 v3;
	v8 =	vunpack.c.l.s2.s4 v1;
	v1 =	vimm.s32 $0x54654656  }
0x18: {  	v5 =	vunpack.c.0.s8.s32 v5;
	v6 =	vunpack.c.0.s8.s32 v6;
	v1 =	vunpack.c.l.s4.s8 v1  }
0x19: {  	v10 =	vunpack.c.0.s8.s32 v10;
	v11 =	vunpack.c.0.s8.s32 v11;
	v0 =	vsel vm4, $0x801, v0  }
0x1a: {  	v12 =	vunpack.c.0.s8.s32 v12;
	v0 =	vsel vm3, $0x802, v0;
	v1 =	vunpack.c.0.s8.s32 v1  }
0x1b: {  	v13 =	vunpack.c.0.s8.s32 v13;
	vm0 =	vcmask $0x2304;
	v9 =	vsel vm2, $0x803, v0  }
0x1c: {  	v0 =	vnsel vm0, $0x4, v1;
	v1 =	vunpack.c.0.s8.s32 v4;
	v4 =	vimm.s32 $0x65465464  }
0x1d: {  	v14 =	vunpack.c.0.s8.s32 v14;
	v15 =	vunpack.c.0.s8.s32 v15;
	v4 =	vunpack.c.l.s4.s8 v4  }
0x1e: {  	v18 =	vunpack.c.0.s8.s32 v18;
	v54 =	vunpack.c.l.s4.s8 v53;
	v2 =	vnsel vm0, $0x8, v2  }
0x1f: {  	v3 =	vnsel vm0, $0xC, v3;
	v5 =	vnsel vm0, $0x9, v5;
	v4 =	vunpack.c.0.s8.s32 v4  }
0x20: {  	v6 =	vnsel vm0, $0xD, v6;
	v10 =	vnsel vm0, $0x6, v10;
	v11 =	vnsel vm0, $0xA, v11  }
0x21: {  	v12 =	vnsel vm0, $0xE, v12;
	v4 =	vnsel vm0, $0x5, v4;
	vm0 =	vcmask $0x3F24  }
0x22: {  	v8 =	vunpack.c.l.s4.s8 v8;
	v0 =	vsel vm0, v1, v0;
	v1 =	vimm.s32 $0x1005  }
0x23: {  	v13 =	vsel vm0, v13, v2;
	v14 =	vsel vm0, v14, v3;
	v2 =	vimm.s32 $0x98A98A90  }
0x24: {  	v3 =	vand.u32 $0xF, v15;
	v15 =	vimm.s32 $0xDCEDCED0;
	v2 =	vunpack.c.l.s4.s8 v2  }
0x25: {  	v47 =	vunpack.c.0.s8.s32 v54;
	v1 =	vsel vm1, $0x1000, v1;
	v15 =	vunpack.c.l.s4.s8 v15  }
0x26: {  	v8 =	vunpack.c.0.s8.s32 v8;
	v1 =	vsel vm4, $0x1001, v1;
	v2 =	vunpack.c.0.s8.s32 v2  }
0x27: {  	v17 =	vsel vm3, $0x1002, v1;
	v1 =	vimm.s32 $0x54654650;
	v15 =	vunpack.c.0.s8.s32 v15  }
0x28: {  	v8 =	vand.u32 $0x3, v8;
	v1 =	vunpack.c.l.s4.s8 v1;
	v24 =	vsel vm0, v2, v5  }
0x29: {  	v26 =	vsel vm0, v15, v6;
	v2 =	vsel vm0, v18, v10;
	v5 =	vimm.s32 $0x9080808  }
0x2a: {  	v6 =	vimm.s32 $0x2005;
	v10 =	vimm.s32 $0x8050;
	v1 =	vunpack.c.0.s8.s32 v1  }
0x2b: {  	v15 =	vimm.s32 $0x3805;
	v18 =	vimm.s32 $0xFFFEEEDD;
	v5 =	vunpack.c.0.s8.s32 v5  }
0x2c: {  	v6 =	vsel vm1, $0x2000, v6;
	v1 =	vsel vm0, v1, v4;
	v4 =	vunpack.c.0.s8.s32 v19  }
0x2d: {  	v10 =	vsel vm1, $0x8000, v10;
	v15 =	vsel vm1, $0x3800, v15;
	v19 =	vunpack.c.0.s8.s32 v20  }
0x2e: {  	v24 =	vand.u32 $0xF, v24;
	v26 =	vand.u32 $0xF, v26;
	v43 =	vsel vm0, v4, v11  }
0x2f: {  	v44 =	vsel vm0, v19, v12;
	vm0 =	vcmask $0x1F00;
	v4 =	vsel vm3, $0x1802, v16  }
0x30: {  	v11 =	vimm.s32 $0x2805;
	v12 =	vimm.s32 $0x3005;
	v16 =	vsel vm2, $0x1003, v17  }
0x31: {  	v3 =	vnsel vm0, $0xA, v3;
	v11 =	vsel vm1, $0x2800, v11;
	v12 =	vsel vm1, $0x3000, v12  }
0x32: {  	vm1 =	vcmask $0x2F20;
	v17 =	vsel vm2, $0x1803, v4;
	v4 =	vimm.s32 $0xEEEEEDED  }
0x33: {  	v43 =	vand.u32 $0xF, v43;
	v44 =	vand.u32 $0xF, v44;
	v3 =	vsel vm1, v5, v3  }
0x34: {  	v5 =	vsel vm4, $0x2001, v6;
	v6 =	vsel vm4, $0x8010, v10;
	v10 =	vsel vm4, $0x2801, v11  }
0x35: {  	v11 =	vsel vm4, $0x3001, v12;
	v12 =	vsel vm4, $0x3801, v15;
	v27 =	vunpack.c.0.s8.s32 v4  }
0x36: {  	v4 =	vsel vm3, $0x2002, v5;
	v5 =	vsel vm3, $0x8020, v6;
	v6 =	vsel vm3, $0x2802, v10  }
0x37: {  	v10 =	vsel vm3, $0x3002, v11;
	v11 =	vsel vm3, $0x3802, v12;
	vm3 =	vcmask $0xF00  }
0x38: {  	v12 =	vimm.s32 $0xEFEFEFEE;
	v3 =	vsel vm15, $0x9, v3;
	v15 =	vnsel vm3, $0xFFFFFFEA, v27  }
0x39: {  	v12 =	vunpack.c.0.s8.s32 v12;
	v19 =	vsel vm2, $0x2003, v4;
	v20 =	vsel vm2, $0x8030, v5  }
0x3a: {  	v21 =	vsel vm2, $0x2803, v6;
	v22 =	vsel vm2, $0x3003, v10;
	v23 =	vsel vm2, $0x3803, v11  }
0x3b: {  	vm2 =	vcmask $0x1F10;
	v4 =	vimm.s32 $0xE9E8E8E8;
	v5 =	vunpack.c.l.s4.s8 v18  }
0x3c: {  	v10 =	vimm.s32 $0x30302828;
	v11 =	vimm.s32 $0x38383830;
	v18 =	vimm.s32 $0x68606060  }
0x3d: {  	v4 =	vunpack.c.0.s8.s32 v4;
	v10 =	vunpack.c.0.s8.s32 v10;
	v11 =	vunpack.c.0.s8.s32 v11  }
0x3e: {  	v18 =	vunpack.c.0.s8.s32 v18;
	v6 =	vsel vm2, v12, v15;
	v12 =	vimm.s32 $0xF9F8F8F8  }
0x3f: {  	v5 =	vunpack.c.0.s8.s32 v5;
	v15 =	vimm.s32 $0x48404040;
	v12 =	vunpack.c.0.s8.s32 v12  }
0x40: {  	v10 =	vnsel vm3, $0x50, v10;
	v15 =	vunpack.c.0.s8.s32 v15;
	v4 =	vsel vm1, v4, v6  }
0x41: {  	v5 =	vnsel vm0, $0xFFFFFFFA, v5;
	v6 =	vsel vm2, v11, v10;
	v59 =	vsel vm15, $0xFFFFFFE9, v4  }
0x42: {  	v10 =	vimm.s32 $0xEBEBEBEA;
	v11 =	vimm.s32 $0x58585850;
	v5 =	vsel vm1, v12, v5  }
0x43: {  	v6 =	vsel vm1, v15, v6;
	v10 =	vunpack.c.0.s8.s32 v10;
	v15 =	vimm.s32 $0x8000000  }
0x44: {  	v12 =	vimm.s32 $0xEDECECEC;
	v11 =	vunpack.c.0.s8.s32 v11;
	v15 =	vunpack.c.0.s8.s32 v15  }
0x45: {  	v60 =	vsel vm15, $0xFFFFFFF9, v5;
	v6 =	vsel vm15, $0x48, v6;
	v12 =	vunpack.c.0.s8.s32 v12  }
0x46: {  	v10 =	vnsel vm3, $0xFFFFFFEF, v10;
	v11 =	vnsel vm3, $0x78, v11;
	v15 =	vnsel vm3, $0x28, v15  }
0x47: {  	vm3 =	vcmask $0x3B30;
	v28 =	vsel vm2, v12, v10;
	v45 =	vsel vm2, v18, v11  }
0x48: {  	v11 =	vimm.s32 $0x49249249;
	v18 =	vsel vm2, v25, v15;
	v7 =	vsel vm3, $0x4, v7  }
0x49: {  	v9 =	vsel vm3, $0x804, v9;
	v10 =	vsel vm3, $0x1004, v16;
	v15 =	vunpack.c.l.s2.s4 v11  }
0x4a: {  	v16 =	vimm.s32 $0x18181810;
	v11 =	vand.u32 $0xF, v13;
	v12 =	vsel vm3, $0x1804, v17  }
0x4b: {  	v13 =	vand.u32 $0xF, v14;
	v14 =	vsel vm3, $0x2004, v19;
	vm2 =	vcmask $0x700  }
0x4c: {  	v41 =	vsel vm1, v27, v28;
	v17 =	vunpack.c.0.s8.s32 v16;
	v16 =	vsel vm3, $0x2804, v21  }
0x4d: {  	v21 =	vimm.s32 $0x100A;
	v29 =	vsel vm2, $0x2005, v29;
	v30 =	vsel vm2, $0x2805, v30  }
0x4e: {  	v31 =	vsel vm2, $0x3005, v31;
	v32 =	vsel vm2, $0x3805, v32;
	v25 =	vunpack.c.l.s4.s8 v15  }
0x4f: {  	v15 =	vsel vm3, $0x8040, v20;
	v20 =	vimm.s32 $0x80A;
	v21 =	vsel vm2, $0x1005, v21  }
0x50: {  	v19 =	vsel vm1, v17, v18;
	v17 =	vsel vm3, $0x3004, v22;
	v18 =	vsel vm3, $0x3804, v23  }
0x51: {  	v20 =	vsel vm2, $0x805, v20;
	v22 =	vimm.s32 $0x180A;
	v23 =	vimm.s32 $0x80A0  }
0x52: {  	v22 =	vsel vm2, $0x1805, v22;
	v23 =	vsel vm2, $0x8050, v23;
	vm2 =	vcmask $0x1308  }
0x53: {  	v20 =	vsel vm2, $0x806, v20;
	v21 =	vsel vm2, $0x1006, v21;
	v22 =	vsel vm2, $0x1806, v22  }
0x54: {  	v23 =	vsel vm2, $0x8060, v23;
	v29 =	vsel vm2, $0x2006, v29;
	v30 =	vsel vm2, $0x2806, v30  }
0x55: {  	v31 =	vsel vm2, $0x3006, v31;
	v32 =	vsel vm2, $0x3806, v32;
	vm2 =	vcmask $0x1F14  }
0x56: {  	v20 =	vsel vm2, $0x807, v20;
	v21 =	vsel vm2, $0x1007, v21;
	v22 =	vsel vm2, $0x1807, v22  }
0x57: {  	v23 =	vsel vm2, $0x8070, v23;
	v29 =	vsel vm2, $0x2007, v29;
	v30 =	vsel vm2, $0x2807, v30  }
0x58: {  	v31 =	vsel vm2, $0x3007, v31;
	v32 =	vsel vm2, $0x3807, v32;
	vm2 =	vcmask $0x2B20  }
0x59: {  	v25 =	vunpack.c.0.s8.s32 v25;
	v33 =	vsel vm2, $0x808, v20;
	v20 =	vimm.s32 $0xDCCCBBBA  }
0x5a: {  	v34 =	vsel vm2, $0x1008, v21;
	v35 =	vsel vm2, $0x1808, v22;
	v36 =	vsel vm2, $0x8080, v23  }
0x5b: {  	v29 =	vsel vm2, $0x2008, v29;
	v30 =	vsel vm2, $0x2808, v30;
	v31 =	vsel vm2, $0x3008, v31  }
0x5c: {  	v32 =	vsel vm2, $0x3808, v32;
	vm2 =	vcmask $0x372C;
	v22 =	vunpack.c.l.s4.s8 v20  }
0x5d: {  	v20 =	vand.u32 $0x3, v25;
	v21 =	vsel vm2, $0x809, v33;
	v23 =	vsel vm2, $0x1009, v34  }
0x5e: {  	v25 =	vimm.s32 $0xE0E0D0D;
	v27 =	vsel vm2, $0x8090, v36;
	v28 =	vsel vm2, $0x2009, v29  }
0x5f: {  	v29 =	vsel vm2, $0x2809, v30;
	v30 =	vsel vm2, $0x3009, v31;
	v31 =	vsel vm2, $0x3809, v32  }
0x60: {  	v52 =	vunpack.c.0.s8.s32 v25;
	v25 =	vsel vm2, $0x1809, v35;
	vm2 =	vcmask $0x300  }
0x61: {  	v34 =	vsel vm2, $0x80A, v55;
	v32 =	vsel vm2, $0x100A, v56;
	v35 =	vsel vm2, $0x180A, v57  }
0x62: {  	v36 =	vsel vm2, $0x80A0, v58;
	v37 =	vsel vm2, $0x200A, v61;
	v38 =	vsel vm2, $0x280A, v38  }
0x63: {  	v39 =	vsel vm2, $0x300A, v39;
	v42 =	vsel vm2, $0x380A, v42;
	vm2 =	vcmask $0xF04  }
0x64: {  	v19 =	vsel vm3, $0x20, v19;
	v4 =	vunpack.c.0.s8.s32 v22;
	v34 =	vsel vm2, $0x80B, v34  }
0x65: {  	s0 =	rddreg [dreg:$0x0];
	v32 =	vsel vm2, $0x100B, v32;
	v35 =	vsel vm2, $0x180B, v35;
	v36 =	vsel vm2, $0x80B0, v36  }
0x66: {  	s1 =	rddreg [dreg:$0x1];
	s2 =	simm.s32 $0x0;
	v37 =	vsel vm2, $0x200B, v37;
	v38 =	vsel vm2, $0x280B, v38;
	v39 =	vsel vm2, $0x300B, v39  }
0x67: {  	s4 =	srdreg.scid;
	s6 =	stileid.u32;
	s17 =	simm.s32 $0x2;
	v42 =	vsel vm2, $0x380B, v42;
	vm2 =	vcmask $0x1B10;
	v51 =	vand.u32 $0xF, v4  }
0x68: {  	s18 =	simm.s32 $0x800;
	s19 =	simm.s32 $0x1000;
	s20 =	simm.s32 $0x6000;
	v34 =	vsel vm2, $0x80C, v34;
	v32 =	vsel vm2, $0x100C, v32;
	v35 =	vsel vm2, $0x180C, v35  }
0x69: {  	s21 =	simm.s32 $0x1800;
	s22 =	simm.s32 $0xE000;
	s23 =	simm.s32 $0x1;
	v36 =	vsel vm2, $0x80C0, v36;
	v37 =	vsel vm2, $0x200C, v37;
	v38 =	vsel vm2, $0x280C, v38  }
0x6a: {  	s24 =	simm.s32 $0x2000;
	s25 =	simm.s32 $0x16000;
	s26 =	simm.s32 $0x0;
	v39 =	vsel vm2, $0x300C, v39;
	v42 =	vsel vm2, $0x380C, v42;
	vm2 =	vcmask $0x271C  }
0x6b: {  	[smem:$0x7FF] =	sst s2;
	s3 =	sadd.s32 $0x39200, s0;
	s4 =	sand.u32 $0x1, s4;
	[tilespmem:$0x1FFC0] =	vst v4;
	v4 =	vunpack.c.0.s8.s32 v63;
	v33 =	vnsel vm0, $0xF, v51;
	v34 =	vsel vm2, $0x80D, v34  }
0x6c: {  	s8 =	sshll.u32 s6, $0x10;
	s7 =	ssub.s32 $0x2, s4;
	s4 =	sshll.u32 s4, $0xF;
	v46 =	vsel vm2, $0x100D, v32;
	v35 =	vsel vm2, $0x180D, v35;
	v36 =	vsel vm2, $0x80D0, v36  }
0x6d: {  	s5 =	sadd.s32 $0x19200, s0;
	s29 =	sshrl.u32 s7, $0x1;
	s4 =	sor.u32 s4, s8;
	v37 =	vsel vm2, $0x200D, v37;
	v38 =	vsel vm2, $0x280D, v38;
	v39 =	vsel vm2, $0x300D, v39  }
0x6e: {  	s6 =	sadd.s32 $0x59200, s0;
	s0 =	ssub.s32 s7, s29;
	s30 =	sshrl.u32 s4, $0x3;
	v42 =	vsel vm2, $0x380D, v42;
	vm2 =	vcmask $0x3328;
	v40 =	vsel vm1, v52, v33  }
0x6f: {  	s8 =	sor.u32 $0x7800, s4;
	s10 =	sor.u32 $0x1000, s4;
	s16 =	sor.u32 $0x800, s4;
	v32 =	vsel vm2, $0x80E, v34;
	v33 =	vsel vm2, $0x100E, v46;
	v34 =	vsel vm2, $0x180E, v35  }
0x70: {  	s9 =	sadd.s32 s3, s30;
	s7 =	sadd.s32 s5, s30;
	s31 =	sshrl.u32 s8, $0x3;
	v35 =	vsel vm2, $0x80E0, v36;
	v36 =	vsel vm2, $0x200E, v37;
	v46 =	vunpack.c.0.s8.s32 v62  }
0x71: {  	s14 =	sadd.s32 s6, s8;
	s15 =	smax.u32 s0, $0x1;
	_ =	strace $0x8000004A;
	[tilespmem:$0x1FFE0] =	vst v59;
	v37 =	vsel vm2, $0x280E, v38;
	v38 =	vsel vm2, $0x300E, v39;
	v39 =	vsel vm2, $0x380E, v42  }
0x72: {  	s11 =	sadd.s32 s3, s31;
	[dreg:$0x3] =	wrdreg s9;
	s9 =	sadd.s32 s6, s4;
	[tilespmem:$0x1FFF0] =	vst v60;
	vm2 =	vcmask $0x3330;
	v42 =	vand.u32 $0x3, v47;
	v46 =	vsel vm1, v46, v45  }
0x73: {  	s12 =	sadd.s32 s5, s31;
	[dreg:$0x4] =	wrdreg s7;
	s13 =	sadd.s32 $0x7000, s9;
	[tilespmem:$0x1FFD0] =	vst v4;
	v40 =	vsel vm2, $0xE, v40;
	v41 =	vsel vm2, $0xFFFFFFEE, v41;
	v46 =	vsel vm2, $0x70, v46  }
.LBB2_1:
0x74: {  	s0 =	rddreg [dreg:$0x3]  }
0x75: {  	[tilespmem:s2], [sflag:$0x2] =	stream.linear.gather [hbm4b:s0+s2], $0x800, $0x38;
	[tilespmem:$0x1A000] =	vst v63  }
0x76: {  	_ =	swait.ge [sflag:s17], $0x800  }
0x77: {  	[sflag:s17] =	ssyncset.done $0x0  }
0x78: {  	s31 =	rddreg [dreg:$0x4];
	[sflag:s17] =	ssyncadd.s32 $0xFFFFF800  }
0x79: {  	[tilespmem:s18], [sflag:$0x2] =	stream.linear.gather [hbm4b:s31+s2], $0x800, $0x38;
	[tilespmem:$0x1A000] =	vst v63  }
0x7a: {  	_ =	swait.ge [sflag:s17], $0x800  }
0x7b: {  	[sflag:s17] =	ssyncset.done $0x0  }
0x7c: {  	s28 =	simm.s32 $0x0;
	[sflag:s17] =	ssyncadd.s32 $0xFFFFF800  }
0x7d: {  	v47 =	vld [tilespmem:s28+$0x10]  }
0x7e: {  	v48 =	vld [tilespmem:s28+$0x0]  }
0x7f: {  	v49 =	vld [tilespmem:s28+$0x810]  }
0x80: {  	v50 =	vld [tilespmem:s28+$0x800];
	_ =	sdelay $0x3  }
0x81: {  	v47 =	vadd.f32 v47, v47;
	v48 =	vadd.f32 v48, v48  }
0x82: {  	v49 =	vadd.f32 v49, v49;
	v50 =	vadd.f32 v50, v50  }
0x83: {  	v47 =	vadd.f32 $-1.000000000e+00, v47;
	v48 =	vadd.f32 $-1.000000000e+00, v48  }
0x84: {  	v49 =	vadd.f32 $-1.000000000e+00, v49;
	v50 =	vadd.f32 $-1.000000000e+00, v50  }
0x85: {  	v47 =	vadd.f32 $1.000000000e+00, v47;
	v48 =	vadd.f32 $1.000000000e+00, v48  }
0x86: {  	v49 =	vadd.f32 $1.000000000e+00, v49;
	v50 =	vadd.f32 $1.000000000e+00, v50  }
0x87: {  	v47 =	vmul.f32 $2.555000000e+02, v47;
	v48 =	vmul.f32 $2.555000000e+02, v48  }
0x88: {  	v49 =	vmul.f32 $2.555000000e+02, v49;
	v50 =	vmul.f32 $2.555000000e+02, v50  }
0x89: {  	v47 =	vmax.f32 v47, $0.0e+00;
	v48 =	vmax.f32 v48, $0.0e+00  }
0x8a: {  	s0 =	simm.s32 $0x20;
	v49 =	vmax.f32 v49, $0.0e+00;
	v58 =	vmax.f32 v50, $0.0e+00;
	v47 =	vmin.f32 v47, $5.110000000e+02  }
0x8b: {  	v56 =	vld [tilespmem:s0+$0x0];
	v52 =	vmin.f32 v48, $5.110000000e+02;
	v49 =	vmin.f32 v49, $5.110000000e+02;
	v51 =	vtrunc.f32 v47  }
0x8c: {  	v53 =	vmin.f32 v58, $5.110000000e+02;
	v58 =	vld [tilespmem:s0+$0x810];
	v59 =	vtrunc.f32 v52;
	v61 =	vtrunc.f32 v49  }
0x8d: {  	v54 =	vld [tilespmem:s0+$0x10];
	v63 =	vtrunc.f32 v53;
	v60 =	vcvt.f32.s32 v51  }
0x8e: {  	v55 =	vcvt.f32.s32 v59;
	v57 =	vcvt.f32.s32 v63  }
0x8f: {  	v51 =	vcvt.f32.s32 v61;
	v59 =	vld [tilespmem:s0+$0x800];
	v62 =	vcvt.s32.f32 v60  }
0x90: {  	v45 =	vadd.f32 v56, v56;
	v50 =	vcvt.s32.f32 v55;
	v61 =	vcvt.s32.f32 v57  }
0x91: {  	v58 =	vadd.f32 v58, v58;
	v48 =	vsub.f32 v47, v62;
	v47 =	vcvt.s32.f32 v51  }
0x92: {  	v62 =	vshll.u32 v51, $0x9;
	v50 =	vsub.f32 v52, v50;
	v51 =	vadd.f32 v54, v54  }
0x93: {  	v52 =	vsub.f32 v53, v61;
	v54 =	vadd.f32 $-1.000000000e+00, v45  }
0x94: {  	v57 =	vshll.u32 v57, $0x9;
	v59 =	vadd.f32 v59, v59;
	v58 =	vadd.f32 $-1.000000000e+00, v58  }
0x95: {  	v57 =	vadd.s32 v55, v57;
	v47 =	vsub.f32 v49, v47;
	v51 =	vadd.f32 $-1.000000000e+00, v51  }
0x96: {  	v60 =	vadd.s32 v60, v62;
	v49 =	vsub.f32 $1.000000000e+00, v48;
	v56 =	vsub.f32 $1.000000000e+00, v50  }
0x97: {  	v63 =	vmul.f32 v52, v50;
	v54 =	vadd.f32 $1.000000000e+00, v54;
	v51 =	vadd.f32 $1.000000000e+00, v51  }
0x98: {  	v59 =	vadd.f32 $-1.000000000e+00, v59;
	v53 =	vmul.f32 v47, v49;
	v61 =	vmul.f32 v47, v48  }
0x99: {  	v58 =	vadd.f32 $1.000000000e+00, v58;
	v55 =	vmul.f32 v52, v56;
	v22 =	vmul.f32 $2.555000000e+02, v51  }
0x9a: {  	v52 =	vsub.f32 $1.000000000e+00, v52;
	v54 =	vmul.f32 $2.555000000e+02, v54;
	v59 =	vadd.f32 $1.000000000e+00, v59  }
0x9b: {  	[tilespmem:s28+$0x1000] =	vst v57;
	v51 =	vsub.f32 $1.000000000e+00, v47;
	v47 =	vmul.f32 $2.555000000e+02, v58;
	v22 =	vmax.f32 v22, $0.0e+00  }
0x9c: {  	[tilespmem:s28+$0x3800] =	vst v63;
	v45 =	vmul.f32 v52, v56;
	v63 =	vmax.f32 v54, $0.0e+00;
	v56 =	vmin.f32 v22, $5.110000000e+02  }
0x9d: {  	[tilespmem:s28+$0x3010] =	vst v53;
	v58 =	vmul.f32 $2.555000000e+02, v59;
	v22 =	vmax.f32 v47, $0.0e+00;
	v59 =	vtrunc.f32 v56  }
0x9e: {  	[tilespmem:s28+$0x3000] =	vst v55;
	v53 =	vmin.f32 v63, $5.110000000e+02;
	v55 =	vmin.f32 v22, $5.110000000e+02;
	v47 =	vcvt.f32.s32 v59  }
0x9f: {  	[tilespmem:s28+$0x3810] =	vst v61;
	v63 =	vmax.f32 v58, $0.0e+00;
	v58 =	vtrunc.f32 v53;
	v22 =	vtrunc.f32 v55  }
0xa0: {  	s4 =	simm.s32 $0x40;
	s7 =	simm.s32 $0x180;
	[tilespmem:s28+$0x2000] =	vst v45;
	v54 =	vmin.f32 v63, $5.110000000e+02;
	v57 =	vcvt.f32.s32 v22;
	v59 =	vcvt.s32.f32 v47  }
.LBB2_2:
0xa1: {  	p0 =	sne.s32 s7, $0x1F80;
	v22 =	vld [tilespmem:s4+$0x10];
	v45 =	vcvt.f32.s32 v58;
	v58 =	vtrunc.f32 v54;
	[tilespmem:s28+$0x1010] =	vst v60  }
0xa2: {  	v60 =	vld [tilespmem:s4+$0x0];
	v58 =	vcvt.f32.s32 v58;
	v56 =	vsub.f32 v56, v59;
	v59 =	vcvt.s32.f32 v57  }
0xa3: {  	v52 =	vmul.f32 v52, v50;
	v63 =	vshll.u32 v57, $0x9;
	v61 =	vld [tilespmem:s4+$0x810];
	v62 =	vcvt.s32.f32 v45  }
0xa4: {  	v57 =	vld [tilespmem:s4+$0x800];
	v4 =	vcvt.s32.f32 v58;
	v55 =	vsub.f32 v55, v59;
	v59 =	vsub.f32 $1.000000000e+00, v56  }
0xa5: {  	v5 =	vmul.f32 v51, v49;
	v51 =	vmul.f32 v51, v48;
	v50 =	vsub.f32 v53, v62;
	[tilespmem:s28+$0x2800] =	vst v52  }
0xa6: {  	v48 =	vmovc v56;
	v22 =	vadd.f32 v22, v22;
	v4 =	vsub.f32 v54, v4;
	v52 =	vmul.f32 v55, v59  }
0xa7: {  	v56 =	vmul.f32 v55, v48;
	v49 =	vmovc v59;
	v53 =	vadd.f32 v60, v60;
	v54 =	vsub.f32 $1.000000000e+00, v50;
	[tilespmem:s28+$0x2010] =	vst v5  }
0xa8: {  	v22 =	vadd.f32 $-1.000000000e+00, v22;
	v59 =	vadd.f32 v61, v61;
	v60 =	vmul.f32 v4, v50;
	[tilespmem:s0+$0x3010] =	vst v52  }
0xa9: {  	v52 =	vadd.f32 $-1.000000000e+00, v53;
	v53 =	vadd.f32 v57, v57;
	v57 =	vmul.f32 v4, v54;
	[tilespmem:s28+$0x2810] =	vst v51;
	s28 =	smov.u32 s0;
	s0 =	smov.u32 s4  }
0xaa: {  	v58 =	vshll.u32 v58, $0x9;
	v22 =	vadd.f32 $1.000000000e+00, v22;
	v51 =	vadd.f32 $-1.000000000e+00, v59;
	[tilespmem:s28+$0x3800] =	vst v60  }
0xab: {  	v45 =	vadd.s32 v45, v58;
	v59 =	vadd.f32 $1.000000000e+00, v52;
	v53 =	vadd.f32 $-1.000000000e+00, v53;
	[tilespmem:s28+$0x3000] =	vst v57  }
0xac: {  	v52 =	vsub.f32 $1.000000000e+00, v4;
	v22 =	vmul.f32 $2.555000000e+02, v22;
	v57 =	vadd.f32 $1.000000000e+00, v51;
	[tilespmem:s28+$0x3810] =	vst v56  }
0xad: {  	v51 =	vsub.f32 $1.000000000e+00, v55;
	v4 =	vmul.f32 $2.555000000e+02, v59;
	v53 =	vadd.f32 $1.000000000e+00, v53;
	[tilespmem:s28+$0x1000] =	vst v45  }
0xae: {  	v54 =	vmul.f32 v52, v54;
	v45 =	vmul.f32 $2.555000000e+02, v57;
	v22 =	vmax.f32 v22, $0.0e+00  }
.Ltmp0:
0xaf: {  	v55 =	vmul.f32 $2.555000000e+02, v53;
	v4 =	vmax.f32 v4, $0.0e+00;
	v56 =	vmin.f32 v22, $5.110000000e+02;
	(pc) =	sbr.rel @p0 .LBB2_2-.Ltmp0, $4  }
0xb0: {  	v53 =	vmin.f32 v4, $5.110000000e+02;
	v4 =	vmax.f32 v45, $0.0e+00;
	v22 =	vtrunc.f32 v56;
	[tilespmem:s28+$0x2000] =	vst v54  }
0xb1: {  	v45 =	vmax.f32 v55, $0.0e+00;
	v55 =	vmin.f32 v4, $5.110000000e+02;
	v4 =	vcvt.f32.s32 v22  }
0xb2: {  	v58 =	vtrunc.f32 v53;
	v54 =	vmin.f32 v45, $5.110000000e+02;
	v22 =	vtrunc.f32 v55  }
0xb3: {  	s4 =	sshra.s32 s7, $0x2;
	s7 =	sadd.s32 $0x80, s7;
	v60 =	vadd.s32 v47, v63;
	v57 =	vcvt.f32.s32 v22;
	v59 =	vcvt.s32.f32 v4;
	v47 =	vmovc v4  }
0xb4: {  	v4 =	vld [tilespmem:s4+$0x10];
	v22 =	vcvt.f32.s32 v58;
	v45 =	vtrunc.f32 v54;
	[tilespmem:s28+$0x1010] =	vst v60  }
0xb5: {  	v50 =	vmul.f32 v52, v50;
	v49 =	vmul.f32 v51, v49;
	v58 =	vld [tilespmem:s4+$0x0]  }
0xb6: {  	v45 =	vcvt.f32.s32 v45;
	v60 =	vcvt.s32.f32 v57;
	v56 =	vsub.f32 v56, v59;
	v59 =	vld [tilespmem:s4+$0x810]  }
0xb7: {  	v48 =	vmul.f32 v51, v48;
	v62 =	vld [tilespmem:s4+$0x800];
	v61 =	vcvt.s32.f32 v22  }
0xb8: {  	v63 =	vcvt.s32.f32 v45;
	v55 =	vsub.f32 v55, v60;
	v52 =	vsub.f32 $1.000000000e+00, v56  }
0xb9: {  	v57 =	vshll.u32 v57, $0x9;
	v53 =	vsub.f32 v53, v61;
	v4 =	vadd.f32 v4, v4  }
0xba: {  	v45 =	vshll.u32 v45, $0x9;
	v54 =	vsub.f32 v54, v63;
	v51 =	vadd.f32 v58, v58  }
0xbb: {  	v22 =	vadd.s32 v22, v45;
	v59 =	vadd.f32 v59, v59;
	v4 =	vadd.f32 $-1.000000000e+00, v4  }
0xbc: {  	v60 =	vmul.f32 v55, v52;
	v62 =	vadd.f32 v62, v62;
	v51 =	vadd.f32 $-1.000000000e+00, v51  }
0xbd: {  	v61 =	vmul.f32 v55, v56;
	v59 =	vadd.f32 $-1.000000000e+00, v59;
	v4 =	vadd.f32 $1.000000000e+00, v4  }
0xbe: {  	v58 =	vsub.f32 $1.000000000e+00, v53;
	v63 =	vmul.f32 v54, v53;
	v62 =	vadd.f32 $-1.000000000e+00, v62  }
0xbf: {  	v51 =	vadd.f32 $1.000000000e+00, v51;
	v45 =	vadd.f32 $1.000000000e+00, v59;
	v4 =	vmul.f32 $2.555000000e+02, v4  }
0xc0: {  	v59 =	vmul.f32 v54, v58;
	v54 =	vsub.f32 $1.000000000e+00, v54;
	v62 =	vadd.f32 $1.000000000e+00, v62  }
0xc1: {  	v51 =	vmul.f32 $2.555000000e+02, v51;
	v45 =	vmul.f32 $2.555000000e+02, v45;
	v4 =	vmax.f32 v4, $0.0e+00  }
0xc2: {  	[tilespmem:s28+$0x2800] =	vst v50;
	v50 =	vmul.f32 v54, v58;
	v58 =	vmul.f32 $2.555000000e+02, v62;
	v4 =	vmin.f32 v4, $5.110000000e+02  }
0xc3: {  	[tilespmem:s28+$0x2010] =	vst v49;
	v49 =	vmax.f32 v51, $0.0e+00;
	v45 =	vmax.f32 v45, $0.0e+00;
	v62 =	vtrunc.f32 v4  }
0xc4: {  	[tilespmem:s0+$0x3010] =	vst v60;
	v49 =	vmin.f32 v49, $5.110000000e+02;
	v45 =	vmin.f32 v45, $5.110000000e+02;
	v51 =	vcvt.f32.s32 v62  }
0xc5: {  	[tilespmem:s28+$0x2810] =	vst v48;
	v48 =	vmax.f32 v58, $0.0e+00;
	v58 =	vtrunc.f32 v49;
	v60 =	vtrunc.f32 v45  }
0xc6: {  	[tilespmem:s0+$0x3800] =	vst v63;
	v48 =	vmin.f32 v48, $5.110000000e+02;
	v60 =	vcvt.f32.s32 v60;
	v62 =	vcvt.s32.f32 v51  }
0xc7: {  	v55 =	vsub.f32 $1.000000000e+00, v55;
	[tilespmem:s0+$0x3810] =	vst v61;
	v63 =	vtrunc.f32 v48;
	v58 =	vcvt.f32.s32 v58  }
0xc8: {  	[tilespmem:s0+$0x3000] =	vst v59;
	v59 =	vcvt.f32.s32 v63;
	v61 =	vcvt.s32.f32 v60;
	v4 =	vsub.f32 v4, v62  }
0xc9: {  	[tilespmem:s0+$0x1000] =	vst v22;
	v22 =	vadd.s32 v47, v57;
	v53 =	vmul.f32 v54, v53;
	v57 =	vcvt.s32.f32 v58  }
0xca: {  	[tilespmem:s0+$0x1010] =	vst v22;
	v62 =	vcvt.s32.f32 v59;
	v45 =	vsub.f32 v45, v61;
	v54 =	vsub.f32 $1.000000000e+00, v4  }
0xcb: {  	[tilespmem:s0+$0x2000] =	vst v50;
	v63 =	vmul.f32 v55, v52;
	v22 =	vsub.f32 v49, v57  }
0xcc: {  	[tilespmem:s0+$0x2800] =	vst v53;
	v48 =	vsub.f32 v48, v62;
	v57 =	vmul.f32 v45, v54  }
0xcd: {  	[tilespmem:s0+$0x2010] =	vst v63;
	v61 =	vmul.f32 v55, v56;
	v62 =	vsub.f32 $1.000000000e+00, v22  }
0xce: {  	v63 =	vmul.f32 v48, v22;
	[tilespmem:s4+$0x3010] =	vst v57  }
0xcf: {  	v53 =	vmul.f32 v48, v62;
	[tilespmem:s0+$0x2810] =	vst v61  }
0xd0: {  	v55 =	vmul.f32 v45, v4;
	v56 =	vsub.f32 $1.000000000e+00, v48;
	[tilespmem:s4+$0x3800] =	vst v63  }
0xd1: {  	v57 =	vshll.u32 v59, $0x9;
	[tilespmem:s4+$0x3000] =	vst v53  }
0xd2: {  	v45 =	vsub.f32 $1.000000000e+00, v45;
	v59 =	vmul.f32 v56, v62;
	v48 =	vadd.s32 v58, v57;
	[tilespmem:s4+$0x3810] =	vst v55  }
0xd3: {  	v22 =	vmul.f32 v56, v22;
	[tilespmem:s4+$0x1000] =	vst v48  }
0xd4: {  	v4 =	vmul.f32 v45, v4;
	[tilespmem:s4+$0x2000] =	vst v59  }
0xd5: {  	v61 =	vshll.u32 v60, $0x9;
	[tilespmem:s4+$0x2800] =	vst v22  }
0xd6: {  	v62 =	vadd.s32 v51, v61;
	v63 =	vmul.f32 v45, v54;
	[tilespmem:s4+$0x2810] =	vst v4  }
0xd7: {  	[tilespmem:s4+$0x1010] =	vst v62  }
0xd8: {  	s29 =	simm.s32 $0x0;
	s28 =	simm.s32 $0x0;
	[tilespmem:s4+$0x2010] =	vst v63  }
0xd9: {  	[tilespmem:s20], [sflag:$0x1] =	stream.indirect.gather [hbm4b:s1+s18], $0x10, s19, s18, $0xb8;
	[tilespmem:$0x1A000] =	vst v63  }
.LBB2_4:
0xda: {  	s31 =	sshll.u32 s29, $0xC  }
0xdb: {  	s30 =	sor.u32 s16, s31  }
0xdc: {  	s0 =	sshrl.u32 s30, $0x3  }
0xdd: {  	s4 =	sadd.s32 s3, s0  }
0xde: {  	[tilespmem:s28], [sflag:$0x2] =	stream.linear.gather [hbm4b:s4+s28], $0x800, $0x38;
	[tilespmem:$0x1A000] =	vst v63  }
0xdf: {  	_ =	swait.ge [sflag:s17], $0x800  }
0xe0: {  	[sflag:s17] =	ssyncset.done $0x0  }
0xe1: {  	s0 =	sadd.s32 s5, s0;
	[sflag:s17] =	ssyncadd.s32 $0xFFFFF800  }
0xe2: {  	[tilespmem:s18], [sflag:$0x2] =	stream.linear.gather [hbm4b:s0+s28], $0x800, $0x38;
	[tilespmem:$0x1A000] =	vst v63  }
0xe3: {  	_ =	swait.ge [sflag:s17], $0x800  }
0xe4: {  	[sflag:s17] =	ssyncset.done $0x0  }
0xe5: {  	s4 =	simm.s32 $0x0;
	[sflag:s17] =	ssyncadd.s32 $0xFFFFF800  }
0xe6: {  	v4 =	vld [tilespmem:s4+$0x10]  }
0xe7: {  	v22 =	vld [tilespmem:s4+$0x0]  }
0xe8: {  	v45 =	vld [tilespmem:s4+$0x810]  }
0xe9: {  	v47 =	vld [tilespmem:s4+$0x800];
	_ =	sdelay $0x1  }
0xea: {  	v4 =	vadd.f32 v4, v4  }
0xeb: {  	v22 =	vadd.f32 v22, v22  }
0xec: {  	v45 =	vadd.f32 v45, v45;
	v4 =	vadd.f32 $-1.000000000e+00, v4  }
0xed: {  	v47 =	vadd.f32 v47, v47;
	v22 =	vadd.f32 $-1.000000000e+00, v22  }
0xee: {  	v45 =	vadd.f32 $-1.000000000e+00, v45;
	v4 =	vadd.f32 $1.000000000e+00, v4  }
0xef: {  	v47 =	vadd.f32 $-1.000000000e+00, v47  }
0xf0: {  	s0 =	simm.s32 $0x20;
	v22 =	vadd.f32 $1.000000000e+00, v22;
	v45 =	vadd.f32 $1.000000000e+00, v45;
	v4 =	vmul.f32 $2.555000000e+02, v4  }
0xf1: {  	v53 =	vld [tilespmem:s0+$0x0];
	v47 =	vadd.f32 $1.000000000e+00, v47  }
0xf2: {  	v55 =	vld [tilespmem:s0+$0x810];
	v22 =	vmul.f32 $2.555000000e+02, v22;
	v45 =	vmul.f32 $2.555000000e+02, v45;
	v4 =	vmax.f32 v4, $0.0e+00  }
0xf3: {  	v57 =	vld [tilespmem:s0+$0x800];
	v47 =	vmul.f32 $2.555000000e+02, v47;
	v4 =	vmin.f32 v4, $5.110000000e+02  }
0xf4: {  	v22 =	vmax.f32 v22, $0.0e+00;
	v45 =	vmax.f32 v45, $0.0e+00;
	v48 =	vtrunc.f32 v4  }
0xf5: {  	v22 =	vmin.f32 v22, $5.110000000e+02;
	v45 =	vmin.f32 v45, $5.110000000e+02;
	v60 =	vcvt.f32.s32 v48  }
0xf6: {  	v62 =	vadd.f32 v53, v53;
	v58 =	vtrunc.f32 v22;
	v49 =	vtrunc.f32 v45  }
0xf7: {  	v51 =	vld [tilespmem:s0+$0x10];
	v55 =	vadd.f32 v55, v55;
	v50 =	vcvt.f32.s32 v49;
	v59 =	vcvt.s32.f32 v60  }
0xf8: {  	v57 =	vadd.f32 v57, v57;
	v47 =	vmax.f32 v47, $0.0e+00;
	v52 =	vcvt.f32.s32 v58  }
0xf9: {  	v47 =	vmin.f32 v47, $5.110000000e+02;
	v48 =	vsub.f32 v4, v59;
	v4 =	vcvt.s32.f32 v50  }
0xfa: {  	v55 =	vadd.f32 $-1.000000000e+00, v55;
	v61 =	vtrunc.f32 v47;
	v56 =	vcvt.s32.f32 v52  }
0xfb: {  	v57 =	vadd.f32 $-1.000000000e+00, v57;
	v54 =	vcvt.f32.s32 v61;
	v4 =	vsub.f32 v45, v4  }
0xfc: {  	v45 =	vshll.u32 v50, $0x9;
	v50 =	vsub.f32 v22, v56;
	v22 =	vadd.f32 v51, v51  }
0xfd: {  	v55 =	vadd.f32 $1.000000000e+00, v55;
	v57 =	vadd.f32 $1.000000000e+00, v57  }
0xfe: {  	v58 =	vcvt.s32.f32 v54;
	v49 =	vsub.f32 $1.000000000e+00, v48;
	v22 =	vadd.f32 $-1.000000000e+00, v22  }
0xff: {  	v63 =	vmul.f32 $2.555000000e+02, v57;
	v54 =	vshll.u32 v54, $0x9;
	v51 =	vadd.f32 $-1.000000000e+00, v62  }
0x100: {  	v47 =	vsub.f32 v47, v58;
	v56 =	vmul.f32 v4, v49;
	v22 =	vadd.f32 $1.000000000e+00, v22  }
0x101: {  	v53 =	vsub.f32 $1.000000000e+00, v50;
	v58 =	vmul.f32 v4, v48;
	v51 =	vadd.f32 $1.000000000e+00, v51  }
0x102: {  	v54 =	vadd.s32 v52, v54;
	v59 =	vmul.f32 v47, v50;
	v22 =	vmul.f32 $2.555000000e+02, v22  }
0x103: {  	v52 =	vsub.f32 $1.000000000e+00, v47;
	v61 =	vmul.f32 v47, v53;
	v47 =	vmul.f32 $2.555000000e+02, v51  }
0x104: {  	[tilespmem:s4+$0x1800] =	vst v54;
	v51 =	vsub.f32 $1.000000000e+00, v4;
	v4 =	vmul.f32 $2.555000000e+02, v55;
	v22 =	vmax.f32 v22, $0.0e+00  }
0x105: {  	v57 =	vmax.f32 v63, $0.0e+00;
	[tilespmem:s4+$0x5010] =	vst v56;
	v62 =	vmul.f32 v52, v53;
	v56 =	vmin.f32 v22, $5.110000000e+02  }
0x106: {  	[tilespmem:s4+$0x5800] =	vst v59;
	v47 =	vmax.f32 v47, $0.0e+00;
	v4 =	vmax.f32 v4, $0.0e+00;
	v22 =	vtrunc.f32 v56  }
0x107: {  	[tilespmem:s4+$0x5810] =	vst v58;
	v53 =	vmin.f32 v47, $5.110000000e+02;
	v55 =	vmin.f32 v4, $5.110000000e+02;
	v47 =	vcvt.f32.s32 v22  }
0x108: {  	v54 =	vmin.f32 v57, $5.110000000e+02;
	[tilespmem:s4+$0x5000] =	vst v61;
	v58 =	vtrunc.f32 v53;
	v4 =	vtrunc.f32 v55  }
0x109: {  	s7 =	simm.s32 $0x40;
	s8 =	simm.s32 $0x180;
	v60 =	vadd.s32 v60, v45;
	[tilespmem:s4+$0x4000] =	vst v62;
	v57 =	vcvt.f32.s32 v4;
	v59 =	vcvt.s32.f32 v47  }
.LBB2_5:
0x10a: {  	p0 =	sne.s32 s8, $0x1F80;
	v4 =	vld [tilespmem:s7+$0x10];
	v22 =	vcvt.f32.s32 v58;
	v45 =	vtrunc.f32 v54;
	[tilespmem:s4+$0x1810] =	vst v60  }
0x10b: {  	v58 =	vld [tilespmem:s7+$0x0];
	v45 =	vcvt.f32.s32 v45;
	v56 =	vsub.f32 v56, v59;
	v59 =	vcvt.s32.f32 v57  }
0x10c: {  	v52 =	vmul.f32 v52, v50;
	v62 =	vshll.u32 v57, $0x9;
	v60 =	vld [tilespmem:s7+$0x810];
	v61 =	vcvt.s32.f32 v22  }
0x10d: {  	v57 =	vld [tilespmem:s7+$0x800];
	v63 =	vcvt.s32.f32 v45;
	v55 =	vsub.f32 v55, v59;
	v59 =	vsub.f32 $1.000000000e+00, v56  }
0x10e: {  	v5 =	vmul.f32 v51, v49;
	v51 =	vmul.f32 v51, v48;
	v50 =	vsub.f32 v53, v61;
	[tilespmem:s4+$0x4800] =	vst v52  }
0x10f: {  	v48 =	vmovc v56;
	v4 =	vadd.f32 v4, v4;
	v52 =	vsub.f32 v54, v63;
	v53 =	vmul.f32 v55, v59  }
0x110: {  	v49 =	vmovc v59;
	v54 =	vadd.f32 v58, v58;
	v56 =	vsub.f32 $1.000000000e+00, v50;
	v58 =	vmul.f32 v55, v48;
	[tilespmem:s4+$0x4010] =	vst v5  }
0x111: {  	v4 =	vadd.f32 $-1.000000000e+00, v4;
	v59 =	vadd.f32 v60, v60;
	v60 =	vmul.f32 v52, v50;
	[tilespmem:s0+$0x5010] =	vst v53  }
0x112: {  	v53 =	vadd.f32 $-1.000000000e+00, v54;
	v54 =	vadd.f32 v57, v57;
	v57 =	vmul.f32 v52, v56;
	[tilespmem:s4+$0x4810] =	vst v51;
	s4 =	smov.u32 s0;
	s0 =	smov.u32 s7  }
0x113: {  	v45 =	vshll.u32 v45, $0x9;
	v4 =	vadd.f32 $1.000000000e+00, v4;
	v51 =	vadd.f32 $-1.000000000e+00, v59;
	[tilespmem:s4+$0x5800] =	vst v60  }
0x114: {  	v22 =	vadd.s32 v22, v45;
	v53 =	vadd.f32 $1.000000000e+00, v53;
	v54 =	vadd.f32 $-1.000000000e+00, v54;
	[tilespmem:s4+$0x5000] =	vst v57  }
0x115: {  	v52 =	vsub.f32 $1.000000000e+00, v52;
	v4 =	vmul.f32 $2.555000000e+02, v4;
	v45 =	vadd.f32 $1.000000000e+00, v51;
	[tilespmem:s4+$0x5810] =	vst v58  }
0x116: {  	v51 =	vsub.f32 $1.000000000e+00, v55;
	v53 =	vmul.f32 $2.555000000e+02, v53;
	v54 =	vadd.f32 $1.000000000e+00, v54;
	[tilespmem:s4+$0x1800] =	vst v22  }
0x117: {  	v22 =	vmul.f32 $2.555000000e+02, v45;
	v4 =	vmax.f32 v4, $0.0e+00;
	v45 =	vmul.f32 v52, v56  }
.Ltmp1:
0x118: {  	v54 =	vmul.f32 $2.555000000e+02, v54;
	v53 =	vmax.f32 v53, $0.0e+00;
	v56 =	vmin.f32 v4, $5.110000000e+02;
	(pc) =	sbr.rel @p0 .LBB2_5-.Ltmp1, $4  }
0x119: {  	v53 =	vmin.f32 v53, $5.110000000e+02;
	v4 =	vmax.f32 v22, $0.0e+00;
	v22 =	vtrunc.f32 v56;
	[tilespmem:s4+$0x4000] =	vst v45  }
0x11a: {  	v45 =	vmax.f32 v54, $0.0e+00;
	v55 =	vmin.f32 v4, $5.110000000e+02;
	v4 =	vcvt.f32.s32 v22  }
0x11b: {  	v58 =	vtrunc.f32 v53;
	v54 =	vmin.f32 v45, $5.110000000e+02;
	v22 =	vtrunc.f32 v55  }
0x11c: {  	s7 =	sshra.s32 s8, $0x2;
	s8 =	sadd.s32 $0x80, s8;
	v60 =	vadd.s32 v47, v62;
	v57 =	vcvt.f32.s32 v22;
	v59 =	vcvt.s32.f32 v4;
	v47 =	vmovc v4  }
0x11d: {  	v4 =	vld [tilespmem:s7+$0x10];
	v22 =	vcvt.f32.s32 v58;
	v45 =	vtrunc.f32 v54;
	[tilespmem:s4+$0x1810] =	vst v60  }
0x11e: {  	v50 =	vmul.f32 v52, v50;
	v49 =	vmul.f32 v51, v49;
	v58 =	vld [tilespmem:s7+$0x0]  }
0x11f: {  	v45 =	vcvt.f32.s32 v45;
	v60 =	vcvt.s32.f32 v57;
	v56 =	vsub.f32 v56, v59;
	v59 =	vld [tilespmem:s7+$0x810]  }
0x120: {  	v48 =	vmul.f32 v51, v48;
	v62 =	vld [tilespmem:s7+$0x800];
	v61 =	vcvt.s32.f32 v22  }
0x121: {  	v63 =	vcvt.s32.f32 v45;
	v55 =	vsub.f32 v55, v60;
	v52 =	vsub.f32 $1.000000000e+00, v56  }
0x122: {  	v57 =	vshll.u32 v57, $0x9;
	v53 =	vsub.f32 v53, v61;
	v4 =	vadd.f32 v4, v4  }
0x123: {  	v45 =	vshll.u32 v45, $0x9;
	v54 =	vsub.f32 v54, v63;
	v51 =	vadd.f32 v58, v58  }
0x124: {  	v22 =	vadd.s32 v22, v45;
	v59 =	vadd.f32 v59, v59;
	v4 =	vadd.f32 $-1.000000000e+00, v4  }
0x125: {  	v60 =	vmul.f32 v55, v52;
	v62 =	vadd.f32 v62, v62;
	v51 =	vadd.f32 $-1.000000000e+00, v51  }
0x126: {  	v61 =	vmul.f32 v55, v56;
	v59 =	vadd.f32 $-1.000000000e+00, v59;
	v4 =	vadd.f32 $1.000000000e+00, v4  }
0x127: {  	v58 =	vsub.f32 $1.000000000e+00, v53;
	v63 =	vmul.f32 v54, v53;
	v62 =	vadd.f32 $-1.000000000e+00, v62  }
0x128: {  	v51 =	vadd.f32 $1.000000000e+00, v51;
	v45 =	vadd.f32 $1.000000000e+00, v59;
	v4 =	vmul.f32 $2.555000000e+02, v4  }
0x129: {  	v59 =	vmul.f32 v54, v58;
	v54 =	vsub.f32 $1.000000000e+00, v54;
	v62 =	vadd.f32 $1.000000000e+00, v62  }
0x12a: {  	v51 =	vmul.f32 $2.555000000e+02, v51;
	v45 =	vmul.f32 $2.555000000e+02, v45;
	v4 =	vmax.f32 v4, $0.0e+00  }
0x12b: {  	[tilespmem:s4+$0x4800] =	vst v50;
	v50 =	vmul.f32 v54, v58;
	v58 =	vmul.f32 $2.555000000e+02, v62;
	v4 =	vmin.f32 v4, $5.110000000e+02  }
0x12c: {  	[tilespmem:s4+$0x4010] =	vst v49;
	v49 =	vmax.f32 v51, $0.0e+00;
	v45 =	vmax.f32 v45, $0.0e+00;
	v62 =	vtrunc.f32 v4  }
0x12d: {  	[tilespmem:s0+$0x5010] =	vst v60;
	v49 =	vmin.f32 v49, $5.110000000e+02;
	v45 =	vmin.f32 v45, $5.110000000e+02;
	v51 =	vcvt.f32.s32 v62  }
0x12e: {  	[tilespmem:s4+$0x4810] =	vst v48;
	v48 =	vmax.f32 v58, $0.0e+00;
	v58 =	vtrunc.f32 v49;
	v60 =	vtrunc.f32 v45  }
0x12f: {  	[tilespmem:s0+$0x5800] =	vst v63;
	v48 =	vmin.f32 v48, $5.110000000e+02;
	v60 =	vcvt.f32.s32 v60;
	v62 =	vcvt.s32.f32 v51  }
0x130: {  	v55 =	vsub.f32 $1.000000000e+00, v55;
	[tilespmem:s0+$0x5810] =	vst v61;
	v63 =	vtrunc.f32 v48;
	v58 =	vcvt.f32.s32 v58  }
0x131: {  	[tilespmem:s0+$0x5000] =	vst v59;
	v59 =	vcvt.f32.s32 v63;
	v61 =	vcvt.s32.f32 v60;
	v4 =	vsub.f32 v4, v62  }
0x132: {  	[tilespmem:s0+$0x1800] =	vst v22;
	v22 =	vadd.s32 v47, v57;
	v53 =	vmul.f32 v54, v53;
	v63 =	vcvt.s32.f32 v58  }
0x133: {  	[tilespmem:s0+$0x1810] =	vst v22;
	v57 =	vcvt.s32.f32 v59;
	v45 =	vsub.f32 v45, v61;
	v54 =	vsub.f32 $1.000000000e+00, v4  }
0x134: {  	[tilespmem:s0+$0x4000] =	vst v50;
	v22 =	vsub.f32 v49, v63;
	v61 =	vmul.f32 v55, v52  }
0x135: {  	[tilespmem:s0+$0x4800] =	vst v53;
	v48 =	vsub.f32 v48, v57;
	v62 =	vmul.f32 v45, v54  }
0x136: {  	v63 =	vmul.f32 v55, v56;
	v56 =	vsub.f32 $1.000000000e+00, v22;
	[tilespmem:s0+$0x4010] =	vst v61  }
0x137: {  	v57 =	vmul.f32 v48, v22;
	[tilespmem:s7+$0x5010] =	vst v62  }
0x138: {  	v61 =	vmul.f32 v48, v56;
	[tilespmem:s0+$0x4810] =	vst v63  }
0x139: {  	v62 =	vmul.f32 v45, v4;
	v45 =	vsub.f32 $1.000000000e+00, v45;
	[tilespmem:s7+$0x5800] =	vst v57  }
0x13a: {  	v53 =	vshll.u32 v59, $0x9;
	[tilespmem:s7+$0x5000] =	vst v61  }
0x13b: {  	v63 =	vsub.f32 $1.000000000e+00, v48;
	v48 =	vadd.s32 v58, v53;
	[tilespmem:s7+$0x5810] =	vst v62;
	v58 =	vmul.f32 v45, v54  }
0x13c: {  	[tilespmem:s7+$0x1800] =	vst v48;
	v4 =	vmul.f32 v45, v4  }
0x13d: {  	v55 =	vmul.f32 v63, v56;
	[tilespmem:s7+$0x4010] =	vst v58  }
0x13e: {  	v56 =	vshll.u32 v60, $0x9;
	[tilespmem:s7+$0x4810] =	vst v4  }
0x13f: {  	v22 =	vmul.f32 v63, v22;
	v57 =	vadd.s32 v51, v56;
	[tilespmem:s7+$0x4000] =	vst v55  }
0x140: {  	s8 =	simm.s32 $0x0;
	[tilespmem:s7+$0x1810] =	vst v57  }
0x141: {  	v4 =	vor.u32 s8, v7;
	[tilespmem:s7+$0x4800] =	vst v22;
	v22 =	vor.u32 s8, v9  }
0x142: {  	v59 =	vshll.u32 v4, $0x4;
	[tilespmem:s22], [sflag:$0x1] =	stream.indirect.gather [hbm4b:s1+s18], $0x10, s21, s18, $0xb8;
	[tilespmem:$0x1A000] =	vst v63  }
0x143: {  	v60 =	vor.u32 v8, v59;
	_ =	swait.ge [sflag:s23], $0x8000  }
0x144: {  	v61 =	vor.u32 v0, v59;
	[sflag:s23] =	ssyncset.done $0x0  }
0x145: {  	v62 =	vor.u32 s8, v10;
	[sflag:s23] =	ssyncadd.s32 $0xFFFF8000  }
0x146: {  	v63 =	vor.u32 v11, v59;
	v22 =	vld.idx.msk [tilespmem:v22+s24+$0x0], $0xffff  }
0x147: {  	v56 =	vor.u32 s8, v12;
	v57 =	vld.idx.msk [tilespmem:v4+s24+$0x0], $0xffff  }
0x148: {  	v45 =	vor.u32 v13, v59;
	v47 =	vld.idx.msk [tilespmem:v60+s20+$0x0], $0xffff  }
0x149: {  	v48 =	vld.idx.msk [tilespmem:v61+s20+$0x0], $0xffff  }
0x14a: {  	v49 =	vld.idx.msk [tilespmem:v62+s24+$0x0], $0xffff  }
0x14b: {  	v50 =	vld.idx.msk [tilespmem:v63+s20+$0x0], $0xffff  }
0x14c: {  	v51 =	vld.idx.msk [tilespmem:v56+s24+$0x0], $0xffff  }
0x14d: {  	v45 =	vld.idx.msk [tilespmem:v45+s20+$0x0], $0xffff  }
0x14e: {  	v5 =	vld [tilespmem:$0x1FFE0];
	v47 =	vmul.f32 v47, v57;
	v22 =	vmul.f32 v48, v22  }
0x14f: {  	v4 =	vshll.u32 v4, $0x3  }
0x150: {  	v58 =	vmul.f32 v50, v49;
	v49 =	vor.u32 s8, v3;
	v22 =	vadd.f32 v22, v47  }
0x151: {  	v4 =	vor.u32 v8, v4;
	v59 =	vshll.u32 v49, $0x4  }
0x152: {  	v45 =	vmul.f32 v45, v51;
	v60 =	vor.u32 v1, v59;
	v22 =	vadd.f32 v58, v22  }
0x153: {  	v61 =	vand.u32 v5, v49  }
0x154: {  	v62 =	vor.u32 s8, v21;
	v22 =	vadd.f32 v45, v22  }
0x155: {  	v63 =	vor.u32 v20, v59  }
0x156: {  	v56 =	vor.u32 s8, v23;
	[tilespmem:v4+s25+$0x0] =	vst.idx.msk $0xffff, v22  }
0x157: {  	v4 =	vor.u32 v24, v59;
	v22 =	vld.idx.msk [tilespmem:v60+s20+$0x0], $0xffff  }
0x158: {  	v47 =	vor.u32 v26, v59;
	v48 =	vld.idx.msk [tilespmem:v61+s24+$0x0], $0xffff  }
0x159: {  	v57 =	vor.u32 s8, v25;
	v45 =	vld.idx.msk [tilespmem:v62+s24+$0x0], $0xffff  }
0x15a: {  	v51 =	vld.idx.msk [tilespmem:v63+s20+$0x0], $0xffff  }
0x15b: {  	v50 =	vld.idx.msk [tilespmem:v56+s24+$0x0], $0xffff  }
0x15c: {  	v4 =	vld.idx.msk [tilespmem:v4+s20+$0x0], $0xffff  }
0x15d: {  	v47 =	vld.idx.msk [tilespmem:v47+s20+$0x0], $0xffff  }
0x15e: {  	v52 =	vld.idx.msk [tilespmem:v57+s24+$0x0], $0xffff  }
0x15f: {  	v22 =	vmul.f32 v22, v45;
	v58 =	vmul.f32 v51, v48;
	_ =	sdelay $0x1  }
0x160: {  	v59 =	vshll.u32 v49, $0x3;
	v22 =	vadd.f32 v22, v58;
	v4 =	vmul.f32 v4, v50  }
0x161: {  	v60 =	vor.u32 v20, v59;
	v48 =	vor.u32 s8, v40  }
0x162: {  	v61 =	vand.u32 v41, v48;
	v4 =	vadd.f32 v4, v22;
	v22 =	vmul.f32 v47, v52  }
0x163: {  	v63 =	vor.u32 s8, v32;
	v62 =	vshll.u32 v48, $0x4  }
0x164: {  	v56 =	vor.u32 v2, v62;
	v4 =	vadd.f32 v22, v4  }
0x165: {  	v22 =	vor.u32 v42, v62  }
0x166: {  	v57 =	vor.u32 v43, v62;
	[tilespmem:v60+s25+$0x0] =	vst.idx.msk $0xffff, v4  }
0x167: {  	v58 =	vor.u32 s8, v33;
	v4 =	vld.idx.msk [tilespmem:v61+s24+$0x0], $0xffff  }
0x168: {  	v59 =	vor.u32 v44, v62;
	v60 =	vld.idx.msk [tilespmem:v63+s24+$0x0], $0xffff  }
0x169: {  	v61 =	vor.u32 s8, v34;
	v51 =	vld.idx.msk [tilespmem:v56+s20+$0x0], $0xffff  }
0x16a: {  	v22 =	vld.idx.msk [tilespmem:v22+s20+$0x0], $0xffff  }
0x16b: {  	v52 =	vld.idx.msk [tilespmem:v57+s20+$0x0], $0xffff  }
0x16c: {  	v45 =	vld.idx.msk [tilespmem:v58+s24+$0x0], $0xffff  }
0x16d: {  	v47 =	vld.idx.msk [tilespmem:v59+s20+$0x0], $0xffff  }
0x16e: {  	v50 =	vld.idx.msk [tilespmem:v61+s24+$0x0], $0xffff  }
0x16f: {  	v4 =	vmul.f32 v22, v4;
	v22 =	vmul.f32 v51, v60;
	_ =	sdelay $0x1  }
0x170: {  	s4 =	simm.s32 $0x10;
	v48 =	vshll.u32 v48, $0x3;
	v4 =	vadd.f32 v22, v4;
	v22 =	vmul.f32 v52, v45  }
0x171: {  	v62 =	vor.u32 v42, v48;
	v63 =	vor.u32 s4, v7  }
0x172: {  	v54 =	vshll.u32 v63, $0x4;
	v4 =	vadd.f32 v22, v4;
	v22 =	vmul.f32 v47, v50  }
0x173: {  	v55 =	vor.u32 v8, v54  }
0x174: {  	v56 =	vor.u32 v0, v54;
	v4 =	vadd.f32 v22, v4  }
0x175: {  	v22 =	vor.u32 s4, v9  }
0x176: {  	v57 =	vor.u32 s4, v10;
	v61 =	vld [tilespmem:$0x1FFF0];
	[tilespmem:v62+s25+$0x0] =	vst.idx.msk $0xffff, v4  }
0x177: {  	v4 =	vor.u32 v11, v54;
	v45 =	vld.idx.msk [tilespmem:v63+s24+$0x0], $0xffff  }
0x178: {  	v47 =	vor.u32 v13, v54;
	v49 =	vld.idx.msk [tilespmem:v55+s20+$0x0], $0xffff  }
0x179: {  	v58 =	vor.u32 s4, v12;
	v50 =	vld.idx.msk [tilespmem:v56+s20+$0x0], $0xffff  }
0x17a: {  	v22 =	vld.idx.msk [tilespmem:v22+s24+$0x0], $0xffff  }
0x17b: {  	v51 =	vld.idx.msk [tilespmem:v57+s24+$0x0], $0xffff  }
0x17c: {  	v4 =	vld.idx.msk [tilespmem:v4+s20+$0x0], $0xffff  }
0x17d: {  	v47 =	vld.idx.msk [tilespmem:v47+s20+$0x0], $0xffff  }
0x17e: {  	v52 =	vld.idx.msk [tilespmem:v58+s24+$0x0], $0xffff  }
0x17f: {  	v45 =	vmul.f32 v49, v45;
	v22 =	vmul.f32 v50, v22  }
0x180: {  	v48 =	vshll.u32 v63, $0x3  }
0x181: {  	v49 =	vor.u32 s4, v3;
	v22 =	vadd.f32 v22, v45;
	v4 =	vmul.f32 v4, v51  }
0x182: {  	v48 =	vor.u32 v8, v48;
	v59 =	vshll.u32 v49, $0x4  }
0x183: {  	v60 =	vand.u32 v61, v49;
	v4 =	vadd.f32 v4, v22;
	v22 =	vmul.f32 v47, v52  }
0x184: {  	v62 =	vor.u32 v20, v59  }
0x185: {  	v63 =	vor.u32 s4, v21;
	v4 =	vadd.f32 v22, v4  }
0x186: {  	v22 =	vor.u32 v1, v59  }
0x187: {  	v56 =	vor.u32 s4, v23;
	[tilespmem:v48+s25+$0x0] =	vst.idx.msk $0xffff, v4  }
0x188: {  	v57 =	vor.u32 v24, v59;
	v4 =	vld.idx.msk [tilespmem:v60+s24+$0x0], $0xffff  }
0x189: {  	v58 =	vor.u32 s4, v25;
	v48 =	vld.idx.msk [tilespmem:v62+s20+$0x0], $0xffff  }
0x18a: {  	v45 =	vor.u32 v26, v59;
	v51 =	vld.idx.msk [tilespmem:v63+s24+$0x0], $0xffff  }
0x18b: {  	v22 =	vld.idx.msk [tilespmem:v22+s20+$0x0], $0xffff  }
0x18c: {  	v52 =	vld.idx.msk [tilespmem:v56+s24+$0x0], $0xffff  }
0x18d: {  	v47 =	vld.idx.msk [tilespmem:v57+s20+$0x0], $0xffff  }
0x18e: {  	v50 =	vld.idx.msk [tilespmem:v58+s24+$0x0], $0xffff  }
0x18f: {  	v45 =	vld.idx.msk [tilespmem:v45+s20+$0x0], $0xffff  }
0x190: {  	v62 =	vld [tilespmem:$0x1FFC0];
	v4 =	vmul.f32 v48, v4;
	v22 =	vmul.f32 v22, v51  }
0x191: {  	v63 =	vld [tilespmem:$0x1FFD0]  }
0x192: {  	v59 =	vshll.u32 v49, $0x3;
	v47 =	vmul.f32 v47, v52;
	v4 =	vadd.f32 v22, v4  }
0x193: {  	v60 =	vor.u32 s4, v40;
	v22 =	vor.u32 v20, v59  }
0x194: {  	v45 =	vmul.f32 v45, v50;
	v50 =	vshll.u32 v60, $0x4;
	v4 =	vadd.f32 v47, v4  }
0x195: {  	v53 =	vor.u32 v2, v50;
	v47 =	vnsel vm0, $0xFFFFFFFF, v62  }
0x196: {  	v54 =	vor.u32 s4, v32;
	v4 =	vadd.f32 v45, v4;
	v45 =	vsel vm1, v63, v47  }
0x197: {  	v51 =	vor.u32 v42, v50;
	v47 =	vsel vm2, $0xFFFFFFFE, v45  }
0x198: {  	s0 =	simm.s32 $0x20;
	v48 =	vshll.u32 v60, $0x3;
	v49 =	vor.u32 v43, v50;
	[tilespmem:v22+s25+$0x0] =	vst.idx.msk $0xffff, v4;
	v52 =	vand.u32 v47, v60  }
.LBB2_7:
0x199: {  	p0 =	sne.s32 s0, $0x7E0;
	s7 =	smov.u32 s0;
	s0 =	sadd.s32 $0x20, s0  }
0x19a: {  	v22 =	vor.u32 s4, v33;
	v4 =	vld.idx.msk [tilespmem:v53+s20+$0x0], $0xffff  }
0x19b: {  	v50 =	vor.u32 v44, v50;
	v45 =	vld.idx.msk [tilespmem:v54+s24+$0x0], $0xffff  }
0x19c: {  	v53 =	vor.u32 s4, v34;
	v51 =	vld.idx.msk [tilespmem:v51+s20+$0x0], $0xffff  }
0x19d: {  	v52 =	vld.idx.msk [tilespmem:v52+s24+$0x0], $0xffff  }
0x19e: {  	v49 =	vld.idx.msk [tilespmem:v49+s20+$0x0], $0xffff  }
0x19f: {  	v22 =	vld.idx.msk [tilespmem:v22+s24+$0x0], $0xffff  }
0x1a0: {  	v50 =	vld.idx.msk [tilespmem:v50+s20+$0x0], $0xffff  }
0x1a1: {  	v4 =	vmul.f32 v4, v45;
	v45 =	vld.idx.msk [tilespmem:v53+s24+$0x0], $0xffff;
	_ =	sdelay $0x1  }
0x1a2: {  	v51 =	vmul.f32 v51, v52;
	_ =	sdelay $0x1  }
0x1a3: {  	v4 =	vadd.f32 v4, v51;
	v22 =	vmul.f32 v49, v22  }
0x1a4: {  	v48 =	vor.u32 v42, v48  }
0x1a5: {  	v49 =	vor.u32 s7, v10;
	v4 =	vadd.f32 v22, v4;
	v22 =	vmul.f32 v50, v45  }
0x1a6: {  	v45 =	vor.u32 s7, v7;
	v50 =	vor.u32 s7, v9  }
0x1a7: {  	v51 =	vshll.u32 v45, $0x4;
	v52 =	vshll.u32 v45, $0x3;
	v4 =	vadd.f32 v22, v4  }
0x1a8: {  	v22 =	vor.u32 v8, v51;
	v53 =	vor.u32 v0, v51  }
0x1a9: {  	v54 =	vor.u32 v13, v51;
	[tilespmem:v48+s25+$0x0] =	vst.idx.msk $0xffff, v4  }
0x1aa: {  	v48 =	vor.u32 v11, v51;
	v4 =	vld.idx.msk [tilespmem:v49+s24+$0x0], $0xffff  }
0x1ab: {  	v49 =	vld.idx.msk [tilespmem:v50+s24+$0x0], $0xffff;
	v50 =	vor.u32 s7, v12  }
0x1ac: {  	v45 =	vld.idx.msk [tilespmem:v45+s24+$0x0], $0xffff  }
0x1ad: {  	v22 =	vld.idx.msk [tilespmem:v22+s20+$0x0], $0xffff  }
0x1ae: {  	v51 =	vld.idx.msk [tilespmem:v53+s20+$0x0], $0xffff  }
0x1af: {  	v48 =	vld.idx.msk [tilespmem:v48+s20+$0x0], $0xffff  }
0x1b0: {  	v50 =	vld.idx.msk [tilespmem:v50+s24+$0x0], $0xffff  }
0x1b1: {  	v53 =	vld.idx.msk [tilespmem:v54+s20+$0x0], $0xffff;
	_ =	sdelay $0x1  }
0x1b2: {  	v22 =	vmul.f32 v22, v45  }
0x1b3: {  	v45 =	vmul.f32 v51, v49  }
0x1b4: {  	v4 =	vmul.f32 v48, v4;
	v48 =	vor.u32 s7, v3  }
0x1b5: {  	v22 =	vadd.f32 v45, v22;
	v45 =	vor.u32 v8, v52;
	v49 =	vshll.u32 v48, $0x4  }
0x1b6: {  	v52 =	vshll.u32 v48, $0x3;
	v50 =	vmul.f32 v53, v50;
	v51 =	vor.u32 v1, v49  }
0x1b7: {  	v4 =	vadd.f32 v4, v22  }
0x1b8: {  	v22 =	vand.u32 v5, v48  }
0x1b9: {  	v48 =	vor.u32 s7, v21;
	v4 =	vadd.f32 v50, v4  }
0x1ba: {  	v50 =	vor.u32 v20, v49  }
0x1bb: {  	[tilespmem:v45+s25+$0x0] =	vst.idx.msk $0xffff, v4;
	v4 =	vor.u32 v24, v49  }
0x1bc: {  	v45 =	vld.idx.msk [tilespmem:v51+s20+$0x0], $0xffff;
	v51 =	vor.u32 s7, v23  }
0x1bd: {  	v49 =	vor.u32 v26, v49;
	v22 =	vld.idx.msk [tilespmem:v22+s24+$0x0], $0xffff  }
0x1be: {  	v53 =	vor.u32 s7, v25;
	v48 =	vld.idx.msk [tilespmem:v48+s24+$0x0], $0xffff  }
0x1bf: {  	v50 =	vld.idx.msk [tilespmem:v50+s20+$0x0], $0xffff  }
0x1c0: {  	v4 =	vld.idx.msk [tilespmem:v4+s20+$0x0], $0xffff  }
0x1c1: {  	v51 =	vld.idx.msk [tilespmem:v51+s24+$0x0], $0xffff  }
0x1c2: {  	v49 =	vld.idx.msk [tilespmem:v49+s20+$0x0], $0xffff  }
0x1c3: {  	v53 =	vld.idx.msk [tilespmem:v53+s24+$0x0], $0xffff  }
0x1c4: {  	v45 =	vmul.f32 v45, v48  }
0x1c5: {  	v22 =	vmul.f32 v50, v22;
	_ =	sdelay $0x1  }
0x1c6: {  	v22 =	vadd.f32 v45, v22;
	v4 =	vmul.f32 v4, v51  }
0x1c7: {  	v48 =	vor.u32 s7, v40;
	v45 =	vor.u32 v20, v52  }
0x1c8: {  	v4 =	vadd.f32 v4, v22;
	v22 =	vmul.f32 v49, v53;
	v49 =	vand.u32 v41, v48  }
0x1c9: {  	v50 =	vshll.u32 v48, $0x4;
	v51 =	vor.u32 s7, v32;
	v48 =	vshll.u32 v48, $0x3  }
0x1ca: {  	v52 =	vor.u32 v2, v50;
	v4 =	vadd.f32 v22, v4;
	v22 =	vor.u32 v42, v50  }
0x1cb: {  	v53 =	vor.u32 v43, v50;
	v50 =	vor.u32 v44, v50  }
0x1cc: {  	[tilespmem:v45+s25+$0x0] =	vst.idx.msk $0xffff, v4  }
0x1cd: {  	v45 =	vor.u32 s7, v33;
	v4 =	vld.idx.msk [tilespmem:v49+s24+$0x0], $0xffff  }
0x1ce: {  	v49 =	vld.idx.msk [tilespmem:v51+s24+$0x0], $0xffff  }
0x1cf: {  	v51 =	vor.u32 s7, v34;
	v22 =	vld.idx.msk [tilespmem:v22+s20+$0x0], $0xffff  }
0x1d0: {  	v52 =	vld.idx.msk [tilespmem:v52+s20+$0x0], $0xffff  }
0x1d1: {  	v53 =	vld.idx.msk [tilespmem:v53+s20+$0x0], $0xffff  }
0x1d2: {  	v45 =	vld.idx.msk [tilespmem:v45+s24+$0x0], $0xffff  }
0x1d3: {  	v50 =	vld.idx.msk [tilespmem:v50+s20+$0x0], $0xffff  }
0x1d4: {  	v51 =	vld.idx.msk [tilespmem:v51+s24+$0x0], $0xffff  }
0x1d5: {  	v4 =	vmul.f32 v22, v4  }
0x1d6: {  	v22 =	vmul.f32 v52, v49;
	_ =	sdelay $0x1  }
0x1d7: {  	s4 =	sadd.s32 $0x10, s7;
	v4 =	vadd.f32 v22, v4;
	v22 =	vmul.f32 v53, v45  }
0x1d8: {  	v49 =	vor.u32 s4, v7;
	v52 =	vor.u32 s4, v3;
	v45 =	vor.u32 v42, v48  }
0x1d9: {  	v4 =	vadd.f32 v22, v4;
	v22 =	vmul.f32 v50, v51;
	v51 =	vshll.u32 v49, $0x4  }
0x1da: {  	v54 =	vshll.u32 v49, $0x3;
	v55 =	vshll.u32 v52, $0x4;
	v53 =	vor.u32 v8, v51  }
0x1db: {  	v56 =	vshll.u32 v52, $0x3;
	v4 =	vadd.f32 v22, v4;
	v22 =	vor.u32 s4, v9  }
0x1dc: {  	v58 =	vor.u32 s4, v40;
	v57 =	vor.u32 v0, v51  }
0x1dd: {  	v48 =	vshll.u32 v58, $0x3;
	v50 =	vshll.u32 v58, $0x4;
	[tilespmem:v45+s25+$0x0] =	vst.idx.msk $0xffff, v4;
	v4 =	vor.u32 v11, v51  }
0x1de: {  	v59 =	vor.u32 s4, v10;
	v45 =	vld.idx.msk [tilespmem:v49+s24+$0x0], $0xffff;
	v49 =	vor.u32 v43, v50  }
0x1df: {  	v51 =	vor.u32 v13, v51;
	v53 =	vld.idx.msk [tilespmem:v53+s20+$0x0], $0xffff  }
0x1e0: {  	v60 =	vor.u32 s4, v12;
	v22 =	vld.idx.msk [tilespmem:v22+s24+$0x0], $0xffff  }
0x1e1: {  	v57 =	vld.idx.msk [tilespmem:v57+s20+$0x0], $0xffff  }
0x1e2: {  	v4 =	vld.idx.msk [tilespmem:v4+s20+$0x0], $0xffff  }
0x1e3: {  	v59 =	vld.idx.msk [tilespmem:v59+s24+$0x0], $0xffff  }
0x1e4: {  	v51 =	vld.idx.msk [tilespmem:v51+s20+$0x0], $0xffff  }
0x1e5: {  	v45 =	vmul.f32 v53, v45;
	v53 =	vld.idx.msk [tilespmem:v60+s24+$0x0], $0xffff;
	_ =	sdelay $0x1  }
0x1e6: {  	v22 =	vmul.f32 v57, v22;
	_ =	sdelay $0x1  }
0x1e7: {  	v22 =	vadd.f32 v22, v45;
	v4 =	vmul.f32 v4, v59  }
0x1e8: {  	v45 =	vor.u32 v8, v54  }
0x1e9: {  	v4 =	vadd.f32 v4, v22;
	v22 =	vmul.f32 v51, v53;
	v51 =	vand.u32 v61, v52  }
0x1ea: {  	v52 =	vor.u32 v20, v55  }
0x1eb: {  	v4 =	vadd.f32 v22, v4;
	v22 =	vor.u32 v1, v55  }
0x1ec: {  	v53 =	vor.u32 s4, v23  }
0x1ed: {  	[tilespmem:v45+s25+$0x0] =	vst.idx.msk $0xffff, v4;
	v4 =	vor.u32 s4, v21  }
0x1ee: {  	v45 =	vld.idx.msk [tilespmem:v51+s24+$0x0], $0xffff;
	v51 =	vor.u32 v24, v55  }
0x1ef: {  	v54 =	vor.u32 s4, v25;
	v52 =	vld.idx.msk [tilespmem:v52+s20+$0x0], $0xffff  }
0x1f0: {  	v55 =	vor.u32 v26, v55;
	v22 =	vld.idx.msk [tilespmem:v22+s20+$0x0], $0xffff  }
0x1f1: {  	v53 =	vld.idx.msk [tilespmem:v53+s24+$0x0], $0xffff  }
0x1f2: {  	v4 =	vld.idx.msk [tilespmem:v4+s24+$0x0], $0xffff  }
0x1f3: {  	v51 =	vld.idx.msk [tilespmem:v51+s20+$0x0], $0xffff  }
0x1f4: {  	v54 =	vld.idx.msk [tilespmem:v54+s24+$0x0], $0xffff  }
0x1f5: {  	v45 =	vmul.f32 v52, v45;
	v52 =	vld.idx.msk [tilespmem:v55+s20+$0x0], $0xffff;
	_ =	sdelay $0x2  }
0x1f6: {  	v4 =	vmul.f32 v22, v4  }
0x1f7: {  	v22 =	vmul.f32 v51, v53  }
0x1f8: {  	v4 =	vadd.f32 v4, v45  }
0x1f9: {  	v45 =	vmul.f32 v52, v54;
	v52 =	vor.u32 v20, v56  }
.Ltmp2:
0x1fa: {  	v4 =	vadd.f32 v22, v4;
	(pc) =	sbr.rel @p0 .LBB2_7-.Ltmp2, $4  }
0x1fb: {  	v53 =	vor.u32 v2, v50  }
0x1fc: {  	v54 =	vor.u32 s4, v32;
	v4 =	vadd.f32 v45, v4  }
0x1fd: {  	v51 =	vor.u32 v42, v50  }
0x1fe: {  	[tilespmem:v52+s25+$0x0] =	vst.idx.msk $0xffff, v4;
	v52 =	vand.u32 v47, v58  }
0x1ff: {  	_ =	sdelay $0x3  }
0x200: {  	v4 =	vld.idx.msk [tilespmem:v53+s20+$0x0], $0xffff;
	v22 =	vor.u32 s4, v33  }
0x201: {  	v45 =	vld.idx.msk [tilespmem:v54+s24+$0x0], $0xffff;
	v50 =	vor.u32 v44, v50  }
0x202: {  	v51 =	vld.idx.msk [tilespmem:v51+s20+$0x0], $0xffff;
	v63 =	vor.u32 s4, v34  }
0x203: {  	v52 =	vld.idx.msk [tilespmem:v52+s24+$0x0], $0xffff  }
0x204: {  	v49 =	vld.idx.msk [tilespmem:v49+s20+$0x0], $0xffff  }
0x205: {  	v22 =	vld.idx.msk [tilespmem:v22+s24+$0x0], $0xffff  }
0x206: {  	v50 =	vld.idx.msk [tilespmem:v50+s20+$0x0], $0xffff  }
0x207: {  	v53 =	vld.idx.msk [tilespmem:v63+s24+$0x0], $0xffff  }
0x208: {  	v4 =	vmul.f32 v4, v45;
	v51 =	vmul.f32 v51, v52;
	_ =	sdelay $0x1  }
0x209: {  	v4 =	vadd.f32 v4, v51;
	v22 =	vmul.f32 v49, v22  }
0x20a: {  	v52 =	vor.u32 v42, v48  }
0x20b: {  	v4 =	vadd.f32 v22, v4;
	v22 =	vmul.f32 v50, v53;
	_ =	sdelay $0x1  }
0x20c: {  	v4 =	vadd.f32 v22, v4;
	_ =	sdelay $0x1  }
0x20d: {  	s0 =	sadd.s32 s31, s9;
	s4 =	simm.s32 $0x0;
	[tilespmem:v52+s25+$0x0] =	vst.idx.msk $0xffff, v4  }
0x20e: {  	[hbm4b:s0+s4] =	stream.linear.scatter [tilespmem:s25], [sflag:$0x2], $0x4000, $0x38;
	[tilespmem:$0x1A000] =	vst v63  }
0x20f: {  	s8 =	sadd.s32 s31, s10;
	_ =	swait.ge [sflag:s17], $0x4000  }
0x210: {  	s0 =	sshrl.u32 s8, $0x3;
	[sflag:s17] =	ssyncset.done $0x0  }
0x211: {  	s7 =	sadd.s32 s3, s0;
	[sflag:s17] =	ssyncadd.s32 $0xFFFFC000  }
0x212: {  	[tilespmem:s4], [sflag:$0x2] =	stream.linear.gather [hbm4b:s7+s4], $0x800, $0x38;
	[tilespmem:$0x1A000] =	vst v63  }
0x213: {  	_ =	swait.ge [sflag:s17], $0x800  }
0x214: {  	[sflag:s17] =	ssyncset.done $0x0  }
0x215: {  	s0 =	sadd.s32 s5, s0;
	[sflag:s17] =	ssyncadd.s32 $0xFFFFF800  }
0x216: {  	[tilespmem:s18], [sflag:$0x2] =	stream.linear.gather [hbm4b:s0+s4], $0x800, $0x38;
	[tilespmem:$0x1A000] =	vst v63  }
0x217: {  	_ =	swait.ge [sflag:s17], $0x800  }
0x218: {  	[sflag:s17] =	ssyncset.done $0x0  }
0x219: {  	s4 =	simm.s32 $0x0;
	[sflag:s17] =	ssyncadd.s32 $0xFFFFF800  }
0x21a: {  	v4 =	vld [tilespmem:s4+$0x10]  }
0x21b: {  	v22 =	vld [tilespmem:s4+$0x0]  }
0x21c: {  	v54 =	vld [tilespmem:s4+$0x810]  }
0x21d: {  	v55 =	vld [tilespmem:s4+$0x800];
	_ =	sdelay $0x1  }
0x21e: {  	v4 =	vadd.f32 v4, v4  }
0x21f: {  	v22 =	vadd.f32 v22, v22  }
0x220: {  	v45 =	vadd.f32 v54, v54;
	v4 =	vadd.f32 $-1.000000000e+00, v4  }
0x221: {  	s0 =	simm.s32 $0x20;
	v48 =	vadd.f32 v55, v55;
	v22 =	vadd.f32 $-1.000000000e+00, v22  }
0x222: {  	v63 =	vld [tilespmem:s0+$0x0];
	v45 =	vadd.f32 $-1.000000000e+00, v45;
	v4 =	vadd.f32 $1.000000000e+00, v4  }
0x223: {  	v48 =	vadd.f32 $-1.000000000e+00, v48  }
0x224: {  	v22 =	vadd.f32 $1.000000000e+00, v22;
	v45 =	vadd.f32 $1.000000000e+00, v45;
	v4 =	vmul.f32 $2.555000000e+02, v4  }
0x225: {  	v48 =	vadd.f32 $1.000000000e+00, v48  }
0x226: {  	v22 =	vmul.f32 $2.555000000e+02, v22;
	v45 =	vmul.f32 $2.555000000e+02, v45;
	v4 =	vmax.f32 v4, $0.0e+00  }
0x227: {  	v52 =	vadd.f32 v63, v63;
	v48 =	vmul.f32 $2.555000000e+02, v48;
	v4 =	vmin.f32 v4, $5.110000000e+02  }
0x228: {  	v22 =	vmax.f32 v22, $0.0e+00;
	v45 =	vmax.f32 v45, $0.0e+00;
	v56 =	vtrunc.f32 v4  }
0x229: {  	v22 =	vmin.f32 v22, $5.110000000e+02;
	v45 =	vmin.f32 v45, $5.110000000e+02;
	v61 =	vcvt.f32.s32 v56  }
0x22a: {  	v48 =	vmax.f32 v48, $0.0e+00;
	v57 =	vtrunc.f32 v22;
	v58 =	vtrunc.f32 v45;
	v56 =	vld [tilespmem:s0+$0x810]  }
0x22b: {  	v60 =	vld [tilespmem:s0+$0x10];
	v48 =	vmin.f32 v48, $5.110000000e+02;
	v51 =	vcvt.f32.s32 v58;
	v59 =	vcvt.s32.f32 v61  }
0x22c: {  	v52 =	vadd.f32 $-1.000000000e+00, v52;
	v62 =	vtrunc.f32 v48;
	v53 =	vcvt.f32.s32 v57;
	v58 =	vld [tilespmem:s0+$0x800]  }
0x22d: {  	v55 =	vcvt.f32.s32 v62;
	v49 =	vsub.f32 v4, v59;
	v4 =	vcvt.s32.f32 v51  }
0x22e: {  	v52 =	vadd.f32 $1.000000000e+00, v52;
	v57 =	vcvt.s32.f32 v53  }
0x22f: {  	v59 =	vcvt.s32.f32 v55;
	v56 =	vadd.f32 v56, v56;
	v4 =	vsub.f32 v45, v4  }
0x230: {  	v45 =	vshll.u32 v51, $0x9;
	v51 =	vsub.f32 v22, v57;
	v22 =	vadd.f32 v60, v60  }
0x231: {  	v58 =	vadd.f32 v58, v58;
	v50 =	vsub.f32 $1.000000000e+00, v49  }
0x232: {  	v55 =	vshll.u32 v55, $0x9;
	v48 =	vsub.f32 v48, v59;
	v22 =	vadd.f32 $-1.000000000e+00, v22  }
0x233: {  	v55 =	vadd.s32 v53, v55;
	v56 =	vadd.f32 $-1.000000000e+00, v56;
	v58 =	vadd.f32 $-1.000000000e+00, v58  }
0x234: {  	v61 =	vadd.s32 v61, v45;
	v57 =	vmul.f32 v4, v50;
	v22 =	vadd.f32 $1.000000000e+00, v22  }
0x235: {  	v54 =	vsub.f32 $1.000000000e+00, v51;
	v59 =	vmul.f32 v4, v49;
	v60 =	vmul.f32 v48, v51  }
0x236: {  	v53 =	vsub.f32 $1.000000000e+00, v48;
	v56 =	vadd.f32 $1.000000000e+00, v56;
	v22 =	vmul.f32 $2.555000000e+02, v22  }
0x237: {  	v58 =	vadd.f32 $1.000000000e+00, v58;
	v62 =	vmul.f32 v48, v54;
	v48 =	vmul.f32 $2.555000000e+02, v52  }
0x238: {  	v52 =	vsub.f32 $1.000000000e+00, v4;
	[tilespmem:s4+$0x3010] =	vst v57;
	v4 =	vmul.f32 $2.555000000e+02, v56;
	v22 =	vmax.f32 v22, $0.0e+00  }
0x239: {  	v63 =	vmul.f32 v53, v54;
	[tilespmem:s4+$0x3800] =	vst v60;
	v60 =	vmul.f32 $2.555000000e+02, v58;
	v57 =	vmin.f32 v22, $5.110000000e+02  }
0x23a: {  	[tilespmem:s4+$0x1000] =	vst v55;
	v48 =	vmax.f32 v48, $0.0e+00;
	v4 =	vmax.f32 v4, $0.0e+00;
	v22 =	vtrunc.f32 v57  }
0x23b: {  	[tilespmem:s4+$0x3810] =	vst v59;
	v54 =	vmin.f32 v48, $5.110000000e+02;
	v56 =	vmin.f32 v4, $5.110000000e+02;
	v48 =	vcvt.f32.s32 v22  }
0x23c: {  	[tilespmem:s4+$0x3000] =	vst v62;
	v58 =	vmax.f32 v60, $0.0e+00;
	v59 =	vtrunc.f32 v54;
	v4 =	vtrunc.f32 v56  }
0x23d: {  	s31 =	simm.s32 $0x40;
	s7 =	simm.s32 $0x180;
	[tilespmem:s4+$0x2000] =	vst v63;
	v55 =	vmin.f32 v58, $5.110000000e+02;
	v58 =	vcvt.f32.s32 v4;
	v60 =	vcvt.s32.f32 v48  }
.LBB2_9:
0x23e: {  	p0 =	sne.s32 s7, $0x1F80;
	v4 =	vld [tilespmem:s31+$0x10];
	v22 =	vcvt.f32.s32 v59;
	v45 =	vtrunc.f32 v55;
	[tilespmem:s4+$0x1010] =	vst v61  }
0x23f: {  	v59 =	vld [tilespmem:s31+$0x0];
	v45 =	vcvt.f32.s32 v45;
	v57 =	vsub.f32 v57, v60;
	v60 =	vcvt.s32.f32 v58  }
0x240: {  	v53 =	vmul.f32 v53, v51;
	v63 =	vshll.u32 v58, $0x9;
	v61 =	vld [tilespmem:s31+$0x810];
	v62 =	vcvt.s32.f32 v22  }
0x241: {  	v58 =	vld [tilespmem:s31+$0x800];
	v5 =	vcvt.s32.f32 v45;
	v56 =	vsub.f32 v56, v60;
	v60 =	vsub.f32 $1.000000000e+00, v57  }
0x242: {  	v51 =	vsub.f32 v54, v62;
	[tilespmem:s4+$0x2800] =	vst v53;
	v62 =	vmul.f32 v52, v50;
	v52 =	vmul.f32 v52, v49  }
0x243: {  	v49 =	vmovc v57;
	v4 =	vadd.f32 v4, v4;
	v5 =	vsub.f32 v55, v5;
	v53 =	vmul.f32 v56, v60  }
0x244: {  	v57 =	vmul.f32 v56, v49;
	v50 =	vmovc v60;
	v54 =	vadd.f32 v59, v59;
	v55 =	vsub.f32 $1.000000000e+00, v51;
	[tilespmem:s4+$0x2010] =	vst v62  }
0x245: {  	v4 =	vadd.f32 $-1.000000000e+00, v4;
	v59 =	vadd.f32 v61, v61;
	v60 =	vmul.f32 v5, v51;
	[tilespmem:s0+$0x3010] =	vst v53  }
0x246: {  	v53 =	vadd.f32 $-1.000000000e+00, v54;
	v54 =	vadd.f32 v58, v58;
	v58 =	vmul.f32 v5, v55;
	[tilespmem:s4+$0x2810] =	vst v52;
	s4 =	smov.u32 s0;
	s0 =	smov.u32 s31  }
0x247: {  	v45 =	vshll.u32 v45, $0x9;
	v4 =	vadd.f32 $1.000000000e+00, v4;
	v52 =	vadd.f32 $-1.000000000e+00, v59;
	[tilespmem:s4+$0x3800] =	vst v60  }
0x248: {  	v22 =	vadd.s32 v22, v45;
	v59 =	vadd.f32 $1.000000000e+00, v53;
	v54 =	vadd.f32 $-1.000000000e+00, v54;
	[tilespmem:s4+$0x3000] =	vst v58  }
0x249: {  	v53 =	vsub.f32 $1.000000000e+00, v5;
	v4 =	vmul.f32 $2.555000000e+02, v4;
	v45 =	vadd.f32 $1.000000000e+00, v52;
	[tilespmem:s4+$0x3810] =	vst v57  }
0x24a: {  	v52 =	vsub.f32 $1.000000000e+00, v56;
	v5 =	vmul.f32 $2.555000000e+02, v59;
	v54 =	vadd.f32 $1.000000000e+00, v54;
	[tilespmem:s4+$0x1000] =	vst v22  }
0x24b: {  	v22 =	vmul.f32 $2.555000000e+02, v45;
	v4 =	vmax.f32 v4, $0.0e+00;
	v45 =	vmul.f32 v53, v55  }
.Ltmp3:
0x24c: {  	v55 =	vmul.f32 $2.555000000e+02, v54;
	v5 =	vmax.f32 v5, $0.0e+00;
	v57 =	vmin.f32 v4, $5.110000000e+02;
	(pc) =	sbr.rel @p0 .LBB2_9-.Ltmp3, $4  }
0x24d: {  	v54 =	vmin.f32 v5, $5.110000000e+02;
	v4 =	vmax.f32 v22, $0.0e+00;
	v5 =	vtrunc.f32 v57;
	[tilespmem:s4+$0x2000] =	vst v45  }
0x24e: {  	v22 =	vmax.f32 v55, $0.0e+00;
	v56 =	vmin.f32 v4, $5.110000000e+02;
	v4 =	vcvt.f32.s32 v5  }
0x24f: {  	v59 =	vtrunc.f32 v54;
	v55 =	vmin.f32 v22, $5.110000000e+02;
	v5 =	vtrunc.f32 v56  }
0x250: {  	v61 =	vadd.s32 v48, v63;
	s31 =	sshra.s32 s7, $0x2;
	s7 =	sadd.s32 $0x80, s7;
	v58 =	vcvt.f32.s32 v5;
	v60 =	vcvt.s32.f32 v4;
	v48 =	vmovc v4  }
0x251: {  	v4 =	vld [tilespmem:s31+$0x10];
	v5 =	vcvt.f32.s32 v59;
	v22 =	vtrunc.f32 v55;
	[tilespmem:s4+$0x1010] =	vst v61  }
0x252: {  	v51 =	vmul.f32 v53, v51;
	v50 =	vmul.f32 v52, v50;
	v45 =	vld [tilespmem:s31+$0x0]  }
0x253: {  	v22 =	vcvt.f32.s32 v22;
	v59 =	vcvt.s32.f32 v58;
	v57 =	vsub.f32 v57, v60;
	v60 =	vld [tilespmem:s31+$0x810]  }
0x254: {  	v49 =	vmul.f32 v52, v49;
	v62 =	vld [tilespmem:s31+$0x800];
	v61 =	vcvt.s32.f32 v5  }
0x255: {  	v63 =	vcvt.s32.f32 v22;
	v56 =	vsub.f32 v56, v59;
	v53 =	vsub.f32 $1.000000000e+00, v57  }
0x256: {  	v58 =	vshll.u32 v58, $0x9;
	v54 =	vsub.f32 v54, v61;
	v4 =	vadd.f32 v4, v4  }
0x257: {  	v22 =	vshll.u32 v22, $0x9;
	v55 =	vsub.f32 v55, v63;
	v45 =	vadd.f32 v45, v45  }
0x258: {  	v5 =	vadd.s32 v5, v22;
	v60 =	vadd.f32 v60, v60;
	v4 =	vadd.f32 $-1.000000000e+00, v4  }
0x259: {  	v59 =	vmul.f32 v56, v53;
	v62 =	vadd.f32 v62, v62;
	v45 =	vadd.f32 $-1.000000000e+00, v45  }
0x25a: {  	v61 =	vmul.f32 v56, v57;
	v60 =	vadd.f32 $-1.000000000e+00, v60;
	v4 =	vadd.f32 $1.000000000e+00, v4  }
0x25b: {  	v52 =	vsub.f32 $1.000000000e+00, v54;
	v63 =	vmul.f32 v55, v54;
	v62 =	vadd.f32 $-1.000000000e+00, v62  }
0x25c: {  	v45 =	vadd.f32 $1.000000000e+00, v45;
	v22 =	vadd.f32 $1.000000000e+00, v60;
	v4 =	vmul.f32 $2.555000000e+02, v4  }
0x25d: {  	v60 =	vmul.f32 v55, v52;
	v55 =	vsub.f32 $1.000000000e+00, v55;
	v62 =	vadd.f32 $1.000000000e+00, v62  }
0x25e: {  	v45 =	vmul.f32 $2.555000000e+02, v45;
	v22 =	vmul.f32 $2.555000000e+02, v22;
	v4 =	vmax.f32 v4, $0.0e+00  }
0x25f: {  	[tilespmem:s4+$0x2800] =	vst v51;
	v51 =	vmul.f32 v55, v52;
	v52 =	vmul.f32 $2.555000000e+02, v62;
	v4 =	vmin.f32 v4, $5.110000000e+02  }
0x260: {  	[tilespmem:s4+$0x2010] =	vst v50;
	v45 =	vmax.f32 v45, $0.0e+00;
	v22 =	vmax.f32 v22, $0.0e+00;
	v62 =	vtrunc.f32 v4  }
0x261: {  	[tilespmem:s0+$0x3010] =	vst v59;
	v45 =	vmin.f32 v45, $5.110000000e+02;
	v22 =	vmin.f32 v22, $5.110000000e+02;
	v50 =	vcvt.f32.s32 v62  }
0x262: {  	[tilespmem:s4+$0x2810] =	vst v49;
	v49 =	vmax.f32 v52, $0.0e+00;
	v52 =	vtrunc.f32 v45;
	v62 =	vtrunc.f32 v22  }
0x263: {  	[tilespmem:s0+$0x3800] =	vst v63;
	v49 =	vmin.f32 v49, $5.110000000e+02;
	v59 =	vcvt.f32.s32 v62;
	v62 =	vcvt.s32.f32 v50  }
0x264: {  	v56 =	vsub.f32 $1.000000000e+00, v56;
	[tilespmem:s0+$0x3000] =	vst v60;
	v60 =	vtrunc.f32 v49;
	v52 =	vcvt.f32.s32 v52  }
0x265: {  	[tilespmem:s0+$0x3810] =	vst v61;
	v60 =	vcvt.f32.s32 v60;
	v61 =	vcvt.s32.f32 v59;
	v4 =	vsub.f32 v4, v62  }
0x266: {  	[tilespmem:s0+$0x1000] =	vst v5;
	v5 =	vadd.s32 v48, v58;
	v54 =	vmul.f32 v55, v54;
	v62 =	vcvt.s32.f32 v52  }
0x267: {  	[tilespmem:s0+$0x1010] =	vst v5;
	v63 =	vcvt.s32.f32 v60;
	v22 =	vsub.f32 v22, v61;
	v55 =	vsub.f32 $1.000000000e+00, v4  }
0x268: {  	[tilespmem:s0+$0x2000] =	vst v51;
	v5 =	vsub.f32 v45, v62;
	v45 =	vmul.f32 v56, v53  }
0x269: {  	[tilespmem:s0+$0x2800] =	vst v54;
	v58 =	vsub.f32 v49, v63;
	v61 =	vmul.f32 v22, v55  }
0x26a: {  	v62 =	vmul.f32 v56, v57;
	v63 =	vsub.f32 $1.000000000e+00, v5;
	[tilespmem:s0+$0x2010] =	vst v45  }
0x26b: {  	v54 =	vmul.f32 v58, v5;
	[tilespmem:s31+$0x3010] =	vst v61  }
0x26c: {  	v56 =	vmul.f32 v58, v63;
	[tilespmem:s0+$0x2810] =	vst v62  }
0x26d: {  	v57 =	vmul.f32 v22, v4;
	v22 =	vsub.f32 $1.000000000e+00, v22;
	[tilespmem:s31+$0x3800] =	vst v54  }
0x26e: {  	v58 =	vsub.f32 $1.000000000e+00, v58;
	v61 =	vshll.u32 v60, $0x9;
	[tilespmem:s31+$0x3000] =	vst v56  }
0x26f: {  	v4 =	vmul.f32 v22, v4;
	v48 =	vadd.s32 v52, v61;
	[tilespmem:s31+$0x3810] =	vst v57  }
0x270: {  	v62 =	vmul.f32 v58, v63;
	[tilespmem:s31+$0x1000] =	vst v48  }
0x271: {  	v63 =	vshll.u32 v59, $0x9;
	[tilespmem:s31+$0x2810] =	vst v4  }
0x272: {  	v5 =	vmul.f32 v58, v5;
	v54 =	vadd.s32 v50, v63;
	[tilespmem:s31+$0x2000] =	vst v62  }
0x273: {  	s7 =	simm.s32 $0x0;
	v56 =	vmul.f32 v22, v55;
	[tilespmem:s31+$0x1010] =	vst v54  }
0x274: {  	[tilespmem:s31+$0x2800] =	vst v5;
	v5 =	vmov s7  }
0x275: {  	v22 =	vor.u32 s7, v16;
	[tilespmem:s31+$0x2010] =	vst v56;
	v4 =	vshll.u32 v5, $0x4  }
0x276: {  	v57 =	vor.u32 s7, v14;
	[tilespmem:s20], [sflag:$0x1] =	stream.indirect.gather [hbm4b:s1+s18], $0x10, s19, s18, $0xb8;
	v58 =	vor.u32 v15, v4;
	[tilespmem:$0x1A000] =	vst v63  }
0x277: {  	_ =	swait.ge [sflag:s23], $0x8000;
	v59 =	vor.u32 v8, v58  }
0x278: {  	[sflag:s23] =	ssyncset.done $0x0;
	v60 =	vor.u32 v0, v58  }
0x279: {  	v61 =	vor.u32 s7, v17;
	[sflag:s23] =	ssyncadd.s32 $0xFFFF8000  }
0x27a: {  	v62 =	vor.u32 v11, v58;
	v22 =	vld.idx.msk [tilespmem:v22+s24+$0x0], $0xffff  }
0x27b: {  	v63 =	vor.u32 s7, v18;
	v45 =	vld.idx.msk [tilespmem:v57+s24+$0x0], $0xffff  }
0x27c: {  	v48 =	vor.u32 v13, v58;
	v49 =	vld.idx.msk [tilespmem:v59+s20+$0x0], $0xffff  }
0x27d: {  	v50 =	vld.idx.msk [tilespmem:v60+s20+$0x0], $0xffff  }
0x27e: {  	v51 =	vld.idx.msk [tilespmem:v61+s24+$0x0], $0xffff  }
0x27f: {  	v52 =	vld.idx.msk [tilespmem:v62+s20+$0x0], $0xffff  }
0x280: {  	v53 =	vld.idx.msk [tilespmem:v63+s24+$0x0], $0xffff  }
0x281: {  	v48 =	vld.idx.msk [tilespmem:v48+s20+$0x0], $0xffff  }
0x282: {  	v45 =	vmul.f32 v49, v45;
	v22 =	vmul.f32 v50, v22  }
0x283: {  	v5 =	vshll.u32 v5, $0x3  }
0x284: {  	v54 =	vor.u32 v19, v5;
	v55 =	vmul.f32 v52, v51;
	v22 =	vadd.f32 v22, v45  }
0x285: {  	v56 =	vor.u32 v8, v54;
	v57 =	vor.u32 v27, v4  }
0x286: {  	v58 =	vor.u32 v1, v57;
	v48 =	vmul.f32 v48, v53;
	v22 =	vadd.f32 v55, v22  }
0x287: {  	v59 =	vor.u32 s7, v28  }
0x288: {  	v60 =	vor.u32 s7, v29;
	v22 =	vadd.f32 v48, v22  }
0x289: {  	v61 =	vor.u32 v20, v57  }
0x28a: {  	v62 =	vor.u32 s7, v30;
	[tilespmem:v56+s25+$0x0] =	vst.idx.msk $0xffff, v22  }
0x28b: {  	v22 =	vor.u32 v24, v57;
	v45 =	vld.idx.msk [tilespmem:v58+s20+$0x0], $0xffff  }
0x28c: {  	v49 =	vor.u32 v26, v57;
	v50 =	vld.idx.msk [tilespmem:v59+s24+$0x0], $0xffff  }
0x28d: {  	v63 =	vor.u32 s7, v31;
	v48 =	vld.idx.msk [tilespmem:v60+s24+$0x0], $0xffff  }
0x28e: {  	v52 =	vld.idx.msk [tilespmem:v61+s20+$0x0], $0xffff  }
0x28f: {  	v51 =	vld.idx.msk [tilespmem:v62+s24+$0x0], $0xffff  }
0x290: {  	v22 =	vld.idx.msk [tilespmem:v22+s20+$0x0], $0xffff  }
0x291: {  	v49 =	vld.idx.msk [tilespmem:v49+s20+$0x0], $0xffff  }
0x292: {  	v53 =	vld.idx.msk [tilespmem:v63+s24+$0x0], $0xffff  }
0x293: {  	v45 =	vmul.f32 v45, v48;
	v55 =	vmul.f32 v52, v50;
	_ =	sdelay $0x1  }
0x294: {  	v56 =	vor.u32 v6, v5;
	v45 =	vadd.f32 v45, v55;
	v22 =	vmul.f32 v22, v51  }
0x295: {  	v4 =	vor.u32 v35, v4;
	v57 =	vor.u32 v20, v56  }
0x296: {  	v59 =	vor.u32 s7, v36;
	v58 =	vmul.f32 v49, v53;
	v22 =	vadd.f32 v22, v45  }
0x297: {  	v60 =	vor.u32 v42, v4  }
0x298: {  	v61 =	vor.u32 v2, v4;
	v22 =	vadd.f32 v58, v22  }
0x299: {  	v62 =	vor.u32 s7, v37  }
0x29a: {  	v63 =	vor.u32 s7, v38;
	[tilespmem:v57+s25+$0x0] =	vst.idx.msk $0xffff, v22  }
0x29b: {  	v22 =	vor.u32 v43, v4;
	v48 =	vld.idx.msk [tilespmem:v59+s24+$0x0], $0xffff  }
0x29c: {  	v56 =	vor.u32 s7, v39;
	v50 =	vld.idx.msk [tilespmem:v60+s20+$0x0], $0xffff  }
0x29d: {  	v4 =	vor.u32 v44, v4;
	v45 =	vld.idx.msk [tilespmem:v61+s20+$0x0], $0xffff  }
0x29e: {  	v51 =	vld.idx.msk [tilespmem:v62+s24+$0x0], $0xffff  }
0x29f: {  	v49 =	vld.idx.msk [tilespmem:v63+s24+$0x0], $0xffff  }
0x2a0: {  	v22 =	vld.idx.msk [tilespmem:v22+s20+$0x0], $0xffff  }
0x2a1: {  	v52 =	vld.idx.msk [tilespmem:v56+s24+$0x0], $0xffff  }
0x2a2: {  	v4 =	vld.idx.msk [tilespmem:v4+s20+$0x0], $0xffff  }
0x2a3: {  	s8 =	simm.s32 $0x10;
	v48 =	vmul.f32 v50, v48;
	v45 =	vmul.f32 v45, v51  }
0x2a4: {  	v5 =	vor.u32 v46, v5;
	v57 =	vmov s8  }
0x2a5: {  	v45 =	vadd.f32 v45, v48;
	v22 =	vmul.f32 v22, v49;
	v49 =	vshll.u32 v57, $0x4  }
0x2a6: {  	v5 =	vor.u32 v42, v5;
	v58 =	vor.u32 v15, v49  }
0x2a7: {  	v4 =	vmul.f32 v4, v52;
	v22 =	vadd.f32 v22, v45;
	v59 =	vor.u32 v0, v58  }
0x2a8: {  	v60 =	vor.u32 s8, v14  }
0x2a9: {  	v61 =	vor.u32 v8, v58;
	v4 =	vadd.f32 v4, v22  }
0x2aa: {  	v22 =	vor.u32 s8, v16  }
0x2ab: {  	v62 =	vor.u32 s8, v17;
	[tilespmem:v5+s25+$0x0] =	vst.idx.msk $0xffff, v4  }
0x2ac: {  	v4 =	vor.u32 v11, v58;
	v5 =	vld.idx.msk [tilespmem:v59+s20+$0x0], $0xffff  }
0x2ad: {  	v48 =	vor.u32 v13, v58;
	v51 =	vld.idx.msk [tilespmem:v60+s24+$0x0], $0xffff  }
0x2ae: {  	v63 =	vor.u32 s8, v18;
	v52 =	vld.idx.msk [tilespmem:v61+s20+$0x0], $0xffff  }
0x2af: {  	v22 =	vld.idx.msk [tilespmem:v22+s24+$0x0], $0xffff  }
0x2b0: {  	v45 =	vld.idx.msk [tilespmem:v62+s24+$0x0], $0xffff  }
0x2b1: {  	v4 =	vld.idx.msk [tilespmem:v4+s20+$0x0], $0xffff  }
0x2b2: {  	v48 =	vld.idx.msk [tilespmem:v48+s20+$0x0], $0xffff  }
0x2b3: {  	v53 =	vld.idx.msk [tilespmem:v63+s24+$0x0], $0xffff  }
0x2b4: {  	v5 =	vmul.f32 v5, v22;
	v22 =	vmul.f32 v52, v51  }
0x2b5: {  	v51 =	vshll.u32 v57, $0x3  }
0x2b6: {  	v50 =	vor.u32 v19, v51;
	v5 =	vadd.f32 v5, v22;
	v4 =	vmul.f32 v4, v45  }
0x2b7: {  	v57 =	vor.u32 s8, v28;
	v56 =	vor.u32 v8, v50  }
0x2b8: {  	v22 =	vor.u32 v27, v49;
	v4 =	vadd.f32 v4, v5;
	v5 =	vmul.f32 v48, v53  }
0x2b9: {  	v58 =	vor.u32 v20, v22  }
0x2ba: {  	v59 =	vor.u32 s8, v29;
	v4 =	vadd.f32 v5, v4  }
0x2bb: {  	v5 =	vor.u32 v1, v22  }
0x2bc: {  	v60 =	vor.u32 v24, v22;
	[tilespmem:v56+s25+$0x0] =	vst.idx.msk $0xffff, v4  }
0x2bd: {  	v4 =	vor.u32 s8, v30;
	v45 =	vld.idx.msk [tilespmem:v57+s24+$0x0], $0xffff  }
0x2be: {  	v61 =	vor.u32 s8, v31;
	v50 =	vld.idx.msk [tilespmem:v58+s20+$0x0], $0xffff  }
0x2bf: {  	v22 =	vor.u32 v26, v22;
	v52 =	vld.idx.msk [tilespmem:v59+s24+$0x0], $0xffff  }
0x2c0: {  	v5 =	vld.idx.msk [tilespmem:v5+s20+$0x0], $0xffff  }
0x2c1: {  	v48 =	vld.idx.msk [tilespmem:v60+s20+$0x0], $0xffff  }
0x2c2: {  	v4 =	vld.idx.msk [tilespmem:v4+s24+$0x0], $0xffff  }
0x2c3: {  	v53 =	vld.idx.msk [tilespmem:v61+s24+$0x0], $0xffff  }
0x2c4: {  	v22 =	vld.idx.msk [tilespmem:v22+s20+$0x0], $0xffff  }
0x2c5: {  	v45 =	vmul.f32 v50, v45;
	v5 =	vmul.f32 v5, v52;
	_ =	sdelay $0x1  }
0x2c6: {  	v62 =	vor.u32 v6, v51;
	v5 =	vadd.f32 v5, v45;
	v4 =	vmul.f32 v48, v4  }
0x2c7: {  	v63 =	vor.u32 v20, v62  }
0x2c8: {  	v4 =	vadd.f32 v4, v5;
	v5 =	vmul.f32 v22, v53;
	v22 =	vor.u32 s8, v38  }
0x2c9: {  	v50 =	vor.u32 v35, v49;
	v53 =	vor.u32 s8, v36  }
0x2ca: {  	v52 =	vor.u32 v43, v50;
	v4 =	vadd.f32 v5, v4  }
0x2cb: {  	v55 =	vor.u32 v2, v50  }
0x2cc: {  	v56 =	vor.u32 v42, v50;
	[tilespmem:v63+s25+$0x0] =	vst.idx.msk $0xffff, v4  }
0x2cd: {  	s31 =	simm.s32 $0x20;
	v54 =	vor.u32 s8, v37;
	v49 =	vor.u32 v46, v51;
	v48 =	vor.u32 s8, v39;
	v51 =	vld.idx.msk [tilespmem:v22+s24+$0x0], $0xffff  }
.LBB2_11:
0x2ce: {  	p0 =	sne.s32 s31, $0x7E0;
	v4 =	vld.idx.msk [tilespmem:v53+s24+$0x0], $0xffff;
	s0 =	smov.u32 s31;
	s31 =	sadd.s32 $0x20, s31  }
0x2cf: {  	v22 =	vor.u32 v44, v50;
	v5 =	vld.idx.msk [tilespmem:v52+s20+$0x0], $0xffff  }
0x2d0: {  	v45 =	vld.idx.msk [tilespmem:v55+s20+$0x0], $0xffff  }
0x2d1: {  	v50 =	vld.idx.msk [tilespmem:v56+s20+$0x0], $0xffff  }
0x2d2: {  	v52 =	vld.idx.msk [tilespmem:v54+s24+$0x0], $0xffff  }
0x2d3: {  	v48 =	vld.idx.msk [tilespmem:v48+s24+$0x0], $0xffff  }
0x2d4: {  	v22 =	vld.idx.msk [tilespmem:v22+s20+$0x0], $0xffff;
	_ =	sdelay $0x2  }
0x2d5: {  	v5 =	vmul.f32 v5, v51;
	v4 =	vmul.f32 v50, v4  }
0x2d6: {  	v45 =	vmul.f32 v45, v52;
	_ =	sdelay $0x1  }
0x2d7: {  	v4 =	vadd.f32 v45, v4;
	v22 =	vmul.f32 v22, v48;
	v45 =	vor.u32 v42, v49  }
0x2d8: {  	v48 =	vor.u32 s0, v14  }
0x2d9: {  	v50 =	vor.u32 s0, v17;
	v49 =	vmov s0;
	v4 =	vadd.f32 v5, v4  }
0x2da: {  	v51 =	vor.u32 s0, v16;
	v5 =	vshll.u32 v49, $0x4;
	v49 =	vshll.u32 v49, $0x3  }
0x2db: {  	v52 =	vor.u32 v15, v5;
	v53 =	vor.u32 v19, v49;
	v4 =	vadd.f32 v22, v4  }
0x2dc: {  	v55 =	vor.u32 v6, v49;
	v22 =	vor.u32 v8, v52;
	v54 =	vor.u32 v0, v52  }
0x2dd: {  	v57 =	vor.u32 v35, v5;
	v56 =	vor.u32 v13, v52;
	[tilespmem:v45+s25+$0x0] =	vst.idx.msk $0xffff, v4  }
0x2de: {  	v49 =	vor.u32 v46, v49;
	v45 =	vor.u32 v11, v52;
	v4 =	vld.idx.msk [tilespmem:v50+s24+$0x0], $0xffff  }
0x2df: {  	v50 =	vld.idx.msk [tilespmem:v51+s24+$0x0], $0xffff;
	v51 =	vor.u32 s0, v18  }
0x2e0: {  	v48 =	vld.idx.msk [tilespmem:v48+s24+$0x0], $0xffff  }
0x2e1: {  	v22 =	vld.idx.msk [tilespmem:v22+s20+$0x0], $0xffff  }
0x2e2: {  	v52 =	vld.idx.msk [tilespmem:v54+s20+$0x0], $0xffff  }
0x2e3: {  	v45 =	vld.idx.msk [tilespmem:v45+s20+$0x0], $0xffff  }
0x2e4: {  	v51 =	vld.idx.msk [tilespmem:v51+s24+$0x0], $0xffff  }
0x2e5: {  	v54 =	vld.idx.msk [tilespmem:v56+s20+$0x0], $0xffff;
	_ =	sdelay $0x1  }
0x2e6: {  	v22 =	vmul.f32 v22, v48  }
0x2e7: {  	v48 =	vmul.f32 v52, v50  }
0x2e8: {  	v4 =	vmul.f32 v45, v4  }
0x2e9: {  	v5 =	vor.u32 v27, v5;
	v45 =	vor.u32 v8, v53;
	v22 =	vadd.f32 v48, v22  }
0x2ea: {  	v50 =	vor.u32 v1, v5;
	v48 =	vmul.f32 v54, v51  }
0x2eb: {  	v4 =	vadd.f32 v4, v22  }
0x2ec: {  	v22 =	vor.u32 s0, v28  }
0x2ed: {  	v4 =	vadd.f32 v48, v4;
	v48 =	vor.u32 s0, v29  }
0x2ee: {  	v51 =	vor.u32 v20, v5  }
0x2ef: {  	[tilespmem:v45+s25+$0x0] =	vst.idx.msk $0xffff, v4;
	v4 =	vor.u32 v24, v5  }
0x2f0: {  	v45 =	vld.idx.msk [tilespmem:v50+s20+$0x0], $0xffff;
	v50 =	vor.u32 s0, v30  }
0x2f1: {  	v5 =	vor.u32 v26, v5;
	v22 =	vld.idx.msk [tilespmem:v22+s24+$0x0], $0xffff  }
0x2f2: {  	v52 =	vor.u32 s0, v31;
	v48 =	vld.idx.msk [tilespmem:v48+s24+$0x0], $0xffff  }
0x2f3: {  	v51 =	vld.idx.msk [tilespmem:v51+s20+$0x0], $0xffff  }
0x2f4: {  	v4 =	vld.idx.msk [tilespmem:v4+s20+$0x0], $0xffff  }
0x2f5: {  	v50 =	vld.idx.msk [tilespmem:v50+s24+$0x0], $0xffff  }
0x2f6: {  	v5 =	vld.idx.msk [tilespmem:v5+s20+$0x0], $0xffff  }
0x2f7: {  	v52 =	vld.idx.msk [tilespmem:v52+s24+$0x0], $0xffff  }
0x2f8: {  	v45 =	vmul.f32 v45, v48  }
0x2f9: {  	v22 =	vmul.f32 v51, v22;
	_ =	sdelay $0x1  }
0x2fa: {  	v22 =	vadd.f32 v45, v22;
	v4 =	vmul.f32 v4, v50  }
0x2fb: {  	v45 =	vor.u32 v20, v55  }
0x2fc: {  	v4 =	vadd.f32 v4, v22;
	v5 =	vmul.f32 v5, v52;
	v22 =	vor.u32 s0, v36  }
0x2fd: {  	v48 =	vor.u32 v42, v57  }
0x2fe: {  	v4 =	vadd.f32 v5, v4;
	v5 =	vor.u32 v2, v57  }
0x2ff: {  	v50 =	vor.u32 s0, v37  }
0x300: {  	[tilespmem:v45+s25+$0x0] =	vst.idx.msk $0xffff, v4;
	v4 =	vor.u32 v43, v57  }
0x301: {  	v45 =	vor.u32 s0, v38;
	v22 =	vld.idx.msk [tilespmem:v22+s24+$0x0], $0xffff  }
0x302: {  	v51 =	vor.u32 v44, v57;
	v48 =	vld.idx.msk [tilespmem:v48+s20+$0x0], $0xffff  }
0x303: {  	v52 =	vor.u32 s0, v39;
	v5 =	vld.idx.msk [tilespmem:v5+s20+$0x0], $0xffff  }
0x304: {  	v50 =	vld.idx.msk [tilespmem:v50+s24+$0x0], $0xffff  }
0x305: {  	v4 =	vld.idx.msk [tilespmem:v4+s20+$0x0], $0xffff  }
0x306: {  	v45 =	vld.idx.msk [tilespmem:v45+s24+$0x0], $0xffff  }
0x307: {  	v51 =	vld.idx.msk [tilespmem:v51+s20+$0x0], $0xffff  }
0x308: {  	v22 =	vmul.f32 v48, v22;
	v52 =	vld.idx.msk [tilespmem:v52+s24+$0x0], $0xffff;
	_ =	sdelay $0x1  }
0x309: {  	s0 =	sadd.s32 $0x10, s0;
	v5 =	vmul.f32 v5, v50  }
0x30a: {  	v48 =	vor.u32 s0, v39;
	v50 =	vmov s0  }
0x30b: {  	v5 =	vadd.f32 v5, v22;
	v4 =	vmul.f32 v4, v45;
	v22 =	vshll.u32 v50, $0x4  }
0x30c: {  	v45 =	vor.u32 v42, v49;
	v49 =	vshll.u32 v50, $0x3;
	v53 =	vor.u32 v15, v22  }
0x30d: {  	v4 =	vadd.f32 v4, v5;
	v5 =	vmul.f32 v51, v52;
	v51 =	vor.u32 v0, v53  }
0x30e: {  	v54 =	vor.u32 v19, v49;
	v55 =	vor.u32 v27, v22;
	v52 =	vor.u32 s0, v14  }
0x30f: {  	v56 =	vor.u32 v6, v49;
	v4 =	vadd.f32 v5, v4;
	v5 =	vor.u32 s0, v16  }
0x310: {  	v50 =	vor.u32 v35, v22;
	v49 =	vor.u32 v46, v49;
	v57 =	vor.u32 v8, v53  }
0x311: {  	[tilespmem:v45+s25+$0x0] =	vst.idx.msk $0xffff, v4;
	v4 =	vor.u32 v11, v53  }
0x312: {  	v45 =	vor.u32 s0, v17;
	v22 =	vld.idx.msk [tilespmem:v51+s20+$0x0], $0xffff  }
0x313: {  	v51 =	vld.idx.msk [tilespmem:v52+s24+$0x0], $0xffff;
	v52 =	vor.u32 v13, v53  }
0x314: {  	v53 =	vor.u32 s0, v18;
	v5 =	vld.idx.msk [tilespmem:v5+s24+$0x0], $0xffff  }
0x315: {  	v57 =	vld.idx.msk [tilespmem:v57+s20+$0x0], $0xffff  }
0x316: {  	v4 =	vld.idx.msk [tilespmem:v4+s20+$0x0], $0xffff  }
0x317: {  	v45 =	vld.idx.msk [tilespmem:v45+s24+$0x0], $0xffff  }
0x318: {  	v52 =	vld.idx.msk [tilespmem:v52+s20+$0x0], $0xffff  }
0x319: {  	v53 =	vld.idx.msk [tilespmem:v53+s24+$0x0], $0xffff  }
0x31a: {  	v5 =	vmul.f32 v22, v5  }
0x31b: {  	v22 =	vmul.f32 v57, v51;
	_ =	sdelay $0x1  }
0x31c: {  	v5 =	vadd.f32 v5, v22;
	v4 =	vmul.f32 v4, v45  }
0x31d: {  	v22 =	vor.u32 v8, v54  }
0x31e: {  	v45 =	vor.u32 s0, v28;
	v4 =	vadd.f32 v4, v5;
	v5 =	vmul.f32 v52, v53  }
0x31f: {  	v51 =	vor.u32 v20, v55  }
0x320: {  	v4 =	vadd.f32 v5, v4;
	v5 =	vor.u32 v1, v55  }
0x321: {  	v52 =	vor.u32 s0, v29  }
0x322: {  	[tilespmem:v22+s25+$0x0] =	vst.idx.msk $0xffff, v4;
	v4 =	vor.u32 s0, v30  }
0x323: {  	v22 =	vld.idx.msk [tilespmem:v45+s24+$0x0], $0xffff;
	v45 =	vor.u32 v24, v55  }
0x324: {  	v53 =	vor.u32 s0, v31;
	v51 =	vld.idx.msk [tilespmem:v51+s20+$0x0], $0xffff  }
0x325: {  	v54 =	vor.u32 v26, v55;
	v5 =	vld.idx.msk [tilespmem:v5+s20+$0x0], $0xffff  }
0x326: {  	v52 =	vld.idx.msk [tilespmem:v52+s24+$0x0], $0xffff  }
0x327: {  	v4 =	vld.idx.msk [tilespmem:v4+s24+$0x0], $0xffff  }
0x328: {  	v45 =	vld.idx.msk [tilespmem:v45+s20+$0x0], $0xffff  }
0x329: {  	v53 =	vld.idx.msk [tilespmem:v53+s24+$0x0], $0xffff  }
0x32a: {  	v22 =	vmul.f32 v51, v22;
	v51 =	vld.idx.msk [tilespmem:v54+s20+$0x0], $0xffff;
	_ =	sdelay $0x1  }
0x32b: {  	v5 =	vmul.f32 v5, v52;
	_ =	sdelay $0x1  }
0x32c: {  	v5 =	vadd.f32 v5, v22;
	v4 =	vmul.f32 v45, v4  }
0x32d: {  	v22 =	vor.u32 v20, v56  }
0x32e: {  	v45 =	vor.u32 s0, v38;
	v4 =	vadd.f32 v4, v5;
	v5 =	vmul.f32 v51, v53  }
.Ltmp4:
0x32f: {  	v53 =	vor.u32 s0, v36;
	(pc) =	sbr.rel @p0 .LBB2_11-.Ltmp4, $4  }
0x330: {  	v52 =	vor.u32 v43, v50;
	v4 =	vadd.f32 v5, v4  }
0x331: {  	v55 =	vor.u32 v2, v50  }
0x332: {  	v54 =	vor.u32 s0, v37;
	v56 =	vor.u32 v42, v50;
	[tilespmem:v22+s25+$0x0] =	vst.idx.msk $0xffff, v4  }
0x333: {  	v51 =	vld.idx.msk [tilespmem:v45+s24+$0x0], $0xffff  }
0x334: {  	_ =	sdelay $0x3  }
0x335: {  	v4 =	vld.idx.msk [tilespmem:v53+s24+$0x0], $0xffff  }
0x336: {  	v5 =	vld.idx.msk [tilespmem:v55+s20+$0x0], $0xffff  }
0x337: {  	v22 =	vor.u32 v44, v50;
	v45 =	vld.idx.msk [tilespmem:v56+s20+$0x0], $0xffff  }
0x338: {  	v62 =	vld.idx.msk [tilespmem:v54+s24+$0x0], $0xffff;
	_ =	sdelay $0x1  }
0x339: {  	v52 =	vld.idx.msk [tilespmem:v52+s20+$0x0], $0xffff  }
0x33a: {  	v48 =	vld.idx.msk [tilespmem:v48+s24+$0x0], $0xffff  }
0x33b: {  	v22 =	vld.idx.msk [tilespmem:v22+s20+$0x0], $0xffff  }
0x33c: {  	v4 =	vmul.f32 v45, v4;
	v5 =	vmul.f32 v5, v62;
	_ =	sdelay $0x1  }
0x33d: {  	v63 =	vmul.f32 v52, v51;
	v4 =	vadd.f32 v5, v4  }
0x33e: {  	v5 =	vor.u32 v42, v49  }
0x33f: {  	v4 =	vadd.f32 v63, v4;
	v22 =	vmul.f32 v22, v48;
	_ =	sdelay $0x1  }
0x340: {  	s29 =	sadd.s32 $0x1, s29;
	v4 =	vadd.f32 v22, v4  }
0x341: {  	p0 =	sne.s32 s29, $0x7  }
.Ltmp5:
0x342: {  	s0 =	sadd.s32 s6, s30;
	[tilespmem:v5+s25+$0x0] =	vst.idx.msk $0xffff, v4;
	(pc) =	sbr.rel @p0 .LBB2_4-.Ltmp5, $4  }
0x343: {  	[hbm4b:s0+s2] =	stream.linear.scatter [tilespmem:s25], [sflag:$0x2], $0x4000, $0x38;
	[tilespmem:$0x1A000] =	vst v63  }
0x344: {  	_ =	swait.ge [sflag:s17], $0x4000  }
0x345: {  	[sflag:s17] =	ssyncset.done $0x0  }
0x346: {  	[sflag:s17] =	ssyncadd.s32 $0xFFFFC000  }
0x347: {  	s0 =	simm.s32 $0x0  }
0x348: {  	[tilespmem:s0], [sflag:$0x2] =	stream.linear.gather [hbm4b:s11+s0], $0x800, $0x38;
	[tilespmem:$0x1A000] =	vst v63  }
0x349: {  	_ =	swait.ge [sflag:s17], $0x800  }
0x34a: {  	[sflag:s17] =	ssyncset.done $0x0  }
0x34b: {  	[sflag:s17] =	ssyncadd.s32 $0xFFFFF800  }
0x34c: {  	[tilespmem:s18], [sflag:$0x2] =	stream.linear.gather [hbm4b:s12+s0], $0x800, $0x38;
	[tilespmem:$0x1A000] =	vst v63  }
0x34d: {  	_ =	swait.ge [sflag:s17], $0x800  }
0x34e: {  	[sflag:s17] =	ssyncset.done $0x0  }
0x34f: {  	s4 =	simm.s32 $0x0;
	[sflag:s17] =	ssyncadd.s32 $0xFFFFF800  }
0x350: {  	v4 =	vld [tilespmem:s4+$0x10]  }
0x351: {  	v5 =	vld [tilespmem:s4+$0x0]  }
0x352: {  	v22 =	vld [tilespmem:s4+$0x810]  }
0x353: {  	v45 =	vld [tilespmem:s4+$0x800];
	_ =	sdelay $0x3  }
0x354: {  	v4 =	vadd.f32 v4, v4;
	v5 =	vadd.f32 v5, v5  }
0x355: {  	v22 =	vadd.f32 v22, v22;
	v45 =	vadd.f32 v45, v45  }
0x356: {  	v4 =	vadd.f32 $-1.000000000e+00, v4;
	v5 =	vadd.f32 $-1.000000000e+00, v5  }
0x357: {  	v22 =	vadd.f32 $-1.000000000e+00, v22;
	v45 =	vadd.f32 $-1.000000000e+00, v45  }
0x358: {  	v4 =	vadd.f32 $1.000000000e+00, v4;
	v5 =	vadd.f32 $1.000000000e+00, v5  }
0x359: {  	v22 =	vadd.f32 $1.000000000e+00, v22;
	v45 =	vadd.f32 $1.000000000e+00, v45  }
0x35a: {  	v4 =	vmul.f32 $2.555000000e+02, v4;
	v5 =	vmul.f32 $2.555000000e+02, v5  }
0x35b: {  	v22 =	vmul.f32 $2.555000000e+02, v22;
	v45 =	vmul.f32 $2.555000000e+02, v45  }
0x35c: {  	s0 =	simm.s32 $0x20;
	v4 =	vmax.f32 v4, $0.0e+00;
	v5 =	vmax.f32 v5, $0.0e+00  }
0x35d: {  	v53 =	vld [tilespmem:s0+$0x0];
	v22 =	vmax.f32 v22, $0.0e+00;
	v45 =	vmax.f32 v45, $0.0e+00;
	v4 =	vmin.f32 v4, $5.110000000e+02  }
0x35e: {  	v55 =	vld [tilespmem:s0+$0x810];
	v5 =	vmin.f32 v5, $5.110000000e+02;
	v22 =	vmin.f32 v22, $5.110000000e+02;
	v48 =	vtrunc.f32 v4  }
0x35f: {  	v57 =	vld [tilespmem:s0+$0x800];
	v45 =	vmin.f32 v45, $5.110000000e+02;
	v60 =	vtrunc.f32 v5;
	v61 =	vcvt.f32.s32 v48  }
0x360: {  	v49 =	vtrunc.f32 v22;
	v50 =	vtrunc.f32 v45  }
0x361: {  	v52 =	vld [tilespmem:s0+$0x10];
	v51 =	vcvt.f32.s32 v49;
	v62 =	vcvt.s32.f32 v61  }
0x362: {  	v63 =	vadd.f32 v53, v53;
	v48 =	vcvt.f32.s32 v60;
	v54 =	vcvt.f32.s32 v50  }
0x363: {  	v60 =	vadd.f32 v55, v55;
	v49 =	vsub.f32 v4, v62;
	v4 =	vcvt.s32.f32 v51  }
0x364: {  	v57 =	vadd.f32 v57, v57;
	v56 =	vcvt.s32.f32 v48;
	v58 =	vcvt.s32.f32 v54  }
0x365: {  	v54 =	vshll.u32 v54, $0x9;
	v53 =	vadd.f32 $-1.000000000e+00, v60;
	v4 =	vsub.f32 v22, v4  }
0x366: {  	v22 =	vshll.u32 v51, $0x9;
	v51 =	vsub.f32 v5, v56;
	v5 =	vadd.f32 v52, v52  }
0x367: {  	v60 =	vadd.s32 v48, v54;
	v54 =	vadd.f32 $-1.000000000e+00, v57;
	v45 =	vsub.f32 v45, v58  }
0x368: {  	v50 =	vsub.f32 $1.000000000e+00, v49;
	v5 =	vadd.f32 $-1.000000000e+00, v5  }
0x369: {  	v62 =	vadd.f32 $1.000000000e+00, v53;
	v52 =	vadd.f32 $-1.000000000e+00, v63  }
0x36a: {  	v54 =	vadd.f32 $1.000000000e+00, v54;
	v56 =	vmul.f32 v4, v50;
	v5 =	vadd.f32 $1.000000000e+00, v5  }
0x36b: {  	v58 =	vsub.f32 $1.000000000e+00, v51;
	v59 =	vmul.f32 v4, v49;
	v52 =	vadd.f32 $1.000000000e+00, v52  }
0x36c: {  	v53 =	vsub.f32 $1.000000000e+00, v45;
	v55 =	vmul.f32 v45, v51;
	v5 =	vmul.f32 $2.555000000e+02, v5  }
0x36d: {  	v61 =	vadd.s32 v61, v22;
	v48 =	vmul.f32 v45, v58;
	v63 =	vmul.f32 $2.555000000e+02, v52  }
0x36e: {  	[tilespmem:s4+$0x1800] =	vst v60;
	v52 =	vsub.f32 $1.000000000e+00, v4;
	v4 =	vmul.f32 $2.555000000e+02, v62;
	v5 =	vmax.f32 v5, $0.0e+00  }
0x36f: {  	[tilespmem:s4+$0x5010] =	vst v56;
	v58 =	vmul.f32 v53, v58;
	v62 =	vmul.f32 $2.555000000e+02, v54;
	v57 =	vmin.f32 v5, $5.110000000e+02  }
0x370: {  	[tilespmem:s4+$0x5800] =	vst v55;
	v45 =	vmax.f32 v63, $0.0e+00;
	v4 =	vmax.f32 v4, $0.0e+00;
	v5 =	vtrunc.f32 v57  }
0x371: {  	[tilespmem:s4+$0x5000] =	vst v48;
	v54 =	vmin.f32 v45, $5.110000000e+02;
	v56 =	vmin.f32 v4, $5.110000000e+02;
	v48 =	vcvt.f32.s32 v5  }
0x372: {  	[tilespmem:s4+$0x5810] =	vst v59;
	v63 =	vmax.f32 v62, $0.0e+00;
	v59 =	vtrunc.f32 v54;
	v4 =	vtrunc.f32 v56  }
0x373: {  	s7 =	simm.s32 $0x40;
	s8 =	simm.s32 $0x180;
	[tilespmem:s4+$0x4000] =	vst v58;
	v55 =	vmin.f32 v63, $5.110000000e+02;
	v58 =	vcvt.f32.s32 v4;
	v60 =	vcvt.s32.f32 v48  }
.LBB2_14:
0x374: {  	p0 =	sne.s32 s8, $0x1F80;
	v4 =	vld [tilespmem:s7+$0x10];
	v5 =	vcvt.f32.s32 v59;
	v22 =	vtrunc.f32 v55;
	[tilespmem:s4+$0x1810] =	vst v61  }
0x375: {  	v45 =	vld [tilespmem:s7+$0x0];
	v22 =	vcvt.f32.s32 v22;
	v57 =	vsub.f32 v57, v60;
	v59 =	vcvt.s32.f32 v58  }
0x376: {  	v53 =	vmul.f32 v53, v51;
	v62 =	vshll.u32 v58, $0x9;
	v60 =	vld [tilespmem:s7+$0x810];
	v61 =	vcvt.s32.f32 v5  }
0x377: {  	v58 =	vld [tilespmem:s7+$0x800];
	v63 =	vcvt.s32.f32 v22;
	v56 =	vsub.f32 v56, v59;
	v59 =	vsub.f32 $1.000000000e+00, v57  }
0x378: {  	v51 =	vsub.f32 v54, v61;
	[tilespmem:s4+$0x4800] =	vst v53;
	v61 =	vmul.f32 v52, v50;
	v52 =	vmul.f32 v52, v49  }
0x379: {  	v49 =	vmovc v57;
	v4 =	vadd.f32 v4, v4;
	v53 =	vsub.f32 v55, v63;
	v54 =	vmul.f32 v56, v59  }
0x37a: {  	v57 =	vmul.f32 v56, v49;
	v50 =	vmovc v59;
	v45 =	vadd.f32 v45, v45;
	v55 =	vsub.f32 $1.000000000e+00, v51;
	[tilespmem:s4+$0x4010] =	vst v61  }
0x37b: {  	v4 =	vadd.f32 $-1.000000000e+00, v4;
	v59 =	vadd.f32 v60, v60;
	v60 =	vmul.f32 v53, v51;
	[tilespmem:s0+$0x5010] =	vst v54  }
0x37c: {  	v45 =	vadd.f32 $-1.000000000e+00, v45;
	v54 =	vadd.f32 v58, v58;
	v58 =	vmul.f32 v53, v55;
	[tilespmem:s4+$0x4810] =	vst v52;
	s4 =	smov.u32 s0;
	s0 =	smov.u32 s7  }
0x37d: {  	v22 =	vshll.u32 v22, $0x9;
	v4 =	vadd.f32 $1.000000000e+00, v4;
	v52 =	vadd.f32 $-1.000000000e+00, v59;
	[tilespmem:s4+$0x5800] =	vst v60  }
0x37e: {  	v5 =	vadd.s32 v5, v22;
	v45 =	vadd.f32 $1.000000000e+00, v45;
	v54 =	vadd.f32 $-1.000000000e+00, v54;
	[tilespmem:s4+$0x5000] =	vst v58  }
0x37f: {  	v53 =	vsub.f32 $1.000000000e+00, v53;
	v4 =	vmul.f32 $2.555000000e+02, v4;
	v22 =	vadd.f32 $1.000000000e+00, v52;
	[tilespmem:s4+$0x5810] =	vst v57  }
0x380: {  	v52 =	vsub.f32 $1.000000000e+00, v56;
	v45 =	vmul.f32 $2.555000000e+02, v45;
	v54 =	vadd.f32 $1.000000000e+00, v54;
	[tilespmem:s4+$0x1800] =	vst v5  }
0x381: {  	v5 =	vmul.f32 $2.555000000e+02, v22;
	v4 =	vmax.f32 v4, $0.0e+00;
	v22 =	vmul.f32 v53, v55  }
.Ltmp6:
0x382: {  	v55 =	vmul.f32 $2.555000000e+02, v54;
	v45 =	vmax.f32 v45, $0.0e+00;
	v57 =	vmin.f32 v4, $5.110000000e+02;
	(pc) =	sbr.rel @p0 .LBB2_14-.Ltmp6, $4  }
0x383: {  	v54 =	vmin.f32 v45, $5.110000000e+02;
	v4 =	vmax.f32 v5, $0.0e+00;
	v5 =	vtrunc.f32 v57;
	[tilespmem:s4+$0x4000] =	vst v22  }
0x384: {  	v22 =	vmax.f32 v55, $0.0e+00;
	v56 =	vmin.f32 v4, $5.110000000e+02;
	v4 =	vcvt.f32.s32 v5  }
0x385: {  	v59 =	vtrunc.f32 v54;
	v55 =	vmin.f32 v22, $5.110000000e+02;
	v5 =	vtrunc.f32 v56  }
0x386: {  	v61 =	vadd.s32 v48, v62;
	s7 =	sshra.s32 s8, $0x2;
	s8 =	sadd.s32 $0x80, s8;
	v58 =	vcvt.f32.s32 v5;
	v60 =	vcvt.s32.f32 v4;
	v48 =	vmovc v4  }
0x387: {  	v4 =	vld [tilespmem:s7+$0x10];
	v5 =	vcvt.f32.s32 v59;
	v22 =	vtrunc.f32 v55;
	[tilespmem:s4+$0x1810] =	vst v61  }
0x388: {  	v51 =	vmul.f32 v53, v51;
	v50 =	vmul.f32 v52, v50;
	v45 =	vld [tilespmem:s7+$0x0]  }
0x389: {  	v22 =	vcvt.f32.s32 v22;
	v59 =	vcvt.s32.f32 v58;
	v57 =	vsub.f32 v57, v60;
	v60 =	vld [tilespmem:s7+$0x810]  }
0x38a: {  	v49 =	vmul.f32 v52, v49;
	v62 =	vld [tilespmem:s7+$0x800];
	v61 =	vcvt.s32.f32 v5  }
0x38b: {  	v63 =	vcvt.s32.f32 v22;
	v56 =	vsub.f32 v56, v59;
	v53 =	vsub.f32 $1.000000000e+00, v57  }
0x38c: {  	v58 =	vshll.u32 v58, $0x9;
	v54 =	vsub.f32 v54, v61;
	v4 =	vadd.f32 v4, v4  }
0x38d: {  	v22 =	vshll.u32 v22, $0x9;
	v55 =	vsub.f32 v55, v63;
	v45 =	vadd.f32 v45, v45  }
0x38e: {  	v5 =	vadd.s32 v5, v22;
	v60 =	vadd.f32 v60, v60;
	v4 =	vadd.f32 $-1.000000000e+00, v4  }
0x38f: {  	v59 =	vmul.f32 v56, v53;
	v62 =	vadd.f32 v62, v62;
	v45 =	vadd.f32 $-1.000000000e+00, v45  }
0x390: {  	v61 =	vmul.f32 v56, v57;
	v60 =	vadd.f32 $-1.000000000e+00, v60;
	v4 =	vadd.f32 $1.000000000e+00, v4  }
0x391: {  	v52 =	vsub.f32 $1.000000000e+00, v54;
	v63 =	vmul.f32 v55, v54;
	v62 =	vadd.f32 $-1.000000000e+00, v62  }
0x392: {  	v45 =	vadd.f32 $1.000000000e+00, v45;
	v22 =	vadd.f32 $1.000000000e+00, v60;
	v4 =	vmul.f32 $2.555000000e+02, v4  }
0x393: {  	v60 =	vmul.f32 v55, v52;
	v55 =	vsub.f32 $1.000000000e+00, v55;
	v62 =	vadd.f32 $1.000000000e+00, v62  }
0x394: {  	v45 =	vmul.f32 $2.555000000e+02, v45;
	v22 =	vmul.f32 $2.555000000e+02, v22;
	v4 =	vmax.f32 v4, $0.0e+00  }
0x395: {  	[tilespmem:s4+$0x4800] =	vst v51;
	v51 =	vmul.f32 v55, v52;
	v52 =	vmul.f32 $2.555000000e+02, v62;
	v4 =	vmin.f32 v4, $5.110000000e+02  }
0x396: {  	[tilespmem:s4+$0x4010] =	vst v50;
	v45 =	vmax.f32 v45, $0.0e+00;
	v22 =	vmax.f32 v22, $0.0e+00;
	v62 =	vtrunc.f32 v4  }
0x397: {  	[tilespmem:s0+$0x5010] =	vst v59;
	v45 =	vmin.f32 v45, $5.110000000e+02;
	v22 =	vmin.f32 v22, $5.110000000e+02;
	v50 =	vcvt.f32.s32 v62  }
0x398: {  	[tilespmem:s4+$0x4810] =	vst v49;
	v49 =	vmax.f32 v52, $0.0e+00;
	v52 =	vtrunc.f32 v45;
	v62 =	vtrunc.f32 v22  }
0x399: {  	[tilespmem:s0+$0x5800] =	vst v63;
	v49 =	vmin.f32 v49, $5.110000000e+02;
	v59 =	vcvt.f32.s32 v62;
	v62 =	vcvt.s32.f32 v50  }
0x39a: {  	v56 =	vsub.f32 $1.000000000e+00, v56;
	[tilespmem:s0+$0x5000] =	vst v60;
	v60 =	vtrunc.f32 v49;
	v52 =	vcvt.f32.s32 v52  }
0x39b: {  	[tilespmem:s0+$0x5810] =	vst v61;
	v60 =	vcvt.f32.s32 v60;
	v61 =	vcvt.s32.f32 v59;
	v4 =	vsub.f32 v4, v62  }
0x39c: {  	[tilespmem:s0+$0x1800] =	vst v5;
	v5 =	vadd.s32 v48, v58;
	v54 =	vmul.f32 v55, v54;
	v63 =	vcvt.s32.f32 v52  }
0x39d: {  	[tilespmem:s0+$0x1810] =	vst v5;
	v58 =	vcvt.s32.f32 v60;
	v22 =	vsub.f32 v22, v61;
	v55 =	vsub.f32 $1.000000000e+00, v4  }
0x39e: {  	[tilespmem:s0+$0x4000] =	vst v51;
	v62 =	vmul.f32 v56, v53;
	v5 =	vsub.f32 v45, v63  }
0x39f: {  	[tilespmem:s0+$0x4800] =	vst v54;
	v48 =	vsub.f32 v49, v58;
	v63 =	vmul.f32 v22, v55  }
0x3a0: {  	v57 =	vmul.f32 v56, v57;
	[tilespmem:s0+$0x4010] =	vst v62;
	v58 =	vsub.f32 $1.000000000e+00, v5  }
0x3a1: {  	v61 =	vmul.f32 v48, v5;
	[tilespmem:s7+$0x5010] =	vst v63  }
0x3a2: {  	v62 =	vmul.f32 v48, v58;
	[tilespmem:s0+$0x4810] =	vst v57  }
0x3a3: {  	v54 =	vsub.f32 $1.000000000e+00, v48;
	v63 =	vmul.f32 v22, v4;
	[tilespmem:s7+$0x5800] =	vst v61  }
0x3a4: {  	v56 =	vshll.u32 v60, $0x9;
	[tilespmem:s7+$0x5000] =	vst v62  }
0x3a5: {  	v48 =	vadd.s32 v52, v56;
	v5 =	vmul.f32 v54, v5;
	[tilespmem:s7+$0x5810] =	vst v63  }
0x3a6: {  	v22 =	vsub.f32 $1.000000000e+00, v22;
	v57 =	vmul.f32 v54, v58;
	[tilespmem:s7+$0x1800] =	vst v48  }
0x3a7: {  	v58 =	vshll.u32 v59, $0x9;
	[tilespmem:s7+$0x4800] =	vst v5  }
0x3a8: {  	v59 =	vadd.s32 v50, v58;
	v60 =	vmul.f32 v22, v55;
	[tilespmem:s7+$0x4000] =	vst v57  }
0x3a9: {  	v4 =	vmul.f32 v22, v4;
	[tilespmem:s7+$0x1810] =	vst v59  }
0x3aa: {  	s31 =	simm.s32 $0x0;
	[tilespmem:s7+$0x4010] =	vst v60  }
0x3ab: {  	v5 =	vor.u32 s31, v9;
	[tilespmem:s7+$0x4810] =	vst v4;
	v4 =	vor.u32 s31, v7  }
0x3ac: {  	[tilespmem:s22], [sflag:$0x1] =	stream.indirect.gather [hbm4b:s1+s18], $0x10, s21, s18, $0xb8;
	v22 =	vshll.u32 v4, $0x4;
	[tilespmem:$0x1A000] =	vst v63  }
0x3ad: {  	_ =	swait.ge [sflag:s23], $0x8000;
	v61 =	vor.u32 v8, v22  }
0x3ae: {  	v62 =	vor.u32 v0, v22;
	[sflag:s23] =	ssyncset.done $0x0  }
0x3af: {  	v56 =	vor.u32 s31, v10;
	[sflag:s23] =	ssyncadd.s32 $0xFFFF8000  }
0x3b0: {  	v63 =	vor.u32 v11, v22;
	v5 =	vld.idx.msk [tilespmem:v5+s24+$0x0], $0xffff  }
0x3b1: {  	v58 =	vld.idx.msk [tilespmem:v4+s24+$0x0], $0xffff  }
0x3b2: {  	v45 =	vld.idx.msk [tilespmem:v61+s20+$0x0], $0xffff  }
0x3b3: {  	v57 =	vor.u32 s31, v12;
	v48 =	vld.idx.msk [tilespmem:v62+s20+$0x0], $0xffff  }
0x3b4: {  	v22 =	vor.u32 v13, v22;
	v50 =	vld.idx.msk [tilespmem:v56+s24+$0x0], $0xffff  }
0x3b5: {  	v49 =	vld.idx.msk [tilespmem:v63+s20+$0x0], $0xffff;
	_ =	sdelay $0x2  }
0x3b6: {  	v51 =	vld.idx.msk [tilespmem:v57+s24+$0x0], $0xffff;
	v45 =	vmul.f32 v45, v58;
	v5 =	vmul.f32 v48, v5  }
0x3b7: {  	v22 =	vld.idx.msk [tilespmem:v22+s20+$0x0], $0xffff  }
0x3b8: {  	v59 =	vmul.f32 v49, v50;
	v5 =	vadd.f32 v5, v45;
	_ =	sdelay $0x1  }
0x3b9: {  	v4 =	vshll.u32 v4, $0x3;
	v48 =	vor.u32 s31, v3;
	v5 =	vadd.f32 v59, v5;
	v59 =	vld [tilespmem:$0x1FFE0]  }
0x3ba: {  	v4 =	vor.u32 v8, v4;
	v49 =	vshll.u32 v48, $0x4  }
0x3bb: {  	v22 =	vmul.f32 v22, v51;
	v60 =	vor.u32 v1, v49  }
0x3bc: {  	v62 =	vor.u32 v20, v49  }
0x3bd: {  	v5 =	vadd.f32 v22, v5;
	v22 =	vor.u32 s31, v21  }
0x3be: {  	v61 =	vand.u32 v59, v48  }
0x3bf: {  	v63 =	vor.u32 s31, v23;
	[tilespmem:v4+s25+$0x0] =	vst.idx.msk $0xffff, v5  }
0x3c0: {  	v4 =	vor.u32 v24, v49;
	v5 =	vld.idx.msk [tilespmem:v60+s20+$0x0], $0xffff  }
0x3c1: {  	v56 =	vor.u32 s31, v25;
	v51 =	vld.idx.msk [tilespmem:v62+s20+$0x0], $0xffff  }
0x3c2: {  	v49 =	vor.u32 v26, v49;
	v22 =	vld.idx.msk [tilespmem:v22+s24+$0x0], $0xffff  }
0x3c3: {  	v45 =	vld.idx.msk [tilespmem:v61+s24+$0x0], $0xffff  }
0x3c4: {  	v52 =	vld.idx.msk [tilespmem:v63+s24+$0x0], $0xffff  }
0x3c5: {  	v4 =	vld.idx.msk [tilespmem:v4+s20+$0x0], $0xffff  }
0x3c6: {  	v50 =	vld.idx.msk [tilespmem:v56+s24+$0x0], $0xffff  }
0x3c7: {  	v49 =	vld.idx.msk [tilespmem:v49+s20+$0x0], $0xffff  }
0x3c8: {  	v5 =	vmul.f32 v5, v22;
	v45 =	vmul.f32 v51, v45  }
0x3c9: {  	v57 =	vor.u32 s31, v40  }
0x3ca: {  	v22 =	vshll.u32 v48, $0x3;
	v4 =	vmul.f32 v4, v52;
	v5 =	vadd.f32 v5, v45  }
0x3cb: {  	v58 =	vand.u32 v41, v57;
	v22 =	vor.u32 v20, v22  }
0x3cc: {  	v60 =	vshll.u32 v57, $0x4;
	v49 =	vmul.f32 v49, v50;
	v4 =	vadd.f32 v4, v5  }
0x3cd: {  	v5 =	vor.u32 v42, v60  }
0x3ce: {  	v61 =	vor.u32 s31, v32;
	v4 =	vadd.f32 v49, v4  }
0x3cf: {  	v62 =	vor.u32 v2, v60  }
0x3d0: {  	[tilespmem:v22+s25+$0x0] =	vst.idx.msk $0xffff, v4;
	v4 =	vor.u32 s31, v33  }
0x3d1: {  	v22 =	vor.u32 v43, v60;
	v45 =	vld.idx.msk [tilespmem:v58+s24+$0x0], $0xffff  }
0x3d2: {  	v50 =	vor.u32 v44, v60;
	v5 =	vld.idx.msk [tilespmem:v5+s20+$0x0], $0xffff  }
0x3d3: {  	v63 =	vor.u32 s31, v34;
	v49 =	vld.idx.msk [tilespmem:v61+s24+$0x0], $0xffff  }
0x3d4: {  	v51 =	vld.idx.msk [tilespmem:v62+s20+$0x0], $0xffff  }
0x3d5: {  	v4 =	vld.idx.msk [tilespmem:v4+s24+$0x0], $0xffff  }
0x3d6: {  	v22 =	vld.idx.msk [tilespmem:v22+s20+$0x0], $0xffff  }
0x3d7: {  	v50 =	vld.idx.msk [tilespmem:v50+s20+$0x0], $0xffff  }
0x3d8: {  	v52 =	vld.idx.msk [tilespmem:v63+s24+$0x0], $0xffff  }
0x3d9: {  	v5 =	vmul.f32 v5, v45;
	v56 =	vmul.f32 v51, v49;
	_ =	sdelay $0x1  }
0x3da: {  	s0 =	simm.s32 $0x10;
	v48 =	vshll.u32 v57, $0x3;
	v5 =	vadd.f32 v56, v5;
	v4 =	vmul.f32 v22, v4  }
0x3db: {  	v57 =	vor.u32 s0, v7;
	v22 =	vor.u32 v42, v48  }
0x3dc: {  	v58 =	vshll.u32 v57, $0x4;
	v4 =	vadd.f32 v4, v5;
	v5 =	vmul.f32 v50, v52  }
0x3dd: {  	v60 =	vor.u32 v8, v58  }
0x3de: {  	v61 =	vor.u32 v0, v58;
	v4 =	vadd.f32 v5, v4  }
0x3df: {  	v62 =	vor.u32 s0, v10  }
0x3e0: {  	v5 =	vor.u32 s0, v9;
	[tilespmem:v22+s25+$0x0] =	vst.idx.msk $0xffff, v4  }
0x3e1: {  	v48 =	vor.u32 v13, v58;
	v22 =	vld.idx.msk [tilespmem:v57+s24+$0x0], $0xffff  }
0x3e2: {  	v4 =	vor.u32 v11, v58;
	v49 =	vld.idx.msk [tilespmem:v60+s20+$0x0], $0xffff  }
0x3e3: {  	v50 =	vld.idx.msk [tilespmem:v61+s20+$0x0], $0xffff  }
0x3e4: {  	v63 =	vor.u32 s0, v12;
	v51 =	vld.idx.msk [tilespmem:v62+s24+$0x0], $0xffff  }
0x3e5: {  	v5 =	vld.idx.msk [tilespmem:v5+s24+$0x0], $0xffff  }
0x3e6: {  	v48 =	vld.idx.msk [tilespmem:v48+s20+$0x0], $0xffff  }
0x3e7: {  	v4 =	vld.idx.msk [tilespmem:v4+s20+$0x0], $0xffff  }
0x3e8: {  	v60 =	vld [tilespmem:$0x1FFF0]  }
0x3e9: {  	v52 =	vld.idx.msk [tilespmem:v63+s24+$0x0], $0xffff  }
0x3ea: {  	v22 =	vmul.f32 v49, v22;
	v5 =	vmul.f32 v50, v5  }
0x3eb: {  	v45 =	vshll.u32 v57, $0x3  }
0x3ec: {  	v49 =	vor.u32 s0, v3;
	v5 =	vadd.f32 v5, v22;
	v4 =	vmul.f32 v4, v51  }
0x3ed: {  	v45 =	vor.u32 v8, v45;
	v54 =	vand.u32 v60, v49  }
0x3ee: {  	v22 =	vshll.u32 v49, $0x4;
	v4 =	vadd.f32 v4, v5;
	v5 =	vmul.f32 v48, v52  }
0x3ef: {  	v55 =	vor.u32 v20, v22  }
0x3f0: {  	v56 =	vor.u32 s0, v21;
	v4 =	vadd.f32 v5, v4  }
0x3f1: {  	v5 =	vor.u32 v1, v22  }
0x3f2: {  	v57 =	vor.u32 v24, v22;
	[tilespmem:v45+s25+$0x0] =	vst.idx.msk $0xffff, v4  }
0x3f3: {  	v4 =	vor.u32 s0, v23;
	v45 =	vld.idx.msk [tilespmem:v54+s24+$0x0], $0xffff  }
0x3f4: {  	v61 =	vor.u32 s0, v25;
	v50 =	vld.idx.msk [tilespmem:v55+s20+$0x0], $0xffff  }
0x3f5: {  	v22 =	vor.u32 v26, v22;
	v58 =	vld.idx.msk [tilespmem:v56+s24+$0x0], $0xffff  }
0x3f6: {  	v5 =	vld.idx.msk [tilespmem:v5+s20+$0x0], $0xffff  }
0x3f7: {  	v62 =	vld.idx.msk [tilespmem:v57+s20+$0x0], $0xffff  }
0x3f8: {  	v4 =	vld.idx.msk [tilespmem:v4+s24+$0x0], $0xffff  }
0x3f9: {  	v52 =	vld.idx.msk [tilespmem:v61+s24+$0x0], $0xffff  }
0x3fa: {  	v53 =	vld.idx.msk [tilespmem:v22+s20+$0x0], $0xffff  }
0x3fb: {  	v51 =	vor.u32 s0, v40;
	v45 =	vmul.f32 v50, v45;
	v5 =	vmul.f32 v5, v58  }
0x3fc: {  	v63 =	vshll.u32 v49, $0x3;
	v49 =	vshll.u32 v51, $0x4;
	v48 =	vshll.u32 v51, $0x3  }
0x3fd: {  	s28 =	simm.s32 $0x20;
	v50 =	vor.u32 v20, v63;
	v54 =	vadd.f32 v5, v45;
	v55 =	vmul.f32 v62, v4  }
.LBB2_16:
0x3fe: {  	p0 =	sne.s32 s28, $0x7E0;
	s4 =	smov.u32 s28;
	s28 =	sadd.s32 $0x20, s28  }
0x3ff: {  	v5 =	vmul.f32 v53, v52;
	v22 =	vor.u32 v43, v49;
	v4 =	vadd.f32 v55, v54  }
0x400: {  	v45 =	vor.u32 v42, v49  }
0x401: {  	v52 =	vor.u32 v2, v49;
	v4 =	vadd.f32 v5, v4;
	v5 =	vor.u32 s0, v32  }
0x402: {  	v51 =	vand.u32 v47, v51  }
0x403: {  	[tilespmem:v50+s25+$0x0] =	vst.idx.msk $0xffff, v4  }
0x404: {  	v4 =	vor.u32 s0, v33;
	v22 =	vld.idx.msk [tilespmem:v22+s20+$0x0], $0xffff  }
0x405: {  	v50 =	vor.u32 s0, v34;
	v45 =	vld.idx.msk [tilespmem:v45+s20+$0x0], $0xffff  }
0x406: {  	v49 =	vor.u32 v44, v49;
	v52 =	vld.idx.msk [tilespmem:v52+s20+$0x0], $0xffff  }
0x407: {  	v51 =	vld.idx.msk [tilespmem:v51+s24+$0x0], $0xffff  }
0x408: {  	v5 =	vld.idx.msk [tilespmem:v5+s24+$0x0], $0xffff  }
0x409: {  	v4 =	vld.idx.msk [tilespmem:v4+s24+$0x0], $0xffff  }
0x40a: {  	v50 =	vld.idx.msk [tilespmem:v50+s24+$0x0], $0xffff  }
0x40b: {  	v49 =	vld.idx.msk [tilespmem:v49+s20+$0x0], $0xffff;
	_ =	sdelay $0x1  }
0x40c: {  	v53 =	vor.u32 s4, v10;
	v45 =	vmul.f32 v45, v51  }
0x40d: {  	v54 =	vor.u32 s4, v9;
	v51 =	vor.u32 s4, v7;
	v5 =	vmul.f32 v52, v5  }
0x40e: {  	v52 =	vshll.u32 v51, $0x4;
	v55 =	vshll.u32 v51, $0x3;
	v4 =	vmul.f32 v22, v4  }
0x40f: {  	v22 =	vor.u32 v8, v52;
	v56 =	vor.u32 v0, v52;
	v5 =	vadd.f32 v5, v45  }
0x410: {  	v48 =	vor.u32 v42, v48;
	v45 =	vor.u32 v13, v52  }
0x411: {  	v52 =	vor.u32 v11, v52;
	v4 =	vadd.f32 v4, v5;
	v5 =	vmul.f32 v49, v50  }
0x412: {  	v49 =	vor.u32 s4, v12  }
0x413: {  	v4 =	vadd.f32 v5, v4;
	_ =	sdelay $0x1  }
0x414: {  	[tilespmem:v48+s25+$0x0] =	vst.idx.msk $0xffff, v4  }
0x415: {  	v4 =	vld.idx.msk [tilespmem:v54+s24+$0x0], $0xffff  }
0x416: {  	v5 =	vld.idx.msk [tilespmem:v51+s24+$0x0], $0xffff  }
0x417: {  	v22 =	vld.idx.msk [tilespmem:v22+s20+$0x0], $0xffff  }
0x418: {  	v48 =	vld.idx.msk [tilespmem:v56+s20+$0x0], $0xffff  }
0x419: {  	v50 =	vld.idx.msk [tilespmem:v52+s20+$0x0], $0xffff  }
0x41a: {  	v51 =	vld.idx.msk [tilespmem:v53+s24+$0x0], $0xffff  }
0x41b: {  	v52 =	vor.u32 s4, v3;
	v49 =	vld.idx.msk [tilespmem:v49+s24+$0x0], $0xffff  }
0x41c: {  	v53 =	vor.u32 v8, v55;
	v54 =	vshll.u32 v52, $0x4;
	v45 =	vld.idx.msk [tilespmem:v45+s20+$0x0], $0xffff  }
0x41d: {  	v56 =	vshll.u32 v52, $0x3;
	v55 =	vor.u32 v1, v54  }
0x41e: {  	v5 =	vmul.f32 v22, v5;
	v4 =	vmul.f32 v48, v4  }
0x41f: {  	v22 =	vand.u32 v59, v52  }
0x420: {  	v48 =	vor.u32 s4, v21;
	v4 =	vadd.f32 v4, v5;
	v5 =	vmul.f32 v50, v51  }
0x421: {  	v50 =	vor.u32 v20, v54  }
0x422: {  	v4 =	vadd.f32 v5, v4;
	v5 =	vmul.f32 v45, v49;
	v45 =	vor.u32 v24, v54  }
0x423: {  	v49 =	vor.u32 s4, v23  }
0x424: {  	v4 =	vadd.f32 v5, v4;
	v5 =	vor.u32 v26, v54  }
0x425: {  	v51 =	vor.u32 s4, v25  }
0x426: {  	[tilespmem:v53+s25+$0x0] =	vst.idx.msk $0xffff, v4  }
0x427: {  	v4 =	vld.idx.msk [tilespmem:v55+s20+$0x0], $0xffff  }
0x428: {  	v22 =	vld.idx.msk [tilespmem:v22+s24+$0x0], $0xffff  }
0x429: {  	v50 =	vld.idx.msk [tilespmem:v50+s20+$0x0], $0xffff  }
0x42a: {  	v51 =	vld.idx.msk [tilespmem:v51+s24+$0x0], $0xffff  }
0x42b: {  	v5 =	vld.idx.msk [tilespmem:v5+s20+$0x0], $0xffff  }
0x42c: {  	v49 =	vld.idx.msk [tilespmem:v49+s24+$0x0], $0xffff  }
0x42d: {  	v48 =	vld.idx.msk [tilespmem:v48+s24+$0x0], $0xffff;
	_ =	sdelay $0x1  }
0x42e: {  	v52 =	vor.u32 s4, v40;
	v22 =	vmul.f32 v50, v22;
	v50 =	vor.u32 v20, v56;
	v45 =	vld.idx.msk [tilespmem:v45+s20+$0x0], $0xffff  }
0x42f: {  	v54 =	vshll.u32 v52, $0x3;
	v53 =	vand.u32 v41, v52  }
0x430: {  	v5 =	vmul.f32 v5, v51;
	v51 =	vshll.u32 v52, $0x4  }
0x431: {  	v52 =	vor.u32 v42, v51;
	v55 =	vor.u32 v2, v51  }
0x432: {  	v4 =	vmul.f32 v4, v48;
	v48 =	vor.u32 v43, v51;
	v51 =	vor.u32 v44, v51;
	_ =	sdelay $0x1  }
0x433: {  	v4 =	vadd.f32 v4, v22;
	v22 =	vmul.f32 v45, v49;
	_ =	sdelay $0x1  }
0x434: {  	v4 =	vadd.f32 v22, v4;
	_ =	sdelay $0x1  }
0x435: {  	v4 =	vadd.f32 v5, v4;
	v5 =	vor.u32 s4, v32;
	_ =	sdelay $0x1  }
0x436: {  	[tilespmem:v50+s25+$0x0] =	vst.idx.msk $0xffff, v4;
	v4 =	vor.u32 s4, v33  }
0x437: {  	v22 =	vld.idx.msk [tilespmem:v53+s24+$0x0], $0xffff  }
0x438: {  	v45 =	vld.idx.msk [tilespmem:v52+s20+$0x0], $0xffff  }
0x439: {  	v49 =	vor.u32 s4, v34;
	v5 =	vld.idx.msk [tilespmem:v5+s24+$0x0], $0xffff  }
0x43a: {  	v50 =	vld.idx.msk [tilespmem:v55+s20+$0x0], $0xffff  }
0x43b: {  	v4 =	vld.idx.msk [tilespmem:v4+s24+$0x0], $0xffff  }
0x43c: {  	v48 =	vld.idx.msk [tilespmem:v48+s20+$0x0], $0xffff  }
0x43d: {  	v51 =	vld.idx.msk [tilespmem:v51+s20+$0x0], $0xffff  }
0x43e: {  	v22 =	vmul.f32 v45, v22;
	v45 =	vld.idx.msk [tilespmem:v49+s24+$0x0], $0xffff;
	_ =	sdelay $0x1  }
0x43f: {  	v5 =	vmul.f32 v50, v5;
	_ =	sdelay $0x1  }
0x440: {  	s0 =	sadd.s32 $0x10, s4;
	v5 =	vadd.f32 v5, v22;
	v4 =	vmul.f32 v48, v4  }
0x441: {  	v53 =	vor.u32 s0, v3;
	v52 =	vor.u32 s0, v7;
	v22 =	vor.u32 v42, v54  }
0x442: {  	v4 =	vadd.f32 v4, v5;
	v5 =	vmul.f32 v51, v45;
	v45 =	vshll.u32 v52, $0x4  }
0x443: {  	v56 =	vshll.u32 v53, $0x4;
	v55 =	vshll.u32 v52, $0x3;
	v54 =	vor.u32 v8, v45  }
0x444: {  	v48 =	vshll.u32 v53, $0x3;
	v4 =	vadd.f32 v5, v4;
	v5 =	vor.u32 s0, v9  }
0x445: {  	v50 =	vor.u32 v20, v48;
	v51 =	vor.u32 s0, v40;
	v57 =	vor.u32 v0, v45  }
0x446: {  	v49 =	vshll.u32 v51, $0x4;
	v48 =	vshll.u32 v51, $0x3;
	[tilespmem:v22+s25+$0x0] =	vst.idx.msk $0xffff, v4;
	v4 =	vor.u32 v11, v45  }
0x447: {  	v22 =	vld.idx.msk [tilespmem:v52+s24+$0x0], $0xffff;
	v52 =	vor.u32 s0, v10  }
0x448: {  	v45 =	vor.u32 v13, v45;
	v54 =	vld.idx.msk [tilespmem:v54+s20+$0x0], $0xffff  }
0x449: {  	v58 =	vor.u32 s0, v12;
	v5 =	vld.idx.msk [tilespmem:v5+s24+$0x0], $0xffff  }
0x44a: {  	v57 =	vld.idx.msk [tilespmem:v57+s20+$0x0], $0xffff  }
0x44b: {  	v4 =	vld.idx.msk [tilespmem:v4+s20+$0x0], $0xffff  }
0x44c: {  	v52 =	vld.idx.msk [tilespmem:v52+s24+$0x0], $0xffff  }
0x44d: {  	v45 =	vld.idx.msk [tilespmem:v45+s20+$0x0], $0xffff  }
0x44e: {  	v22 =	vmul.f32 v54, v22;
	v54 =	vld.idx.msk [tilespmem:v58+s24+$0x0], $0xffff;
	_ =	sdelay $0x1  }
0x44f: {  	v5 =	vmul.f32 v57, v5;
	_ =	sdelay $0x1  }
0x450: {  	v5 =	vadd.f32 v5, v22;
	v4 =	vmul.f32 v4, v52  }
0x451: {  	v22 =	vor.u32 v8, v55  }
0x452: {  	v4 =	vadd.f32 v4, v5;
	v5 =	vmul.f32 v45, v54;
	v45 =	vand.u32 v60, v53  }
0x453: {  	v52 =	vor.u32 v20, v56  }
0x454: {  	v4 =	vadd.f32 v5, v4;
	v5 =	vor.u32 v1, v56  }
0x455: {  	v53 =	vor.u32 s0, v21  }
0x456: {  	[tilespmem:v22+s25+$0x0] =	vst.idx.msk $0xffff, v4;
	v4 =	vor.u32 s0, v23  }
0x457: {  	v22 =	vld.idx.msk [tilespmem:v45+s24+$0x0], $0xffff;
	v45 =	vor.u32 v24, v56  }
0x458: {  	v54 =	vld.idx.msk [tilespmem:v52+s20+$0x0], $0xffff;
	v52 =	vor.u32 s0, v25  }
0x459: {  	v55 =	vor.u32 v26, v56;
	v5 =	vld.idx.msk [tilespmem:v5+s20+$0x0], $0xffff  }
0x45a: {  	v56 =	vld.idx.msk [tilespmem:v53+s24+$0x0], $0xffff  }
0x45b: {  	v4 =	vld.idx.msk [tilespmem:v4+s24+$0x0], $0xffff  }
0x45c: {  	v45 =	vld.idx.msk [tilespmem:v45+s20+$0x0], $0xffff  }
0x45d: {  	v52 =	vld.idx.msk [tilespmem:v52+s24+$0x0], $0xffff  }
.Ltmp7:
0x45e: {  	v22 =	vmul.f32 v54, v22;
	v53 =	vld.idx.msk [tilespmem:v55+s20+$0x0], $0xffff;
	(pc) =	sbr.rel @p0 .LBB2_16-.Ltmp7, $3  }
0x45f: {  	_ = 	snop  }
0x460: {  	v5 =	vmul.f32 v5, v56;
	_ =	sdelay $0x1  }
0x461: {  	v54 =	vadd.f32 v5, v22;
	v55 =	vmul.f32 v45, v4  }
0x462: {  	_ = 	snop  }
0x463: {  	v5 =	vmul.f32 v53, v52;
	v22 =	vor.u32 v42, v49;
	v4 =	vadd.f32 v55, v54  }
0x464: {  	v45 =	vor.u32 v2, v49  }
0x465: {  	v56 =	vor.u32 s0, v32;
	v4 =	vadd.f32 v5, v4  }
0x466: {  	v5 =	vand.u32 v47, v51  }
0x467: {  	v57 =	vor.u32 v43, v49;
	[tilespmem:v50+s25+$0x0] =	vst.idx.msk $0xffff, v4  }
0x468: {  	v4 =	vor.u32 s0, v33;
	v22 =	vld.idx.msk [tilespmem:v22+s20+$0x0], $0xffff  }
0x469: {  	v58 =	vor.u32 s0, v34;
	v45 =	vld.idx.msk [tilespmem:v45+s20+$0x0], $0xffff  }
0x46a: {  	v59 =	vor.u32 v44, v49;
	v47 =	vld.idx.msk [tilespmem:v56+s24+$0x0], $0xffff  }
0x46b: {  	v5 =	vld.idx.msk [tilespmem:v5+s24+$0x0], $0xffff  }
0x46c: {  	v51 =	vld.idx.msk [tilespmem:v57+s20+$0x0], $0xffff  }
0x46d: {  	v4 =	vld.idx.msk [tilespmem:v4+s24+$0x0], $0xffff  }
0x46e: {  	v50 =	vld.idx.msk [tilespmem:v58+s24+$0x0], $0xffff  }
0x46f: {  	v49 =	vld.idx.msk [tilespmem:v59+s20+$0x0], $0xffff  }
0x470: {  	v5 =	vmul.f32 v22, v5;
	v22 =	vmul.f32 v45, v47;
	_ =	sdelay $0x1  }
0x471: {  	v4 =	vmul.f32 v51, v4;
	v5 =	vadd.f32 v22, v5  }
0x472: {  	v22 =	vor.u32 v42, v48  }
0x473: {  	v4 =	vadd.f32 v4, v5;
	v5 =	vmul.f32 v49, v50;
	_ =	sdelay $0x1  }
0x474: {  	v4 =	vadd.f32 v5, v4;
	_ =	sdelay $0x1  }
0x475: {  	s30 =	simm.s32 $0x0;
	[tilespmem:v22+s25+$0x0] =	vst.idx.msk $0xffff, v4  }
0x476: {  	[hbm4b:s13+s30] =	stream.linear.scatter [tilespmem:s25], [sflag:$0x2], $0x4000, $0x38;
	[tilespmem:$0x1A000] =	vst v63  }
0x477: {  	v4 =	vmov s30;
	_ =	swait.ge [sflag:s17], $0x4000  }
0x478: {  	v22 =	vor.u32 s30, v16;
	v5 =	vshll.u32 v4, $0x4;
	[sflag:s17] =	ssyncset.done $0x0  }
0x479: {  	v60 =	vor.u32 s30, v14;
	v61 =	vor.u32 v15, v5;
	[sflag:s17] =	ssyncadd.s32 $0xFFFFC000  }
0x47a: {  	v62 =	vor.u32 v8, v61;
	_ =	swait.ge [sflag:s23], $0x8000  }
0x47b: {  	v63 =	vor.u32 v0, v61;
	[sflag:s23] =	ssyncset.done $0x0  }
0x47c: {  	v56 =	vor.u32 s30, v17;
	[sflag:s23] =	ssyncadd.s32 $0xFFFF8000  }
0x47d: {  	v57 =	vor.u32 v11, v61;
	v22 =	vld.idx.msk [tilespmem:v22+s24+$0x0], $0xffff  }
0x47e: {  	v58 =	vor.u32 s30, v18;
	v45 =	vld.idx.msk [tilespmem:v60+s24+$0x0], $0xffff  }
0x47f: {  	v47 =	vor.u32 v13, v61;
	v48 =	vld.idx.msk [tilespmem:v62+s20+$0x0], $0xffff  }
0x480: {  	v49 =	vld.idx.msk [tilespmem:v63+s20+$0x0], $0xffff  }
0x481: {  	v50 =	vld.idx.msk [tilespmem:v56+s24+$0x0], $0xffff  }
0x482: {  	v51 =	vld.idx.msk [tilespmem:v57+s20+$0x0], $0xffff  }
0x483: {  	v52 =	vld.idx.msk [tilespmem:v58+s24+$0x0], $0xffff  }
0x484: {  	v47 =	vld.idx.msk [tilespmem:v47+s20+$0x0], $0xffff  }
0x485: {  	v45 =	vmul.f32 v48, v45;
	v22 =	vmul.f32 v49, v22  }
0x486: {  	v4 =	vshll.u32 v4, $0x3  }
0x487: {  	v59 =	vor.u32 v19, v4;
	v60 =	vmul.f32 v51, v50;
	v22 =	vadd.f32 v22, v45  }
0x488: {  	v61 =	vor.u32 v8, v59;
	v62 =	vor.u32 v27, v5  }
0x489: {  	v63 =	vor.u32 v1, v62;
	v47 =	vmul.f32 v47, v52;
	v22 =	vadd.f32 v60, v22  }
0x48a: {  	v54 =	vor.u32 s30, v28  }
0x48b: {  	v55 =	vor.u32 s30, v29;
	v22 =	vadd.f32 v47, v22  }
0x48c: {  	v56 =	vor.u32 v20, v62  }
0x48d: {  	v57 =	vor.u32 s30, v30;
	[tilespmem:v61+s25+$0x0] =	vst.idx.msk $0xffff, v22  }
0x48e: {  	v22 =	vor.u32 v24, v62;
	v45 =	vld.idx.msk [tilespmem:v63+s20+$0x0], $0xffff  }
0x48f: {  	v48 =	vor.u32 v26, v62;
	v49 =	vld.idx.msk [tilespmem:v54+s24+$0x0], $0xffff  }
0x490: {  	v58 =	vor.u32 s30, v31;
	v47 =	vld.idx.msk [tilespmem:v55+s24+$0x0], $0xffff  }
0x491: {  	v51 =	vld.idx.msk [tilespmem:v56+s20+$0x0], $0xffff  }
0x492: {  	v50 =	vld.idx.msk [tilespmem:v57+s24+$0x0], $0xffff  }
0x493: {  	v22 =	vld.idx.msk [tilespmem:v22+s20+$0x0], $0xffff  }
0x494: {  	v48 =	vld.idx.msk [tilespmem:v48+s20+$0x0], $0xffff  }
0x495: {  	v52 =	vld.idx.msk [tilespmem:v58+s24+$0x0], $0xffff  }
0x496: {  	v45 =	vmul.f32 v45, v47;
	v59 =	vmul.f32 v51, v49;
	_ =	sdelay $0x1  }
0x497: {  	v60 =	vor.u32 v6, v4;
	v45 =	vadd.f32 v45, v59;
	v22 =	vmul.f32 v22, v50  }
0x498: {  	v5 =	vor.u32 v35, v5;
	v61 =	vor.u32 v20, v60  }
0x499: {  	v63 =	vor.u32 s30, v36;
	v62 =	vmul.f32 v48, v52;
	v22 =	vadd.f32 v22, v45  }
0x49a: {  	v52 =	vor.u32 v42, v5  }
0x49b: {  	v53 =	vor.u32 v2, v5;
	v22 =	vadd.f32 v62, v22  }
0x49c: {  	v54 =	vor.u32 s30, v37  }
0x49d: {  	v55 =	vor.u32 s30, v38;
	[tilespmem:v61+s25+$0x0] =	vst.idx.msk $0xffff, v22  }
0x49e: {  	v22 =	vor.u32 v43, v5;
	v47 =	vld.idx.msk [tilespmem:v63+s24+$0x0], $0xffff  }
0x49f: {  	v56 =	vor.u32 s30, v39;
	v49 =	vld.idx.msk [tilespmem:v52+s20+$0x0], $0xffff  }
0x4a0: {  	v5 =	vor.u32 v44, v5;
	v45 =	vld.idx.msk [tilespmem:v53+s20+$0x0], $0xffff  }
0x4a1: {  	v50 =	vld.idx.msk [tilespmem:v54+s24+$0x0], $0xffff  }
0x4a2: {  	v48 =	vld.idx.msk [tilespmem:v55+s24+$0x0], $0xffff  }
0x4a3: {  	v22 =	vld.idx.msk [tilespmem:v22+s20+$0x0], $0xffff  }
0x4a4: {  	v51 =	vld.idx.msk [tilespmem:v56+s24+$0x0], $0xffff  }
0x4a5: {  	v5 =	vld.idx.msk [tilespmem:v5+s20+$0x0], $0xffff  }
0x4a6: {  	s31 =	simm.s32 $0x10;
	v47 =	vmul.f32 v49, v47;
	v45 =	vmul.f32 v45, v50  }
0x4a7: {  	v4 =	vor.u32 v46, v4;
	v57 =	vmov s31  }
0x4a8: {  	v45 =	vadd.f32 v45, v47;
	v22 =	vmul.f32 v22, v48;
	v48 =	vshll.u32 v57, $0x4  }
0x4a9: {  	v4 =	vor.u32 v42, v4;
	v58 =	vor.u32 v15, v48  }
0x4aa: {  	v5 =	vmul.f32 v5, v51;
	v22 =	vadd.f32 v22, v45;
	v59 =	vor.u32 v0, v58  }
0x4ab: {  	v60 =	vor.u32 s31, v14  }
0x4ac: {  	v61 =	vor.u32 v8, v58;
	v5 =	vadd.f32 v5, v22  }
0x4ad: {  	v22 =	vor.u32 s31, v16  }
0x4ae: {  	v62 =	vor.u32 s31, v17;
	[tilespmem:v4+s25+$0x0] =	vst.idx.msk $0xffff, v5  }
0x4af: {  	v4 =	vor.u32 v11, v58;
	v5 =	vld.idx.msk [tilespmem:v59+s20+$0x0], $0xffff  }
0x4b0: {  	v47 =	vor.u32 v13, v58;
	v50 =	vld.idx.msk [tilespmem:v60+s24+$0x0], $0xffff  }
0x4b1: {  	v63 =	vor.u32 s31, v18;
	v51 =	vld.idx.msk [tilespmem:v61+s20+$0x0], $0xffff  }
0x4b2: {  	v22 =	vld.idx.msk [tilespmem:v22+s24+$0x0], $0xffff  }
0x4b3: {  	v45 =	vld.idx.msk [tilespmem:v62+s24+$0x0], $0xffff  }
0x4b4: {  	v4 =	vld.idx.msk [tilespmem:v4+s20+$0x0], $0xffff  }
0x4b5: {  	v47 =	vld.idx.msk [tilespmem:v47+s20+$0x0], $0xffff  }
0x4b6: {  	v52 =	vld.idx.msk [tilespmem:v63+s24+$0x0], $0xffff  }
0x4b7: {  	v5 =	vmul.f32 v5, v22;
	v22 =	vmul.f32 v51, v50  }
0x4b8: {  	v50 =	vshll.u32 v57, $0x3  }
0x4b9: {  	v49 =	vor.u32 v19, v50;
	v5 =	vadd.f32 v5, v22;
	v4 =	vmul.f32 v4, v45  }
0x4ba: {  	v57 =	vor.u32 s31, v28;
	v56 =	vor.u32 v8, v49  }
0x4bb: {  	v22 =	vor.u32 v27, v48;
	v4 =	vadd.f32 v4, v5;
	v5 =	vmul.f32 v47, v52  }
0x4bc: {  	v58 =	vor.u32 v20, v22  }
0x4bd: {  	v59 =	vor.u32 s31, v29;
	v4 =	vadd.f32 v5, v4  }
0x4be: {  	v5 =	vor.u32 v1, v22  }
0x4bf: {  	v60 =	vor.u32 v24, v22;
	[tilespmem:v56+s25+$0x0] =	vst.idx.msk $0xffff, v4  }
0x4c0: {  	v4 =	vor.u32 s31, v30;
	v45 =	vld.idx.msk [tilespmem:v57+s24+$0x0], $0xffff  }
0x4c1: {  	v61 =	vor.u32 s31, v31;
	v49 =	vld.idx.msk [tilespmem:v58+s20+$0x0], $0xffff  }
0x4c2: {  	v22 =	vor.u32 v26, v22;
	v51 =	vld.idx.msk [tilespmem:v59+s24+$0x0], $0xffff  }
0x4c3: {  	v5 =	vld.idx.msk [tilespmem:v5+s20+$0x0], $0xffff  }
0x4c4: {  	v47 =	vld.idx.msk [tilespmem:v60+s20+$0x0], $0xffff  }
0x4c5: {  	v4 =	vld.idx.msk [tilespmem:v4+s24+$0x0], $0xffff  }
0x4c6: {  	v52 =	vld.idx.msk [tilespmem:v61+s24+$0x0], $0xffff  }
0x4c7: {  	v22 =	vld.idx.msk [tilespmem:v22+s20+$0x0], $0xffff  }
0x4c8: {  	v45 =	vmul.f32 v49, v45;
	v5 =	vmul.f32 v5, v51;
	_ =	sdelay $0x1  }
0x4c9: {  	v62 =	vor.u32 v6, v50;
	v5 =	vadd.f32 v5, v45;
	v4 =	vmul.f32 v47, v4  }
0x4ca: {  	v63 =	vor.u32 v20, v62  }
0x4cb: {  	v4 =	vadd.f32 v4, v5;
	v5 =	vmul.f32 v22, v52;
	v22 =	vor.u32 s31, v38  }
0x4cc: {  	v49 =	vor.u32 v35, v48;
	v52 =	vor.u32 s31, v36  }
0x4cd: {  	v51 =	vor.u32 v43, v49;
	v4 =	vadd.f32 v5, v4  }
0x4ce: {  	v54 =	vor.u32 v2, v49  }
0x4cf: {  	v55 =	vor.u32 v42, v49;
	[tilespmem:v63+s25+$0x0] =	vst.idx.msk $0xffff, v4  }
0x4d0: {  	s28 =	simm.s32 $0x20;
	v53 =	vor.u32 s31, v37;
	v48 =	vor.u32 v46, v50;
	v47 =	vor.u32 s31, v39;
	v50 =	vld.idx.msk [tilespmem:v22+s24+$0x0], $0xffff  }
.LBB2_18:
0x4d1: {  	p0 =	sne.s32 s28, $0x7E0;
	v4 =	vld.idx.msk [tilespmem:v52+s24+$0x0], $0xffff;
	s0 =	smov.u32 s28;
	s28 =	sadd.s32 $0x20, s28  }
0x4d2: {  	v22 =	vor.u32 v44, v49;
	v5 =	vld.idx.msk [tilespmem:v51+s20+$0x0], $0xffff  }
0x4d3: {  	v45 =	vld.idx.msk [tilespmem:v54+s20+$0x0], $0xffff  }
0x4d4: {  	v49 =	vld.idx.msk [tilespmem:v55+s20+$0x0], $0xffff  }
0x4d5: {  	v51 =	vld.idx.msk [tilespmem:v53+s24+$0x0], $0xffff  }
0x4d6: {  	v47 =	vld.idx.msk [tilespmem:v47+s24+$0x0], $0xffff  }
0x4d7: {  	v22 =	vld.idx.msk [tilespmem:v22+s20+$0x0], $0xffff;
	_ =	sdelay $0x2  }
0x4d8: {  	v5 =	vmul.f32 v5, v50;
	v4 =	vmul.f32 v49, v4  }
0x4d9: {  	v45 =	vmul.f32 v45, v51;
	_ =	sdelay $0x1  }
0x4da: {  	v4 =	vadd.f32 v45, v4;
	v22 =	vmul.f32 v22, v47;
	v45 =	vor.u32 v42, v48  }
0x4db: {  	v47 =	vor.u32 s0, v14  }
0x4dc: {  	v49 =	vor.u32 s0, v17;
	v48 =	vmov s0;
	v4 =	vadd.f32 v5, v4  }
0x4dd: {  	v50 =	vor.u32 s0, v16;
	v5 =	vshll.u32 v48, $0x4;
	v48 =	vshll.u32 v48, $0x3  }
0x4de: {  	v51 =	vor.u32 v15, v5;
	v52 =	vor.u32 v19, v48;
	v4 =	vadd.f32 v22, v4  }
0x4df: {  	v54 =	vor.u32 v6, v48;
	v22 =	vor.u32 v8, v51;
	v53 =	vor.u32 v0, v51  }
0x4e0: {  	v56 =	vor.u32 v35, v5;
	v55 =	vor.u32 v13, v51;
	[tilespmem:v45+s25+$0x0] =	vst.idx.msk $0xffff, v4  }
0x4e1: {  	v48 =	vor.u32 v46, v48;
	v45 =	vor.u32 v11, v51;
	v4 =	vld.idx.msk [tilespmem:v49+s24+$0x0], $0xffff  }
0x4e2: {  	v49 =	vld.idx.msk [tilespmem:v50+s24+$0x0], $0xffff;
	v50 =	vor.u32 s0, v18  }
0x4e3: {  	v47 =	vld.idx.msk [tilespmem:v47+s24+$0x0], $0xffff  }
0x4e4: {  	v22 =	vld.idx.msk [tilespmem:v22+s20+$0x0], $0xffff  }
0x4e5: {  	v51 =	vld.idx.msk [tilespmem:v53+s20+$0x0], $0xffff  }
0x4e6: {  	v45 =	vld.idx.msk [tilespmem:v45+s20+$0x0], $0xffff  }
0x4e7: {  	v50 =	vld.idx.msk [tilespmem:v50+s24+$0x0], $0xffff  }
0x4e8: {  	v53 =	vld.idx.msk [tilespmem:v55+s20+$0x0], $0xffff;
	_ =	sdelay $0x1  }
0x4e9: {  	v22 =	vmul.f32 v22, v47  }
0x4ea: {  	v47 =	vmul.f32 v51, v49  }
0x4eb: {  	v4 =	vmul.f32 v45, v4  }
0x4ec: {  	v5 =	vor.u32 v27, v5;
	v45 =	vor.u32 v8, v52;
	v22 =	vadd.f32 v47, v22  }
0x4ed: {  	v49 =	vor.u32 v1, v5;
	v47 =	vmul.f32 v53, v50  }
0x4ee: {  	v4 =	vadd.f32 v4, v22  }
0x4ef: {  	v22 =	vor.u32 s0, v28  }
0x4f0: {  	v4 =	vadd.f32 v47, v4;
	v47 =	vor.u32 s0, v29  }
0x4f1: {  	v50 =	vor.u32 v20, v5  }
0x4f2: {  	[tilespmem:v45+s25+$0x0] =	vst.idx.msk $0xffff, v4;
	v4 =	vor.u32 v24, v5  }
0x4f3: {  	v45 =	vld.idx.msk [tilespmem:v49+s20+$0x0], $0xffff;
	v49 =	vor.u32 s0, v30  }
0x4f4: {  	v5 =	vor.u32 v26, v5;
	v22 =	vld.idx.msk [tilespmem:v22+s24+$0x0], $0xffff  }
0x4f5: {  	v51 =	vor.u32 s0, v31;
	v47 =	vld.idx.msk [tilespmem:v47+s24+$0x0], $0xffff  }
0x4f6: {  	v50 =	vld.idx.msk [tilespmem:v50+s20+$0x0], $0xffff  }
0x4f7: {  	v4 =	vld.idx.msk [tilespmem:v4+s20+$0x0], $0xffff  }
0x4f8: {  	v49 =	vld.idx.msk [tilespmem:v49+s24+$0x0], $0xffff  }
0x4f9: {  	v5 =	vld.idx.msk [tilespmem:v5+s20+$0x0], $0xffff  }
0x4fa: {  	v51 =	vld.idx.msk [tilespmem:v51+s24+$0x0], $0xffff  }
0x4fb: {  	v45 =	vmul.f32 v45, v47  }
0x4fc: {  	v22 =	vmul.f32 v50, v22;
	_ =	sdelay $0x1  }
0x4fd: {  	v22 =	vadd.f32 v45, v22;
	v4 =	vmul.f32 v4, v49  }
0x4fe: {  	v45 =	vor.u32 v20, v54  }
0x4ff: {  	v4 =	vadd.f32 v4, v22;
	v5 =	vmul.f32 v5, v51;
	v22 =	vor.u32 s0, v36  }
0x500: {  	v47 =	vor.u32 v42, v56  }
0x501: {  	v4 =	vadd.f32 v5, v4;
	v5 =	vor.u32 v2, v56  }
0x502: {  	v49 =	vor.u32 s0, v37  }
0x503: {  	[tilespmem:v45+s25+$0x0] =	vst.idx.msk $0xffff, v4;
	v4 =	vor.u32 v43, v56  }
0x504: {  	v45 =	vor.u32 s0, v38;
	v22 =	vld.idx.msk [tilespmem:v22+s24+$0x0], $0xffff  }
0x505: {  	v50 =	vor.u32 v44, v56;
	v47 =	vld.idx.msk [tilespmem:v47+s20+$0x0], $0xffff  }
0x506: {  	v51 =	vor.u32 s0, v39;
	v5 =	vld.idx.msk [tilespmem:v5+s20+$0x0], $0xffff  }
0x507: {  	v49 =	vld.idx.msk [tilespmem:v49+s24+$0x0], $0xffff  }
0x508: {  	v4 =	vld.idx.msk [tilespmem:v4+s20+$0x0], $0xffff  }
0x509: {  	v45 =	vld.idx.msk [tilespmem:v45+s24+$0x0], $0xffff  }
0x50a: {  	v50 =	vld.idx.msk [tilespmem:v50+s20+$0x0], $0xffff  }
0x50b: {  	v22 =	vmul.f32 v47, v22;
	v51 =	vld.idx.msk [tilespmem:v51+s24+$0x0], $0xffff;
	_ =	sdelay $0x1  }
0x50c: {  	s0 =	sadd.s32 $0x10, s0;
	v5 =	vmul.f32 v5, v49  }
0x50d: {  	v47 =	vor.u32 s0, v39;
	v49 =	vmov s0  }
0x50e: {  	v5 =	vadd.f32 v5, v22;
	v4 =	vmul.f32 v4, v45;
	v22 =	vshll.u32 v49, $0x4  }
0x50f: {  	v45 =	vor.u32 v42, v48;
	v48 =	vshll.u32 v49, $0x3;
	v52 =	vor.u32 v15, v22  }
0x510: {  	v4 =	vadd.f32 v4, v5;
	v5 =	vmul.f32 v50, v51;
	v50 =	vor.u32 v0, v52  }
0x511: {  	v53 =	vor.u32 v19, v48;
	v54 =	vor.u32 v27, v22;
	v51 =	vor.u32 s0, v14  }
0x512: {  	v55 =	vor.u32 v6, v48;
	v4 =	vadd.f32 v5, v4;
	v5 =	vor.u32 s0, v16  }
0x513: {  	v49 =	vor.u32 v35, v22;
	v48 =	vor.u32 v46, v48;
	v56 =	vor.u32 v8, v52  }
0x514: {  	[tilespmem:v45+s25+$0x0] =	vst.idx.msk $0xffff, v4;
	v4 =	vor.u32 v11, v52  }
0x515: {  	v45 =	vor.u32 s0, v17;
	v22 =	vld.idx.msk [tilespmem:v50+s20+$0x0], $0xffff  }
0x516: {  	v50 =	vld.idx.msk [tilespmem:v51+s24+$0x0], $0xffff;
	v51 =	vor.u32 v13, v52  }
0x517: {  	v52 =	vor.u32 s0, v18;
	v5 =	vld.idx.msk [tilespmem:v5+s24+$0x0], $0xffff  }
0x518: {  	v56 =	vld.idx.msk [tilespmem:v56+s20+$0x0], $0xffff  }
0x519: {  	v4 =	vld.idx.msk [tilespmem:v4+s20+$0x0], $0xffff  }
0x51a: {  	v45 =	vld.idx.msk [tilespmem:v45+s24+$0x0], $0xffff  }
0x51b: {  	v51 =	vld.idx.msk [tilespmem:v51+s20+$0x0], $0xffff  }
0x51c: {  	v52 =	vld.idx.msk [tilespmem:v52+s24+$0x0], $0xffff  }
0x51d: {  	v5 =	vmul.f32 v22, v5  }
0x51e: {  	v22 =	vmul.f32 v56, v50;
	_ =	sdelay $0x1  }
0x51f: {  	v5 =	vadd.f32 v5, v22;
	v4 =	vmul.f32 v4, v45  }
0x520: {  	v22 =	vor.u32 v8, v53  }
0x521: {  	v45 =	vor.u32 s0, v28;
	v4 =	vadd.f32 v4, v5;
	v5 =	vmul.f32 v51, v52  }
0x522: {  	v50 =	vor.u32 v20, v54  }
0x523: {  	v4 =	vadd.f32 v5, v4;
	v5 =	vor.u32 v1, v54  }
0x524: {  	v51 =	vor.u32 s0, v29  }
0x525: {  	[tilespmem:v22+s25+$0x0] =	vst.idx.msk $0xffff, v4;
	v4 =	vor.u32 s0, v30  }
0x526: {  	v22 =	vld.idx.msk [tilespmem:v45+s24+$0x0], $0xffff;
	v45 =	vor.u32 v24, v54  }
0x527: {  	v52 =	vor.u32 s0, v31;
	v50 =	vld.idx.msk [tilespmem:v50+s20+$0x0], $0xffff  }
0x528: {  	v53 =	vor.u32 v26, v54;
	v5 =	vld.idx.msk [tilespmem:v5+s20+$0x0], $0xffff  }
0x529: {  	v51 =	vld.idx.msk [tilespmem:v51+s24+$0x0], $0xffff  }
0x52a: {  	v4 =	vld.idx.msk [tilespmem:v4+s24+$0x0], $0xffff  }
0x52b: {  	v45 =	vld.idx.msk [tilespmem:v45+s20+$0x0], $0xffff  }
0x52c: {  	v52 =	vld.idx.msk [tilespmem:v52+s24+$0x0], $0xffff  }
0x52d: {  	v22 =	vmul.f32 v50, v22;
	v50 =	vld.idx.msk [tilespmem:v53+s20+$0x0], $0xffff;
	_ =	sdelay $0x1  }
0x52e: {  	v5 =	vmul.f32 v5, v51;
	_ =	sdelay $0x1  }
0x52f: {  	v5 =	vadd.f32 v5, v22;
	v4 =	vmul.f32 v45, v4  }
0x530: {  	v22 =	vor.u32 v20, v55  }
0x531: {  	v45 =	vor.u32 s0, v38;
	v4 =	vadd.f32 v4, v5;
	v5 =	vmul.f32 v50, v52  }
.Ltmp8:
0x532: {  	v52 =	vor.u32 s0, v36;
	(pc) =	sbr.rel @p0 .LBB2_18-.Ltmp8, $4  }
0x533: {  	v51 =	vor.u32 v43, v49;
	v4 =	vadd.f32 v5, v4  }
0x534: {  	v54 =	vor.u32 v2, v49  }
0x535: {  	v53 =	vor.u32 s0, v37;
	v55 =	vor.u32 v42, v49;
	[tilespmem:v22+s25+$0x0] =	vst.idx.msk $0xffff, v4  }
0x536: {  	v50 =	vld.idx.msk [tilespmem:v45+s24+$0x0], $0xffff  }
0x537: {  	_ =	sdelay $0x3  }
0x538: {  	v4 =	vld.idx.msk [tilespmem:v52+s24+$0x0], $0xffff  }
0x539: {  	v5 =	vld.idx.msk [tilespmem:v54+s20+$0x0], $0xffff  }
0x53a: {  	v22 =	vor.u32 v44, v49;
	v45 =	vld.idx.msk [tilespmem:v55+s20+$0x0], $0xffff  }
0x53b: {  	v62 =	vld.idx.msk [tilespmem:v53+s24+$0x0], $0xffff;
	_ =	sdelay $0x1  }
0x53c: {  	v51 =	vld.idx.msk [tilespmem:v51+s20+$0x0], $0xffff  }
0x53d: {  	v47 =	vld.idx.msk [tilespmem:v47+s24+$0x0], $0xffff  }
0x53e: {  	v22 =	vld.idx.msk [tilespmem:v22+s20+$0x0], $0xffff  }
0x53f: {  	v4 =	vmul.f32 v45, v4;
	v5 =	vmul.f32 v5, v62;
	_ =	sdelay $0x1  }
0x540: {  	v63 =	vmul.f32 v51, v50;
	v4 =	vadd.f32 v5, v4  }
0x541: {  	v5 =	vor.u32 v42, v48  }
0x542: {  	v4 =	vadd.f32 v63, v4;
	v22 =	vmul.f32 v22, v47;
	_ =	sdelay $0x1  }
0x543: {  	s26 =	sadd.s32 $0x1, s26;
	v4 =	vadd.f32 v22, v4  }
0x544: {  	p0 =	sne.s32 s26, s15  }
.Ltmp9:
0x545: {  	[tilespmem:v5+s25+$0x0] =	vst.idx.msk $0xffff, v4;
	(pc) =	sbr.rel @p0 .LBB2_1-.Ltmp9, $4  }
0x546: {  	[hbm4b:s14+s2] =	stream.linear.scatter [tilespmem:s25], [sflag:$0x2], $0x4000, $0x38;
	[tilespmem:$0x1A000] =	vst v63  }
0x547: {  	_ =	swait.ge [sflag:s17], $0x4000  }
0x548: {  	[sflag:s17] =	ssyncset.done $0x0  }
0x549: {  	[sflag:s17] =	ssyncadd.s32 $0xFFFFC000  }
0x54a: {  	_ =	sfence.sel $0x180000  }
0x54b: {  	[bflag:$0x0] =	sbarrier.arrive $0xFFFF  }
0x54c: {  	_ =	strace $0x9000004A  }
0x54d: {  	s0 =	stileid.u32;
	[bflag:$0x2] =	sbarrier.arrive $0xFFFF  }
0x54e: {  	p0 =	sne.s32 s0, $0x0;
	s0 =	rddreg [dreg:$0x2]  }
0x54f: {  	s0 =	sadd.s32 @!p0 $0x100000, s0  }
0x550: {  	[sflag:s0] =	ssyncadd.tile.s32 @!p0 $0x1;
	_ =	shalt  }
.Lfunc_end2:
_tile_overlayer_lowered:
.L_overlay_start_2:
0x551: {  	(tag) =	ssettag $0x2  }
0x552: {  	s0 =	rddreg [dreg:$0x0];
	s2 =	stileid.u32  }
0x553: {  	s1 =	rddreg [dreg:$0x1];
	p0 =	sne.s32 s2, $0x0  }
0x554: {  	s3 =	rddreg [dreg:$0x2];
	[bflag:$0x3] =	sbarrier.arrive $0xFFFF;
	s2 =	simm.s32 @!p0 $0x1C02  }
0x555: {  	[timem:s3], [sflag:s2] =	dma.local @!p0 [hbm:s0], s1  }
0x556: {  	s0 =	simm.s32 @!p0 $0x2  }
0x557: {  	_ =	swait.ge @!p0 [sflag:s0], s1  }
0x558: {  	s1 =	ssub.s32 @!p0 $0x0, s1;
	[sflag:s0] =	ssyncset.done @!p0 $0x0  }
0x559: {  	[sflag:s0] =	ssyncadd.s32 @!p0 s1  }
0x55a: {  	[bflag:$0x3] =	sbarrier.arrive $0xFFFF  }
0x55b: {  	_ =	shalt  }

</sc_bundles>
